<compile_context>
chip_gen: v7x
topology: tpu7x:2x2x1
jax: 0.10.2.dev20260603
libtpu: 0.0.44.dev20260713+nightly
codegen_flags: <defaults>
</compile_context>

<pallas_src>
import functools

import jax
import jax.numpy as jnp
from jax import lax
from jax.experimental import pallas as pl
from jax.experimental.pallas import tpu as pltpu
from jax.experimental.pallas import tpu_sc as plsc

_N = 10000
_E = 320000
_D = 128
_DE = 16
_DU = 64
_H = 64
_DOUT = 128
_B = 16

_NP = 10240
_EP = 327680

_NC = 2
_NS = 16
_NW = _NC * _NS
_CHUNK = 128
_EPT = _EP // _NW
_STEPS = _EPT // _CHUNK
_STEPS0 = 144
_STEPS1 = 16
_WIDE = _H + 16
_RPT = _NP // _NS


def _xa_body(x_ref, w_ref, o_ref):
    o_ref[...] = jnp.dot(x_ref[...], w_ref[...],
                         preferred_element_type=jnp.float32)


def _prep_xa(x_pad, w1a_x):
    return pl.pallas_call(
        _xa_body,
        out_shape=jax.ShapeDtypeStruct((_NP, _H), jnp.float32),
    )(x_pad, w1a_x)


_BE = 4096


def _ea_body(at_ref, w_ref, b_ref, o_ref):
    attr = jnp.transpose(at_ref[...])
    ea = jnp.dot(attr, w_ref[...],
                 preferred_element_type=jnp.float32) + b_ref[...]
    ea_r = ea.reshape(_BE // 128, 2, 64, _H)
    pair = jnp.concatenate([ea_r[:, 0], ea_r[:, 1]], axis=-1)
    o_ref[...] = pair.reshape(_BE // 2, 2 * _H)


def _prep_ea(attr_t, w1a_e, b1a_row):
    grid = _EP // _BE
    return pl.pallas_call(
        _ea_body,
        grid=(grid,),
        in_specs=[
            pl.BlockSpec((_DE, _BE), lambda i: (0, i)),
            pl.BlockSpec((_DE, _H), lambda i: (0, 0)),
            pl.BlockSpec((1, _H), lambda i: (0, 0)),
        ],
        out_specs=pl.BlockSpec((_BE // 2, 2 * _H), lambda i: (i, 0)),
        out_shape=jax.ShapeDtypeStruct((_EP // 2, 2 * _H), jnp.float32),
    )(attr_t, w1a_e, b1a_row)


def _sc_edge_body(xa_hbm, ea_hbm, row_hbm, col_hbm, out_hbm,
                  shared, row0, row1, row2, row3, ea0, ea1,
                  g0, g1, g2, g3, p0, p1,
                  c0, c1, c2, c3,
                  sr0, sr1, sr2, sr3, se0, se1,
                  sg0, sg1, sg2, sg3,
                  sc0, sc1, sc2, sc3, ss0, ss1, ss2, ss3):
    c = lax.axis_index("c")
    s = lax.axis_index("s")
    steps = jnp.where(c == 0, _STEPS0, _STEPS1)
    ebase = jnp.where(c == 0, s * (_STEPS0 * _CHUNK),
                      _NS * _STEPS0 * _CHUNK + s * (_STEPS1 * _CHUNK))

    row_v = (row0, row1, row2, row3)
    ea_v = (ea0, ea1)
    gath_v = (g0, g1, g2, g3)
    pay_v = (p0, p1)
    col_v = (c0, c1, c2, c3)
    sem_r = (sr0, sr1, sr2, sr3)
    sem_e = (se0, se1)
    sem_g = (sg0, sg1, sg2, sg3)
    sem_c = (sc0, sc1, sc2, sc3)
    sem_s = (ss0, ss1, ss2, ss3)

    _run_core(c, s, ebase, steps, shared, row_v, ea_v, gath_v, pay_v,
              col_v, sem_r, sem_e, sem_g, sem_c, sem_s,
              xa_hbm, ea_hbm, row_hbm, col_hbm, out_hbm)


def _run_core(c, s, ebase, steps, shared, row_v, ea_v, gath_v, pay_v,
              col_v, sem_r, sem_e, sem_g, sem_c, sem_s,
              xa_hbm, ea_hbm, row_hbm, col_hbm, out_hbm):
    p0, p1 = pay_v
    def _zero_row(r, _):
        for j in range(_WIDE // 16):
            p0[r, pl.ds(j * 16, 16)] = jnp.zeros((16,), jnp.float32)
        return _
    lax.fori_loop(0, _CHUNK, _zero_row, None)
    for k in range(_RPT // _CHUNK):
        pltpu.sync_copy(p0, shared.at[pl.ds(s * _RPT + k * _CHUNK, _CHUNK)])

    lane = lax.iota(jnp.int32, 16)
    cnt_vec = jnp.where(lane == 0, 1.0, 0.0).astype(jnp.float32)

    def _cnt_row(r, _):
        p0[r, pl.ds(_H, 16)] = cnt_vec
        p1[r, pl.ds(_H, 16)] = cnt_vec
        return _
    lax.fori_loop(0, _CHUNK, _cnt_row, None)

    plsc.subcore_barrier()

    ebase2 = ebase // 2

    def issue_row(i, r4):
        base = ebase + i * _CHUNK
        pltpu.async_copy(row_hbm.at[pl.ds(base, _CHUNK)], row_v[r4],
                         sem_r[r4])

    def issue_ea(i, b2):
        base2 = ebase2 + i * (_CHUNK // 2)
        pltpu.async_copy(ea_hbm.at[pl.ds(base2, _CHUNK // 2)], ea_v[b2],
                         sem_e[b2])

    def issue_col(i, c4):
        base = ebase + i * _CHUNK
        pltpu.async_copy(col_hbm.at[pl.ds(base, _CHUNK)], col_v[c4],
                         sem_c[c4])

    def wait_row(r4):
        pltpu.make_async_copy(row_hbm.at[pl.ds(0, _CHUNK)], row_v[r4],
                              sem_r[r4]).wait()

    def wait_ea(b2):
        pltpu.make_async_copy(ea_hbm.at[pl.ds(0, _CHUNK // 2)], ea_v[b2],
                              sem_e[b2]).wait()

    def wait_col(c4):
        pltpu.make_async_copy(col_hbm.at[pl.ds(0, _CHUNK)], col_v[c4],
                              sem_c[c4]).wait()

    def issue_gather(r4):
        pltpu.async_copy(xa_hbm.at[row_v[r4]], gath_v[r4], sem_g[r4])

    def wait_gather(r4):
        pltpu.make_async_copy(xa_hbm.at[row_v[r4]], gath_v[r4],
                              sem_g[r4]).wait()

    def issue_scatter(b2, c4):
        pltpu.async_copy(pay_v[b2], shared.at[col_v[c4]], sem_s[c4],
                         add=True)

    def wait_scatter(b2, c4):
        pltpu.make_async_copy(pay_v[b2], shared.at[col_v[c4]],
                              sem_s[c4]).wait()

    def compute(r4, b2):
        gv, ev, pv = gath_v[r4], ea_v[b2], pay_v[b2]

        @plsc.parallel_loop(0, _CHUNK // 2, 1, unroll=4)
        def _(r2):
            for half in range(2):
                r = half * (_CHUNK // 2) + r2
                for j in range(_H // 16):
                    sl = pl.ds(j * 16, 16)
                    esl = pl.ds(half * _H + j * 16, 16)
                    pv[r, sl] = jnp.maximum(gv[r, sl] + ev[r2, esl], 0.0)

    issue_row(0, 0)
    issue_row(1, 1)
    issue_row(2, 2)
    issue_ea(0, 0)
    issue_ea(1, 1)
    issue_col(0, 0)
    issue_col(1, 1)
    wait_row(0)
    issue_gather(0)
    wait_row(1)
    issue_gather(1)

    def _quad(p, _):
        for q in range(4):
            i = 4 * p + q
            b2 = q & 1
            q2 = (q + 2) % 4
            q3 = (q + 3) % 4

            wait_gather(q)

            @pl.when(i + 2 < steps)
            def _():
                wait_row(q2)
                issue_gather(q2)

            @pl.when(i >= 2)
            def _():
                wait_scatter(b2, q2)

            wait_ea(b2)
            compute(q, b2)
            wait_col(q)
            issue_scatter(b2, q)

            @pl.when(i + 3 < steps)
            def _():
                issue_row(i + 3, q3)

            @pl.when(i + 2 < steps)
            def _():
                issue_ea(i + 2, b2)
                issue_col(i + 2, q2)
        return _
    lax.fori_loop(0, steps // 4, _quad, None)

    wait_scatter(0, 2)
    wait_scatter(1, 3)

    plsc.subcore_barrier()

    off = c * _NP + s * _RPT
    pltpu.sync_copy(shared.at[pl.ds(s * _RPT, _RPT)],
                    out_hbm.at[pl.ds(off, _RPT)])


def _sc_edge(xa, ea, row_pad, col_pad):
    mesh = plsc.VectorSubcoreMesh(core_axis_name="c", subcore_axis_name="s")
    kern = functools.partial(
        pl.kernel,
        out_type=jax.ShapeDtypeStruct((_NC * _NP, _WIDE), jnp.float32),
        mesh=mesh,
        scratch_types=(
            [pltpu.VMEM_SHARED((_NP, _WIDE), jnp.float32)]
            + [pltpu.VMEM((_CHUNK,), jnp.int32)] * 4
            + [pltpu.VMEM((_CHUNK // 2, 2 * _H), jnp.float32)] * 2
            + [pltpu.VMEM((_CHUNK, _H), jnp.float32)] * 4
            + [pltpu.VMEM((_CHUNK, _WIDE), jnp.float32)] * 2
            + [pltpu.VMEM((_CHUNK,), jnp.int32)] * 4
            + [pltpu.SemaphoreType.DMA] * 18
        ),
        compiler_params=pltpu.CompilerParams(use_tc_tiling_on_sc=False),
    )(_sc_edge_body)
    return kern(xa, ea, row_pad, col_pad)


_BN = 1024


def _node_body(x_ref, h0_ref, h1_ref, bt_ref, u_ref, w1b_ref, b1b_ref,
               w2ax_ref, w2am_ref, w2au_ref, b2a_ref, w2b_ref, b2b_ref,
               o_ref):
    h0 = h0_ref[...]
    h1 = h1_ref[...]
    hsum = h0[:, :_H] + h1[:, :_H]
    cnt = h0[:, _H:_H + 1] + h1[:, _H:_H + 1]
    inv = 1.0 / jnp.maximum(cnt, 1.0)
    meanh = hsum * inv
    ind = (cnt > 0.0).astype(jnp.float32)

    wc = jnp.dot(w1b_ref[...], w2am_ref[...],
                 preferred_element_type=jnp.float32)
    bc = jnp.dot(b1b_ref[...], w2am_ref[...],
                 preferred_element_type=jnp.float32)
    ub = jnp.dot(u_ref[...], w2au_ref[...],
                 preferred_element_type=jnp.float32)

    onehot = (bt_ref[...] == lax.broadcasted_iota(jnp.int32, (1, _B), 1)
              ).astype(jnp.float32)

    z = (jnp.dot(x_ref[...], w2ax_ref[...],
                 preferred_element_type=jnp.float32)
         + jnp.dot(meanh, wc, preferred_element_type=jnp.float32)
         + ind * bc
         + jnp.dot(onehot, ub, preferred_element_type=jnp.float32)
         + b2a_ref[...])
    o_ref[...] = jnp.dot(jnp.maximum(z, 0.0), w2b_ref[...],
                         preferred_element_type=jnp.float32) + b2b_ref[...]


def _node(x_pad, h0, h1, bt_col, u, w1b, b1b_row, w2a_x, w2a_m, w2a_u,
          b2a_row, w2b, b2b_row):
    grid = _NP // _BN
    full = lambda shape: pl.BlockSpec(shape, lambda i: tuple(0 for _ in shape))
    return pl.pallas_call(
        _node_body,
        grid=(grid,),
        in_specs=[
            pl.BlockSpec((_BN, _D), lambda i: (i, 0)),
            pl.BlockSpec((_BN, _WIDE), lambda i: (i, 0)),
            pl.BlockSpec((_BN, _WIDE), lambda i: (i, 0)),
            pl.BlockSpec((_BN, 1), lambda i: (i, 0)),
            full((_B, _DU)),
            full((_H, _H)),
            full((1, _H)),
            full((_D, _H)),
            full((_H, _H)),
            full((_DU, _H)),
            full((1, _H)),
            full((_H, _DOUT)),
            full((1, _DOUT)),
        ],
        out_specs=pl.BlockSpec((_BN, _DOUT), lambda i: (i, 0)),
        out_shape=jax.ShapeDtypeStruct((_NP, _DOUT), jnp.float32),
    )(x_pad, h0, h1, bt_col, u, w1b, b1b_row, w2a_x, w2a_m, w2a_u,
      b2a_row, w2b, b2b_row)


def kernel(x, edge_index, edge_attr, u, batch,
           W1a, b1a, W1b, b1b, W2a, b2a, W2b, b2b):
    x_pad = jnp.pad(x, ((0, _NP - _N), (0, 0)))
    row_pad = jnp.pad(edge_index[0], (0, _EP - _E))
    col_pad = jnp.pad(edge_index[1], (0, _EP - _E), constant_values=_N)
    bt_col = jnp.pad(batch, (0, _NP - _N)).reshape(_NP, 1)

    xa = _prep_xa(x_pad, W1a[:_D])
    attr_t = jnp.pad(edge_attr.T, ((0, 0), (0, _EP - _E)))
    ea = _prep_ea(attr_t, W1a[_D:], b1a.reshape(1, _H))
    hp = _sc_edge(xa, ea, row_pad, col_pad)

    out_pad = _node(x_pad, hp[:_NP], hp[_NP:], bt_col, u,
                    W1b, b1b.reshape(1, _H),
                    W2a[:_D], W2a[_D:_D + _H], W2a[_D + _H:],
                    b2a.reshape(1, _H), W2b, b2b.reshape(1, _DOUT))
    return out_pad[:_N]

# --- scband reference (transcript-rebuilt; emitter-appended) ---
"""Pipeline reference for scband-node-model-31172872634968 (READ-ONLY COPY).

The authoritative reference and input builder live on the scoring server;
editing this copy changes nothing except your own understanding.
"""

import jax, jax.numpy as jnp
import numpy as np

N = 10000
E = 320000
D = 128
DE = 16
DU = 64
H = 64
DOUT = 128
B = 16

def setup_inputs(seed: int = 0) -> dict:
    key = jax.random.key(seed)
    ks = jax.random.split(key, 14)
    x = jax.random.normal(ks[0], (N, D), dtype=jnp.float32)
    edge_index = jax.random.randint(ks[1], (2, E), 0, N, dtype=jnp.int32)
    edge_attr = jax.random.normal(ks[2], (E, DE), dtype=jnp.float32)
    u = jax.random.normal(ks[3], (B, DU), dtype=jnp.float32)
    batch = jnp.sort(jax.random.randint(ks[4], (N,), 0, B, dtype=jnp.int32))
    W1a = jax.random.normal(ks[5], (D + DE, H), dtype=jnp.float32) * 0.05
    b1a = jnp.zeros((H,), dtype=jnp.float32)
    W1b = jax.random.normal(ks[6], (H, H), dtype=jnp.float32) * 0.05
    b1b = jnp.zeros((H,), dtype=jnp.float32)
    W2a = jax.random.normal(ks[7], (D + H + DU, H), dtype=jnp.float32) * 0.05
    b2a = jnp.zeros((H,), dtype=jnp.float32)
    W2b = jax.random.normal(ks[8], (H, DOUT), dtype=jnp.float32) * 0.05
    b2b = jnp.zeros((DOUT,), dtype=jnp.float32)
    return {"x": x, "edge_index": edge_index, "edge_attr": edge_attr, "u": u, "batch": batch,
            "W1a": W1a, "b1a": b1a, "W1b": W1b, "b1b": b1b,
            "W2a": W2a, "b2a": b2a, "W2b": W2b, "b2b": b2b}

def reference(x, edge_index, edge_attr, u, batch, W1a, b1a, W1b, b1b, W2a, b2a, W2b, b2b):
    row = edge_index[0]
    col = edge_index[1]
    out = jnp.concatenate([x[row], edge_attr], axis=1)
    out = jnp.maximum(out @ W1a + b1a, 0.0) @ W1b + b1b
    summed = jax.ops.segment_sum(out, col, num_segments=N)
    counts = jax.ops.segment_sum(jnp.ones((E,), dtype=jnp.float32), col, num_segments=N)
    mean = summed / jnp.maximum(counts, 1.0)[:, None]
    out2 = jnp.concatenate([x, mean, u[batch]], axis=1)
    return jnp.maximum(out2 @ W2a + b2a, 0.0) @ W2b + b2b

if __name__ == "__main__":
    import jax
    _d = setup_inputs()
    print(jax.jit(kernel)(*tuple(_d.values())))

</pallas_src>

<mosaic_0001>
#map = affine_map<(d0, d1) -> (0, 0)>
#map1 = affine_map<(d0, d1) -> (0)>
module attributes {stable_mosaic.version = 14 : i64} {
  func.func @_sc_edge_body(%arg0: i32, %arg1: i32, %arg2: memref<10240x64xf32, #tpu.memory_space<hbm>>, %arg3: memref<163840x128xf32, #tpu.memory_space<hbm>>, %arg4: memref<327680xi32, #tpu.memory_space<hbm>>, %arg5: memref<327680xi32, #tpu.memory_space<hbm>>, %arg6: memref<20480x80xf32, #tpu.memory_space<hbm>>, %arg7: memref<10240x80xf32, #tpu.memory_space<vmem_shared>>, %arg8: memref<128xi32, #tpu.memory_space<vmem>>, %arg9: memref<128xi32, #tpu.memory_space<vmem>>, %arg10: memref<128xi32, #tpu.memory_space<vmem>>, %arg11: memref<128xi32, #tpu.memory_space<vmem>>, %arg12: memref<64x128xf32, #tpu.memory_space<vmem>>, %arg13: memref<64x128xf32, #tpu.memory_space<vmem>>, %arg14: memref<128x64xf32, #tpu.memory_space<vmem>>, %arg15: memref<128x64xf32, #tpu.memory_space<vmem>>, %arg16: memref<128x64xf32, #tpu.memory_space<vmem>>, %arg17: memref<128x64xf32, #tpu.memory_space<vmem>>, %arg18: memref<128x80xf32, #tpu.memory_space<vmem>>, %arg19: memref<128x80xf32, #tpu.memory_space<vmem>>, %arg20: memref<128xi32, #tpu.memory_space<vmem>>, %arg21: memref<128xi32, #tpu.memory_space<vmem>>, %arg22: memref<128xi32, #tpu.memory_space<vmem>>, %arg23: memref<128xi32, #tpu.memory_space<vmem>>, %arg24: memref<!tpu.dma_semaphore, #tpu.memory_space<semaphore_mem>>, %arg25: memref<!tpu.dma_semaphore, #tpu.memory_space<semaphore_mem>>, %arg26: memref<!tpu.dma_semaphore, #tpu.memory_space<semaphore_mem>>, %arg27: memref<!tpu.dma_semaphore, #tpu.memory_space<semaphore_mem>>, %arg28: memref<!tpu.dma_semaphore, #tpu.memory_space<semaphore_mem>>, %arg29: memref<!tpu.dma_semaphore, #tpu.memory_space<semaphore_mem>>, %arg30: memref<!tpu.dma_semaphore, #tpu.memory_space<semaphore_mem>>, %arg31: memref<!tpu.dma_semaphore, #tpu.memory_space<semaphore_mem>>, %arg32: memref<!tpu.dma_semaphore, #tpu.memory_space<semaphore_mem>>, %arg33: memref<!tpu.dma_semaphore, #tpu.memory_space<semaphore_mem>>, %arg34: memref<!tpu.dma_semaphore, #tpu.memory_space<semaphore_mem>>, %arg35: memref<!tpu.dma_semaphore, #tpu.memory_space<semaphore_mem>>, %arg36: memref<!tpu.dma_semaphore, #tpu.memory_space<semaphore_mem>>, %arg37: memref<!tpu.dma_semaphore, #tpu.memory_space<semaphore_mem>>, %arg38: memref<!tpu.dma_semaphore, #tpu.memory_space<semaphore_mem>>, %arg39: memref<!tpu.dma_semaphore, #tpu.memory_space<semaphore_mem>>, %arg40: memref<!tpu.dma_semaphore, #tpu.memory_space<semaphore_mem>>, %arg41: memref<!tpu.dma_semaphore, #tpu.memory_space<semaphore_mem>>) attributes {dimension_semantics = [#tpu.dimension_semantics<core_parallel>, #tpu.dimension_semantics<subcore_parallel>], iteration_bounds = array<i64: 2, 16>, scalar_prefetch = 0 : i64, scratch_operands = 35 : i64, tpu.core_type = #tpu.core_type<sc_vector_subcore>, window_params = [{transform_indices = #map}, {transform_indices = #map}, {transform_indices = #map1}, {transform_indices = #map1}, {transform_indices = #map}]} {
    %eq3A = arith.constant 0 : i32
    %eq3A_0 = arith.cmpi eq, %arg0, %eq3A : i32
    %jit3A = arith.constant 144 : i32
    %jit3A_1 = arith.constant 16 : i32
    %select_n3A = arith.select %eq3A_0, %jit3A, %jit3A_1 : i32
    %eq3A_2 = arith.constant 0 : i32
    %eq3A_3 = arith.cmpi eq, %arg0, %eq3A_2 : i32
    %mul3A = arith.constant 18432 : i32
    %mul3A_4 = arith.muli %arg1, %mul3A : i32
    %mul3A_5 = arith.constant 2048 : i32
    %mul3A_6 = arith.muli %arg1, %mul3A_5 : i32
    %add3A = arith.constant 294912 : i32
    %add3A_7 = arith.addi %add3A, %mul3A_6 : i32
    %select_n3A_8 = arith.select %eq3A_3, %mul3A_4, %add3A_7 : i32
    %scan3A = arith.constant 0 : i32
    %scan3A_9 = arith.constant 128 : i32
    %scan3A_10 = arith.addi %scan3A, %scan3A_9 : i32
    %scan3A_11 = arith.constant 1 : i32
    scf.for %scan3A_153 = %scan3A to %scan3A_10 step %scan3A_11  : i32 {
      %broadcast_in_dim3A_154 = arith.constant 0.000000e+00 : f32
      %broadcast_in_dim3A_155 = vector.broadcast %broadcast_in_dim3A_154 : f32 to vector<16xf32>
      %swap3A = arith.index_cast %scan3A_153 : i32 to index
      %swap3A_156 = arith.constant 0 : index
      %swap3A_157 = tpu.vector_load %arg18[%swap3A, %swap3A_156] {strides = array<i32>} : memref<128x80xf32, #tpu.memory_space<vmem>>, vector<1x16xf32>,
      %swap3A_158 = vector.shape_cast %swap3A_157 : vector<1x16xf32> to vector<16xf32>
      %swap3A_159 = vector.shape_cast %broadcast_in_dim3A_155 : vector<16xf32> to vector<1x16xf32>
      tpu.vector_store %arg18[%swap3A, %swap3A_156], %swap3A_159 {strides = array<i32>} : memref<128x80xf32, #tpu.memory_space<vmem>>, vector<1x16xf32>,
      %broadcast_in_dim3A_160 = arith.constant 0.000000e+00 : f32
      %broadcast_in_dim3A_161 = vector.broadcast %broadcast_in_dim3A_160 : f32 to vector<16xf32>
      %swap3A_162 = arith.index_cast %scan3A_153 : i32 to index
      %swap3A_163 = arith.constant 16 : index
      %swap3A_164 = tpu.vector_load %arg18[%swap3A_162, %swap3A_163] {strides = array<i32>} : memref<128x80xf32, #tpu.memory_space<vmem>>, vector<1x16xf32>,
      %swap3A_165 = vector.shape_cast %swap3A_164 : vector<1x16xf32> to vector<16xf32>
      %swap3A_166 = vector.shape_cast %broadcast_in_dim3A_161 : vector<16xf32> to vector<1x16xf32>
      tpu.vector_store %arg18[%swap3A_162, %swap3A_163], %swap3A_166 {strides = array<i32>} : memref<128x80xf32, #tpu.memory_space<vmem>>, vector<1x16xf32>,
      %broadcast_in_dim3A_167 = arith.constant 0.000000e+00 : f32
      %broadcast_in_dim3A_168 = vector.broadcast %broadcast_in_dim3A_167 : f32 to vector<16xf32>
      %swap3A_169 = arith.index_cast %scan3A_153 : i32 to index
      %swap3A_170 = arith.constant 32 : index
      %swap3A_171 = tpu.vector_load %arg18[%swap3A_169, %swap3A_170] {strides = array<i32>} : memref<128x80xf32, #tpu.memory_space<vmem>>, vector<1x16xf32>,
      %swap3A_172 = vector.shape_cast %swap3A_171 : vector<1x16xf32> to vector<16xf32>
      %swap3A_173 = vector.shape_cast %broadcast_in_dim3A_168 : vector<16xf32> to vector<1x16xf32>
      tpu.vector_store %arg18[%swap3A_169, %swap3A_170], %swap3A_173 {strides = array<i32>} : memref<128x80xf32, #tpu.memory_space<vmem>>, vector<1x16xf32>,
      %broadcast_in_dim3A_174 = arith.constant 0.000000e+00 : f32
      %broadcast_in_dim3A_175 = vector.broadcast %broadcast_in_dim3A_174 : f32 to vector<16xf32>
      %swap3A_176 = arith.index_cast %scan3A_153 : i32 to index
      %swap3A_177 = arith.constant 48 : index
      %swap3A_178 = tpu.vector_load %arg18[%swap3A_176, %swap3A_177] {strides = array<i32>} : memref<128x80xf32, #tpu.memory_space<vmem>>, vector<1x16xf32>,
      %swap3A_179 = vector.shape_cast %swap3A_178 : vector<1x16xf32> to vector<16xf32>
      %swap3A_180 = vector.shape_cast %broadcast_in_dim3A_175 : vector<16xf32> to vector<1x16xf32>
      tpu.vector_store %arg18[%swap3A_176, %swap3A_177], %swap3A_180 {strides = array<i32>} : memref<128x80xf32, #tpu.memory_space<vmem>>, vector<1x16xf32>,
      %broadcast_in_dim3A_181 = arith.constant 0.000000e+00 : f32
      %broadcast_in_dim3A_182 = vector.broadcast %broadcast_in_dim3A_181 : f32 to vector<16xf32>
      %swap3A_183 = arith.index_cast %scan3A_153 : i32 to index
      %swap3A_184 = arith.constant 64 : index
      %swap3A_185 = tpu.vector_load %arg18[%swap3A_183, %swap3A_184] {strides = array<i32>} : memref<128x80xf32, #tpu.memory_space<vmem>>, vector<1x16xf32>,
      %swap3A_186 = vector.shape_cast %swap3A_185 : vector<1x16xf32> to vector<16xf32>
      %swap3A_187 = vector.shape_cast %broadcast_in_dim3A_182 : vector<16xf32> to vector<1x16xf32>
      tpu.vector_store %arg18[%swap3A_183, %swap3A_184], %swap3A_187 {strides = array<i32>} : memref<128x80xf32, #tpu.memory_space<vmem>>, vector<1x16xf32>,
    }
    %scan3A_12 = arith.constant 128 : i32
    %mul3A_13 = arith.constant 640 : i32
    %mul3A_14 = arith.muli %arg1, %mul3A_13 : i32
    %add3A_15 = arith.constant 0 : i32
    %add3A_16 = arith.addi %mul3A_14, %add3A_15 : i32
    "tpu.region"() ({
      %run_scoped3A = tpu.sem_alloc : memref<!tpu.dma_semaphore, #tpu.memory_space<semaphore_mem>>
      %dma_start3A_153 = arith.constant 0 : i32
      %dma_start3A_154 = tpu.memref_slice %arg7[%add3A_16, %dma_start3A_153] : memref<10240x80xf32, #tpu.memory_space<vmem_shared>> -> memref<128x80xf32, #tpu.memory_space<vmem_shared>>
      %dma_start3A_155 = arith.constant 0 : i32
      %dma_start3A_156 = tpu.memref_slice %arg7[%add3A_16, %dma_start3A_155] : memref<10240x80xf32, #tpu.memory_space<vmem_shared>> -> memref<128x80xf32, #tpu.memory_space<vmem_shared>>
      tpu.enqueue_dma source(%arg18 : memref<128x80xf32, #tpu.memory_space<vmem>>) target(%dma_start3A_156 : memref<128x80xf32, #tpu.memory_space<vmem_shared>>) target_semaphore(%run_scoped3A : memref<!tpu.dma_semaphore, #tpu.memory_space<semaphore_mem>>)
      %dma_wait3A_157 = arith.constant 0 : i32
      %dma_wait3A_158 = tpu.memref_slice %arg7[%add3A_16, %dma_wait3A_157] : memref<10240x80xf32, #tpu.memory_space<vmem_shared>> -> memref<128x80xf32, #tpu.memory_space<vmem_shared>>
      %dma_wait3A_159 = arith.constant 0 : i32
      %dma_wait3A_160 = tpu.memref_slice %arg7[%add3A_16, %dma_wait3A_159] : memref<10240x80xf32, #tpu.memory_space<vmem_shared>> -> memref<128x80xf32, #tpu.memory_space<vmem_shared>>
      tpu.wait_dma2 semaphore(%run_scoped3A : memref<!tpu.dma_semaphore, #tpu.memory_space<semaphore_mem>>) src(%arg18 : memref<128x80xf32, #tpu.memory_space<vmem>>) dst(%dma_wait3A_160 : memref<128x80xf32, #tpu.memory_space<vmem_shared>>)
      tpu.yield
    }) : () -> ()
    %mul3A_17 = arith.constant 640 : i32
    %mul3A_18 = arith.muli %arg1, %mul3A_17 : i32
    %add3A_19 = arith.constant 128 : i32
    %add3A_20 = arith.addi %mul3A_18, %add3A_19 : i32
    "tpu.region"() ({
      %run_scoped3A = tpu.sem_alloc : memref<!tpu.dma_semaphore, #tpu.memory_space<semaphore_mem>>
      %dma_start3A_153 = arith.constant 0 : i32
      %dma_start3A_154 = tpu.memref_slice %arg7[%add3A_20, %dma_start3A_153] : memref<10240x80xf32, #tpu.memory_space<vmem_shared>> -> memref<128x80xf32, #tpu.memory_space<vmem_shared>>
      %dma_start3A_155 = arith.constant 0 : i32
      %dma_start3A_156 = tpu.memref_slice %arg7[%add3A_20, %dma_start3A_155] : memref<10240x80xf32, #tpu.memory_space<vmem_shared>> -> memref<128x80xf32, #tpu.memory_space<vmem_shared>>
      tpu.enqueue_dma source(%arg18 : memref<128x80xf32, #tpu.memory_space<vmem>>) target(%dma_start3A_156 : memref<128x80xf32, #tpu.memory_space<vmem_shared>>) target_semaphore(%run_scoped3A : memref<!tpu.dma_semaphore, #tpu.memory_space<semaphore_mem>>)
      %dma_wait3A_157 = arith.constant 0 : i32
      %dma_wait3A_158 = tpu.memref_slice %arg7[%add3A_20, %dma_wait3A_157] : memref<10240x80xf32, #tpu.memory_space<vmem_shared>> -> memref<128x80xf32, #tpu.memory_space<vmem_shared>>
      %dma_wait3A_159 = arith.constant 0 : i32
      %dma_wait3A_160 = tpu.memref_slice %arg7[%add3A_20, %dma_wait3A_159] : memref<10240x80xf32, #tpu.memory_space<vmem_shared>> -> memref<128x80xf32, #tpu.memory_space<vmem_shared>>
      tpu.wait_dma2 semaphore(%run_scoped3A : memref<!tpu.dma_semaphore, #tpu.memory_space<semaphore_mem>>) src(%arg18 : memref<128x80xf32, #tpu.memory_space<vmem>>) dst(%dma_wait3A_160 : memref<128x80xf32, #tpu.memory_space<vmem_shared>>)
      tpu.yield
    }) : () -> ()
    %mul3A_21 = arith.constant 640 : i32
    %mul3A_22 = arith.muli %arg1, %mul3A_21 : i32
    %add3A_23 = arith.constant 256 : i32
    %add3A_24 = arith.addi %mul3A_22, %add3A_23 : i32
    "tpu.region"() ({
      %run_scoped3A = tpu.sem_alloc : memref<!tpu.dma_semaphore, #tpu.memory_space<semaphore_mem>>
      %dma_start3A_153 = arith.constant 0 : i32
      %dma_start3A_154 = tpu.memref_slice %arg7[%add3A_24, %dma_start3A_153] : memref<10240x80xf32, #tpu.memory_space<vmem_shared>> -> memref<128x80xf32, #tpu.memory_space<vmem_shared>>
      %dma_start3A_155 = arith.constant 0 : i32
      %dma_start3A_156 = tpu.memref_slice %arg7[%add3A_24, %dma_start3A_155] : memref<10240x80xf32, #tpu.memory_space<vmem_shared>> -> memref<128x80xf32, #tpu.memory_space<vmem_shared>>
      tpu.enqueue_dma source(%arg18 : memref<128x80xf32, #tpu.memory_space<vmem>>) target(%dma_start3A_156 : memref<128x80xf32, #tpu.memory_space<vmem_shared>>) target_semaphore(%run_scoped3A : memref<!tpu.dma_semaphore, #tpu.memory_space<semaphore_mem>>)
      %dma_wait3A_157 = arith.constant 0 : i32
      %dma_wait3A_158 = tpu.memref_slice %arg7[%add3A_24, %dma_wait3A_157] : memref<10240x80xf32, #tpu.memory_space<vmem_shared>> -> memref<128x80xf32, #tpu.memory_space<vmem_shared>>
      %dma_wait3A_159 = arith.constant 0 : i32
      %dma_wait3A_160 = tpu.memref_slice %arg7[%add3A_24, %dma_wait3A_159] : memref<10240x80xf32, #tpu.memory_space<vmem_shared>> -> memref<128x80xf32, #tpu.memory_space<vmem_shared>>
      tpu.wait_dma2 semaphore(%run_scoped3A : memref<!tpu.dma_semaphore, #tpu.memory_space<semaphore_mem>>) src(%arg18 : memref<128x80xf32, #tpu.memory_space<vmem>>) dst(%dma_wait3A_160 : memref<128x80xf32, #tpu.memory_space<vmem_shared>>)
      tpu.yield
    }) : () -> ()
    %mul3A_25 = arith.constant 640 : i32
    %mul3A_26 = arith.muli %arg1, %mul3A_25 : i32
    %add3A_27 = arith.constant 384 : i32
    %add3A_28 = arith.addi %mul3A_26, %add3A_27 : i32
    "tpu.region"() ({
      %run_scoped3A = tpu.sem_alloc : memref<!tpu.dma_semaphore, #tpu.memory_space<semaphore_mem>>
      %dma_start3A_153 = arith.constant 0 : i32
      %dma_start3A_154 = tpu.memref_slice %arg7[%add3A_28, %dma_start3A_153] : memref<10240x80xf32, #tpu.memory_space<vmem_shared>> -> memref<128x80xf32, #tpu.memory_space<vmem_shared>>
      %dma_start3A_155 = arith.constant 0 : i32
      %dma_start3A_156 = tpu.memref_slice %arg7[%add3A_28, %dma_start3A_155] : memref<10240x80xf32, #tpu.memory_space<vmem_shared>> -> memref<128x80xf32, #tpu.memory_space<vmem_shared>>
      tpu.enqueue_dma source(%arg18 : memref<128x80xf32, #tpu.memory_space<vmem>>) target(%dma_start3A_156 : memref<128x80xf32, #tpu.memory_space<vmem_shared>>) target_semaphore(%run_scoped3A : memref<!tpu.dma_semaphore, #tpu.memory_space<semaphore_mem>>)
      %dma_wait3A_157 = arith.constant 0 : i32
      %dma_wait3A_158 = tpu.memref_slice %arg7[%add3A_28, %dma_wait3A_157] : memref<10240x80xf32, #tpu.memory_space<vmem_shared>> -> memref<128x80xf32, #tpu.memory_space<vmem_shared>>
      %dma_wait3A_159 = arith.constant 0 : i32
      %dma_wait3A_160 = tpu.memref_slice %arg7[%add3A_28, %dma_wait3A_159] : memref<10240x80xf32, #tpu.memory_space<vmem_shared>> -> memref<128x80xf32, #tpu.memory_space<vmem_shared>>
      tpu.wait_dma2 semaphore(%run_scoped3A : memref<!tpu.dma_semaphore, #tpu.memory_space<semaphore_mem>>) src(%arg18 : memref<128x80xf32, #tpu.memory_space<vmem>>) dst(%dma_wait3A_160 : memref<128x80xf32, #tpu.memory_space<vmem_shared>>)
      tpu.yield
    }) : () -> ()
    %mul3A_29 = arith.constant 640 : i32
    %mul3A_30 = arith.muli %arg1, %mul3A_29 : i32
    %add3A_31 = arith.constant 512 : i32
    %add3A_32 = arith.addi %mul3A_30, %add3A_31 : i32
    "tpu.region"() ({
      %run_scoped3A = tpu.sem_alloc : memref<!tpu.dma_semaphore, #tpu.memory_space<semaphore_mem>>
      %dma_start3A_153 = arith.constant 0 : i32
      %dma_start3A_154 = tpu.memref_slice %arg7[%add3A_32, %dma_start3A_153] : memref<10240x80xf32, #tpu.memory_space<vmem_shared>> -> memref<128x80xf32, #tpu.memory_space<vmem_shared>>
      %dma_start3A_155 = arith.constant 0 : i32
      %dma_start3A_156 = tpu.memref_slice %arg7[%add3A_32, %dma_start3A_155] : memref<10240x80xf32, #tpu.memory_space<vmem_shared>> -> memref<128x80xf32, #tpu.memory_space<vmem_shared>>
      tpu.enqueue_dma source(%arg18 : memref<128x80xf32, #tpu.memory_space<vmem>>) target(%dma_start3A_156 : memref<128x80xf32, #tpu.memory_space<vmem_shared>>) target_semaphore(%run_scoped3A : memref<!tpu.dma_semaphore, #tpu.memory_space<semaphore_mem>>)
      %dma_wait3A_157 = arith.constant 0 : i32
      %dma_wait3A_158 = tpu.memref_slice %arg7[%add3A_32, %dma_wait3A_157] : memref<10240x80xf32, #tpu.memory_space<vmem_shared>> -> memref<128x80xf32, #tpu.memory_space<vmem_shared>>
      %dma_wait3A_159 = arith.constant 0 : i32
      %dma_wait3A_160 = tpu.memref_slice %arg7[%add3A_32, %dma_wait3A_159] : memref<10240x80xf32, #tpu.memory_space<vmem_shared>> -> memref<128x80xf32, #tpu.memory_space<vmem_shared>>
      tpu.wait_dma2 semaphore(%run_scoped3A : memref<!tpu.dma_semaphore, #tpu.memory_space<semaphore_mem>>) src(%arg18 : memref<128x80xf32, #tpu.memory_space<vmem>>) dst(%dma_wait3A_160 : memref<128x80xf32, #tpu.memory_space<vmem_shared>>)
      tpu.yield
    }) : () -> ()
    %iota3A = tpu.iota {dimensions = array<i32: 0>} : vector<16xi32>
    %eq3A_33 = arith.constant 0 : i32
    %eq3A_34 = vector.broadcast %eq3A_33 : i32 to vector<16xi32>
    %eq3A_35 = arith.cmpi eq, %iota3A, %eq3A_34 : vector<16xi32>
    %jit3A_36 = arith.constant 1.000000e+00 : f32
    %jit3A_37 = arith.constant 0.000000e+00 : f32
    %broadcast_in_dim3A = vector.broadcast %jit3A_36 : f32 to vector<16xf32>
    %broadcast_in_dim3A_38 = vector.broadcast %jit3A_37 : f32 to vector<16xf32>
    %select_n3A_39 = arith.select %eq3A_35, %broadcast_in_dim3A, %broadcast_in_dim3A_38 : vector<16xi1>, vector<16xf32>
    %scan3A_40 = arith.constant 0 : i32
    %scan3A_41 = arith.constant 128 : i32
    %scan3A_42 = arith.addi %scan3A_40, %scan3A_41 : i32
    %scan3A_43 = arith.constant 1 : i32
    scf.for %scan3A_153 = %scan3A_40 to %scan3A_42 step %scan3A_43  : i32 {
      %swap3A = arith.index_cast %scan3A_153 : i32 to index
      %swap3A_154 = arith.constant 64 : index
      %swap3A_155 = tpu.vector_load %arg18[%swap3A, %swap3A_154] {strides = array<i32>} : memref<128x80xf32, #tpu.memory_space<vmem>>, vector<1x16xf32>,
      %swap3A_156 = vector.shape_cast %swap3A_155 : vector<1x16xf32> to vector<16xf32>
      %swap3A_157 = vector.shape_cast %select_n3A_39 : vector<16xf32> to vector<1x16xf32>
      tpu.vector_store %arg18[%swap3A, %swap3A_154], %swap3A_157 {strides = array<i32>} : memref<128x80xf32, #tpu.memory_space<vmem>>, vector<1x16xf32>,
      %swap3A_158 = arith.index_cast %scan3A_153 : i32 to index
      %swap3A_159 = arith.constant 64 : index
      %swap3A_160 = tpu.vector_load %arg19[%swap3A_158, %swap3A_159] {strides = array<i32>} : memref<128x80xf32, #tpu.memory_space<vmem>>, vector<1x16xf32>,
      %swap3A_161 = vector.shape_cast %swap3A_160 : vector<1x16xf32> to vector<16xf32>
      %swap3A_162 = vector.shape_cast %select_n3A_39 : vector<16xf32> to vector<1x16xf32>
      tpu.vector_store %arg19[%swap3A_158, %swap3A_159], %swap3A_162 {strides = array<i32>} : memref<128x80xf32, #tpu.memory_space<vmem>>, vector<1x16xf32>,
    }
    %scan3A_44 = arith.constant 128 : i32
    %barrier3A = arith.constant 0 : index
    tpu.barrier barrier_id(%barrier3A)
    %jit3A_45 = arith.constant 2 : i32
    %div3A = arith.divsi %select_n3A_8, %jit3A_45 : i32
    %sign3A = arith.constant 0 : i32
    %sign3A_46 = arith.cmpi sgt, %select_n3A_8, %sign3A : i32
    %sign3A_47 = arith.extui %sign3A_46 : i1 to i32
    %sign3A_48 = arith.constant 0 : i32
    %sign3A_49 = arith.cmpi slt, %select_n3A_8, %sign3A_48 : i32
    %sign3A_50 = arith.extui %sign3A_49 : i1 to i32
    %sign3A_51 = arith.subi %sign3A_47, %sign3A_50 : i32
    %sign3A_52 = arith.constant 0 : i32
    %sign3A_53 = arith.cmpi sgt, %jit3A_45, %sign3A_52 : i32
    %sign3A_54 = arith.extui %sign3A_53 : i1 to i32
    %sign3A_55 = arith.constant 0 : i32
    %sign3A_56 = arith.cmpi slt, %jit3A_45, %sign3A_55 : i32
    %sign3A_57 = arith.extui %sign3A_56 : i1 to i32
    %sign3A_58 = arith.subi %sign3A_54, %sign3A_57 : i32
    %ne3A = arith.cmpi ne, %sign3A_51, %sign3A_58 : i32
    %rem3A = arith.remsi %select_n3A_8, %jit3A_45 : i32
    %ne3A_59 = arith.constant 0 : i32
    %ne3A_60 = arith.cmpi ne, %rem3A, %ne3A_59 : i32
    %and3A = arith.andi %ne3A, %ne3A_60 : i1
    %sub3A = arith.constant 1 : i32
    %sub3A_61 = arith.subi %div3A, %sub3A : i32
    %select_n3A_62 = arith.select %and3A, %sub3A_61, %div3A : i32
    %add3A_63 = arith.constant 0 : i32
    %add3A_64 = arith.addi %select_n3A_8, %add3A_63 : i32
    %dma_start3A = tpu.memref_slice %arg4[%add3A_64] : memref<327680xi32, #tpu.memory_space<hbm>> -> memref<128xi32, #tpu.memory_space<hbm>>
    %dma_start3A_65 = tpu.memref_slice %arg4[%add3A_64] : memref<327680xi32, #tpu.memory_space<hbm>> -> memref<128xi32, #tpu.memory_space<hbm>>
    tpu.enqueue_dma source(%dma_start3A_65 : memref<128xi32, #tpu.memory_space<hbm>>) target(%arg8 : memref<128xi32, #tpu.memory_space<vmem>>) target_semaphore(%arg24 : memref<!tpu.dma_semaphore, #tpu.memory_space<semaphore_mem>>)
    %add3A_66 = arith.constant 128 : i32
    %add3A_67 = arith.addi %select_n3A_8, %add3A_66 : i32
    %dma_start3A_68 = tpu.memref_slice %arg4[%add3A_67] : memref<327680xi32, #tpu.memory_space<hbm>> -> memref<128xi32, #tpu.memory_space<hbm>>
    %dma_start3A_69 = tpu.memref_slice %arg4[%add3A_67] : memref<327680xi32, #tpu.memory_space<hbm>> -> memref<128xi32, #tpu.memory_space<hbm>>
    tpu.enqueue_dma source(%dma_start3A_69 : memref<128xi32, #tpu.memory_space<hbm>>) target(%arg9 : memref<128xi32, #tpu.memory_space<vmem>>) target_semaphore(%arg25 : memref<!tpu.dma_semaphore, #tpu.memory_space<semaphore_mem>>)
    %add3A_70 = arith.constant 256 : i32
    %add3A_71 = arith.addi %select_n3A_8, %add3A_70 : i32
    %dma_start3A_72 = tpu.memref_slice %arg4[%add3A_71] : memref<327680xi32, #tpu.memory_space<hbm>> -> memref<128xi32, #tpu.memory_space<hbm>>
    %dma_start3A_73 = tpu.memref_slice %arg4[%add3A_71] : memref<327680xi32, #tpu.memory_space<hbm>> -> memref<128xi32, #tpu.memory_space<hbm>>
    tpu.enqueue_dma source(%dma_start3A_73 : memref<128xi32, #tpu.memory_space<hbm>>) target(%arg10 : memref<128xi32, #tpu.memory_space<vmem>>) target_semaphore(%arg26 : memref<!tpu.dma_semaphore, #tpu.memory_space<semaphore_mem>>)
    %add3A_74 = arith.constant 0 : i32
    %add3A_75 = arith.addi %select_n3A_62, %add3A_74 : i32
    %dma_start3A_76 = arith.constant 0 : i32
    %dma_start3A_77 = tpu.memref_slice %arg3[%add3A_75, %dma_start3A_76] : memref<163840x128xf32, #tpu.memory_space<hbm>> -> memref<64x128xf32, #tpu.memory_space<hbm>>
    %dma_start3A_78 = arith.constant 0 : i32
    %dma_start3A_79 = tpu.memref_slice %arg3[%add3A_75, %dma_start3A_78] : memref<163840x128xf32, #tpu.memory_space<hbm>> -> memref<64x128xf32, #tpu.memory_space<hbm>>
    tpu.enqueue_dma source(%dma_start3A_79 : memref<64x128xf32, #tpu.memory_space<hbm>>) target(%arg12 : memref<64x128xf32, #tpu.memory_space<vmem>>) target_semaphore(%arg28 : memref<!tpu.dma_semaphore, #tpu.memory_space<semaphore_mem>>)
    %add3A_80 = arith.constant 64 : i32
    %add3A_81 = arith.addi %select_n3A_62, %add3A_80 : i32
    %dma_start3A_82 = arith.constant 0 : i32
    %dma_start3A_83 = tpu.memref_slice %arg3[%add3A_81, %dma_start3A_82] : memref<163840x128xf32, #tpu.memory_space<hbm>> -> memref<64x128xf32, #tpu.memory_space<hbm>>
    %dma_start3A_84 = arith.constant 0 : i32
    %dma_start3A_85 = tpu.memref_slice %arg3[%add3A_81, %dma_start3A_84] : memref<163840x128xf32, #tpu.memory_space<hbm>> -> memref<64x128xf32, #tpu.memory_space<hbm>>
    tpu.enqueue_dma source(%dma_start3A_85 : memref<64x128xf32, #tpu.memory_space<hbm>>) target(%arg13 : memref<64x128xf32, #tpu.memory_space<vmem>>) target_semaphore(%arg29 : memref<!tpu.dma_semaphore, #tpu.memory_space<semaphore_mem>>)
    %add3A_86 = arith.constant 0 : i32
    %add3A_87 = arith.addi %select_n3A_8, %add3A_86 : i32
    %dma_start3A_88 = tpu.memref_slice %arg5[%add3A_87] : memref<327680xi32, #tpu.memory_space<hbm>> -> memref<128xi32, #tpu.memory_space<hbm>>
    %dma_start3A_89 = tpu.memref_slice %arg5[%add3A_87] : memref<327680xi32, #tpu.memory_space<hbm>> -> memref<128xi32, #tpu.memory_space<hbm>>
    tpu.enqueue_dma source(%dma_start3A_89 : memref<128xi32, #tpu.memory_space<hbm>>) target(%arg20 : memref<128xi32, #tpu.memory_space<vmem>>) target_semaphore(%arg34 : memref<!tpu.dma_semaphore, #tpu.memory_space<semaphore_mem>>)
    %add3A_90 = arith.constant 128 : i32
    %add3A_91 = arith.addi %select_n3A_8, %add3A_90 : i32
    %dma_start3A_92 = tpu.memref_slice %arg5[%add3A_91] : memref<327680xi32, #tpu.memory_space<hbm>> -> memref<128xi32, #tpu.memory_space<hbm>>
    %dma_start3A_93 = tpu.memref_slice %arg5[%add3A_91] : memref<327680xi32, #tpu.memory_space<hbm>> -> memref<128xi32, #tpu.memory_space<hbm>>
    tpu.enqueue_dma source(%dma_start3A_93 : memref<128xi32, #tpu.memory_space<hbm>>) target(%arg21 : memref<128xi32, #tpu.memory_space<vmem>>) target_semaphore(%arg35 : memref<!tpu.dma_semaphore, #tpu.memory_space<semaphore_mem>>)
    %dma_wait3A = arith.constant 0 : i32
    %dma_wait3A_94 = tpu.memref_slice %arg4[%dma_wait3A] : memref<327680xi32, #tpu.memory_space<hbm>> -> memref<128xi32, #tpu.memory_space<hbm>>
    %dma_wait3A_95 = arith.constant 0 : i32
    %dma_wait3A_96 = tpu.memref_slice %arg4[%dma_wait3A_95] : memref<327680xi32, #tpu.memory_space<hbm>> -> memref<128xi32, #tpu.memory_space<hbm>>
    tpu.wait_dma2 semaphore(%arg24 : memref<!tpu.dma_semaphore, #tpu.memory_space<semaphore_mem>>) src(%dma_wait3A_96 : memref<128xi32, #tpu.memory_space<hbm>>) dst(%arg8 : memref<128xi32, #tpu.memory_space<vmem>>)
    %dma_start3A_97 = arith.constant 0 : i32
    %dma_start3A_98 = arith.constant 0 : i32
    %dma_start3A_99 = tpu.memref_slice %arg2[%dma_start3A_97, %dma_start3A_98] : memref<10240x64xf32, #tpu.memory_space<hbm>> -> memref<10240x64xf32, #tpu.memory_space<hbm>>
    tpu.enqueue_indirect_dma source(%dma_start3A_99 : memref<10240x64xf32, #tpu.memory_space<hbm>>) target(%arg14 : memref<128x64xf32, #tpu.memory_space<vmem>>) offsets(%arg8 : memref<128xi32, #tpu.memory_space<vmem>>) semaphore(%arg30 : memref<!tpu.dma_semaphore, #tpu.memory_space<semaphore_mem>>)
    %dma_wait3A_100 = arith.constant 0 : i32
    %dma_wait3A_101 = tpu.memref_slice %arg4[%dma_wait3A_100] : memref<327680xi32, #tpu.memory_space<hbm>> -> memref<128xi32, #tpu.memory_space<hbm>>
    %dma_wait3A_102 = arith.constant 0 : i32
    %dma_wait3A_103 = tpu.memref_slice %arg4[%dma_wait3A_102] : memref<327680xi32, #tpu.memory_space<hbm>> -> memref<128xi32, #tpu.memory_space<hbm>>
    tpu.wait_dma2 semaphore(%arg25 : memref<!tpu.dma_semaphore, #tpu.memory_space<semaphore_mem>>) src(%dma_wait3A_103 : memref<128xi32, #tpu.memory_space<hbm>>) dst(%arg9 : memref<128xi32, #tpu.memory_space<vmem>>)
    %dma_start3A_104 = arith.constant 0 : i32
    %dma_start3A_105 = arith.constant 0 : i32
    %dma_start3A_106 = tpu.memref_slice %arg2[%dma_start3A_104, %dma_start3A_105] : memref<10240x64xf32, #tpu.memory_space<hbm>> -> memref<10240x64xf32, #tpu.memory_space<hbm>>
    tpu.enqueue_indirect_dma source(%dma_start3A_106 : memref<10240x64xf32, #tpu.memory_space<hbm>>) target(%arg15 : memref<128x64xf32, #tpu.memory_space<vmem>>) offsets(%arg9 : memref<128xi32, #tpu.memory_space<vmem>>) semaphore(%arg31 : memref<!tpu.dma_semaphore, #tpu.memory_space<semaphore_mem>>)
    %jit3A_107 = arith.constant 4 : i32
    %div3A_108 = arith.divsi %select_n3A, %jit3A_107 : i32
    %sign3A_109 = arith.constant 0 : i32
    %sign3A_110 = arith.cmpi sgt, %select_n3A, %sign3A_109 : i32
    %sign3A_111 = arith.extui %sign3A_110 : i1 to i32
    %sign3A_112 = arith.constant 0 : i32
    %sign3A_113 = arith.cmpi slt, %select_n3A, %sign3A_112 : i32
    %sign3A_114 = arith.extui %sign3A_113 : i1 to i32
    %sign3A_115 = arith.subi %sign3A_111, %sign3A_114 : i32
    %sign3A_116 = arith.constant 0 : i32
    %sign3A_117 = arith.cmpi sgt, %jit3A_107, %sign3A_116 : i32
    %sign3A_118 = arith.extui %sign3A_117 : i1 to i32
    %sign3A_119 = arith.constant 0 : i32
    %sign3A_120 = arith.cmpi slt, %jit3A_107, %sign3A_119 : i32
    %sign3A_121 = arith.extui %sign3A_120 : i1 to i32
    %sign3A_122 = arith.subi %sign3A_118, %sign3A_121 : i32
    %ne3A_123 = arith.cmpi ne, %sign3A_115, %sign3A_122 : i32
    %rem3A_124 = arith.remsi %select_n3A, %jit3A_107 : i32
    %ne3A_125 = arith.constant 0 : i32
    %ne3A_126 = arith.cmpi ne, %rem3A_124, %ne3A_125 : i32
    %and3A_127 = arith.andi %ne3A_123, %ne3A_126 : i1
    %sub3A_128 = arith.constant 1 : i32
    %sub3A_129 = arith.subi %div3A_108, %sub3A_128 : i32
    %select_n3A_130 = arith.select %and3A_127, %sub3A_129, %div3A_108 : i32
    %while3A = arith.constant 0 : i32
    %while3A_131 = arith.subi %select_n3A_130, %while3A : i32
    %while3A_132 = arith.addi %while3A, %while3A_131 : i32
    %while3A_133 = arith.constant 1 : i32
    %while3A_134 = arith.divsi %while3A_131, %while3A_133 : i32
    %while3A_135 = arith.muli %while3A_134, %while3A_133 : i32
    %while3A_136 = arith.addi %while3A, %while3A_135 : i32
    %while3A_137 = arith.constant 1 : i32
    scf.for %while3A_153 = %while3A to %while3A_136 step %while3A_137  : i32 {
      %mul3A_154 = arith.constant 4 : i32
      %mul3A_155 = arith.muli %mul3A_154, %while3A_153 : i32
      %add3A_156 = arith.constant 0 : i32
      %add3A_157 = arith.addi %mul3A_155, %add3A_156 : i32
      %dma_wait3A_158 = arith.constant 0 : i32
      %dma_wait3A_159 = arith.constant 0 : i32
      %dma_wait3A_160 = tpu.memref_slice %arg2[%dma_wait3A_158, %dma_wait3A_159] : memref<10240x64xf32, #tpu.memory_space<hbm>> -> memref<10240x64xf32, #tpu.memory_space<hbm>>
      tpu.wait_indirect_dma semaphore(%arg30 : memref<!tpu.dma_semaphore, #tpu.memory_space<semaphore_mem>>) src(%dma_wait3A_160 : memref<10240x64xf32, #tpu.memory_space<hbm>>) dst(%arg14 : memref<128x64xf32, #tpu.memory_space<vmem>>)
      %add3A_161 = arith.constant 2 : i32
      %add3A_162 = arith.addi %add3A_157, %add3A_161 : i32
      %lt3A = arith.cmpi slt, %add3A_162, %select_n3A : i32
      %convert_element_type3A = arith.extui %lt3A : i1 to i32
      %cond3A = arith.constant 0 : i32
      %cond3A_163 = arith.cmpi ne, %convert_element_type3A, %cond3A : i32
      scf.if %cond3A_163 {
        %dma_wait3A_333 = arith.constant 0 : i32
        %dma_wait3A_334 = tpu.memref_slice %arg4[%dma_wait3A_333] : memref<327680xi32, #tpu.memory_space<hbm>> -> memref<128xi32, #tpu.memory_space<hbm>>
        %dma_wait3A_335 = arith.constant 0 : i32
        %dma_wait3A_336 = tpu.memref_slice %arg4[%dma_wait3A_335] : memref<327680xi32, #tpu.memory_space<hbm>> -> memref<128xi32, #tpu.memory_space<hbm>>
        tpu.wait_dma2 semaphore(%arg26 : memref<!tpu.dma_semaphore, #tpu.memory_space<semaphore_mem>>) src(%dma_wait3A_336 : memref<128xi32, #tpu.memory_space<hbm>>) dst(%arg10 : memref<128xi32, #tpu.memory_space<vmem>>)
        %dma_start3A_337 = arith.constant 0 : i32
        %dma_start3A_338 = arith.constant 0 : i32
        %dma_start3A_339 = tpu.memref_slice %arg2[%dma_start3A_337, %dma_start3A_338] : memref<10240x64xf32, #tpu.memory_space<hbm>> -> memref<10240x64xf32, #tpu.memory_space<hbm>>
        tpu.enqueue_indirect_dma source(%dma_start3A_339 : memref<10240x64xf32, #tpu.memory_space<hbm>>) target(%arg16 : memref<128x64xf32, #tpu.memory_space<vmem>>) offsets(%arg10 : memref<128xi32, #tpu.memory_space<vmem>>) semaphore(%arg32 : memref<!tpu.dma_semaphore, #tpu.memory_space<semaphore_mem>>)
      } else {
      }
      %ge3A = arith.constant 2 : i32
      %ge3A_164 = arith.cmpi sge, %add3A_157, %ge3A : i32
      %convert_element_type3A_165 = arith.extui %ge3A_164 : i1 to i32
      %cond3A_166 = arith.constant 0 : i32
      %cond3A_167 = arith.cmpi ne, %convert_element_type3A_165, %cond3A_166 : i32
      scf.if %cond3A_167 {
        %dma_wait3A_333 = arith.constant 0 : i32
        %dma_wait3A_334 = arith.constant 0 : i32
        %dma_wait3A_335 = tpu.memref_slice %arg7[%dma_wait3A_333, %dma_wait3A_334] : memref<10240x80xf32, #tpu.memory_space<vmem_shared>> -> memref<10240x80xf32, #tpu.memory_space<vmem_shared>>
        tpu.wait_indirect_dma semaphore(%arg40 : memref<!tpu.dma_semaphore, #tpu.memory_space<semaphore_mem>>) src(%arg18 : memref<128x80xf32, #tpu.memory_space<vmem>>) dst(%dma_wait3A_335 : memref<10240x80xf32, #tpu.memory_space<vmem_shared>>)
      } else {
      }
      %dma_wait3A_168 = arith.constant 0 : i32
      %dma_wait3A_169 = arith.constant 0 : i32
      %dma_wait3A_170 = tpu.memref_slice %arg3[%dma_wait3A_168, %dma_wait3A_169] : memref<163840x128xf32, #tpu.memory_space<hbm>> -> memref<64x128xf32, #tpu.memory_space<hbm>>
      %dma_wait3A_171 = arith.constant 0 : i32
      %dma_wait3A_172 = arith.constant 0 : i32
      %dma_wait3A_173 = tpu.memref_slice %arg3[%dma_wait3A_171, %dma_wait3A_172] : memref<163840x128xf32, #tpu.memory_space<hbm>> -> memref<64x128xf32, #tpu.memory_space<hbm>>
      tpu.wait_dma2 semaphore(%arg28 : memref<!tpu.dma_semaphore, #tpu.memory_space<semaphore_mem>>) src(%dma_wait3A_173 : memref<64x128xf32, #tpu.memory_space<hbm>>) dst(%arg12 : memref<64x128xf32, #tpu.memory_space<vmem>>)
      %parallel_loop3A = arith.constant 0 : i32
      %parallel_loop3A_174 = arith.constant 64 : i32
      %parallel_loop3A_175 = arith.constant 1 : i32
      scf.for %parallel_loop3A_333 = %parallel_loop3A to %parallel_loop3A_174 step %parallel_loop3A_175  : i32 {
        %parallel_loop3A_334 = arith.constant 0 : i32
        %parallel_loop3A_335 = arith.addi %parallel_loop3A_334, %parallel_loop3A_333 : i32
        %parallel_loop3A_336 = arith.index_cast %parallel_loop3A_335 : i32 to index
        %parallel_loop3A_337 = arith.constant 0 : index
        %parallel_loop3A_338 = tpu.vector_load %arg14[%parallel_loop3A_336, %parallel_loop3A_337] {strides = array<i32>} : memref<128x64xf32, #tpu.memory_space<vmem>>, vector<1x16xf32>,
        %parallel_loop3A_339 = vector.shape_cast %parallel_loop3A_338 : vector<1x16xf32> to vector<16xf32>
        %parallel_loop3A_340 = arith.index_cast %parallel_loop3A_333 : i32 to index
        %parallel_loop3A_341 = arith.constant 0 : index
        %parallel_loop3A_342 = tpu.vector_load %arg12[%parallel_loop3A_340, %parallel_loop3A_341] {strides = array<i32>} : memref<64x128xf32, #tpu.memory_space<vmem>>, vector<1x16xf32>,
        %parallel_loop3A_343 = vector.shape_cast %parallel_loop3A_342 : vector<1x16xf32> to vector<16xf32>
        %parallel_loop3A_344 = arith.addf %parallel_loop3A_339, %parallel_loop3A_343 : vector<16xf32>
        %parallel_loop3A_345 = arith.constant 0.000000e+00 : f32
        %parallel_loop3A_346 = vector.broadcast %parallel_loop3A_345 : f32 to vector<16xf32>
        %parallel_loop3A_347 = arith.maximumf %parallel_loop3A_344, %parallel_loop3A_346 : vector<16xf32>
        %parallel_loop3A_348 = arith.index_cast %parallel_loop3A_335 : i32 to index
        %parallel_loop3A_349 = arith.constant 0 : index
        %parallel_loop3A_350 = tpu.vector_load %arg18[%parallel_loop3A_348, %parallel_loop3A_349] {strides = array<i32>} : memref<128x80xf32, #tpu.memory_space<vmem>>, vector<1x16xf32>,
        %parallel_loop3A_351 = vector.shape_cast %parallel_loop3A_350 : vector<1x16xf32> to vector<16xf32>
        %parallel_loop3A_352 = vector.shape_cast %parallel_loop3A_347 : vector<16xf32> to vector<1x16xf32>
        tpu.vector_store %arg18[%parallel_loop3A_348, %parallel_loop3A_349], %parallel_loop3A_352 {strides = array<i32>} : memref<128x80xf32, #tpu.memory_space<vmem>>, vector<1x16xf32>,
        %parallel_loop3A_353 = arith.index_cast %parallel_loop3A_335 : i32 to index
        %parallel_loop3A_354 = arith.constant 16 : index
        %parallel_loop3A_355 = tpu.vector_load %arg14[%parallel_loop3A_353, %parallel_loop3A_354] {strides = array<i32>} : memref<128x64xf32, #tpu.memory_space<vmem>>, vector<1x16xf32>,
        %parallel_loop3A_356 = vector.shape_cast %parallel_loop3A_355 : vector<1x16xf32> to vector<16xf32>
        %parallel_loop3A_357 = arith.index_cast %parallel_loop3A_333 : i32 to index
        %parallel_loop3A_358 = arith.constant 16 : index
        %parallel_loop3A_359 = tpu.vector_load %arg12[%parallel_loop3A_357, %parallel_loop3A_358] {strides = array<i32>} : memref<64x128xf32, #tpu.memory_space<vmem>>, vector<1x16xf32>,
        %parallel_loop3A_360 = vector.shape_cast %parallel_loop3A_359 : vector<1x16xf32> to vector<16xf32>
        %parallel_loop3A_361 = arith.addf %parallel_loop3A_356, %parallel_loop3A_360 : vector<16xf32>
        %parallel_loop3A_362 = arith.constant 0.000000e+00 : f32
        %parallel_loop3A_363 = vector.broadcast %parallel_loop3A_362 : f32 to vector<16xf32>
        %parallel_loop3A_364 = arith.maximumf %parallel_loop3A_361, %parallel_loop3A_363 : vector<16xf32>
        %parallel_loop3A_365 = arith.index_cast %parallel_loop3A_335 : i32 to index
        %parallel_loop3A_366 = arith.constant 16 : index
        %parallel_loop3A_367 = tpu.vector_load %arg18[%parallel_loop3A_365, %parallel_loop3A_366] {strides = array<i32>} : memref<128x80xf32, #tpu.memory_space<vmem>>, vector<1x16xf32>,
        %parallel_loop3A_368 = vector.shape_cast %parallel_loop3A_367 : vector<1x16xf32> to vector<16xf32>
        %parallel_loop3A_369 = vector.shape_cast %parallel_loop3A_364 : vector<16xf32> to vector<1x16xf32>
        tpu.vector_store %arg18[%parallel_loop3A_365, %parallel_loop3A_366], %parallel_loop3A_369 {strides = array<i32>} : memref<128x80xf32, #tpu.memory_space<vmem>>, vector<1x16xf32>,
        %parallel_loop3A_370 = arith.index_cast %parallel_loop3A_335 : i32 to index
        %parallel_loop3A_371 = arith.constant 32 : index
        %parallel_loop3A_372 = tpu.vector_load %arg14[%parallel_loop3A_370, %parallel_loop3A_371] {strides = array<i32>} : memref<128x64xf32, #tpu.memory_space<vmem>>, vector<1x16xf32>,
        %parallel_loop3A_373 = vector.shape_cast %parallel_loop3A_372 : vector<1x16xf32> to vector<16xf32>
        %parallel_loop3A_374 = arith.index_cast %parallel_loop3A_333 : i32 to index
        %parallel_loop3A_375 = arith.constant 32 : index
        %parallel_loop3A_376 = tpu.vector_load %arg12[%parallel_loop3A_374, %parallel_loop3A_375] {strides = array<i32>} : memref<64x128xf32, #tpu.memory_space<vmem>>, vector<1x16xf32>,
        %parallel_loop3A_377 = vector.shape_cast %parallel_loop3A_376 : vector<1x16xf32> to vector<16xf32>
        %parallel_loop3A_378 = arith.addf %parallel_loop3A_373, %parallel_loop3A_377 : vector<16xf32>
        %parallel_loop3A_379 = arith.constant 0.000000e+00 : f32
        %parallel_loop3A_380 = vector.broadcast %parallel_loop3A_379 : f32 to vector<16xf32>
        %parallel_loop3A_381 = arith.maximumf %parallel_loop3A_378, %parallel_loop3A_380 : vector<16xf32>
        %parallel_loop3A_382 = arith.index_cast %parallel_loop3A_335 : i32 to index
        %parallel_loop3A_383 = arith.constant 32 : index
        %parallel_loop3A_384 = tpu.vector_load %arg18[%parallel_loop3A_382, %parallel_loop3A_383] {strides = array<i32>} : memref<128x80xf32, #tpu.memory_space<vmem>>, vector<1x16xf32>,
        %parallel_loop3A_385 = vector.shape_cast %parallel_loop3A_384 : vector<1x16xf32> to vector<16xf32>
        %parallel_loop3A_386 = vector.shape_cast %parallel_loop3A_381 : vector<16xf32> to vector<1x16xf32>
        tpu.vector_store %arg18[%parallel_loop3A_382, %parallel_loop3A_383], %parallel_loop3A_386 {strides = array<i32>} : memref<128x80xf32, #tpu.memory_space<vmem>>, vector<1x16xf32>,
        %parallel_loop3A_387 = arith.index_cast %parallel_loop3A_335 : i32 to index
        %parallel_loop3A_388 = arith.constant 48 : index
        %parallel_loop3A_389 = tpu.vector_load %arg14[%parallel_loop3A_387, %parallel_loop3A_388] {strides = array<i32>} : memref<128x64xf32, #tpu.memory_space<vmem>>, vector<1x16xf32>,
        %parallel_loop3A_390 = vector.shape_cast %parallel_loop3A_389 : vector<1x16xf32> to vector<16xf32>
        %parallel_loop3A_391 = arith.index_cast %parallel_loop3A_333 : i32 to index
        %parallel_loop3A_392 = arith.constant 48 : index
        %parallel_loop3A_393 = tpu.vector_load %arg12[%parallel_loop3A_391, %parallel_loop3A_392] {strides = array<i32>} : memref<64x128xf32, #tpu.memory_space<vmem>>, vector<1x16xf32>,
        %parallel_loop3A_394 = vector.shape_cast %parallel_loop3A_393 : vector<1x16xf32> to vector<16xf32>
        %parallel_loop3A_395 = arith.addf %parallel_loop3A_390, %parallel_loop3A_394 : vector<16xf32>
        %parallel_loop3A_396 = arith.constant 0.000000e+00 : f32
        %parallel_loop3A_397 = vector.broadcast %parallel_loop3A_396 : f32 to vector<16xf32>
        %parallel_loop3A_398 = arith.maximumf %parallel_loop3A_395, %parallel_loop3A_397 : vector<16xf32>
        %parallel_loop3A_399 = arith.index_cast %parallel_loop3A_335 : i32 to index
        %parallel_loop3A_400 = arith.constant 48 : index
        %parallel_loop3A_401 = tpu.vector_load %arg18[%parallel_loop3A_399, %parallel_loop3A_400] {strides = array<i32>} : memref<128x80xf32, #tpu.memory_space<vmem>>, vector<1x16xf32>,
        %parallel_loop3A_402 = vector.shape_cast %parallel_loop3A_401 : vector<1x16xf32> to vector<16xf32>
        %parallel_loop3A_403 = vector.shape_cast %parallel_loop3A_398 : vector<16xf32> to vector<1x16xf32>
        tpu.vector_store %arg18[%parallel_loop3A_399, %parallel_loop3A_400], %parallel_loop3A_403 {strides = array<i32>} : memref<128x80xf32, #tpu.memory_space<vmem>>, vector<1x16xf32>,
        %parallel_loop3A_404 = arith.constant 64 : i32
        %parallel_loop3A_405 = arith.addi %parallel_loop3A_404, %parallel_loop3A_333 : i32
        %parallel_loop3A_406 = arith.index_cast %parallel_loop3A_405 : i32 to index
        %parallel_loop3A_407 = arith.constant 0 : index
        %parallel_loop3A_408 = tpu.vector_load %arg14[%parallel_loop3A_406, %parallel_loop3A_407] {strides = array<i32>} : memref<128x64xf32, #tpu.memory_space<vmem>>, vector<1x16xf32>,
        %parallel_loop3A_409 = vector.shape_cast %parallel_loop3A_408 : vector<1x16xf32> to vector<16xf32>
        %parallel_loop3A_410 = arith.index_cast %parallel_loop3A_333 : i32 to index
        %parallel_loop3A_411 = arith.constant 64 : index
        %parallel_loop3A_412 = tpu.vector_load %arg12[%parallel_loop3A_410, %parallel_loop3A_411] {strides = array<i32>} : memref<64x128xf32, #tpu.memory_space<vmem>>, vector<1x16xf32>,
        %parallel_loop3A_413 = vector.shape_cast %parallel_loop3A_412 : vector<1x16xf32> to vector<16xf32>
        %parallel_loop3A_414 = arith.addf %parallel_loop3A_409, %parallel_loop3A_413 : vector<16xf32>
        %parallel_loop3A_415 = arith.constant 0.000000e+00 : f32
        %parallel_loop3A_416 = vector.broadcast %parallel_loop3A_415 : f32 to vector<16xf32>
        %parallel_loop3A_417 = arith.maximumf %parallel_loop3A_414, %parallel_loop3A_416 : vector<16xf32>
        %parallel_loop3A_418 = arith.index_cast %parallel_loop3A_405 : i32 to index
        %parallel_loop3A_419 = arith.constant 0 : index
        %parallel_loop3A_420 = tpu.vector_load %arg18[%parallel_loop3A_418, %parallel_loop3A_419] {strides = array<i32>} : memref<128x80xf32, #tpu.memory_space<vmem>>, vector<1x16xf32>,
        %parallel_loop3A_421 = vector.shape_cast %parallel_loop3A_420 : vector<1x16xf32> to vector<16xf32>
        %parallel_loop3A_422 = vector.shape_cast %parallel_loop3A_417 : vector<16xf32> to vector<1x16xf32>
        tpu.vector_store %arg18[%parallel_loop3A_418, %parallel_loop3A_419], %parallel_loop3A_422 {strides = array<i32>} : memref<128x80xf32, #tpu.memory_space<vmem>>, vector<1x16xf32>,
        %parallel_loop3A_423 = arith.index_cast %parallel_loop3A_405 : i32 to index
        %parallel_loop3A_424 = arith.constant 16 : index
        %parallel_loop3A_425 = tpu.vector_load %arg14[%parallel_loop3A_423, %parallel_loop3A_424] {strides = array<i32>} : memref<128x64xf32, #tpu.memory_space<vmem>>, vector<1x16xf32>,
        %parallel_loop3A_426 = vector.shape_cast %parallel_loop3A_425 : vector<1x16xf32> to vector<16xf32>
        %parallel_loop3A_427 = arith.index_cast %parallel_loop3A_333 : i32 to index
        %parallel_loop3A_428 = arith.constant 80 : index
        %parallel_loop3A_429 = tpu.vector_load %arg12[%parallel_loop3A_427, %parallel_loop3A_428] {strides = array<i32>} : memref<64x128xf32, #tpu.memory_space<vmem>>, vector<1x16xf32>,
        %parallel_loop3A_430 = vector.shape_cast %parallel_loop3A_429 : vector<1x16xf32> to vector<16xf32>
        %parallel_loop3A_431 = arith.addf %parallel_loop3A_426, %parallel_loop3A_430 : vector<16xf32>
        %parallel_loop3A_432 = arith.constant 0.000000e+00 : f32
        %parallel_loop3A_433 = vector.broadcast %parallel_loop3A_432 : f32 to vector<16xf32>
        %parallel_loop3A_434 = arith.maximumf %parallel_loop3A_431, %parallel_loop3A_433 : vector<16xf32>
        %parallel_loop3A_435 = arith.index_cast %parallel_loop3A_405 : i32 to index
        %parallel_loop3A_436 = arith.constant 16 : index
        %parallel_loop3A_437 = tpu.vector_load %arg18[%parallel_loop3A_435, %parallel_loop3A_436] {strides = array<i32>} : memref<128x80xf32, #tpu.memory_space<vmem>>, vector<1x16xf32>,
        %parallel_loop3A_438 = vector.shape_cast %parallel_loop3A_437 : vector<1x16xf32> to vector<16xf32>
        %parallel_loop3A_439 = vector.shape_cast %parallel_loop3A_434 : vector<16xf32> to vector<1x16xf32>
        tpu.vector_store %arg18[%parallel_loop3A_435, %parallel_loop3A_436], %parallel_loop3A_439 {strides = array<i32>} : memref<128x80xf32, #tpu.memory_space<vmem>>, vector<1x16xf32>,
        %parallel_loop3A_440 = arith.index_cast %parallel_loop3A_405 : i32 to index
        %parallel_loop3A_441 = arith.constant 32 : index
        %parallel_loop3A_442 = tpu.vector_load %arg14[%parallel_loop3A_440, %parallel_loop3A_441] {strides = array<i32>} : memref<128x64xf32, #tpu.memory_space<vmem>>, vector<1x16xf32>,
        %parallel_loop3A_443 = vector.shape_cast %parallel_loop3A_442 : vector<1x16xf32> to vector<16xf32>
        %parallel_loop3A_444 = arith.index_cast %parallel_loop3A_333 : i32 to index
        %parallel_loop3A_445 = arith.constant 96 : index
        %parallel_loop3A_446 = tpu.vector_load %arg12[%parallel_loop3A_444, %parallel_loop3A_445] {strides = array<i32>} : memref<64x128xf32, #tpu.memory_space<vmem>>, vector<1x16xf32>,
        %parallel_loop3A_447 = vector.shape_cast %parallel_loop3A_446 : vector<1x16xf32> to vector<16xf32>
        %parallel_loop3A_448 = arith.addf %parallel_loop3A_443, %parallel_loop3A_447 : vector<16xf32>
        %parallel_loop3A_449 = arith.constant 0.000000e+00 : f32
        %parallel_loop3A_450 = vector.broadcast %parallel_loop3A_449 : f32 to vector<16xf32>
        %parallel_loop3A_451 = arith.maximumf %parallel_loop3A_448, %parallel_loop3A_450 : vector<16xf32>
        %parallel_loop3A_452 = arith.index_cast %parallel_loop3A_405 : i32 to index
        %parallel_loop3A_453 = arith.constant 32 : index
        %parallel_loop3A_454 = tpu.vector_load %arg18[%parallel_loop3A_452, %parallel_loop3A_453] {strides = array<i32>} : memref<128x80xf32, #tpu.memory_space<vmem>>, vector<1x16xf32>,
        %parallel_loop3A_455 = vector.shape_cast %parallel_loop3A_454 : vector<1x16xf32> to vector<16xf32>
        %parallel_loop3A_456 = vector.shape_cast %parallel_loop3A_451 : vector<16xf32> to vector<1x16xf32>
        tpu.vector_store %arg18[%parallel_loop3A_452, %parallel_loop3A_453], %parallel_loop3A_456 {strides = array<i32>} : memref<128x80xf32, #tpu.memory_space<vmem>>, vector<1x16xf32>,
        %parallel_loop3A_457 = arith.index_cast %parallel_loop3A_405 : i32 to index
        %parallel_loop3A_458 = arith.constant 48 : index
        %parallel_loop3A_459 = tpu.vector_load %arg14[%parallel_loop3A_457, %parallel_loop3A_458] {strides = array<i32>} : memref<128x64xf32, #tpu.memory_space<vmem>>, vector<1x16xf32>,
        %parallel_loop3A_460 = vector.shape_cast %parallel_loop3A_459 : vector<1x16xf32> to vector<16xf32>
        %parallel_loop3A_461 = arith.index_cast %parallel_loop3A_333 : i32 to index
        %parallel_loop3A_462 = arith.constant 112 : index
        %parallel_loop3A_463 = tpu.vector_load %arg12[%parallel_loop3A_461, %parallel_loop3A_462] {strides = array<i32>} : memref<64x128xf32, #tpu.memory_space<vmem>>, vector<1x16xf32>,
        %parallel_loop3A_464 = vector.shape_cast %parallel_loop3A_463 : vector<1x16xf32> to vector<16xf32>
        %parallel_loop3A_465 = arith.addf %parallel_loop3A_460, %parallel_loop3A_464 : vector<16xf32>
        %parallel_loop3A_466 = arith.constant 0.000000e+00 : f32
        %parallel_loop3A_467 = vector.broadcast %parallel_loop3A_466 : f32 to vector<16xf32>
        %parallel_loop3A_468 = arith.maximumf %parallel_loop3A_465, %parallel_loop3A_467 : vector<16xf32>
        %parallel_loop3A_469 = arith.index_cast %parallel_loop3A_405 : i32 to index
        %parallel_loop3A_470 = arith.constant 48 : index
        %parallel_loop3A_471 = tpu.vector_load %arg18[%parallel_loop3A_469, %parallel_loop3A_470] {strides = array<i32>} : memref<128x80xf32, #tpu.memory_space<vmem>>, vector<1x16xf32>,
        %parallel_loop3A_472 = vector.shape_cast %parallel_loop3A_471 : vector<1x16xf32> to vector<16xf32>
        %parallel_loop3A_473 = vector.shape_cast %parallel_loop3A_468 : vector<16xf32> to vector<1x16xf32>
        tpu.vector_store %arg18[%parallel_loop3A_469, %parallel_loop3A_470], %parallel_loop3A_473 {strides = array<i32>} : memref<128x80xf32, #tpu.memory_space<vmem>>, vector<1x16xf32>,
      } {sc.loop_unroll_factor = 4 : i64, sc.parallel_access}
      %dma_wait3A_176 = arith.constant 0 : i32
      %dma_wait3A_177 = tpu.memref_slice %arg5[%dma_wait3A_176] : memref<327680xi32, #tpu.memory_space<hbm>> -> memref<128xi32, #tpu.memory_space<hbm>>
      %dma_wait3A_178 = arith.constant 0 : i32
      %dma_wait3A_179 = tpu.memref_slice %arg5[%dma_wait3A_178] : memref<327680xi32, #tpu.memory_space<hbm>> -> memref<128xi32, #tpu.memory_space<hbm>>
      tpu.wait_dma2 semaphore(%arg34 : memref<!tpu.dma_semaphore, #tpu.memory_space<semaphore_mem>>) src(%dma_wait3A_179 : memref<128xi32, #tpu.memory_space<hbm>>) dst(%arg20 : memref<128xi32, #tpu.memory_space<vmem>>)
      %dma_start3A_180 = arith.constant 0 : i32
      %dma_start3A_181 = arith.constant 0 : i32
      %dma_start3A_182 = tpu.memref_slice %arg7[%dma_start3A_180, %dma_start3A_181] : memref<10240x80xf32, #tpu.memory_space<vmem_shared>> -> memref<10240x80xf32, #tpu.memory_space<vmem_shared>>
      tpu.enqueue_indirect_dma source(%arg18 : memref<128x80xf32, #tpu.memory_space<vmem>>) target(%dma_start3A_182 : memref<10240x80xf32, #tpu.memory_space<vmem_shared>>) offsets(%arg20 : memref<128xi32, #tpu.memory_space<vmem>>) semaphore(%arg38 : memref<!tpu.dma_semaphore, #tpu.memory_space<semaphore_mem>>) {add = true}
      %add3A_183 = arith.constant 3 : i32
      %add3A_184 = arith.addi %add3A_157, %add3A_183 : i32
      %lt3A_185 = arith.cmpi slt, %add3A_184, %select_n3A : i32
      %convert_element_type3A_186 = arith.extui %lt3A_185 : i1 to i32
      %cond3A_187 = arith.constant 0 : i32
      %cond3A_188 = arith.cmpi ne, %convert_element_type3A_186, %cond3A_187 : i32
      scf.if %cond3A_188 {
        %add3A_333 = arith.constant 3 : i32
        %add3A_334 = arith.addi %add3A_157, %add3A_333 : i32
        %mul3A_335 = arith.constant 128 : i32
        %mul3A_336 = arith.muli %add3A_334, %mul3A_335 : i32
        %add3A_337 = arith.addi %select_n3A_8, %mul3A_336 : i32
        %dma_start3A_338 = tpu.memref_slice %arg4[%add3A_337] : memref<327680xi32, #tpu.memory_space<hbm>> -> memref<128xi32, #tpu.memory_space<hbm>>
        %dma_start3A_339 = tpu.memref_slice %arg4[%add3A_337] : memref<327680xi32, #tpu.memory_space<hbm>> -> memref<128xi32, #tpu.memory_space<hbm>>
        tpu.enqueue_dma source(%dma_start3A_339 : memref<128xi32, #tpu.memory_space<hbm>>) target(%arg11 : memref<128xi32, #tpu.memory_space<vmem>>) target_semaphore(%arg27 : memref<!tpu.dma_semaphore, #tpu.memory_space<semaphore_mem>>)
      } else {
      }
      %add3A_189 = arith.constant 2 : i32
      %add3A_190 = arith.addi %add3A_157, %add3A_189 : i32
      %lt3A_191 = arith.cmpi slt, %add3A_190, %select_n3A : i32
      %convert_element_type3A_192 = arith.extui %lt3A_191 : i1 to i32
      %cond3A_193 = arith.constant 0 : i32
      %cond3A_194 = arith.cmpi ne, %convert_element_type3A_192, %cond3A_193 : i32
      scf.if %cond3A_194 {
        %add3A_333 = arith.constant 2 : i32
        %add3A_334 = arith.addi %add3A_157, %add3A_333 : i32
        %mul3A_335 = arith.constant 64 : i32
        %mul3A_336 = arith.muli %add3A_334, %mul3A_335 : i32
        %add3A_337 = arith.addi %select_n3A_62, %mul3A_336 : i32
        %dma_start3A_338 = arith.constant 0 : i32
        %dma_start3A_339 = tpu.memref_slice %arg3[%add3A_337, %dma_start3A_338] : memref<163840x128xf32, #tpu.memory_space<hbm>> -> memref<64x128xf32, #tpu.memory_space<hbm>>
        %dma_start3A_340 = arith.constant 0 : i32
        %dma_start3A_341 = tpu.memref_slice %arg3[%add3A_337, %dma_start3A_340] : memref<163840x128xf32, #tpu.memory_space<hbm>> -> memref<64x128xf32, #tpu.memory_space<hbm>>
        tpu.enqueue_dma source(%dma_start3A_341 : memref<64x128xf32, #tpu.memory_space<hbm>>) target(%arg12 : memref<64x128xf32, #tpu.memory_space<vmem>>) target_semaphore(%arg28 : memref<!tpu.dma_semaphore, #tpu.memory_space<semaphore_mem>>)
        %add3A_342 = arith.constant 2 : i32
        %add3A_343 = arith.addi %add3A_157, %add3A_342 : i32
        %mul3A_344 = arith.constant 128 : i32
        %mul3A_345 = arith.muli %add3A_343, %mul3A_344 : i32
        %add3A_346 = arith.addi %select_n3A_8, %mul3A_345 : i32
        %dma_start3A_347 = tpu.memref_slice %arg5[%add3A_346] : memref<327680xi32, #tpu.memory_space<hbm>> -> memref<128xi32, #tpu.memory_space<hbm>>
        %dma_start3A_348 = tpu.memref_slice %arg5[%add3A_346] : memref<327680xi32, #tpu.memory_space<hbm>> -> memref<128xi32, #tpu.memory_space<hbm>>
        tpu.enqueue_dma source(%dma_start3A_348 : memref<128xi32, #tpu.memory_space<hbm>>) target(%arg22 : memref<128xi32, #tpu.memory_space<vmem>>) target_semaphore(%arg36 : memref<!tpu.dma_semaphore, #tpu.memory_space<semaphore_mem>>)
      } else {
      }
      %mul3A_195 = arith.constant 4 : i32
      %mul3A_196 = arith.muli %mul3A_195, %while3A_153 : i32
      %add3A_197 = arith.constant 1 : i32
      %add3A_198 = arith.addi %mul3A_196, %add3A_197 : i32
      %dma_wait3A_199 = arith.constant 0 : i32
      %dma_wait3A_200 = arith.constant 0 : i32
      %dma_wait3A_201 = tpu.memref_slice %arg2[%dma_wait3A_199, %dma_wait3A_200] : memref<10240x64xf32, #tpu.memory_space<hbm>> -> memref<10240x64xf32, #tpu.memory_space<hbm>>
      tpu.wait_indirect_dma semaphore(%arg31 : memref<!tpu.dma_semaphore, #tpu.memory_space<semaphore_mem>>) src(%dma_wait3A_201 : memref<10240x64xf32, #tpu.memory_space<hbm>>) dst(%arg15 : memref<128x64xf32, #tpu.memory_space<vmem>>)
      %add3A_202 = arith.constant 2 : i32
      %add3A_203 = arith.addi %add3A_198, %add3A_202 : i32
      %lt3A_204 = arith.cmpi slt, %add3A_203, %select_n3A : i32
      %convert_element_type3A_205 = arith.extui %lt3A_204 : i1 to i32
      %cond3A_206 = arith.constant 0 : i32
      %cond3A_207 = arith.cmpi ne, %convert_element_type3A_205, %cond3A_206 : i32
      scf.if %cond3A_207 {
        %dma_wait3A_333 = arith.constant 0 : i32
        %dma_wait3A_334 = tpu.memref_slice %arg4[%dma_wait3A_333] : memref<327680xi32, #tpu.memory_space<hbm>> -> memref<128xi32, #tpu.memory_space<hbm>>
        %dma_wait3A_335 = arith.constant 0 : i32
        %dma_wait3A_336 = tpu.memref_slice %arg4[%dma_wait3A_335] : memref<327680xi32, #tpu.memory_space<hbm>> -> memref<128xi32, #tpu.memory_space<hbm>>
        tpu.wait_dma2 semaphore(%arg27 : memref<!tpu.dma_semaphore, #tpu.memory_space<semaphore_mem>>) src(%dma_wait3A_336 : memref<128xi32, #tpu.memory_space<hbm>>) dst(%arg11 : memref<128xi32, #tpu.memory_space<vmem>>)
        %dma_start3A_337 = arith.constant 0 : i32
        %dma_start3A_338 = arith.constant 0 : i32
        %dma_start3A_339 = tpu.memref_slice %arg2[%dma_start3A_337, %dma_start3A_338] : memref<10240x64xf32, #tpu.memory_space<hbm>> -> memref<10240x64xf32, #tpu.memory_space<hbm>>
        tpu.enqueue_indirect_dma source(%dma_start3A_339 : memref<10240x64xf32, #tpu.memory_space<hbm>>) target(%arg17 : memref<128x64xf32, #tpu.memory_space<vmem>>) offsets(%arg11 : memref<128xi32, #tpu.memory_space<vmem>>) semaphore(%arg33 : memref<!tpu.dma_semaphore, #tpu.memory_space<semaphore_mem>>)
      } else {
      }
      %ge3A_208 = arith.constant 2 : i32
      %ge3A_209 = arith.cmpi sge, %add3A_198, %ge3A_208 : i32
      %convert_element_type3A_210 = arith.extui %ge3A_209 : i1 to i32
      %cond3A_211 = arith.constant 0 : i32
      %cond3A_212 = arith.cmpi ne, %convert_element_type3A_210, %cond3A_211 : i32
      scf.if %cond3A_212 {
        %dma_wait3A_333 = arith.constant 0 : i32
        %dma_wait3A_334 = arith.constant 0 : i32
        %dma_wait3A_335 = tpu.memref_slice %arg7[%dma_wait3A_333, %dma_wait3A_334] : memref<10240x80xf32, #tpu.memory_space<vmem_shared>> -> memref<10240x80xf32, #tpu.memory_space<vmem_shared>>
        tpu.wait_indirect_dma semaphore(%arg41 : memref<!tpu.dma_semaphore, #tpu.memory_space<semaphore_mem>>) src(%arg19 : memref<128x80xf32, #tpu.memory_space<vmem>>) dst(%dma_wait3A_335 : memref<10240x80xf32, #tpu.memory_space<vmem_shared>>)
      } else {
      }
      %dma_wait3A_213 = arith.constant 0 : i32
      %dma_wait3A_214 = arith.constant 0 : i32
      %dma_wait3A_215 = tpu.memref_slice %arg3[%dma_wait3A_213, %dma_wait3A_214] : memref<163840x128xf32, #tpu.memory_space<hbm>> -> memref<64x128xf32, #tpu.memory_space<hbm>>
      %dma_wait3A_216 = arith.constant 0 : i32
      %dma_wait3A_217 = arith.constant 0 : i32
      %dma_wait3A_218 = tpu.memref_slice %arg3[%dma_wait3A_216, %dma_wait3A_217] : memref<163840x128xf32, #tpu.memory_space<hbm>> -> memref<64x128xf32, #tpu.memory_space<hbm>>
      tpu.wait_dma2 semaphore(%arg29 : memref<!tpu.dma_semaphore, #tpu.memory_space<semaphore_mem>>) src(%dma_wait3A_218 : memref<64x128xf32, #tpu.memory_space<hbm>>) dst(%arg13 : memref<64x128xf32, #tpu.memory_space<vmem>>)
      %parallel_loop3A_219 = arith.constant 0 : i32
      %parallel_loop3A_220 = arith.constant 64 : i32
      %parallel_loop3A_221 = arith.constant 1 : i32
      scf.for %parallel_loop3A_333 = %parallel_loop3A_219 to %parallel_loop3A_220 step %parallel_loop3A_221  : i32 {
        %parallel_loop3A_334 = arith.constant 0 : i32
        %parallel_loop3A_335 = arith.addi %parallel_loop3A_334, %parallel_loop3A_333 : i32
        %parallel_loop3A_336 = arith.index_cast %parallel_loop3A_335 : i32 to index
        %parallel_loop3A_337 = arith.constant 0 : index
        %parallel_loop3A_338 = tpu.vector_load %arg15[%parallel_loop3A_336, %parallel_loop3A_337] {strides = array<i32>} : memref<128x64xf32, #tpu.memory_space<vmem>>, vector<1x16xf32>,
        %parallel_loop3A_339 = vector.shape_cast %parallel_loop3A_338 : vector<1x16xf32> to vector<16xf32>
        %parallel_loop3A_340 = arith.index_cast %parallel_loop3A_333 : i32 to index
        %parallel_loop3A_341 = arith.constant 0 : index
        %parallel_loop3A_342 = tpu.vector_load %arg13[%parallel_loop3A_340, %parallel_loop3A_341] {strides = array<i32>} : memref<64x128xf32, #tpu.memory_space<vmem>>, vector<1x16xf32>,
        %parallel_loop3A_343 = vector.shape_cast %parallel_loop3A_342 : vector<1x16xf32> to vector<16xf32>
        %parallel_loop3A_344 = arith.addf %parallel_loop3A_339, %parallel_loop3A_343 : vector<16xf32>
        %parallel_loop3A_345 = arith.constant 0.000000e+00 : f32
        %parallel_loop3A_346 = vector.broadcast %parallel_loop3A_345 : f32 to vector<16xf32>
        %parallel_loop3A_347 = arith.maximumf %parallel_loop3A_344, %parallel_loop3A_346 : vector<16xf32>
        %parallel_loop3A_348 = arith.index_cast %parallel_loop3A_335 : i32 to index
        %parallel_loop3A_349 = arith.constant 0 : index
        %parallel_loop3A_350 = tpu.vector_load %arg19[%parallel_loop3A_348, %parallel_loop3A_349] {strides = array<i32>} : memref<128x80xf32, #tpu.memory_space<vmem>>, vector<1x16xf32>,
        %parallel_loop3A_351 = vector.shape_cast %parallel_loop3A_350 : vector<1x16xf32> to vector<16xf32>
        %parallel_loop3A_352 = vector.shape_cast %parallel_loop3A_347 : vector<16xf32> to vector<1x16xf32>
        tpu.vector_store %arg19[%parallel_loop3A_348, %parallel_loop3A_349], %parallel_loop3A_352 {strides = array<i32>} : memref<128x80xf32, #tpu.memory_space<vmem>>, vector<1x16xf32>,
        %parallel_loop3A_353 = arith.index_cast %parallel_loop3A_335 : i32 to index
        %parallel_loop3A_354 = arith.constant 16 : index
        %parallel_loop3A_355 = tpu.vector_load %arg15[%parallel_loop3A_353, %parallel_loop3A_354] {strides = array<i32>} : memref<128x64xf32, #tpu.memory_space<vmem>>, vector<1x16xf32>,
        %parallel_loop3A_356 = vector.shape_cast %parallel_loop3A_355 : vector<1x16xf32> to vector<16xf32>
        %parallel_loop3A_357 = arith.index_cast %parallel_loop3A_333 : i32 to index
        %parallel_loop3A_358 = arith.constant 16 : index
        %parallel_loop3A_359 = tpu.vector_load %arg13[%parallel_loop3A_357, %parallel_loop3A_358] {strides = array<i32>} : memref<64x128xf32, #tpu.memory_space<vmem>>, vector<1x16xf32>,
        %parallel_loop3A_360 = vector.shape_cast %parallel_loop3A_359 : vector<1x16xf32> to vector<16xf32>
        %parallel_loop3A_361 = arith.addf %parallel_loop3A_356, %parallel_loop3A_360 : vector<16xf32>
        %parallel_loop3A_362 = arith.constant 0.000000e+00 : f32
        %parallel_loop3A_363 = vector.broadcast %parallel_loop3A_362 : f32 to vector<16xf32>
        %parallel_loop3A_364 = arith.maximumf %parallel_loop3A_361, %parallel_loop3A_363 : vector<16xf32>
        %parallel_loop3A_365 = arith.index_cast %parallel_loop3A_335 : i32 to index
        %parallel_loop3A_366 = arith.constant 16 : index
        %parallel_loop3A_367 = tpu.vector_load %arg19[%parallel_loop3A_365, %parallel_loop3A_366] {strides = array<i32>} : memref<128x80xf32, #tpu.memory_space<vmem>>, vector<1x16xf32>,
        %parallel_loop3A_368 = vector.shape_cast %parallel_loop3A_367 : vector<1x16xf32> to vector<16xf32>
        %parallel_loop3A_369 = vector.shape_cast %parallel_loop3A_364 : vector<16xf32> to vector<1x16xf32>
        tpu.vector_store %arg19[%parallel_loop3A_365, %parallel_loop3A_366], %parallel_loop3A_369 {strides = array<i32>} : memref<128x80xf32, #tpu.memory_space<vmem>>, vector<1x16xf32>,
        %parallel_loop3A_370 = arith.index_cast %parallel_loop3A_335 : i32 to index
        %parallel_loop3A_371 = arith.constant 32 : index
        %parallel_loop3A_372 = tpu.vector_load %arg15[%parallel_loop3A_370, %parallel_loop3A_371] {strides = array<i32>} : memref<128x64xf32, #tpu.memory_space<vmem>>, vector<1x16xf32>,
        %parallel_loop3A_373 = vector.shape_cast %parallel_loop3A_372 : vector<1x16xf32> to vector<16xf32>
        %parallel_loop3A_374 = arith.index_cast %parallel_loop3A_333 : i32 to index
        %parallel_loop3A_375 = arith.constant 32 : index
        %parallel_loop3A_376 = tpu.vector_load %arg13[%parallel_loop3A_374, %parallel_loop3A_375] {strides = array<i32>} : memref<64x128xf32, #tpu.memory_space<vmem>>, vector<1x16xf32>,
        %parallel_loop3A_377 = vector.shape_cast %parallel_loop3A_376 : vector<1x16xf32> to vector<16xf32>
        %parallel_loop3A_378 = arith.addf %parallel_loop3A_373, %parallel_loop3A_377 : vector<16xf32>
        %parallel_loop3A_379 = arith.constant 0.000000e+00 : f32
        %parallel_loop3A_380 = vector.broadcast %parallel_loop3A_379 : f32 to vector<16xf32>
        %parallel_loop3A_381 = arith.maximumf %parallel_loop3A_378, %parallel_loop3A_380 : vector<16xf32>
        %parallel_loop3A_382 = arith.index_cast %parallel_loop3A_335 : i32 to index
        %parallel_loop3A_383 = arith.constant 32 : index
        %parallel_loop3A_384 = tpu.vector_load %arg19[%parallel_loop3A_382, %parallel_loop3A_383] {strides = array<i32>} : memref<128x80xf32, #tpu.memory_space<vmem>>, vector<1x16xf32>,
        %parallel_loop3A_385 = vector.shape_cast %parallel_loop3A_384 : vector<1x16xf32> to vector<16xf32>
        %parallel_loop3A_386 = vector.shape_cast %parallel_loop3A_381 : vector<16xf32> to vector<1x16xf32>
        tpu.vector_store %arg19[%parallel_loop3A_382, %parallel_loop3A_383], %parallel_loop3A_386 {strides = array<i32>} : memref<128x80xf32, #tpu.memory_space<vmem>>, vector<1x16xf32>,
        %parallel_loop3A_387 = arith.index_cast %parallel_loop3A_335 : i32 to index
        %parallel_loop3A_388 = arith.constant 48 : index
        %parallel_loop3A_389 = tpu.vector_load %arg15[%parallel_loop3A_387, %parallel_loop3A_388] {strides = array<i32>} : memref<128x64xf32, #tpu.memory_space<vmem>>, vector<1x16xf32>,
        %parallel_loop3A_390 = vector.shape_cast %parallel_loop3A_389 : vector<1x16xf32> to vector<16xf32>
        %parallel_loop3A_391 = arith.index_cast %parallel_loop3A_333 : i32 to index
        %parallel_loop3A_392 = arith.constant 48 : index
        %parallel_loop3A_393 = tpu.vector_load %arg13[%parallel_loop3A_391, %parallel_loop3A_392] {strides = array<i32>} : memref<64x128xf32, #tpu.memory_space<vmem>>, vector<1x16xf32>,
        %parallel_loop3A_394 = vector.shape_cast %parallel_loop3A_393 : vector<1x16xf32> to vector<16xf32>
        %parallel_loop3A_395 = arith.addf %parallel_loop3A_390, %parallel_loop3A_394 : vector<16xf32>
        %parallel_loop3A_396 = arith.constant 0.000000e+00 : f32
        %parallel_loop3A_397 = vector.broadcast %parallel_loop3A_396 : f32 to vector<16xf32>
        %parallel_loop3A_398 = arith.maximumf %parallel_loop3A_395, %parallel_loop3A_397 : vector<16xf32>
        %parallel_loop3A_399 = arith.index_cast %parallel_loop3A_335 : i32 to index
        %parallel_loop3A_400 = arith.constant 48 : index
        %parallel_loop3A_401 = tpu.vector_load %arg19[%parallel_loop3A_399, %parallel_loop3A_400] {strides = array<i32>} : memref<128x80xf32, #tpu.memory_space<vmem>>, vector<1x16xf32>,
        %parallel_loop3A_402 = vector.shape_cast %parallel_loop3A_401 : vector<1x16xf32> to vector<16xf32>
        %parallel_loop3A_403 = vector.shape_cast %parallel_loop3A_398 : vector<16xf32> to vector<1x16xf32>
        tpu.vector_store %arg19[%parallel_loop3A_399, %parallel_loop3A_400], %parallel_loop3A_403 {strides = array<i32>} : memref<128x80xf32, #tpu.memory_space<vmem>>, vector<1x16xf32>,
        %parallel_loop3A_404 = arith.constant 64 : i32
        %parallel_loop3A_405 = arith.addi %parallel_loop3A_404, %parallel_loop3A_333 : i32
        %parallel_loop3A_406 = arith.index_cast %parallel_loop3A_405 : i32 to index
        %parallel_loop3A_407 = arith.constant 0 : index
        %parallel_loop3A_408 = tpu.vector_load %arg15[%parallel_loop3A_406, %parallel_loop3A_407] {strides = array<i32>} : memref<128x64xf32, #tpu.memory_space<vmem>>, vector<1x16xf32>,
        %parallel_loop3A_409 = vector.shape_cast %parallel_loop3A_408 : vector<1x16xf32> to vector<16xf32>
        %parallel_loop3A_410 = arith.index_cast %parallel_loop3A_333 : i32 to index
        %parallel_loop3A_411 = arith.constant 64 : index
        %parallel_loop3A_412 = tpu.vector_load %arg13[%parallel_loop3A_410, %parallel_loop3A_411] {strides = array<i32>} : memref<64x128xf32, #tpu.memory_space<vmem>>, vector<1x16xf32>,
        %parallel_loop3A_413 = vector.shape_cast %parallel_loop3A_412 : vector<1x16xf32> to vector<16xf32>
        %parallel_loop3A_414 = arith.addf %parallel_loop3A_409, %parallel_loop3A_413 : vector<16xf32>
        %parallel_loop3A_415 = arith.constant 0.000000e+00 : f32
        %parallel_loop3A_416 = vector.broadcast %parallel_loop3A_415 : f32 to vector<16xf32>
        %parallel_loop3A_417 = arith.maximumf %parallel_loop3A_414, %parallel_loop3A_416 : vector<16xf32>
        %parallel_loop3A_418 = arith.index_cast %parallel_loop3A_405 : i32 to index
        %parallel_loop3A_419 = arith.constant 0 : index
        %parallel_loop3A_420 = tpu.vector_load %arg19[%parallel_loop3A_418, %parallel_loop3A_419] {strides = array<i32>} : memref<128x80xf32, #tpu.memory_space<vmem>>, vector<1x16xf32>,
        %parallel_loop3A_421 = vector.shape_cast %parallel_loop3A_420 : vector<1x16xf32> to vector<16xf32>
        %parallel_loop3A_422 = vector.shape_cast %parallel_loop3A_417 : vector<16xf32> to vector<1x16xf32>
        tpu.vector_store %arg19[%parallel_loop3A_418, %parallel_loop3A_419], %parallel_loop3A_422 {strides = array<i32>} : memref<128x80xf32, #tpu.memory_space<vmem>>, vector<1x16xf32>,
        %parallel_loop3A_423 = arith.index_cast %parallel_loop3A_405 : i32 to index
        %parallel_loop3A_424 = arith.constant 16 : index
        %parallel_loop3A_425 = tpu.vector_load %arg15[%parallel_loop3A_423, %parallel_loop3A_424] {strides = array<i32>} : memref<128x64xf32, #tpu.memory_space<vmem>>, vector<1x16xf32>,
        %parallel_loop3A_426 = vector.shape_cast %parallel_loop3A_425 : vector<1x16xf32> to vector<16xf32>
        %parallel_loop3A_427 = arith.index_cast %parallel_loop3A_333 : i32 to index
        %parallel_loop3A_428 = arith.constant 80 : index
        %parallel_loop3A_429 = tpu.vector_load %arg13[%parallel_loop3A_427, %parallel_loop3A_428] {strides = array<i32>} : memref<64x128xf32, #tpu.memory_space<vmem>>, vector<1x16xf32>,
        %parallel_loop3A_430 = vector.shape_cast %parallel_loop3A_429 : vector<1x16xf32> to vector<16xf32>
        %parallel_loop3A_431 = arith.addf %parallel_loop3A_426, %parallel_loop3A_430 : vector<16xf32>
        %parallel_loop3A_432 = arith.constant 0.000000e+00 : f32
        %parallel_loop3A_433 = vector.broadcast %parallel_loop3A_432 : f32 to vector<16xf32>
        %parallel_loop3A_434 = arith.maximumf %parallel_loop3A_431, %parallel_loop3A_433 : vector<16xf32>
        %parallel_loop3A_435 = arith.index_cast %parallel_loop3A_405 : i32 to index
        %parallel_loop3A_436 = arith.constant 16 : index
        %parallel_loop3A_437 = tpu.vector_load %arg19[%parallel_loop3A_435, %parallel_loop3A_436] {strides = array<i32>} : memref<128x80xf32, #tpu.memory_space<vmem>>, vector<1x16xf32>,
        %parallel_loop3A_438 = vector.shape_cast %parallel_loop3A_437 : vector<1x16xf32> to vector<16xf32>
        %parallel_loop3A_439 = vector.shape_cast %parallel_loop3A_434 : vector<16xf32> to vector<1x16xf32>
        tpu.vector_store %arg19[%parallel_loop3A_435, %parallel_loop3A_436], %parallel_loop3A_439 {strides = array<i32>} : memref<128x80xf32, #tpu.memory_space<vmem>>, vector<1x16xf32>,
        %parallel_loop3A_440 = arith.index_cast %parallel_loop3A_405 : i32 to index
        %parallel_loop3A_441 = arith.constant 32 : index
        %parallel_loop3A_442 = tpu.vector_load %arg15[%parallel_loop3A_440, %parallel_loop3A_441] {strides = array<i32>} : memref<128x64xf32, #tpu.memory_space<vmem>>, vector<1x16xf32>,
        %parallel_loop3A_443 = vector.shape_cast %parallel_loop3A_442 : vector<1x16xf32> to vector<16xf32>
        %parallel_loop3A_444 = arith.index_cast %parallel_loop3A_333 : i32 to index
        %parallel_loop3A_445 = arith.constant 96 : index
        %parallel_loop3A_446 = tpu.vector_load %arg13[%parallel_loop3A_444, %parallel_loop3A_445] {strides = array<i32>} : memref<64x128xf32, #tpu.memory_space<vmem>>, vector<1x16xf32>,
        %parallel_loop3A_447 = vector.shape_cast %parallel_loop3A_446 : vector<1x16xf32> to vector<16xf32>
        %parallel_loop3A_448 = arith.addf %parallel_loop3A_443, %parallel_loop3A_447 : vector<16xf32>
        %parallel_loop3A_449 = arith.constant 0.000000e+00 : f32
        %parallel_loop3A_450 = vector.broadcast %parallel_loop3A_449 : f32 to vector<16xf32>
        %parallel_loop3A_451 = arith.maximumf %parallel_loop3A_448, %parallel_loop3A_450 : vector<16xf32>
        %parallel_loop3A_452 = arith.index_cast %parallel_loop3A_405 : i32 to index
        %parallel_loop3A_453 = arith.constant 32 : index
        %parallel_loop3A_454 = tpu.vector_load %arg19[%parallel_loop3A_452, %parallel_loop3A_453] {strides = array<i32>} : memref<128x80xf32, #tpu.memory_space<vmem>>, vector<1x16xf32>,
        %parallel_loop3A_455 = vector.shape_cast %parallel_loop3A_454 : vector<1x16xf32> to vector<16xf32>
        %parallel_loop3A_456 = vector.shape_cast %parallel_loop3A_451 : vector<16xf32> to vector<1x16xf32>
        tpu.vector_store %arg19[%parallel_loop3A_452, %parallel_loop3A_453], %parallel_loop3A_456 {strides = array<i32>} : memref<128x80xf32, #tpu.memory_space<vmem>>, vector<1x16xf32>,
        %parallel_loop3A_457 = arith.index_cast %parallel_loop3A_405 : i32 to index
        %parallel_loop3A_458 = arith.constant 48 : index
        %parallel_loop3A_459 = tpu.vector_load %arg15[%parallel_loop3A_457, %parallel_loop3A_458] {strides = array<i32>} : memref<128x64xf32, #tpu.memory_space<vmem>>, vector<1x16xf32>,
        %parallel_loop3A_460 = vector.shape_cast %parallel_loop3A_459 : vector<1x16xf32> to vector<16xf32>
        %parallel_loop3A_461 = arith.index_cast %parallel_loop3A_333 : i32 to index
        %parallel_loop3A_462 = arith.constant 112 : index
        %parallel_loop3A_463 = tpu.vector_load %arg13[%parallel_loop3A_461, %parallel_loop3A_462] {strides = array<i32>} : memref<64x128xf32, #tpu.memory_space<vmem>>, vector<1x16xf32>,
        %parallel_loop3A_464 = vector.shape_cast %parallel_loop3A_463 : vector<1x16xf32> to vector<16xf32>
        %parallel_loop3A_465 = arith.addf %parallel_loop3A_460, %parallel_loop3A_464 : vector<16xf32>
        %parallel_loop3A_466 = arith.constant 0.000000e+00 : f32
        %parallel_loop3A_467 = vector.broadcast %parallel_loop3A_466 : f32 to vector<16xf32>
        %parallel_loop3A_468 = arith.maximumf %parallel_loop3A_465, %parallel_loop3A_467 : vector<16xf32>
        %parallel_loop3A_469 = arith.index_cast %parallel_loop3A_405 : i32 to index
        %parallel_loop3A_470 = arith.constant 48 : index
        %parallel_loop3A_471 = tpu.vector_load %arg19[%parallel_loop3A_469, %parallel_loop3A_470] {strides = array<i32>} : memref<128x80xf32, #tpu.memory_space<vmem>>, vector<1x16xf32>,
        %parallel_loop3A_472 = vector.shape_cast %parallel_loop3A_471 : vector<1x16xf32> to vector<16xf32>
        %parallel_loop3A_473 = vector.shape_cast %parallel_loop3A_468 : vector<16xf32> to vector<1x16xf32>
        tpu.vector_store %arg19[%parallel_loop3A_469, %parallel_loop3A_470], %parallel_loop3A_473 {strides = array<i32>} : memref<128x80xf32, #tpu.memory_space<vmem>>, vector<1x16xf32>,
      } {sc.loop_unroll_factor = 4 : i64, sc.parallel_access}
      %dma_wait3A_222 = arith.constant 0 : i32
      %dma_wait3A_223 = tpu.memref_slice %arg5[%dma_wait3A_222] : memref<327680xi32, #tpu.memory_space<hbm>> -> memref<128xi32, #tpu.memory_space<hbm>>
      %dma_wait3A_224 = arith.constant 0 : i32
      %dma_wait3A_225 = tpu.memref_slice %arg5[%dma_wait3A_224] : memref<327680xi32, #tpu.memory_space<hbm>> -> memref<128xi32, #tpu.memory_space<hbm>>
      tpu.wait_dma2 semaphore(%arg35 : memref<!tpu.dma_semaphore, #tpu.memory_space<semaphore_mem>>) src(%dma_wait3A_225 : memref<128xi32, #tpu.memory_space<hbm>>) dst(%arg21 : memref<128xi32, #tpu.memory_space<vmem>>)
      %dma_start3A_226 = arith.constant 0 : i32
      %dma_start3A_227 = arith.constant 0 : i32
      %dma_start3A_228 = tpu.memref_slice %arg7[%dma_start3A_226, %dma_start3A_227] : memref<10240x80xf32, #tpu.memory_space<vmem_shared>> -> memref<10240x80xf32, #tpu.memory_space<vmem_shared>>
      tpu.enqueue_indirect_dma source(%arg19 : memref<128x80xf32, #tpu.memory_space<vmem>>) target(%dma_start3A_228 : memref<10240x80xf32, #tpu.memory_space<vmem_shared>>) offsets(%arg21 : memref<128xi32, #tpu.memory_space<vmem>>) semaphore(%arg39 : memref<!tpu.dma_semaphore, #tpu.memory_space<semaphore_mem>>) {add = true}
      %add3A_229 = arith.constant 3 : i32
      %add3A_230 = arith.addi %add3A_198, %add3A_229 : i32
      %lt3A_231 = arith.cmpi slt, %add3A_230, %select_n3A : i32
      %convert_element_type3A_232 = arith.extui %lt3A_231 : i1 to i32
      %cond3A_233 = arith.constant 0 : i32
      %cond3A_234 = arith.cmpi ne, %convert_element_type3A_232, %cond3A_233 : i32
      scf.if %cond3A_234 {
        %add3A_333 = arith.constant 3 : i32
        %add3A_334 = arith.addi %add3A_198, %add3A_333 : i32
        %mul3A_335 = arith.constant 128 : i32
        %mul3A_336 = arith.muli %add3A_334, %mul3A_335 : i32
        %add3A_337 = arith.addi %select_n3A_8, %mul3A_336 : i32
        %dma_start3A_338 = tpu.memref_slice %arg4[%add3A_337] : memref<327680xi32, #tpu.memory_space<hbm>> -> memref<128xi32, #tpu.memory_space<hbm>>
        %dma_start3A_339 = tpu.memref_slice %arg4[%add3A_337] : memref<327680xi32, #tpu.memory_space<hbm>> -> memref<128xi32, #tpu.memory_space<hbm>>
        tpu.enqueue_dma source(%dma_start3A_339 : memref<128xi32, #tpu.memory_space<hbm>>) target(%arg8 : memref<128xi32, #tpu.memory_space<vmem>>) target_semaphore(%arg24 : memref<!tpu.dma_semaphore, #tpu.memory_space<semaphore_mem>>)
      } else {
      }
      %add3A_235 = arith.constant 2 : i32
      %add3A_236 = arith.addi %add3A_198, %add3A_235 : i32
      %lt3A_237 = arith.cmpi slt, %add3A_236, %select_n3A : i32
      %convert_element_type3A_238 = arith.extui %lt3A_237 : i1 to i32
      %cond3A_239 = arith.constant 0 : i32
      %cond3A_240 = arith.cmpi ne, %convert_element_type3A_238, %cond3A_239 : i32
      scf.if %cond3A_240 {
        %add3A_333 = arith.constant 2 : i32
        %add3A_334 = arith.addi %add3A_198, %add3A_333 : i32
        %mul3A_335 = arith.constant 64 : i32
        %mul3A_336 = arith.muli %add3A_334, %mul3A_335 : i32
        %add3A_337 = arith.addi %select_n3A_62, %mul3A_336 : i32
        %dma_start3A_338 = arith.constant 0 : i32
        %dma_start3A_339 = tpu.memref_slice %arg3[%add3A_337, %dma_start3A_338] : memref<163840x128xf32, #tpu.memory_space<hbm>> -> memref<64x128xf32, #tpu.memory_space<hbm>>
        %dma_start3A_340 = arith.constant 0 : i32
        %dma_start3A_341 = tpu.memref_slice %arg3[%add3A_337, %dma_start3A_340] : memref<163840x128xf32, #tpu.memory_space<hbm>> -> memref<64x128xf32, #tpu.memory_space<hbm>>
        tpu.enqueue_dma source(%dma_start3A_341 : memref<64x128xf32, #tpu.memory_space<hbm>>) target(%arg13 : memref<64x128xf32, #tpu.memory_space<vmem>>) target_semaphore(%arg29 : memref<!tpu.dma_semaphore, #tpu.memory_space<semaphore_mem>>)
        %add3A_342 = arith.constant 2 : i32
        %add3A_343 = arith.addi %add3A_198, %add3A_342 : i32
        %mul3A_344 = arith.constant 128 : i32
        %mul3A_345 = arith.muli %add3A_343, %mul3A_344 : i32
        %add3A_346 = arith.addi %select_n3A_8, %mul3A_345 : i32
        %dma_start3A_347 = tpu.memref_slice %arg5[%add3A_346] : memref<327680xi32, #tpu.memory_space<hbm>> -> memref<128xi32, #tpu.memory_space<hbm>>
        %dma_start3A_348 = tpu.memref_slice %arg5[%add3A_346] : memref<327680xi32, #tpu.memory_space<hbm>> -> memref<128xi32, #tpu.memory_space<hbm>>
        tpu.enqueue_dma source(%dma_start3A_348 : memref<128xi32, #tpu.memory_space<hbm>>) target(%arg23 : memref<128xi32, #tpu.memory_space<vmem>>) target_semaphore(%arg37 : memref<!tpu.dma_semaphore, #tpu.memory_space<semaphore_mem>>)
      } else {
      }
      %mul3A_241 = arith.constant 4 : i32
      %mul3A_242 = arith.muli %mul3A_241, %while3A_153 : i32
      %add3A_243 = arith.constant 2 : i32
      %add3A_244 = arith.addi %mul3A_242, %add3A_243 : i32
      %dma_wait3A_245 = arith.constant 0 : i32
      %dma_wait3A_246 = arith.constant 0 : i32
      %dma_wait3A_247 = tpu.memref_slice %arg2[%dma_wait3A_245, %dma_wait3A_246] : memref<10240x64xf32, #tpu.memory_space<hbm>> -> memref<10240x64xf32, #tpu.memory_space<hbm>>
      tpu.wait_indirect_dma semaphore(%arg32 : memref<!tpu.dma_semaphore, #tpu.memory_space<semaphore_mem>>) src(%dma_wait3A_247 : memref<10240x64xf32, #tpu.memory_space<hbm>>) dst(%arg16 : memref<128x64xf32, #tpu.memory_space<vmem>>)
      %add3A_248 = arith.constant 2 : i32
      %add3A_249 = arith.addi %add3A_244, %add3A_248 : i32
      %lt3A_250 = arith.cmpi slt, %add3A_249, %select_n3A : i32
      %convert_element_type3A_251 = arith.extui %lt3A_250 : i1 to i32
      %cond3A_252 = arith.constant 0 : i32
      %cond3A_253 = arith.cmpi ne, %convert_element_type3A_251, %cond3A_252 : i32
      scf.if %cond3A_253 {
        %dma_wait3A_333 = arith.constant 0 : i32
        %dma_wait3A_334 = tpu.memref_slice %arg4[%dma_wait3A_333] : memref<327680xi32, #tpu.memory_space<hbm>> -> memref<128xi32, #tpu.memory_space<hbm>>
        %dma_wait3A_335 = arith.constant 0 : i32
        %dma_wait3A_336 = tpu.memref_slice %arg4[%dma_wait3A_335] : memref<327680xi32, #tpu.memory_space<hbm>> -> memref<128xi32, #tpu.memory_space<hbm>>
        tpu.wait_dma2 semaphore(%arg24 : memref<!tpu.dma_semaphore, #tpu.memory_space<semaphore_mem>>) src(%dma_wait3A_336 : memref<128xi32, #tpu.memory_space<hbm>>) dst(%arg8 : memref<128xi32, #tpu.memory_space<vmem>>)
        %dma_start3A_337 = arith.constant 0 : i32
        %dma_start3A_338 = arith.constant 0 : i32
        %dma_start3A_339 = tpu.memref_slice %arg2[%dma_start3A_337, %dma_start3A_338] : memref<10240x64xf32, #tpu.memory_space<hbm>> -> memref<10240x64xf32, #tpu.memory_space<hbm>>
        tpu.enqueue_indirect_dma source(%dma_start3A_339 : memref<10240x64xf32, #tpu.memory_space<hbm>>) target(%arg14 : memref<128x64xf32, #tpu.memory_space<vmem>>) offsets(%arg8 : memref<128xi32, #tpu.memory_space<vmem>>) semaphore(%arg30 : memref<!tpu.dma_semaphore, #tpu.memory_space<semaphore_mem>>)
      } else {
      }
      %ge3A_254 = arith.constant 2 : i32
      %ge3A_255 = arith.cmpi sge, %add3A_244, %ge3A_254 : i32
      %convert_element_type3A_256 = arith.extui %ge3A_255 : i1 to i32
      %cond3A_257 = arith.constant 0 : i32
      %cond3A_258 = arith.cmpi ne, %convert_element_type3A_256, %cond3A_257 : i32
      scf.if %cond3A_258 {
        %dma_wait3A_333 = arith.constant 0 : i32
        %dma_wait3A_334 = arith.constant 0 : i32
        %dma_wait3A_335 = tpu.memref_slice %arg7[%dma_wait3A_333, %dma_wait3A_334] : memref<10240x80xf32, #tpu.memory_space<vmem_shared>> -> memref<10240x80xf32, #tpu.memory_space<vmem_shared>>
        tpu.wait_indirect_dma semaphore(%arg38 : memref<!tpu.dma_semaphore, #tpu.memory_space<semaphore_mem>>) src(%arg18 : memref<128x80xf32, #tpu.memory_space<vmem>>) dst(%dma_wait3A_335 : memref<10240x80xf32, #tpu.memory_space<vmem_shared>>)
      } else {
      }
      %dma_wait3A_259 = arith.constant 0 : i32
      %dma_wait3A_260 = arith.constant 0 : i32
      %dma_wait3A_261 = tpu.memref_slice %arg3[%dma_wait3A_259, %dma_wait3A_260] : memref<163840x128xf32, #tpu.memory_space<hbm>> -> memref<64x128xf32, #tpu.memory_space<hbm>>
      %dma_wait3A_262 = arith.constant 0 : i32
      %dma_wait3A_263 = arith.constant 0 : i32
      %dma_wait3A_264 = tpu.memref_slice %arg3[%dma_wait3A_262, %dma_wait3A_263] : memref<163840x128xf32, #tpu.memory_space<hbm>> -> memref<64x128xf32, #tpu.memory_space<hbm>>
      tpu.wait_dma2 semaphore(%arg28 : memref<!tpu.dma_semaphore, #tpu.memory_space<semaphore_mem>>) src(%dma_wait3A_264 : memref<64x128xf32, #tpu.memory_space<hbm>>) dst(%arg12 : memref<64x128xf32, #tpu.memory_space<vmem>>)
      %parallel_loop3A_265 = arith.constant 0 : i32
      %parallel_loop3A_266 = arith.constant 64 : i32
      %parallel_loop3A_267 = arith.constant 1 : i32
      scf.for %parallel_loop3A_333 = %parallel_loop3A_265 to %parallel_loop3A_266 step %parallel_loop3A_267  : i32 {
        %parallel_loop3A_334 = arith.constant 0 : i32
        %parallel_loop3A_335 = arith.addi %parallel_loop3A_334, %parallel_loop3A_333 : i32
        %parallel_loop3A_336 = arith.index_cast %parallel_loop3A_335 : i32 to index
        %parallel_loop3A_337 = arith.constant 0 : index
        %parallel_loop3A_338 = tpu.vector_load %arg16[%parallel_loop3A_336, %parallel_loop3A_337] {strides = array<i32>} : memref<128x64xf32, #tpu.memory_space<vmem>>, vector<1x16xf32>,
        %parallel_loop3A_339 = vector.shape_cast %parallel_loop3A_338 : vector<1x16xf32> to vector<16xf32>
        %parallel_loop3A_340 = arith.index_cast %parallel_loop3A_333 : i32 to index
        %parallel_loop3A_341 = arith.constant 0 : index
        %parallel_loop3A_342 = tpu.vector_load %arg12[%parallel_loop3A_340, %parallel_loop3A_341] {strides = array<i32>} : memref<64x128xf32, #tpu.memory_space<vmem>>, vector<1x16xf32>,
        %parallel_loop3A_343 = vector.shape_cast %parallel_loop3A_342 : vector<1x16xf32> to vector<16xf32>
        %parallel_loop3A_344 = arith.addf %parallel_loop3A_339, %parallel_loop3A_343 : vector<16xf32>
        %parallel_loop3A_345 = arith.constant 0.000000e+00 : f32
        %parallel_loop3A_346 = vector.broadcast %parallel_loop3A_345 : f32 to vector<16xf32>
        %parallel_loop3A_347 = arith.maximumf %parallel_loop3A_344, %parallel_loop3A_346 : vector<16xf32>
        %parallel_loop3A_348 = arith.index_cast %parallel_loop3A_335 : i32 to index
        %parallel_loop3A_349 = arith.constant 0 : index
        %parallel_loop3A_350 = tpu.vector_load %arg18[%parallel_loop3A_348, %parallel_loop3A_349] {strides = array<i32>} : memref<128x80xf32, #tpu.memory_space<vmem>>, vector<1x16xf32>,
        %parallel_loop3A_351 = vector.shape_cast %parallel_loop3A_350 : vector<1x16xf32> to vector<16xf32>
        %parallel_loop3A_352 = vector.shape_cast %parallel_loop3A_347 : vector<16xf32> to vector<1x16xf32>
        tpu.vector_store %arg18[%parallel_loop3A_348, %parallel_loop3A_349], %parallel_loop3A_352 {strides = array<i32>} : memref<128x80xf32, #tpu.memory_space<vmem>>, vector<1x16xf32>,
        %parallel_loop3A_353 = arith.index_cast %parallel_loop3A_335 : i32 to index
        %parallel_loop3A_354 = arith.constant 16 : index
        %parallel_loop3A_355 = tpu.vector_load %arg16[%parallel_loop3A_353, %parallel_loop3A_354] {strides = array<i32>} : memref<128x64xf32, #tpu.memory_space<vmem>>, vector<1x16xf32>,
        %parallel_loop3A_356 = vector.shape_cast %parallel_loop3A_355 : vector<1x16xf32> to vector<16xf32>
        %parallel_loop3A_357 = arith.index_cast %parallel_loop3A_333 : i32 to index
        %parallel_loop3A_358 = arith.constant 16 : index
        %parallel_loop3A_359 = tpu.vector_load %arg12[%parallel_loop3A_357, %parallel_loop3A_358] {strides = array<i32>} : memref<64x128xf32, #tpu.memory_space<vmem>>, vector<1x16xf32>,
        %parallel_loop3A_360 = vector.shape_cast %parallel_loop3A_359 : vector<1x16xf32> to vector<16xf32>
        %parallel_loop3A_361 = arith.addf %parallel_loop3A_356, %parallel_loop3A_360 : vector<16xf32>
        %parallel_loop3A_362 = arith.constant 0.000000e+00 : f32
        %parallel_loop3A_363 = vector.broadcast %parallel_loop3A_362 : f32 to vector<16xf32>
        %parallel_loop3A_364 = arith.maximumf %parallel_loop3A_361, %parallel_loop3A_363 : vector<16xf32>
        %parallel_loop3A_365 = arith.index_cast %parallel_loop3A_335 : i32 to index
        %parallel_loop3A_366 = arith.constant 16 : index
        %parallel_loop3A_367 = tpu.vector_load %arg18[%parallel_loop3A_365, %parallel_loop3A_366] {strides = array<i32>} : memref<128x80xf32, #tpu.memory_space<vmem>>, vector<1x16xf32>,
        %parallel_loop3A_368 = vector.shape_cast %parallel_loop3A_367 : vector<1x16xf32> to vector<16xf32>
        %parallel_loop3A_369 = vector.shape_cast %parallel_loop3A_364 : vector<16xf32> to vector<1x16xf32>
        tpu.vector_store %arg18[%parallel_loop3A_365, %parallel_loop3A_366], %parallel_loop3A_369 {strides = array<i32>} : memref<128x80xf32, #tpu.memory_space<vmem>>, vector<1x16xf32>,
        %parallel_loop3A_370 = arith.index_cast %parallel_loop3A_335 : i32 to index
        %parallel_loop3A_371 = arith.constant 32 : index
        %parallel_loop3A_372 = tpu.vector_load %arg16[%parallel_loop3A_370, %parallel_loop3A_371] {strides = array<i32>} : memref<128x64xf32, #tpu.memory_space<vmem>>, vector<1x16xf32>,
        %parallel_loop3A_373 = vector.shape_cast %parallel_loop3A_372 : vector<1x16xf32> to vector<16xf32>
        %parallel_loop3A_374 = arith.index_cast %parallel_loop3A_333 : i32 to index
        %parallel_loop3A_375 = arith.constant 32 : index
        %parallel_loop3A_376 = tpu.vector_load %arg12[%parallel_loop3A_374, %parallel_loop3A_375] {strides = array<i32>} : memref<64x128xf32, #tpu.memory_space<vmem>>, vector<1x16xf32>,
        %parallel_loop3A_377 = vector.shape_cast %parallel_loop3A_376 : vector<1x16xf32> to vector<16xf32>
        %parallel_loop3A_378 = arith.addf %parallel_loop3A_373, %parallel_loop3A_377 : vector<16xf32>
        %parallel_loop3A_379 = arith.constant 0.000000e+00 : f32
        %parallel_loop3A_380 = vector.broadcast %parallel_loop3A_379 : f32 to vector<16xf32>
        %parallel_loop3A_381 = arith.maximumf %parallel_loop3A_378, %parallel_loop3A_380 : vector<16xf32>
        %parallel_loop3A_382 = arith.index_cast %parallel_loop3A_335 : i32 to index
        %parallel_loop3A_383 = arith.constant 32 : index
        %parallel_loop3A_384 = tpu.vector_load %arg18[%parallel_loop3A_382, %parallel_loop3A_383] {strides = array<i32>} : memref<128x80xf32, #tpu.memory_space<vmem>>, vector<1x16xf32>,
        %parallel_loop3A_385 = vector.shape_cast %parallel_loop3A_384 : vector<1x16xf32> to vector<16xf32>
        %parallel_loop3A_386 = vector.shape_cast %parallel_loop3A_381 : vector<16xf32> to vector<1x16xf32>
        tpu.vector_store %arg18[%parallel_loop3A_382, %parallel_loop3A_383], %parallel_loop3A_386 {strides = array<i32>} : memref<128x80xf32, #tpu.memory_space<vmem>>, vector<1x16xf32>,
        %parallel_loop3A_387 = arith.index_cast %parallel_loop3A_335 : i32 to index
        %parallel_loop3A_388 = arith.constant 48 : index
        %parallel_loop3A_389 = tpu.vector_load %arg16[%parallel_loop3A_387, %parallel_loop3A_388] {strides = array<i32>} : memref<128x64xf32, #tpu.memory_space<vmem>>, vector<1x16xf32>,
        %parallel_loop3A_390 = vector.shape_cast %parallel_loop3A_389 : vector<1x16xf32> to vector<16xf32>
        %parallel_loop3A_391 = arith.index_cast %parallel_loop3A_333 : i32 to index
        %parallel_loop3A_392 = arith.constant 48 : index
        %parallel_loop3A_393 = tpu.vector_load %arg12[%parallel_loop3A_391, %parallel_loop3A_392] {strides = array<i32>} : memref<64x128xf32, #tpu.memory_space<vmem>>, vector<1x16xf32>,
        %parallel_loop3A_394 = vector.shape_cast %parallel_loop3A_393 : vector<1x16xf32> to vector<16xf32>
        %parallel_loop3A_395 = arith.addf %parallel_loop3A_390, %parallel_loop3A_394 : vector<16xf32>
        %parallel_loop3A_396 = arith.constant 0.000000e+00 : f32
        %parallel_loop3A_397 = vector.broadcast %parallel_loop3A_396 : f32 to vector<16xf32>
        %parallel_loop3A_398 = arith.maximumf %parallel_loop3A_395, %parallel_loop3A_397 : vector<16xf32>
        %parallel_loop3A_399 = arith.index_cast %parallel_loop3A_335 : i32 to index
        %parallel_loop3A_400 = arith.constant 48 : index
        %parallel_loop3A_401 = tpu.vector_load %arg18[%parallel_loop3A_399, %parallel_loop3A_400] {strides = array<i32>} : memref<128x80xf32, #tpu.memory_space<vmem>>, vector<1x16xf32>,
        %parallel_loop3A_402 = vector.shape_cast %parallel_loop3A_401 : vector<1x16xf32> to vector<16xf32>
        %parallel_loop3A_403 = vector.shape_cast %parallel_loop3A_398 : vector<16xf32> to vector<1x16xf32>
        tpu.vector_store %arg18[%parallel_loop3A_399, %parallel_loop3A_400], %parallel_loop3A_403 {strides = array<i32>} : memref<128x80xf32, #tpu.memory_space<vmem>>, vector<1x16xf32>,
        %parallel_loop3A_404 = arith.constant 64 : i32
        %parallel_loop3A_405 = arith.addi %parallel_loop3A_404, %parallel_loop3A_333 : i32
        %parallel_loop3A_406 = arith.index_cast %parallel_loop3A_405 : i32 to index
        %parallel_loop3A_407 = arith.constant 0 : index
        %parallel_loop3A_408 = tpu.vector_load %arg16[%parallel_loop3A_406, %parallel_loop3A_407] {strides = array<i32>} : memref<128x64xf32, #tpu.memory_space<vmem>>, vector<1x16xf32>,
        %parallel_loop3A_409 = vector.shape_cast %parallel_loop3A_408 : vector<1x16xf32> to vector<16xf32>
        %parallel_loop3A_410 = arith.index_cast %parallel_loop3A_333 : i32 to index
        %parallel_loop3A_411 = arith.constant 64 : index
        %parallel_loop3A_412 = tpu.vector_load %arg12[%parallel_loop3A_410, %parallel_loop3A_411] {strides = array<i32>} : memref<64x128xf32, #tpu.memory_space<vmem>>, vector<1x16xf32>,
        %parallel_loop3A_413 = vector.shape_cast %parallel_loop3A_412 : vector<1x16xf32> to vector<16xf32>
        %parallel_loop3A_414 = arith.addf %parallel_loop3A_409, %parallel_loop3A_413 : vector<16xf32>
        %parallel_loop3A_415 = arith.constant 0.000000e+00 : f32
        %parallel_loop3A_416 = vector.broadcast %parallel_loop3A_415 : f32 to vector<16xf32>
        %parallel_loop3A_417 = arith.maximumf %parallel_loop3A_414, %parallel_loop3A_416 : vector<16xf32>
        %parallel_loop3A_418 = arith.index_cast %parallel_loop3A_405 : i32 to index
        %parallel_loop3A_419 = arith.constant 0 : index
        %parallel_loop3A_420 = tpu.vector_load %arg18[%parallel_loop3A_418, %parallel_loop3A_419] {strides = array<i32>} : memref<128x80xf32, #tpu.memory_space<vmem>>, vector<1x16xf32>,
        %parallel_loop3A_421 = vector.shape_cast %parallel_loop3A_420 : vector<1x16xf32> to vector<16xf32>
        %parallel_loop3A_422 = vector.shape_cast %parallel_loop3A_417 : vector<16xf32> to vector<1x16xf32>
        tpu.vector_store %arg18[%parallel_loop3A_418, %parallel_loop3A_419], %parallel_loop3A_422 {strides = array<i32>} : memref<128x80xf32, #tpu.memory_space<vmem>>, vector<1x16xf32>,
        %parallel_loop3A_423 = arith.index_cast %parallel_loop3A_405 : i32 to index
        %parallel_loop3A_424 = arith.constant 16 : index
        %parallel_loop3A_425 = tpu.vector_load %arg16[%parallel_loop3A_423, %parallel_loop3A_424] {strides = array<i32>} : memref<128x64xf32, #tpu.memory_space<vmem>>, vector<1x16xf32>,
        %parallel_loop3A_426 = vector.shape_cast %parallel_loop3A_425 : vector<1x16xf32> to vector<16xf32>
        %parallel_loop3A_427 = arith.index_cast %parallel_loop3A_333 : i32 to index
        %parallel_loop3A_428 = arith.constant 80 : index
        %parallel_loop3A_429 = tpu.vector_load %arg12[%parallel_loop3A_427, %parallel_loop3A_428] {strides = array<i32>} : memref<64x128xf32, #tpu.memory_space<vmem>>, vector<1x16xf32>,
        %parallel_loop3A_430 = vector.shape_cast %parallel_loop3A_429 : vector<1x16xf32> to vector<16xf32>
        %parallel_loop3A_431 = arith.addf %parallel_loop3A_426, %parallel_loop3A_430 : vector<16xf32>
        %parallel_loop3A_432 = arith.constant 0.000000e+00 : f32
        %parallel_loop3A_433 = vector.broadcast %parallel_loop3A_432 : f32 to vector<16xf32>
        %parallel_loop3A_434 = arith.maximumf %parallel_loop3A_431, %parallel_loop3A_433 : vector<16xf32>
        %parallel_loop3A_435 = arith.index_cast %parallel_loop3A_405 : i32 to index
        %parallel_loop3A_436 = arith.constant 16 : index
        %parallel_loop3A_437 = tpu.vector_load %arg18[%parallel_loop3A_435, %parallel_loop3A_436] {strides = array<i32>} : memref<128x80xf32, #tpu.memory_space<vmem>>, vector<1x16xf32>,
        %parallel_loop3A_438 = vector.shape_cast %parallel_loop3A_437 : vector<1x16xf32> to vector<16xf32>
        %parallel_loop3A_439 = vector.shape_cast %parallel_loop3A_434 : vector<16xf32> to vector<1x16xf32>
        tpu.vector_store %arg18[%parallel_loop3A_435, %parallel_loop3A_436], %parallel_loop3A_439 {strides = array<i32>} : memref<128x80xf32, #tpu.memory_space<vmem>>, vector<1x16xf32>,
        %parallel_loop3A_440 = arith.index_cast %parallel_loop3A_405 : i32 to index
        %parallel_loop3A_441 = arith.constant 32 : index
        %parallel_loop3A_442 = tpu.vector_load %arg16[%parallel_loop3A_440, %parallel_loop3A_441] {strides = array<i32>} : memref<128x64xf32, #tpu.memory_space<vmem>>, vector<1x16xf32>,
        %parallel_loop3A_443 = vector.shape_cast %parallel_loop3A_442 : vector<1x16xf32> to vector<16xf32>
        %parallel_loop3A_444 = arith.index_cast %parallel_loop3A_333 : i32 to index
        %parallel_loop3A_445 = arith.constant 96 : index
        %parallel_loop3A_446 = tpu.vector_load %arg12[%parallel_loop3A_444, %parallel_loop3A_445] {strides = array<i32>} : memref<64x128xf32, #tpu.memory_space<vmem>>, vector<1x16xf32>,
        %parallel_loop3A_447 = vector.shape_cast %parallel_loop3A_446 : vector<1x16xf32> to vector<16xf32>
        %parallel_loop3A_448 = arith.addf %parallel_loop3A_443, %parallel_loop3A_447 : vector<16xf32>
        %parallel_loop3A_449 = arith.constant 0.000000e+00 : f32
        %parallel_loop3A_450 = vector.broadcast %parallel_loop3A_449 : f32 to vector<16xf32>
        %parallel_loop3A_451 = arith.maximumf %parallel_loop3A_448, %parallel_loop3A_450 : vector<16xf32>
        %parallel_loop3A_452 = arith.index_cast %parallel_loop3A_405 : i32 to index
        %parallel_loop3A_453 = arith.constant 32 : index
        %parallel_loop3A_454 = tpu.vector_load %arg18[%parallel_loop3A_452, %parallel_loop3A_453] {strides = array<i32>} : memref<128x80xf32, #tpu.memory_space<vmem>>, vector<1x16xf32>,
        %parallel_loop3A_455 = vector.shape_cast %parallel_loop3A_454 : vector<1x16xf32> to vector<16xf32>
        %parallel_loop3A_456 = vector.shape_cast %parallel_loop3A_451 : vector<16xf32> to vector<1x16xf32>
        tpu.vector_store %arg18[%parallel_loop3A_452, %parallel_loop3A_453], %parallel_loop3A_456 {strides = array<i32>} : memref<128x80xf32, #tpu.memory_space<vmem>>, vector<1x16xf32>,
        %parallel_loop3A_457 = arith.index_cast %parallel_loop3A_405 : i32 to index
        %parallel_loop3A_458 = arith.constant 48 : index
        %parallel_loop3A_459 = tpu.vector_load %arg16[%parallel_loop3A_457, %parallel_loop3A_458] {strides = array<i32>} : memref<128x64xf32, #tpu.memory_space<vmem>>, vector<1x16xf32>,
        %parallel_loop3A_460 = vector.shape_cast %parallel_loop3A_459 : vector<1x16xf32> to vector<16xf32>
        %parallel_loop3A_461 = arith.index_cast %parallel_loop3A_333 : i32 to index
        %parallel_loop3A_462 = arith.constant 112 : index
        %parallel_loop3A_463 = tpu.vector_load %arg12[%parallel_loop3A_461, %parallel_loop3A_462] {strides = array<i32>} : memref<64x128xf32, #tpu.memory_space<vmem>>, vector<1x16xf32>,
        %parallel_loop3A_464 = vector.shape_cast %parallel_loop3A_463 : vector<1x16xf32> to vector<16xf32>
        %parallel_loop3A_465 = arith.addf %parallel_loop3A_460, %parallel_loop3A_464 : vector<16xf32>
        %parallel_loop3A_466 = arith.constant 0.000000e+00 : f32
        %parallel_loop3A_467 = vector.broadcast %parallel_loop3A_466 : f32 to vector<16xf32>
        %parallel_loop3A_468 = arith.maximumf %parallel_loop3A_465, %parallel_loop3A_467 : vector<16xf32>
        %parallel_loop3A_469 = arith.index_cast %parallel_loop3A_405 : i32 to index
        %parallel_loop3A_470 = arith.constant 48 : index
        %parallel_loop3A_471 = tpu.vector_load %arg18[%parallel_loop3A_469, %parallel_loop3A_470] {strides = array<i32>} : memref<128x80xf32, #tpu.memory_space<vmem>>, vector<1x16xf32>,
        %parallel_loop3A_472 = vector.shape_cast %parallel_loop3A_471 : vector<1x16xf32> to vector<16xf32>
        %parallel_loop3A_473 = vector.shape_cast %parallel_loop3A_468 : vector<16xf32> to vector<1x16xf32>
        tpu.vector_store %arg18[%parallel_loop3A_469, %parallel_loop3A_470], %parallel_loop3A_473 {strides = array<i32>} : memref<128x80xf32, #tpu.memory_space<vmem>>, vector<1x16xf32>,
      } {sc.loop_unroll_factor = 4 : i64, sc.parallel_access}
      %dma_wait3A_268 = arith.constant 0 : i32
      %dma_wait3A_269 = tpu.memref_slice %arg5[%dma_wait3A_268] : memref<327680xi32, #tpu.memory_space<hbm>> -> memref<128xi32, #tpu.memory_space<hbm>>
      %dma_wait3A_270 = arith.constant 0 : i32
      %dma_wait3A_271 = tpu.memref_slice %arg5[%dma_wait3A_270] : memref<327680xi32, #tpu.memory_space<hbm>> -> memref<128xi32, #tpu.memory_space<hbm>>
      tpu.wait_dma2 semaphore(%arg36 : memref<!tpu.dma_semaphore, #tpu.memory_space<semaphore_mem>>) src(%dma_wait3A_271 : memref<128xi32, #tpu.memory_space<hbm>>) dst(%arg22 : memref<128xi32, #tpu.memory_space<vmem>>)
      %dma_start3A_272 = arith.constant 0 : i32
      %dma_start3A_273 = arith.constant 0 : i32
      %dma_start3A_274 = tpu.memref_slice %arg7[%dma_start3A_272, %dma_start3A_273] : memref<10240x80xf32, #tpu.memory_space<vmem_shared>> -> memref<10240x80xf32, #tpu.memory_space<vmem_shared>>
      tpu.enqueue_indirect_dma source(%arg18 : memref<128x80xf32, #tpu.memory_space<vmem>>) target(%dma_start3A_274 : memref<10240x80xf32, #tpu.memory_space<vmem_shared>>) offsets(%arg22 : memref<128xi32, #tpu.memory_space<vmem>>) semaphore(%arg40 : memref<!tpu.dma_semaphore, #tpu.memory_space<semaphore_mem>>) {add = true}
      %add3A_275 = arith.constant 3 : i32
      %add3A_276 = arith.addi %add3A_244, %add3A_275 : i32
      %lt3A_277 = arith.cmpi slt, %add3A_276, %select_n3A : i32
      %convert_element_type3A_278 = arith.extui %lt3A_277 : i1 to i32
      %cond3A_279 = arith.constant 0 : i32
      %cond3A_280 = arith.cmpi ne, %convert_element_type3A_278, %cond3A_279 : i32
      scf.if %cond3A_280 {
        %add3A_333 = arith.constant 3 : i32
        %add3A_334 = arith.addi %add3A_244, %add3A_333 : i32
        %mul3A_335 = arith.constant 128 : i32
        %mul3A_336 = arith.muli %add3A_334, %mul3A_335 : i32
        %add3A_337 = arith.addi %select_n3A_8, %mul3A_336 : i32
        %dma_start3A_338 = tpu.memref_slice %arg4[%add3A_337] : memref<327680xi32, #tpu.memory_space<hbm>> -> memref<128xi32, #tpu.memory_space<hbm>>
        %dma_start3A_339 = tpu.memref_slice %arg4[%add3A_337] : memref<327680xi32, #tpu.memory_space<hbm>> -> memref<128xi32, #tpu.memory_space<hbm>>
        tpu.enqueue_dma source(%dma_start3A_339 : memref<128xi32, #tpu.memory_space<hbm>>) target(%arg9 : memref<128xi32, #tpu.memory_space<vmem>>) target_semaphore(%arg25 : memref<!tpu.dma_semaphore, #tpu.memory_space<semaphore_mem>>)
      } else {
      }
      %add3A_281 = arith.constant 2 : i32
      %add3A_282 = arith.addi %add3A_244, %add3A_281 : i32
      %lt3A_283 = arith.cmpi slt, %add3A_282, %select_n3A : i32
      %convert_element_type3A_284 = arith.extui %lt3A_283 : i1 to i32
      %cond3A_285 = arith.constant 0 : i32
      %cond3A_286 = arith.cmpi ne, %convert_element_type3A_284, %cond3A_285 : i32
      scf.if %cond3A_286 {
        %add3A_333 = arith.constant 2 : i32
        %add3A_334 = arith.addi %add3A_244, %add3A_333 : i32
        %mul3A_335 = arith.constant 64 : i32
        %mul3A_336 = arith.muli %add3A_334, %mul3A_335 : i32
        %add3A_337 = arith.addi %select_n3A_62, %mul3A_336 : i32
        %dma_start3A_338 = arith.constant 0 : i32
        %dma_start3A_339 = tpu.memref_slice %arg3[%add3A_337, %dma_start3A_338] : memref<163840x128xf32, #tpu.memory_space<hbm>> -> memref<64x128xf32, #tpu.memory_space<hbm>>
        %dma_start3A_340 = arith.constant 0 : i32
        %dma_start3A_341 = tpu.memref_slice %arg3[%add3A_337, %dma_start3A_340] : memref<163840x128xf32, #tpu.memory_space<hbm>> -> memref<64x128xf32, #tpu.memory_space<hbm>>
        tpu.enqueue_dma source(%dma_start3A_341 : memref<64x128xf32, #tpu.memory_space<hbm>>) target(%arg12 : memref<64x128xf32, #tpu.memory_space<vmem>>) target_semaphore(%arg28 : memref<!tpu.dma_semaphore, #tpu.memory_space<semaphore_mem>>)
        %add3A_342 = arith.constant 2 : i32
        %add3A_343 = arith.addi %add3A_244, %add3A_342 : i32
        %mul3A_344 = arith.constant 128 : i32
        %mul3A_345 = arith.muli %add3A_343, %mul3A_344 : i32
        %add3A_346 = arith.addi %select_n3A_8, %mul3A_345 : i32
        %dma_start3A_347 = tpu.memref_slice %arg5[%add3A_346] : memref<327680xi32, #tpu.memory_space<hbm>> -> memref<128xi32, #tpu.memory_space<hbm>>
        %dma_start3A_348 = tpu.memref_slice %arg5[%add3A_346] : memref<327680xi32, #tpu.memory_space<hbm>> -> memref<128xi32, #tpu.memory_space<hbm>>
        tpu.enqueue_dma source(%dma_start3A_348 : memref<128xi32, #tpu.memory_space<hbm>>) target(%arg20 : memref<128xi32, #tpu.memory_space<vmem>>) target_semaphore(%arg34 : memref<!tpu.dma_semaphore, #tpu.memory_space<semaphore_mem>>)
      } else {
      }
      %mul3A_287 = arith.constant 4 : i32
      %mul3A_288 = arith.muli %mul3A_287, %while3A_153 : i32
      %add3A_289 = arith.constant 3 : i32
      %add3A_290 = arith.addi %mul3A_288, %add3A_289 : i32
      %dma_wait3A_291 = arith.constant 0 : i32
      %dma_wait3A_292 = arith.constant 0 : i32
      %dma_wait3A_293 = tpu.memref_slice %arg2[%dma_wait3A_291, %dma_wait3A_292] : memref<10240x64xf32, #tpu.memory_space<hbm>> -> memref<10240x64xf32, #tpu.memory_space<hbm>>
      tpu.wait_indirect_dma semaphore(%arg33 : memref<!tpu.dma_semaphore, #tpu.memory_space<semaphore_mem>>) src(%dma_wait3A_293 : memref<10240x64xf32, #tpu.memory_space<hbm>>) dst(%arg17 : memref<128x64xf32, #tpu.memory_space<vmem>>)
      %add3A_294 = arith.constant 2 : i32
      %add3A_295 = arith.addi %add3A_290, %add3A_294 : i32
      %lt3A_296 = arith.cmpi slt, %add3A_295, %select_n3A : i32
      %convert_element_type3A_297 = arith.extui %lt3A_296 : i1 to i32
      %cond3A_298 = arith.constant 0 : i32
      %cond3A_299 = arith.cmpi ne, %convert_element_type3A_297, %cond3A_298 : i32
      scf.if %cond3A_299 {
        %dma_wait3A_333 = arith.constant 0 : i32
        %dma_wait3A_334 = tpu.memref_slice %arg4[%dma_wait3A_333] : memref<327680xi32, #tpu.memory_space<hbm>> -> memref<128xi32, #tpu.memory_space<hbm>>
        %dma_wait3A_335 = arith.constant 0 : i32
        %dma_wait3A_336 = tpu.memref_slice %arg4[%dma_wait3A_335] : memref<327680xi32, #tpu.memory_space<hbm>> -> memref<128xi32, #tpu.memory_space<hbm>>
        tpu.wait_dma2 semaphore(%arg25 : memref<!tpu.dma_semaphore, #tpu.memory_space<semaphore_mem>>) src(%dma_wait3A_336 : memref<128xi32, #tpu.memory_space<hbm>>) dst(%arg9 : memref<128xi32, #tpu.memory_space<vmem>>)
        %dma_start3A_337 = arith.constant 0 : i32
        %dma_start3A_338 = arith.constant 0 : i32
        %dma_start3A_339 = tpu.memref_slice %arg2[%dma_start3A_337, %dma_start3A_338] : memref<10240x64xf32, #tpu.memory_space<hbm>> -> memref<10240x64xf32, #tpu.memory_space<hbm>>
        tpu.enqueue_indirect_dma source(%dma_start3A_339 : memref<10240x64xf32, #tpu.memory_space<hbm>>) target(%arg15 : memref<128x64xf32, #tpu.memory_space<vmem>>) offsets(%arg9 : memref<128xi32, #tpu.memory_space<vmem>>) semaphore(%arg31 : memref<!tpu.dma_semaphore, #tpu.memory_space<semaphore_mem>>)
      } else {
      }
      %ge3A_300 = arith.constant 2 : i32
      %ge3A_301 = arith.cmpi sge, %add3A_290, %ge3A_300 : i32
      %convert_element_type3A_302 = arith.extui %ge3A_301 : i1 to i32
      %cond3A_303 = arith.constant 0 : i32
      %cond3A_304 = arith.cmpi ne, %convert_element_type3A_302, %cond3A_303 : i32
      scf.if %cond3A_304 {
        %dma_wait3A_333 = arith.constant 0 : i32
        %dma_wait3A_334 = arith.constant 0 : i32
        %dma_wait3A_335 = tpu.memref_slice %arg7[%dma_wait3A_333, %dma_wait3A_334] : memref<10240x80xf32, #tpu.memory_space<vmem_shared>> -> memref<10240x80xf32, #tpu.memory_space<vmem_shared>>
        tpu.wait_indirect_dma semaphore(%arg39 : memref<!tpu.dma_semaphore, #tpu.memory_space<semaphore_mem>>) src(%arg19 : memref<128x80xf32, #tpu.memory_space<vmem>>) dst(%dma_wait3A_335 : memref<10240x80xf32, #tpu.memory_space<vmem_shared>>)
      } else {
      }
      %dma_wait3A_305 = arith.constant 0 : i32
      %dma_wait3A_306 = arith.constant 0 : i32
      %dma_wait3A_307 = tpu.memref_slice %arg3[%dma_wait3A_305, %dma_wait3A_306] : memref<163840x128xf32, #tpu.memory_space<hbm>> -> memref<64x128xf32, #tpu.memory_space<hbm>>
      %dma_wait3A_308 = arith.constant 0 : i32
      %dma_wait3A_309 = arith.constant 0 : i32
      %dma_wait3A_310 = tpu.memref_slice %arg3[%dma_wait3A_308, %dma_wait3A_309] : memref<163840x128xf32, #tpu.memory_space<hbm>> -> memref<64x128xf32, #tpu.memory_space<hbm>>
      tpu.wait_dma2 semaphore(%arg29 : memref<!tpu.dma_semaphore, #tpu.memory_space<semaphore_mem>>) src(%dma_wait3A_310 : memref<64x128xf32, #tpu.memory_space<hbm>>) dst(%arg13 : memref<64x128xf32, #tpu.memory_space<vmem>>)
      %parallel_loop3A_311 = arith.constant 0 : i32
      %parallel_loop3A_312 = arith.constant 64 : i32
      %parallel_loop3A_313 = arith.constant 1 : i32
      scf.for %parallel_loop3A_333 = %parallel_loop3A_311 to %parallel_loop3A_312 step %parallel_loop3A_313  : i32 {
        %parallel_loop3A_334 = arith.constant 0 : i32
        %parallel_loop3A_335 = arith.addi %parallel_loop3A_334, %parallel_loop3A_333 : i32
        %parallel_loop3A_336 = arith.index_cast %parallel_loop3A_335 : i32 to index
        %parallel_loop3A_337 = arith.constant 0 : index
        %parallel_loop3A_338 = tpu.vector_load %arg17[%parallel_loop3A_336, %parallel_loop3A_337] {strides = array<i32>} : memref<128x64xf32, #tpu.memory_space<vmem>>, vector<1x16xf32>,
        %parallel_loop3A_339 = vector.shape_cast %parallel_loop3A_338 : vector<1x16xf32> to vector<16xf32>
        %parallel_loop3A_340 = arith.index_cast %parallel_loop3A_333 : i32 to index
        %parallel_loop3A_341 = arith.constant 0 : index
        %parallel_loop3A_342 = tpu.vector_load %arg13[%parallel_loop3A_340, %parallel_loop3A_341] {strides = array<i32>} : memref<64x128xf32, #tpu.memory_space<vmem>>, vector<1x16xf32>,
        %parallel_loop3A_343 = vector.shape_cast %parallel_loop3A_342 : vector<1x16xf32> to vector<16xf32>
        %parallel_loop3A_344 = arith.addf %parallel_loop3A_339, %parallel_loop3A_343 : vector<16xf32>
        %parallel_loop3A_345 = arith.constant 0.000000e+00 : f32
        %parallel_loop3A_346 = vector.broadcast %parallel_loop3A_345 : f32 to vector<16xf32>
        %parallel_loop3A_347 = arith.maximumf %parallel_loop3A_344, %parallel_loop3A_346 : vector<16xf32>
        %parallel_loop3A_348 = arith.index_cast %parallel_loop3A_335 : i32 to index
        %parallel_loop3A_349 = arith.constant 0 : index
        %parallel_loop3A_350 = tpu.vector_load %arg19[%parallel_loop3A_348, %parallel_loop3A_349] {strides = array<i32>} : memref<128x80xf32, #tpu.memory_space<vmem>>, vector<1x16xf32>,
        %parallel_loop3A_351 = vector.shape_cast %parallel_loop3A_350 : vector<1x16xf32> to vector<16xf32>
        %parallel_loop3A_352 = vector.shape_cast %parallel_loop3A_347 : vector<16xf32> to vector<1x16xf32>
        tpu.vector_store %arg19[%parallel_loop3A_348, %parallel_loop3A_349], %parallel_loop3A_352 {strides = array<i32>} : memref<128x80xf32, #tpu.memory_space<vmem>>, vector<1x16xf32>,
        %parallel_loop3A_353 = arith.index_cast %parallel_loop3A_335 : i32 to index
        %parallel_loop3A_354 = arith.constant 16 : index
        %parallel_loop3A_355 = tpu.vector_load %arg17[%parallel_loop3A_353, %parallel_loop3A_354] {strides = array<i32>} : memref<128x64xf32, #tpu.memory_space<vmem>>, vector<1x16xf32>,
        %parallel_loop3A_356 = vector.shape_cast %parallel_loop3A_355 : vector<1x16xf32> to vector<16xf32>
        %parallel_loop3A_357 = arith.index_cast %parallel_loop3A_333 : i32 to index
        %parallel_loop3A_358 = arith.constant 16 : index
        %parallel_loop3A_359 = tpu.vector_load %arg13[%parallel_loop3A_357, %parallel_loop3A_358] {strides = array<i32>} : memref<64x128xf32, #tpu.memory_space<vmem>>, vector<1x16xf32>,
        %parallel_loop3A_360 = vector.shape_cast %parallel_loop3A_359 : vector<1x16xf32> to vector<16xf32>
        %parallel_loop3A_361 = arith.addf %parallel_loop3A_356, %parallel_loop3A_360 : vector<16xf32>
        %parallel_loop3A_362 = arith.constant 0.000000e+00 : f32
        %parallel_loop3A_363 = vector.broadcast %parallel_loop3A_362 : f32 to vector<16xf32>
        %parallel_loop3A_364 = arith.maximumf %parallel_loop3A_361, %parallel_loop3A_363 : vector<16xf32>
        %parallel_loop3A_365 = arith.index_cast %parallel_loop3A_335 : i32 to index
        %parallel_loop3A_366 = arith.constant 16 : index
        %parallel_loop3A_367 = tpu.vector_load %arg19[%parallel_loop3A_365, %parallel_loop3A_366] {strides = array<i32>} : memref<128x80xf32, #tpu.memory_space<vmem>>, vector<1x16xf32>,
        %parallel_loop3A_368 = vector.shape_cast %parallel_loop3A_367 : vector<1x16xf32> to vector<16xf32>
        %parallel_loop3A_369 = vector.shape_cast %parallel_loop3A_364 : vector<16xf32> to vector<1x16xf32>
        tpu.vector_store %arg19[%parallel_loop3A_365, %parallel_loop3A_366], %parallel_loop3A_369 {strides = array<i32>} : memref<128x80xf32, #tpu.memory_space<vmem>>, vector<1x16xf32>,
        %parallel_loop3A_370 = arith.index_cast %parallel_loop3A_335 : i32 to index
        %parallel_loop3A_371 = arith.constant 32 : index
        %parallel_loop3A_372 = tpu.vector_load %arg17[%parallel_loop3A_370, %parallel_loop3A_371] {strides = array<i32>} : memref<128x64xf32, #tpu.memory_space<vmem>>, vector<1x16xf32>,
        %parallel_loop3A_373 = vector.shape_cast %parallel_loop3A_372 : vector<1x16xf32> to vector<16xf32>
        %parallel_loop3A_374 = arith.index_cast %parallel_loop3A_333 : i32 to index
        %parallel_loop3A_375 = arith.constant 32 : index
        %parallel_loop3A_376 = tpu.vector_load %arg13[%parallel_loop3A_374, %parallel_loop3A_375] {strides = array<i32>} : memref<64x128xf32, #tpu.memory_space<vmem>>, vector<1x16xf32>,
        %parallel_loop3A_377 = vector.shape_cast %parallel_loop3A_376 : vector<1x16xf32> to vector<16xf32>
        %parallel_loop3A_378 = arith.addf %parallel_loop3A_373, %parallel_loop3A_377 : vector<16xf32>
        %parallel_loop3A_379 = arith.constant 0.000000e+00 : f32
        %parallel_loop3A_380 = vector.broadcast %parallel_loop3A_379 : f32 to vector<16xf32>
        %parallel_loop3A_381 = arith.maximumf %parallel_loop3A_378, %parallel_loop3A_380 : vector<16xf32>
        %parallel_loop3A_382 = arith.index_cast %parallel_loop3A_335 : i32 to index
        %parallel_loop3A_383 = arith.constant 32 : index
        %parallel_loop3A_384 = tpu.vector_load %arg19[%parallel_loop3A_382, %parallel_loop3A_383] {strides = array<i32>} : memref<128x80xf32, #tpu.memory_space<vmem>>, vector<1x16xf32>,
        %parallel_loop3A_385 = vector.shape_cast %parallel_loop3A_384 : vector<1x16xf32> to vector<16xf32>
        %parallel_loop3A_386 = vector.shape_cast %parallel_loop3A_381 : vector<16xf32> to vector<1x16xf32>
        tpu.vector_store %arg19[%parallel_loop3A_382, %parallel_loop3A_383], %parallel_loop3A_386 {strides = array<i32>} : memref<128x80xf32, #tpu.memory_space<vmem>>, vector<1x16xf32>,
        %parallel_loop3A_387 = arith.index_cast %parallel_loop3A_335 : i32 to index
        %parallel_loop3A_388 = arith.constant 48 : index
        %parallel_loop3A_389 = tpu.vector_load %arg17[%parallel_loop3A_387, %parallel_loop3A_388] {strides = array<i32>} : memref<128x64xf32, #tpu.memory_space<vmem>>, vector<1x16xf32>,
        %parallel_loop3A_390 = vector.shape_cast %parallel_loop3A_389 : vector<1x16xf32> to vector<16xf32>
        %parallel_loop3A_391 = arith.index_cast %parallel_loop3A_333 : i32 to index
        %parallel_loop3A_392 = arith.constant 48 : index
        %parallel_loop3A_393 = tpu.vector_load %arg13[%parallel_loop3A_391, %parallel_loop3A_392] {strides = array<i32>} : memref<64x128xf32, #tpu.memory_space<vmem>>, vector<1x16xf32>,
        %parallel_loop3A_394 = vector.shape_cast %parallel_loop3A_393 : vector<1x16xf32> to vector<16xf32>
        %parallel_loop3A_395 = arith.addf %parallel_loop3A_390, %parallel_loop3A_394 : vector<16xf32>
        %parallel_loop3A_396 = arith.constant 0.000000e+00 : f32
        %parallel_loop3A_397 = vector.broadcast %parallel_loop3A_396 : f32 to vector<16xf32>
        %parallel_loop3A_398 = arith.maximumf %parallel_loop3A_395, %parallel_loop3A_397 : vector<16xf32>
        %parallel_loop3A_399 = arith.index_cast %parallel_loop3A_335 : i32 to index
        %parallel_loop3A_400 = arith.constant 48 : index
        %parallel_loop3A_401 = tpu.vector_load %arg19[%parallel_loop3A_399, %parallel_loop3A_400] {strides = array<i32>} : memref<128x80xf32, #tpu.memory_space<vmem>>, vector<1x16xf32>,
        %parallel_loop3A_402 = vector.shape_cast %parallel_loop3A_401 : vector<1x16xf32> to vector<16xf32>
        %parallel_loop3A_403 = vector.shape_cast %parallel_loop3A_398 : vector<16xf32> to vector<1x16xf32>
        tpu.vector_store %arg19[%parallel_loop3A_399, %parallel_loop3A_400], %parallel_loop3A_403 {strides = array<i32>} : memref<128x80xf32, #tpu.memory_space<vmem>>, vector<1x16xf32>,
        %parallel_loop3A_404 = arith.constant 64 : i32
        %parallel_loop3A_405 = arith.addi %parallel_loop3A_404, %parallel_loop3A_333 : i32
        %parallel_loop3A_406 = arith.index_cast %parallel_loop3A_405 : i32 to index
        %parallel_loop3A_407 = arith.constant 0 : index
        %parallel_loop3A_408 = tpu.vector_load %arg17[%parallel_loop3A_406, %parallel_loop3A_407] {strides = array<i32>} : memref<128x64xf32, #tpu.memory_space<vmem>>, vector<1x16xf32>,
        %parallel_loop3A_409 = vector.shape_cast %parallel_loop3A_408 : vector<1x16xf32> to vector<16xf32>
        %parallel_loop3A_410 = arith.index_cast %parallel_loop3A_333 : i32 to index
        %parallel_loop3A_411 = arith.constant 64 : index
        %parallel_loop3A_412 = tpu.vector_load %arg13[%parallel_loop3A_410, %parallel_loop3A_411] {strides = array<i32>} : memref<64x128xf32, #tpu.memory_space<vmem>>, vector<1x16xf32>,
        %parallel_loop3A_413 = vector.shape_cast %parallel_loop3A_412 : vector<1x16xf32> to vector<16xf32>
        %parallel_loop3A_414 = arith.addf %parallel_loop3A_409, %parallel_loop3A_413 : vector<16xf32>
        %parallel_loop3A_415 = arith.constant 0.000000e+00 : f32
        %parallel_loop3A_416 = vector.broadcast %parallel_loop3A_415 : f32 to vector<16xf32>
        %parallel_loop3A_417 = arith.maximumf %parallel_loop3A_414, %parallel_loop3A_416 : vector<16xf32>
        %parallel_loop3A_418 = arith.index_cast %parallel_loop3A_405 : i32 to index
        %parallel_loop3A_419 = arith.constant 0 : index
        %parallel_loop3A_420 = tpu.vector_load %arg19[%parallel_loop3A_418, %parallel_loop3A_419] {strides = array<i32>} : memref<128x80xf32, #tpu.memory_space<vmem>>, vector<1x16xf32>,
        %parallel_loop3A_421 = vector.shape_cast %parallel_loop3A_420 : vector<1x16xf32> to vector<16xf32>
        %parallel_loop3A_422 = vector.shape_cast %parallel_loop3A_417 : vector<16xf32> to vector<1x16xf32>
        tpu.vector_store %arg19[%parallel_loop3A_418, %parallel_loop3A_419], %parallel_loop3A_422 {strides = array<i32>} : memref<128x80xf32, #tpu.memory_space<vmem>>, vector<1x16xf32>,
        %parallel_loop3A_423 = arith.index_cast %parallel_loop3A_405 : i32 to index
        %parallel_loop3A_424 = arith.constant 16 : index
        %parallel_loop3A_425 = tpu.vector_load %arg17[%parallel_loop3A_423, %parallel_loop3A_424] {strides = array<i32>} : memref<128x64xf32, #tpu.memory_space<vmem>>, vector<1x16xf32>,
        %parallel_loop3A_426 = vector.shape_cast %parallel_loop3A_425 : vector<1x16xf32> to vector<16xf32>
        %parallel_loop3A_427 = arith.index_cast %parallel_loop3A_333 : i32 to index
        %parallel_loop3A_428 = arith.constant 80 : index
        %parallel_loop3A_429 = tpu.vector_load %arg13[%parallel_loop3A_427, %parallel_loop3A_428] {strides = array<i32>} : memref<64x128xf32, #tpu.memory_space<vmem>>, vector<1x16xf32>,
        %parallel_loop3A_430 = vector.shape_cast %parallel_loop3A_429 : vector<1x16xf32> to vector<16xf32>
        %parallel_loop3A_431 = arith.addf %parallel_loop3A_426, %parallel_loop3A_430 : vector<16xf32>
        %parallel_loop3A_432 = arith.constant 0.000000e+00 : f32
        %parallel_loop3A_433 = vector.broadcast %parallel_loop3A_432 : f32 to vector<16xf32>
        %parallel_loop3A_434 = arith.maximumf %parallel_loop3A_431, %parallel_loop3A_433 : vector<16xf32>
        %parallel_loop3A_435 = arith.index_cast %parallel_loop3A_405 : i32 to index
        %parallel_loop3A_436 = arith.constant 16 : index
        %parallel_loop3A_437 = tpu.vector_load %arg19[%parallel_loop3A_435, %parallel_loop3A_436] {strides = array<i32>} : memref<128x80xf32, #tpu.memory_space<vmem>>, vector<1x16xf32>,
        %parallel_loop3A_438 = vector.shape_cast %parallel_loop3A_437 : vector<1x16xf32> to vector<16xf32>
        %parallel_loop3A_439 = vector.shape_cast %parallel_loop3A_434 : vector<16xf32> to vector<1x16xf32>
        tpu.vector_store %arg19[%parallel_loop3A_435, %parallel_loop3A_436], %parallel_loop3A_439 {strides = array<i32>} : memref<128x80xf32, #tpu.memory_space<vmem>>, vector<1x16xf32>,
        %parallel_loop3A_440 = arith.index_cast %parallel_loop3A_405 : i32 to index
        %parallel_loop3A_441 = arith.constant 32 : index
        %parallel_loop3A_442 = tpu.vector_load %arg17[%parallel_loop3A_440, %parallel_loop3A_441] {strides = array<i32>} : memref<128x64xf32, #tpu.memory_space<vmem>>, vector<1x16xf32>,
        %parallel_loop3A_443 = vector.shape_cast %parallel_loop3A_442 : vector<1x16xf32> to vector<16xf32>
        %parallel_loop3A_444 = arith.index_cast %parallel_loop3A_333 : i32 to index
        %parallel_loop3A_445 = arith.constant 96 : index
        %parallel_loop3A_446 = tpu.vector_load %arg13[%parallel_loop3A_444, %parallel_loop3A_445] {strides = array<i32>} : memref<64x128xf32, #tpu.memory_space<vmem>>, vector<1x16xf32>,
        %parallel_loop3A_447 = vector.shape_cast %parallel_loop3A_446 : vector<1x16xf32> to vector<16xf32>
        %parallel_loop3A_448 = arith.addf %parallel_loop3A_443, %parallel_loop3A_447 : vector<16xf32>
        %parallel_loop3A_449 = arith.constant 0.000000e+00 : f32
        %parallel_loop3A_450 = vector.broadcast %parallel_loop3A_449 : f32 to vector<16xf32>
        %parallel_loop3A_451 = arith.maximumf %parallel_loop3A_448, %parallel_loop3A_450 : vector<16xf32>
        %parallel_loop3A_452 = arith.index_cast %parallel_loop3A_405 : i32 to index
        %parallel_loop3A_453 = arith.constant 32 : index
        %parallel_loop3A_454 = tpu.vector_load %arg19[%parallel_loop3A_452, %parallel_loop3A_453] {strides = array<i32>} : memref<128x80xf32, #tpu.memory_space<vmem>>, vector<1x16xf32>,
        %parallel_loop3A_455 = vector.shape_cast %parallel_loop3A_454 : vector<1x16xf32> to vector<16xf32>
        %parallel_loop3A_456 = vector.shape_cast %parallel_loop3A_451 : vector<16xf32> to vector<1x16xf32>
        tpu.vector_store %arg19[%parallel_loop3A_452, %parallel_loop3A_453], %parallel_loop3A_456 {strides = array<i32>} : memref<128x80xf32, #tpu.memory_space<vmem>>, vector<1x16xf32>,
        %parallel_loop3A_457 = arith.index_cast %parallel_loop3A_405 : i32 to index
        %parallel_loop3A_458 = arith.constant 48 : index
        %parallel_loop3A_459 = tpu.vector_load %arg17[%parallel_loop3A_457, %parallel_loop3A_458] {strides = array<i32>} : memref<128x64xf32, #tpu.memory_space<vmem>>, vector<1x16xf32>,
        %parallel_loop3A_460 = vector.shape_cast %parallel_loop3A_459 : vector<1x16xf32> to vector<16xf32>
        %parallel_loop3A_461 = arith.index_cast %parallel_loop3A_333 : i32 to index
        %parallel_loop3A_462 = arith.constant 112 : index
        %parallel_loop3A_463 = tpu.vector_load %arg13[%parallel_loop3A_461, %parallel_loop3A_462] {strides = array<i32>} : memref<64x128xf32, #tpu.memory_space<vmem>>, vector<1x16xf32>,
        %parallel_loop3A_464 = vector.shape_cast %parallel_loop3A_463 : vector<1x16xf32> to vector<16xf32>
        %parallel_loop3A_465 = arith.addf %parallel_loop3A_460, %parallel_loop3A_464 : vector<16xf32>
        %parallel_loop3A_466 = arith.constant 0.000000e+00 : f32
        %parallel_loop3A_467 = vector.broadcast %parallel_loop3A_466 : f32 to vector<16xf32>
        %parallel_loop3A_468 = arith.maximumf %parallel_loop3A_465, %parallel_loop3A_467 : vector<16xf32>
        %parallel_loop3A_469 = arith.index_cast %parallel_loop3A_405 : i32 to index
        %parallel_loop3A_470 = arith.constant 48 : index
        %parallel_loop3A_471 = tpu.vector_load %arg19[%parallel_loop3A_469, %parallel_loop3A_470] {strides = array<i32>} : memref<128x80xf32, #tpu.memory_space<vmem>>, vector<1x16xf32>,
        %parallel_loop3A_472 = vector.shape_cast %parallel_loop3A_471 : vector<1x16xf32> to vector<16xf32>
        %parallel_loop3A_473 = vector.shape_cast %parallel_loop3A_468 : vector<16xf32> to vector<1x16xf32>
        tpu.vector_store %arg19[%parallel_loop3A_469, %parallel_loop3A_470], %parallel_loop3A_473 {strides = array<i32>} : memref<128x80xf32, #tpu.memory_space<vmem>>, vector<1x16xf32>,
      } {sc.loop_unroll_factor = 4 : i64, sc.parallel_access}
      %dma_wait3A_314 = arith.constant 0 : i32
      %dma_wait3A_315 = tpu.memref_slice %arg5[%dma_wait3A_314] : memref<327680xi32, #tpu.memory_space<hbm>> -> memref<128xi32, #tpu.memory_space<hbm>>
      %dma_wait3A_316 = arith.constant 0 : i32
      %dma_wait3A_317 = tpu.memref_slice %arg5[%dma_wait3A_316] : memref<327680xi32, #tpu.memory_space<hbm>> -> memref<128xi32, #tpu.memory_space<hbm>>
      tpu.wait_dma2 semaphore(%arg37 : memref<!tpu.dma_semaphore, #tpu.memory_space<semaphore_mem>>) src(%dma_wait3A_317 : memref<128xi32, #tpu.memory_space<hbm>>) dst(%arg23 : memref<128xi32, #tpu.memory_space<vmem>>)
      %dma_start3A_318 = arith.constant 0 : i32
      %dma_start3A_319 = arith.constant 0 : i32
      %dma_start3A_320 = tpu.memref_slice %arg7[%dma_start3A_318, %dma_start3A_319] : memref<10240x80xf32, #tpu.memory_space<vmem_shared>> -> memref<10240x80xf32, #tpu.memory_space<vmem_shared>>
      tpu.enqueue_indirect_dma source(%arg19 : memref<128x80xf32, #tpu.memory_space<vmem>>) target(%dma_start3A_320 : memref<10240x80xf32, #tpu.memory_space<vmem_shared>>) offsets(%arg23 : memref<128xi32, #tpu.memory_space<vmem>>) semaphore(%arg41 : memref<!tpu.dma_semaphore, #tpu.memory_space<semaphore_mem>>) {add = true}
      %add3A_321 = arith.constant 3 : i32
      %add3A_322 = arith.addi %add3A_290, %add3A_321 : i32
      %lt3A_323 = arith.cmpi slt, %add3A_322, %select_n3A : i32
      %convert_element_type3A_324 = arith.extui %lt3A_323 : i1 to i32
      %cond3A_325 = arith.constant 0 : i32
      %cond3A_326 = arith.cmpi ne, %convert_element_type3A_324, %cond3A_325 : i32
      scf.if %cond3A_326 {
        %add3A_333 = arith.constant 3 : i32
        %add3A_334 = arith.addi %add3A_290, %add3A_333 : i32
        %mul3A_335 = arith.constant 128 : i32
        %mul3A_336 = arith.muli %add3A_334, %mul3A_335 : i32
        %add3A_337 = arith.addi %select_n3A_8, %mul3A_336 : i32
        %dma_start3A_338 = tpu.memref_slice %arg4[%add3A_337] : memref<327680xi32, #tpu.memory_space<hbm>> -> memref<128xi32, #tpu.memory_space<hbm>>
        %dma_start3A_339 = tpu.memref_slice %arg4[%add3A_337] : memref<327680xi32, #tpu.memory_space<hbm>> -> memref<128xi32, #tpu.memory_space<hbm>>
        tpu.enqueue_dma source(%dma_start3A_339 : memref<128xi32, #tpu.memory_space<hbm>>) target(%arg10 : memref<128xi32, #tpu.memory_space<vmem>>) target_semaphore(%arg26 : memref<!tpu.dma_semaphore, #tpu.memory_space<semaphore_mem>>)
      } else {
      }
      %add3A_327 = arith.constant 2 : i32
      %add3A_328 = arith.addi %add3A_290, %add3A_327 : i32
      %lt3A_329 = arith.cmpi slt, %add3A_328, %select_n3A : i32
      %convert_element_type3A_330 = arith.extui %lt3A_329 : i1 to i32
      %cond3A_331 = arith.constant 0 : i32
      %cond3A_332 = arith.cmpi ne, %convert_element_type3A_330, %cond3A_331 : i32
      scf.if %cond3A_332 {
        %add3A_333 = arith.constant 2 : i32
        %add3A_334 = arith.addi %add3A_290, %add3A_333 : i32
        %mul3A_335 = arith.constant 64 : i32
        %mul3A_336 = arith.muli %add3A_334, %mul3A_335 : i32
        %add3A_337 = arith.addi %select_n3A_62, %mul3A_336 : i32
        %dma_start3A_338 = arith.constant 0 : i32
        %dma_start3A_339 = tpu.memref_slice %arg3[%add3A_337, %dma_start3A_338] : memref<163840x128xf32, #tpu.memory_space<hbm>> -> memref<64x128xf32, #tpu.memory_space<hbm>>
        %dma_start3A_340 = arith.constant 0 : i32
        %dma_start3A_341 = tpu.memref_slice %arg3[%add3A_337, %dma_start3A_340] : memref<163840x128xf32, #tpu.memory_space<hbm>> -> memref<64x128xf32, #tpu.memory_space<hbm>>
        tpu.enqueue_dma source(%dma_start3A_341 : memref<64x128xf32, #tpu.memory_space<hbm>>) target(%arg13 : memref<64x128xf32, #tpu.memory_space<vmem>>) target_semaphore(%arg29 : memref<!tpu.dma_semaphore, #tpu.memory_space<semaphore_mem>>)
        %add3A_342 = arith.constant 2 : i32
        %add3A_343 = arith.addi %add3A_290, %add3A_342 : i32
        %mul3A_344 = arith.constant 128 : i32
        %mul3A_345 = arith.muli %add3A_343, %mul3A_344 : i32
        %add3A_346 = arith.addi %select_n3A_8, %mul3A_345 : i32
        %dma_start3A_347 = tpu.memref_slice %arg5[%add3A_346] : memref<327680xi32, #tpu.memory_space<hbm>> -> memref<128xi32, #tpu.memory_space<hbm>>
        %dma_start3A_348 = tpu.memref_slice %arg5[%add3A_346] : memref<327680xi32, #tpu.memory_space<hbm>> -> memref<128xi32, #tpu.memory_space<hbm>>
        tpu.enqueue_dma source(%dma_start3A_348 : memref<128xi32, #tpu.memory_space<hbm>>) target(%arg21 : memref<128xi32, #tpu.memory_space<vmem>>) target_semaphore(%arg35 : memref<!tpu.dma_semaphore, #tpu.memory_space<semaphore_mem>>)
      } else {
      }
    }
    %while3A_138 = arith.constant 1 : i32
    scf.for %while3A_153 = %while3A_136 to %while3A_132 step %while3A_138  : i32 {
      %mul3A_154 = arith.constant 4 : i32
      %mul3A_155 = arith.muli %mul3A_154, %while3A_153 : i32
      %add3A_156 = arith.constant 0 : i32
      %add3A_157 = arith.addi %mul3A_155, %add3A_156 : i32
      %dma_wait3A_158 = arith.constant 0 : i32
      %dma_wait3A_159 = arith.constant 0 : i32
      %dma_wait3A_160 = tpu.memref_slice %arg2[%dma_wait3A_158, %dma_wait3A_159] : memref<10240x64xf32, #tpu.memory_space<hbm>> -> memref<10240x64xf32, #tpu.memory_space<hbm>>
      tpu.wait_indirect_dma semaphore(%arg30 : memref<!tpu.dma_semaphore, #tpu.memory_space<semaphore_mem>>) src(%dma_wait3A_160 : memref<10240x64xf32, #tpu.memory_space<hbm>>) dst(%arg14 : memref<128x64xf32, #tpu.memory_space<vmem>>)
      %add3A_161 = arith.constant 2 : i32
      %add3A_162 = arith.addi %add3A_157, %add3A_161 : i32
      %lt3A = arith.cmpi slt, %add3A_162, %select_n3A : i32
      %convert_element_type3A = arith.extui %lt3A : i1 to i32
      %cond3A = arith.constant 0 : i32
      %cond3A_163 = arith.cmpi ne, %convert_element_type3A, %cond3A : i32
      scf.if %cond3A_163 {
        %dma_wait3A_333 = arith.constant 0 : i32
        %dma_wait3A_334 = tpu.memref_slice %arg4[%dma_wait3A_333] : memref<327680xi32, #tpu.memory_space<hbm>> -> memref<128xi32, #tpu.memory_space<hbm>>
        %dma_wait3A_335 = arith.constant 0 : i32
        %dma_wait3A_336 = tpu.memref_slice %arg4[%dma_wait3A_335] : memref<327680xi32, #tpu.memory_space<hbm>> -> memref<128xi32, #tpu.memory_space<hbm>>
        tpu.wait_dma2 semaphore(%arg26 : memref<!tpu.dma_semaphore, #tpu.memory_space<semaphore_mem>>) src(%dma_wait3A_336 : memref<128xi32, #tpu.memory_space<hbm>>) dst(%arg10 : memref<128xi32, #tpu.memory_space<vmem>>)
        %dma_start3A_337 = arith.constant 0 : i32
        %dma_start3A_338 = arith.constant 0 : i32
        %dma_start3A_339 = tpu.memref_slice %arg2[%dma_start3A_337, %dma_start3A_338] : memref<10240x64xf32, #tpu.memory_space<hbm>> -> memref<10240x64xf32, #tpu.memory_space<hbm>>
        tpu.enqueue_indirect_dma source(%dma_start3A_339 : memref<10240x64xf32, #tpu.memory_space<hbm>>) target(%arg16 : memref<128x64xf32, #tpu.memory_space<vmem>>) offsets(%arg10 : memref<128xi32, #tpu.memory_space<vmem>>) semaphore(%arg32 : memref<!tpu.dma_semaphore, #tpu.memory_space<semaphore_mem>>)
      } else {
      }
      %ge3A = arith.constant 2 : i32
      %ge3A_164 = arith.cmpi sge, %add3A_157, %ge3A : i32
      %convert_element_type3A_165 = arith.extui %ge3A_164 : i1 to i32
      %cond3A_166 = arith.constant 0 : i32
      %cond3A_167 = arith.cmpi ne, %convert_element_type3A_165, %cond3A_166 : i32
      scf.if %cond3A_167 {
        %dma_wait3A_333 = arith.constant 0 : i32
        %dma_wait3A_334 = arith.constant 0 : i32
        %dma_wait3A_335 = tpu.memref_slice %arg7[%dma_wait3A_333, %dma_wait3A_334] : memref<10240x80xf32, #tpu.memory_space<vmem_shared>> -> memref<10240x80xf32, #tpu.memory_space<vmem_shared>>
        tpu.wait_indirect_dma semaphore(%arg40 : memref<!tpu.dma_semaphore, #tpu.memory_space<semaphore_mem>>) src(%arg18 : memref<128x80xf32, #tpu.memory_space<vmem>>) dst(%dma_wait3A_335 : memref<10240x80xf32, #tpu.memory_space<vmem_shared>>)
      } else {
      }
      %dma_wait3A_168 = arith.constant 0 : i32
      %dma_wait3A_169 = arith.constant 0 : i32
      %dma_wait3A_170 = tpu.memref_slice %arg3[%dma_wait3A_168, %dma_wait3A_169] : memref<163840x128xf32, #tpu.memory_space<hbm>> -> memref<64x128xf32, #tpu.memory_space<hbm>>
      %dma_wait3A_171 = arith.constant 0 : i32
      %dma_wait3A_172 = arith.constant 0 : i32
      %dma_wait3A_173 = tpu.memref_slice %arg3[%dma_wait3A_171, %dma_wait3A_172] : memref<163840x128xf32, #tpu.memory_space<hbm>> -> memref<64x128xf32, #tpu.memory_space<hbm>>
      tpu.wait_dma2 semaphore(%arg28 : memref<!tpu.dma_semaphore, #tpu.memory_space<semaphore_mem>>) src(%dma_wait3A_173 : memref<64x128xf32, #tpu.memory_space<hbm>>) dst(%arg12 : memref<64x128xf32, #tpu.memory_space<vmem>>)
      %parallel_loop3A = arith.constant 0 : i32
      %parallel_loop3A_174 = arith.constant 64 : i32
      %parallel_loop3A_175 = arith.constant 1 : i32
      scf.for %parallel_loop3A_333 = %parallel_loop3A to %parallel_loop3A_174 step %parallel_loop3A_175  : i32 {
        %parallel_loop3A_334 = arith.constant 0 : i32
        %parallel_loop3A_335 = arith.addi %parallel_loop3A_334, %parallel_loop3A_333 : i32
        %parallel_loop3A_336 = arith.index_cast %parallel_loop3A_335 : i32 to index
        %parallel_loop3A_337 = arith.constant 0 : index
        %parallel_loop3A_338 = tpu.vector_load %arg14[%parallel_loop3A_336, %parallel_loop3A_337] {strides = array<i32>} : memref<128x64xf32, #tpu.memory_space<vmem>>, vector<1x16xf32>,
        %parallel_loop3A_339 = vector.shape_cast %parallel_loop3A_338 : vector<1x16xf32> to vector<16xf32>
        %parallel_loop3A_340 = arith.index_cast %parallel_loop3A_333 : i32 to index
        %parallel_loop3A_341 = arith.constant 0 : index
        %parallel_loop3A_342 = tpu.vector_load %arg12[%parallel_loop3A_340, %parallel_loop3A_341] {strides = array<i32>} : memref<64x128xf32, #tpu.memory_space<vmem>>, vector<1x16xf32>,
        %parallel_loop3A_343 = vector.shape_cast %parallel_loop3A_342 : vector<1x16xf32> to vector<16xf32>
        %parallel_loop3A_344 = arith.addf %parallel_loop3A_339, %parallel_loop3A_343 : vector<16xf32>
        %parallel_loop3A_345 = arith.constant 0.000000e+00 : f32
        %parallel_loop3A_346 = vector.broadcast %parallel_loop3A_345 : f32 to vector<16xf32>
        %parallel_loop3A_347 = arith.maximumf %parallel_loop3A_344, %parallel_loop3A_346 : vector<16xf32>
        %parallel_loop3A_348 = arith.index_cast %parallel_loop3A_335 : i32 to index
        %parallel_loop3A_349 = arith.constant 0 : index
        %parallel_loop3A_350 = tpu.vector_load %arg18[%parallel_loop3A_348, %parallel_loop3A_349] {strides = array<i32>} : memref<128x80xf32, #tpu.memory_space<vmem>>, vector<1x16xf32>,
        %parallel_loop3A_351 = vector.shape_cast %parallel_loop3A_350 : vector<1x16xf32> to vector<16xf32>
        %parallel_loop3A_352 = vector.shape_cast %parallel_loop3A_347 : vector<16xf32> to vector<1x16xf32>
        tpu.vector_store %arg18[%parallel_loop3A_348, %parallel_loop3A_349], %parallel_loop3A_352 {strides = array<i32>} : memref<128x80xf32, #tpu.memory_space<vmem>>, vector<1x16xf32>,
        %parallel_loop3A_353 = arith.index_cast %parallel_loop3A_335 : i32 to index
        %parallel_loop3A_354 = arith.constant 16 : index
        %parallel_loop3A_355 = tpu.vector_load %arg14[%parallel_loop3A_353, %parallel_loop3A_354] {strides = array<i32>} : memref<128x64xf32, #tpu.memory_space<vmem>>, vector<1x16xf32>,
        %parallel_loop3A_356 = vector.shape_cast %parallel_loop3A_355 : vector<1x16xf32> to vector<16xf32>
        %parallel_loop3A_357 = arith.index_cast %parallel_loop3A_333 : i32 to index
        %parallel_loop3A_358 = arith.constant 16 : index
        %parallel_loop3A_359 = tpu.vector_load %arg12[%parallel_loop3A_357, %parallel_loop3A_358] {strides = array<i32>} : memref<64x128xf32, #tpu.memory_space<vmem>>, vector<1x16xf32>,
        %parallel_loop3A_360 = vector.shape_cast %parallel_loop3A_359 : vector<1x16xf32> to vector<16xf32>
        %parallel_loop3A_361 = arith.addf %parallel_loop3A_356, %parallel_loop3A_360 : vector<16xf32>
        %parallel_loop3A_362 = arith.constant 0.000000e+00 : f32
        %parallel_loop3A_363 = vector.broadcast %parallel_loop3A_362 : f32 to vector<16xf32>
        %parallel_loop3A_364 = arith.maximumf %parallel_loop3A_361, %parallel_loop3A_363 : vector<16xf32>
        %parallel_loop3A_365 = arith.index_cast %parallel_loop3A_335 : i32 to index
        %parallel_loop3A_366 = arith.constant 16 : index
        %parallel_loop3A_367 = tpu.vector_load %arg18[%parallel_loop3A_365, %parallel_loop3A_366] {strides = array<i32>} : memref<128x80xf32, #tpu.memory_space<vmem>>, vector<1x16xf32>,
        %parallel_loop3A_368 = vector.shape_cast %parallel_loop3A_367 : vector<1x16xf32> to vector<16xf32>
        %parallel_loop3A_369 = vector.shape_cast %parallel_loop3A_364 : vector<16xf32> to vector<1x16xf32>
        tpu.vector_store %arg18[%parallel_loop3A_365, %parallel_loop3A_366], %parallel_loop3A_369 {strides = array<i32>} : memref<128x80xf32, #tpu.memory_space<vmem>>, vector<1x16xf32>,
        %parallel_loop3A_370 = arith.index_cast %parallel_loop3A_335 : i32 to index
        %parallel_loop3A_371 = arith.constant 32 : index
        %parallel_loop3A_372 = tpu.vector_load %arg14[%parallel_loop3A_370, %parallel_loop3A_371] {strides = array<i32>} : memref<128x64xf32, #tpu.memory_space<vmem>>, vector<1x16xf32>,
        %parallel_loop3A_373 = vector.shape_cast %parallel_loop3A_372 : vector<1x16xf32> to vector<16xf32>
        %parallel_loop3A_374 = arith.index_cast %parallel_loop3A_333 : i32 to index
        %parallel_loop3A_375 = arith.constant 32 : index
        %parallel_loop3A_376 = tpu.vector_load %arg12[%parallel_loop3A_374, %parallel_loop3A_375] {strides = array<i32>} : memref<64x128xf32, #tpu.memory_space<vmem>>, vector<1x16xf32>,
        %parallel_loop3A_377 = vector.shape_cast %parallel_loop3A_376 : vector<1x16xf32> to vector<16xf32>
        %parallel_loop3A_378 = arith.addf %parallel_loop3A_373, %parallel_loop3A_377 : vector<16xf32>
        %parallel_loop3A_379 = arith.constant 0.000000e+00 : f32
        %parallel_loop3A_380 = vector.broadcast %parallel_loop3A_379 : f32 to vector<16xf32>
        %parallel_loop3A_381 = arith.maximumf %parallel_loop3A_378, %parallel_loop3A_380 : vector<16xf32>
        %parallel_loop3A_382 = arith.index_cast %parallel_loop3A_335 : i32 to index
        %parallel_loop3A_383 = arith.constant 32 : index
        %parallel_loop3A_384 = tpu.vector_load %arg18[%parallel_loop3A_382, %parallel_loop3A_383] {strides = array<i32>} : memref<128x80xf32, #tpu.memory_space<vmem>>, vector<1x16xf32>,
        %parallel_loop3A_385 = vector.shape_cast %parallel_loop3A_384 : vector<1x16xf32> to vector<16xf32>
        %parallel_loop3A_386 = vector.shape_cast %parallel_loop3A_381 : vector<16xf32> to vector<1x16xf32>
        tpu.vector_store %arg18[%parallel_loop3A_382, %parallel_loop3A_383], %parallel_loop3A_386 {strides = array<i32>} : memref<128x80xf32, #tpu.memory_space<vmem>>, vector<1x16xf32>,
        %parallel_loop3A_387 = arith.index_cast %parallel_loop3A_335 : i32 to index
        %parallel_loop3A_388 = arith.constant 48 : index
        %parallel_loop3A_389 = tpu.vector_load %arg14[%parallel_loop3A_387, %parallel_loop3A_388] {strides = array<i32>} : memref<128x64xf32, #tpu.memory_space<vmem>>, vector<1x16xf32>,
        %parallel_loop3A_390 = vector.shape_cast %parallel_loop3A_389 : vector<1x16xf32> to vector<16xf32>
        %parallel_loop3A_391 = arith.index_cast %parallel_loop3A_333 : i32 to index
        %parallel_loop3A_392 = arith.constant 48 : index
        %parallel_loop3A_393 = tpu.vector_load %arg12[%parallel_loop3A_391, %parallel_loop3A_392] {strides = array<i32>} : memref<64x128xf32, #tpu.memory_space<vmem>>, vector<1x16xf32>,
        %parallel_loop3A_394 = vector.shape_cast %parallel_loop3A_393 : vector<1x16xf32> to vector<16xf32>
        %parallel_loop3A_395 = arith.addf %parallel_loop3A_390, %parallel_loop3A_394 : vector<16xf32>
        %parallel_loop3A_396 = arith.constant 0.000000e+00 : f32
        %parallel_loop3A_397 = vector.broadcast %parallel_loop3A_396 : f32 to vector<16xf32>
        %parallel_loop3A_398 = arith.maximumf %parallel_loop3A_395, %parallel_loop3A_397 : vector<16xf32>
        %parallel_loop3A_399 = arith.index_cast %parallel_loop3A_335 : i32 to index
        %parallel_loop3A_400 = arith.constant 48 : index
        %parallel_loop3A_401 = tpu.vector_load %arg18[%parallel_loop3A_399, %parallel_loop3A_400] {strides = array<i32>} : memref<128x80xf32, #tpu.memory_space<vmem>>, vector<1x16xf32>,
        %parallel_loop3A_402 = vector.shape_cast %parallel_loop3A_401 : vector<1x16xf32> to vector<16xf32>
        %parallel_loop3A_403 = vector.shape_cast %parallel_loop3A_398 : vector<16xf32> to vector<1x16xf32>
        tpu.vector_store %arg18[%parallel_loop3A_399, %parallel_loop3A_400], %parallel_loop3A_403 {strides = array<i32>} : memref<128x80xf32, #tpu.memory_space<vmem>>, vector<1x16xf32>,
        %parallel_loop3A_404 = arith.constant 64 : i32
        %parallel_loop3A_405 = arith.addi %parallel_loop3A_404, %parallel_loop3A_333 : i32
        %parallel_loop3A_406 = arith.index_cast %parallel_loop3A_405 : i32 to index
        %parallel_loop3A_407 = arith.constant 0 : index
        %parallel_loop3A_408 = tpu.vector_load %arg14[%parallel_loop3A_406, %parallel_loop3A_407] {strides = array<i32>} : memref<128x64xf32, #tpu.memory_space<vmem>>, vector<1x16xf32>,
        %parallel_loop3A_409 = vector.shape_cast %parallel_loop3A_408 : vector<1x16xf32> to vector<16xf32>
        %parallel_loop3A_410 = arith.index_cast %parallel_loop3A_333 : i32 to index
        %parallel_loop3A_411 = arith.constant 64 : index
        %parallel_loop3A_412 = tpu.vector_load %arg12[%parallel_loop3A_410, %parallel_loop3A_411] {strides = array<i32>} : memref<64x128xf32, #tpu.memory_space<vmem>>, vector<1x16xf32>,
        %parallel_loop3A_413 = vector.shape_cast %parallel_loop3A_412 : vector<1x16xf32> to vector<16xf32>
        %parallel_loop3A_414 = arith.addf %parallel_loop3A_409, %parallel_loop3A_413 : vector<16xf32>
        %parallel_loop3A_415 = arith.constant 0.000000e+00 : f32
        %parallel_loop3A_416 = vector.broadcast %parallel_loop3A_415 : f32 to vector<16xf32>
        %parallel_loop3A_417 = arith.maximumf %parallel_loop3A_414, %parallel_loop3A_416 : vector<16xf32>
        %parallel_loop3A_418 = arith.index_cast %parallel_loop3A_405 : i32 to index
        %parallel_loop3A_419 = arith.constant 0 : index
        %parallel_loop3A_420 = tpu.vector_load %arg18[%parallel_loop3A_418, %parallel_loop3A_419] {strides = array<i32>} : memref<128x80xf32, #tpu.memory_space<vmem>>, vector<1x16xf32>,
        %parallel_loop3A_421 = vector.shape_cast %parallel_loop3A_420 : vector<1x16xf32> to vector<16xf32>
        %parallel_loop3A_422 = vector.shape_cast %parallel_loop3A_417 : vector<16xf32> to vector<1x16xf32>
        tpu.vector_store %arg18[%parallel_loop3A_418, %parallel_loop3A_419], %parallel_loop3A_422 {strides = array<i32>} : memref<128x80xf32, #tpu.memory_space<vmem>>, vector<1x16xf32>,
        %parallel_loop3A_423 = arith.index_cast %parallel_loop3A_405 : i32 to index
        %parallel_loop3A_424 = arith.constant 16 : index
        %parallel_loop3A_425 = tpu.vector_load %arg14[%parallel_loop3A_423, %parallel_loop3A_424] {strides = array<i32>} : memref<128x64xf32, #tpu.memory_space<vmem>>, vector<1x16xf32>,
        %parallel_loop3A_426 = vector.shape_cast %parallel_loop3A_425 : vector<1x16xf32> to vector<16xf32>
        %parallel_loop3A_427 = arith.index_cast %parallel_loop3A_333 : i32 to index
        %parallel_loop3A_428 = arith.constant 80 : index
        %parallel_loop3A_429 = tpu.vector_load %arg12[%parallel_loop3A_427, %parallel_loop3A_428] {strides = array<i32>} : memref<64x128xf32, #tpu.memory_space<vmem>>, vector<1x16xf32>,
        %parallel_loop3A_430 = vector.shape_cast %parallel_loop3A_429 : vector<1x16xf32> to vector<16xf32>
        %parallel_loop3A_431 = arith.addf %parallel_loop3A_426, %parallel_loop3A_430 : vector<16xf32>
        %parallel_loop3A_432 = arith.constant 0.000000e+00 : f32
        %parallel_loop3A_433 = vector.broadcast %parallel_loop3A_432 : f32 to vector<16xf32>
        %parallel_loop3A_434 = arith.maximumf %parallel_loop3A_431, %parallel_loop3A_433 : vector<16xf32>
        %parallel_loop3A_435 = arith.index_cast %parallel_loop3A_405 : i32 to index
        %parallel_loop3A_436 = arith.constant 16 : index
        %parallel_loop3A_437 = tpu.vector_load %arg18[%parallel_loop3A_435, %parallel_loop3A_436] {strides = array<i32>} : memref<128x80xf32, #tpu.memory_space<vmem>>, vector<1x16xf32>,
        %parallel_loop3A_438 = vector.shape_cast %parallel_loop3A_437 : vector<1x16xf32> to vector<16xf32>
        %parallel_loop3A_439 = vector.shape_cast %parallel_loop3A_434 : vector<16xf32> to vector<1x16xf32>
        tpu.vector_store %arg18[%parallel_loop3A_435, %parallel_loop3A_436], %parallel_loop3A_439 {strides = array<i32>} : memref<128x80xf32, #tpu.memory_space<vmem>>, vector<1x16xf32>,
        %parallel_loop3A_440 = arith.index_cast %parallel_loop3A_405 : i32 to index
        %parallel_loop3A_441 = arith.constant 32 : index
        %parallel_loop3A_442 = tpu.vector_load %arg14[%parallel_loop3A_440, %parallel_loop3A_441] {strides = array<i32>} : memref<128x64xf32, #tpu.memory_space<vmem>>, vector<1x16xf32>,
        %parallel_loop3A_443 = vector.shape_cast %parallel_loop3A_442 : vector<1x16xf32> to vector<16xf32>
        %parallel_loop3A_444 = arith.index_cast %parallel_loop3A_333 : i32 to index
        %parallel_loop3A_445 = arith.constant 96 : index
        %parallel_loop3A_446 = tpu.vector_load %arg12[%parallel_loop3A_444, %parallel_loop3A_445] {strides = array<i32>} : memref<64x128xf32, #tpu.memory_space<vmem>>, vector<1x16xf32>,
        %parallel_loop3A_447 = vector.shape_cast %parallel_loop3A_446 : vector<1x16xf32> to vector<16xf32>
        %parallel_loop3A_448 = arith.addf %parallel_loop3A_443, %parallel_loop3A_447 : vector<16xf32>
        %parallel_loop3A_449 = arith.constant 0.000000e+00 : f32
        %parallel_loop3A_450 = vector.broadcast %parallel_loop3A_449 : f32 to vector<16xf32>
        %parallel_loop3A_451 = arith.maximumf %parallel_loop3A_448, %parallel_loop3A_450 : vector<16xf32>
        %parallel_loop3A_452 = arith.index_cast %parallel_loop3A_405 : i32 to index
        %parallel_loop3A_453 = arith.constant 32 : index
        %parallel_loop3A_454 = tpu.vector_load %arg18[%parallel_loop3A_452, %parallel_loop3A_453] {strides = array<i32>} : memref<128x80xf32, #tpu.memory_space<vmem>>, vector<1x16xf32>,
        %parallel_loop3A_455 = vector.shape_cast %parallel_loop3A_454 : vector<1x16xf32> to vector<16xf32>
        %parallel_loop3A_456 = vector.shape_cast %parallel_loop3A_451 : vector<16xf32> to vector<1x16xf32>
        tpu.vector_store %arg18[%parallel_loop3A_452, %parallel_loop3A_453], %parallel_loop3A_456 {strides = array<i32>} : memref<128x80xf32, #tpu.memory_space<vmem>>, vector<1x16xf32>,
        %parallel_loop3A_457 = arith.index_cast %parallel_loop3A_405 : i32 to index
        %parallel_loop3A_458 = arith.constant 48 : index
        %parallel_loop3A_459 = tpu.vector_load %arg14[%parallel_loop3A_457, %parallel_loop3A_458] {strides = array<i32>} : memref<128x64xf32, #tpu.memory_space<vmem>>, vector<1x16xf32>,
        %parallel_loop3A_460 = vector.shape_cast %parallel_loop3A_459 : vector<1x16xf32> to vector<16xf32>
        %parallel_loop3A_461 = arith.index_cast %parallel_loop3A_333 : i32 to index
        %parallel_loop3A_462 = arith.constant 112 : index
        %parallel_loop3A_463 = tpu.vector_load %arg12[%parallel_loop3A_461, %parallel_loop3A_462] {strides = array<i32>} : memref<64x128xf32, #tpu.memory_space<vmem>>, vector<1x16xf32>,
        %parallel_loop3A_464 = vector.shape_cast %parallel_loop3A_463 : vector<1x16xf32> to vector<16xf32>
        %parallel_loop3A_465 = arith.addf %parallel_loop3A_460, %parallel_loop3A_464 : vector<16xf32>
        %parallel_loop3A_466 = arith.constant 0.000000e+00 : f32
        %parallel_loop3A_467 = vector.broadcast %parallel_loop3A_466 : f32 to vector<16xf32>
        %parallel_loop3A_468 = arith.maximumf %parallel_loop3A_465, %parallel_loop3A_467 : vector<16xf32>
        %parallel_loop3A_469 = arith.index_cast %parallel_loop3A_405 : i32 to index
        %parallel_loop3A_470 = arith.constant 48 : index
        %parallel_loop3A_471 = tpu.vector_load %arg18[%parallel_loop3A_469, %parallel_loop3A_470] {strides = array<i32>} : memref<128x80xf32, #tpu.memory_space<vmem>>, vector<1x16xf32>,
        %parallel_loop3A_472 = vector.shape_cast %parallel_loop3A_471 : vector<1x16xf32> to vector<16xf32>
        %parallel_loop3A_473 = vector.shape_cast %parallel_loop3A_468 : vector<16xf32> to vector<1x16xf32>
        tpu.vector_store %arg18[%parallel_loop3A_469, %parallel_loop3A_470], %parallel_loop3A_473 {strides = array<i32>} : memref<128x80xf32, #tpu.memory_space<vmem>>, vector<1x16xf32>,
      } {sc.loop_unroll_factor = 4 : i64, sc.parallel_access}
      %dma_wait3A_176 = arith.constant 0 : i32
      %dma_wait3A_177 = tpu.memref_slice %arg5[%dma_wait3A_176] : memref<327680xi32, #tpu.memory_space<hbm>> -> memref<128xi32, #tpu.memory_space<hbm>>
      %dma_wait3A_178 = arith.constant 0 : i32
      %dma_wait3A_179 = tpu.memref_slice %arg5[%dma_wait3A_178] : memref<327680xi32, #tpu.memory_space<hbm>> -> memref<128xi32, #tpu.memory_space<hbm>>
      tpu.wait_dma2 semaphore(%arg34 : memref<!tpu.dma_semaphore, #tpu.memory_space<semaphore_mem>>) src(%dma_wait3A_179 : memref<128xi32, #tpu.memory_space<hbm>>) dst(%arg20 : memref<128xi32, #tpu.memory_space<vmem>>)
      %dma_start3A_180 = arith.constant 0 : i32
      %dma_start3A_181 = arith.constant 0 : i32
      %dma_start3A_182 = tpu.memref_slice %arg7[%dma_start3A_180, %dma_start3A_181] : memref<10240x80xf32, #tpu.memory_space<vmem_shared>> -> memref<10240x80xf32, #tpu.memory_space<vmem_shared>>
      tpu.enqueue_indirect_dma source(%arg18 : memref<128x80xf32, #tpu.memory_space<vmem>>) target(%dma_start3A_182 : memref<10240x80xf32, #tpu.memory_space<vmem_shared>>) offsets(%arg20 : memref<128xi32, #tpu.memory_space<vmem>>) semaphore(%arg38 : memref<!tpu.dma_semaphore, #tpu.memory_space<semaphore_mem>>) {add = true}
      %add3A_183 = arith.constant 3 : i32
      %add3A_184 = arith.addi %add3A_157, %add3A_183 : i32
      %lt3A_185 = arith.cmpi slt, %add3A_184, %select_n3A : i32
      %convert_element_type3A_186 = arith.extui %lt3A_185 : i1 to i32
      %cond3A_187 = arith.constant 0 : i32
      %cond3A_188 = arith.cmpi ne, %convert_element_type3A_186, %cond3A_187 : i32
      scf.if %cond3A_188 {
        %add3A_333 = arith.constant 3 : i32
        %add3A_334 = arith.addi %add3A_157, %add3A_333 : i32
        %mul3A_335 = arith.constant 128 : i32
        %mul3A_336 = arith.muli %add3A_334, %mul3A_335 : i32
        %add3A_337 = arith.addi %select_n3A_8, %mul3A_336 : i32
        %dma_start3A_338 = tpu.memref_slice %arg4[%add3A_337] : memref<327680xi32, #tpu.memory_space<hbm>> -> memref<128xi32, #tpu.memory_space<hbm>>
        %dma_start3A_339 = tpu.memref_slice %arg4[%add3A_337] : memref<327680xi32, #tpu.memory_space<hbm>> -> memref<128xi32, #tpu.memory_space<hbm>>
        tpu.enqueue_dma source(%dma_start3A_339 : memref<128xi32, #tpu.memory_space<hbm>>) target(%arg11 : memref<128xi32, #tpu.memory_space<vmem>>) target_semaphore(%arg27 : memref<!tpu.dma_semaphore, #tpu.memory_space<semaphore_mem>>)
      } else {
      }
      %add3A_189 = arith.constant 2 : i32
      %add3A_190 = arith.addi %add3A_157, %add3A_189 : i32
      %lt3A_191 = arith.cmpi slt, %add3A_190, %select_n3A : i32
      %convert_element_type3A_192 = arith.extui %lt3A_191 : i1 to i32
      %cond3A_193 = arith.constant 0 : i32
      %cond3A_194 = arith.cmpi ne, %convert_element_type3A_192, %cond3A_193 : i32
      scf.if %cond3A_194 {
        %add3A_333 = arith.constant 2 : i32
        %add3A_334 = arith.addi %add3A_157, %add3A_333 : i32
        %mul3A_335 = arith.constant 64 : i32
        %mul3A_336 = arith.muli %add3A_334, %mul3A_335 : i32
        %add3A_337 = arith.addi %select_n3A_62, %mul3A_336 : i32
        %dma_start3A_338 = arith.constant 0 : i32
        %dma_start3A_339 = tpu.memref_slice %arg3[%add3A_337, %dma_start3A_338] : memref<163840x128xf32, #tpu.memory_space<hbm>> -> memref<64x128xf32, #tpu.memory_space<hbm>>
        %dma_start3A_340 = arith.constant 0 : i32
        %dma_start3A_341 = tpu.memref_slice %arg3[%add3A_337, %dma_start3A_340] : memref<163840x128xf32, #tpu.memory_space<hbm>> -> memref<64x128xf32, #tpu.memory_space<hbm>>
        tpu.enqueue_dma source(%dma_start3A_341 : memref<64x128xf32, #tpu.memory_space<hbm>>) target(%arg12 : memref<64x128xf32, #tpu.memory_space<vmem>>) target_semaphore(%arg28 : memref<!tpu.dma_semaphore, #tpu.memory_space<semaphore_mem>>)
        %add3A_342 = arith.constant 2 : i32
        %add3A_343 = arith.addi %add3A_157, %add3A_342 : i32
        %mul3A_344 = arith.constant 128 : i32
        %mul3A_345 = arith.muli %add3A_343, %mul3A_344 : i32
        %add3A_346 = arith.addi %select_n3A_8, %mul3A_345 : i32
        %dma_start3A_347 = tpu.memref_slice %arg5[%add3A_346] : memref<327680xi32, #tpu.memory_space<hbm>> -> memref<128xi32, #tpu.memory_space<hbm>>
        %dma_start3A_348 = tpu.memref_slice %arg5[%add3A_346] : memref<327680xi32, #tpu.memory_space<hbm>> -> memref<128xi32, #tpu.memory_space<hbm>>
        tpu.enqueue_dma source(%dma_start3A_348 : memref<128xi32, #tpu.memory_space<hbm>>) target(%arg22 : memref<128xi32, #tpu.memory_space<vmem>>) target_semaphore(%arg36 : memref<!tpu.dma_semaphore, #tpu.memory_space<semaphore_mem>>)
      } else {
      }
      %mul3A_195 = arith.constant 4 : i32
      %mul3A_196 = arith.muli %mul3A_195, %while3A_153 : i32
      %add3A_197 = arith.constant 1 : i32
      %add3A_198 = arith.addi %mul3A_196, %add3A_197 : i32
      %dma_wait3A_199 = arith.constant 0 : i32
      %dma_wait3A_200 = arith.constant 0 : i32
      %dma_wait3A_201 = tpu.memref_slice %arg2[%dma_wait3A_199, %dma_wait3A_200] : memref<10240x64xf32, #tpu.memory_space<hbm>> -> memref<10240x64xf32, #tpu.memory_space<hbm>>
      tpu.wait_indirect_dma semaphore(%arg31 : memref<!tpu.dma_semaphore, #tpu.memory_space<semaphore_mem>>) src(%dma_wait3A_201 : memref<10240x64xf32, #tpu.memory_space<hbm>>) dst(%arg15 : memref<128x64xf32, #tpu.memory_space<vmem>>)
      %add3A_202 = arith.constant 2 : i32
      %add3A_203 = arith.addi %add3A_198, %add3A_202 : i32
      %lt3A_204 = arith.cmpi slt, %add3A_203, %select_n3A : i32
      %convert_element_type3A_205 = arith.extui %lt3A_204 : i1 to i32
      %cond3A_206 = arith.constant 0 : i32
      %cond3A_207 = arith.cmpi ne, %convert_element_type3A_205, %cond3A_206 : i32
      scf.if %cond3A_207 {
        %dma_wait3A_333 = arith.constant 0 : i32
        %dma_wait3A_334 = tpu.memref_slice %arg4[%dma_wait3A_333] : memref<327680xi32, #tpu.memory_space<hbm>> -> memref<128xi32, #tpu.memory_space<hbm>>
        %dma_wait3A_335 = arith.constant 0 : i32
        %dma_wait3A_336 = tpu.memref_slice %arg4[%dma_wait3A_335] : memref<327680xi32, #tpu.memory_space<hbm>> -> memref<128xi32, #tpu.memory_space<hbm>>
        tpu.wait_dma2 semaphore(%arg27 : memref<!tpu.dma_semaphore, #tpu.memory_space<semaphore_mem>>) src(%dma_wait3A_336 : memref<128xi32, #tpu.memory_space<hbm>>) dst(%arg11 : memref<128xi32, #tpu.memory_space<vmem>>)
        %dma_start3A_337 = arith.constant 0 : i32
        %dma_start3A_338 = arith.constant 0 : i32
        %dma_start3A_339 = tpu.memref_slice %arg2[%dma_start3A_337, %dma_start3A_338] : memref<10240x64xf32, #tpu.memory_space<hbm>> -> memref<10240x64xf32, #tpu.memory_space<hbm>>
        tpu.enqueue_indirect_dma source(%dma_start3A_339 : memref<10240x64xf32, #tpu.memory_space<hbm>>) target(%arg17 : memref<128x64xf32, #tpu.memory_space<vmem>>) offsets(%arg11 : memref<128xi32, #tpu.memory_space<vmem>>) semaphore(%arg33 : memref<!tpu.dma_semaphore, #tpu.memory_space<semaphore_mem>>)
      } else {
      }
      %ge3A_208 = arith.constant 2 : i32
      %ge3A_209 = arith.cmpi sge, %add3A_198, %ge3A_208 : i32
      %convert_element_type3A_210 = arith.extui %ge3A_209 : i1 to i32
      %cond3A_211 = arith.constant 0 : i32
      %cond3A_212 = arith.cmpi ne, %convert_element_type3A_210, %cond3A_211 : i32
      scf.if %cond3A_212 {
        %dma_wait3A_333 = arith.constant 0 : i32
        %dma_wait3A_334 = arith.constant 0 : i32
        %dma_wait3A_335 = tpu.memref_slice %arg7[%dma_wait3A_333, %dma_wait3A_334] : memref<10240x80xf32, #tpu.memory_space<vmem_shared>> -> memref<10240x80xf32, #tpu.memory_space<vmem_shared>>
        tpu.wait_indirect_dma semaphore(%arg41 : memref<!tpu.dma_semaphore, #tpu.memory_space<semaphore_mem>>) src(%arg19 : memref<128x80xf32, #tpu.memory_space<vmem>>) dst(%dma_wait3A_335 : memref<10240x80xf32, #tpu.memory_space<vmem_shared>>)
      } else {
      }
      %dma_wait3A_213 = arith.constant 0 : i32
      %dma_wait3A_214 = arith.constant 0 : i32
      %dma_wait3A_215 = tpu.memref_slice %arg3[%dma_wait3A_213, %dma_wait3A_214] : memref<163840x128xf32, #tpu.memory_space<hbm>> -> memref<64x128xf32, #tpu.memory_space<hbm>>
      %dma_wait3A_216 = arith.constant 0 : i32
      %dma_wait3A_217 = arith.constant 0 : i32
      %dma_wait3A_218 = tpu.memref_slice %arg3[%dma_wait3A_216, %dma_wait3A_217] : memref<163840x128xf32, #tpu.memory_space<hbm>> -> memref<64x128xf32, #tpu.memory_space<hbm>>
      tpu.wait_dma2 semaphore(%arg29 : memref<!tpu.dma_semaphore, #tpu.memory_space<semaphore_mem>>) src(%dma_wait3A_218 : memref<64x128xf32, #tpu.memory_space<hbm>>) dst(%arg13 : memref<64x128xf32, #tpu.memory_space<vmem>>)
      %parallel_loop3A_219 = arith.constant 0 : i32
      %parallel_loop3A_220 = arith.constant 64 : i32
      %parallel_loop3A_221 = arith.constant 1 : i32
      scf.for %parallel_loop3A_333 = %parallel_loop3A_219 to %parallel_loop3A_220 step %parallel_loop3A_221  : i32 {
        %parallel_loop3A_334 = arith.constant 0 : i32
        %parallel_loop3A_335 = arith.addi %parallel_loop3A_334, %parallel_loop3A_333 : i32
        %parallel_loop3A_336 = arith.index_cast %parallel_loop3A_335 : i32 to index
        %parallel_loop3A_337 = arith.constant 0 : index
        %parallel_loop3A_338 = tpu.vector_load %arg15[%parallel_loop3A_336, %parallel_loop3A_337] {strides = array<i32>} : memref<128x64xf32, #tpu.memory_space<vmem>>, vector<1x16xf32>,
        %parallel_loop3A_339 = vector.shape_cast %parallel_loop3A_338 : vector<1x16xf32> to vector<16xf32>
        %parallel_loop3A_340 = arith.index_cast %parallel_loop3A_333 : i32 to index
        %parallel_loop3A_341 = arith.constant 0 : index
        %parallel_loop3A_342 = tpu.vector_load %arg13[%parallel_loop3A_340, %parallel_loop3A_341] {strides = array<i32>} : memref<64x128xf32, #tpu.memory_space<vmem>>, vector<1x16xf32>,
        %parallel_loop3A_343 = vector.shape_cast %parallel_loop3A_342 : vector<1x16xf32> to vector<16xf32>
        %parallel_loop3A_344 = arith.addf %parallel_loop3A_339, %parallel_loop3A_343 : vector<16xf32>
        %parallel_loop3A_345 = arith.constant 0.000000e+00 : f32
        %parallel_loop3A_346 = vector.broadcast %parallel_loop3A_345 : f32 to vector<16xf32>
        %parallel_loop3A_347 = arith.maximumf %parallel_loop3A_344, %parallel_loop3A_346 : vector<16xf32>
        %parallel_loop3A_348 = arith.index_cast %parallel_loop3A_335 : i32 to index
        %parallel_loop3A_349 = arith.constant 0 : index
        %parallel_loop3A_350 = tpu.vector_load %arg19[%parallel_loop3A_348, %parallel_loop3A_349] {strides = array<i32>} : memref<128x80xf32, #tpu.memory_space<vmem>>, vector<1x16xf32>,
        %parallel_loop3A_351 = vector.shape_cast %parallel_loop3A_350 : vector<1x16xf32> to vector<16xf32>
        %parallel_loop3A_352 = vector.shape_cast %parallel_loop3A_347 : vector<16xf32> to vector<1x16xf32>
        tpu.vector_store %arg19[%parallel_loop3A_348, %parallel_loop3A_349], %parallel_loop3A_352 {strides = array<i32>} : memref<128x80xf32, #tpu.memory_space<vmem>>, vector<1x16xf32>,
        %parallel_loop3A_353 = arith.index_cast %parallel_loop3A_335 : i32 to index
        %parallel_loop3A_354 = arith.constant 16 : index
        %parallel_loop3A_355 = tpu.vector_load %arg15[%parallel_loop3A_353, %parallel_loop3A_354] {strides = array<i32>} : memref<128x64xf32, #tpu.memory_space<vmem>>, vector<1x16xf32>,
        %parallel_loop3A_356 = vector.shape_cast %parallel_loop3A_355 : vector<1x16xf32> to vector<16xf32>
        %parallel_loop3A_357 = arith.index_cast %parallel_loop3A_333 : i32 to index
        %parallel_loop3A_358 = arith.constant 16 : index
        %parallel_loop3A_359 = tpu.vector_load %arg13[%parallel_loop3A_357, %parallel_loop3A_358] {strides = array<i32>} : memref<64x128xf32, #tpu.memory_space<vmem>>, vector<1x16xf32>,
        %parallel_loop3A_360 = vector.shape_cast %parallel_loop3A_359 : vector<1x16xf32> to vector<16xf32>
        %parallel_loop3A_361 = arith.addf %parallel_loop3A_356, %parallel_loop3A_360 : vector<16xf32>
        %parallel_loop3A_362 = arith.constant 0.000000e+00 : f32
        %parallel_loop3A_363 = vector.broadcast %parallel_loop3A_362 : f32 to vector<16xf32>
        %parallel_loop3A_364 = arith.maximumf %parallel_loop3A_361, %parallel_loop3A_363 : vector<16xf32>
        %parallel_loop3A_365 = arith.index_cast %parallel_loop3A_335 : i32 to index
        %parallel_loop3A_366 = arith.constant 16 : index
        %parallel_loop3A_367 = tpu.vector_load %arg19[%parallel_loop3A_365, %parallel_loop3A_366] {strides = array<i32>} : memref<128x80xf32, #tpu.memory_space<vmem>>, vector<1x16xf32>,
        %parallel_loop3A_368 = vector.shape_cast %parallel_loop3A_367 : vector<1x16xf32> to vector<16xf32>
        %parallel_loop3A_369 = vector.shape_cast %parallel_loop3A_364 : vector<16xf32> to vector<1x16xf32>
        tpu.vector_store %arg19[%parallel_loop3A_365, %parallel_loop3A_366], %parallel_loop3A_369 {strides = array<i32>} : memref<128x80xf32, #tpu.memory_space<vmem>>, vector<1x16xf32>,
        %parallel_loop3A_370 = arith.index_cast %parallel_loop3A_335 : i32 to index
        %parallel_loop3A_371 = arith.constant 32 : index
        %parallel_loop3A_372 = tpu.vector_load %arg15[%parallel_loop3A_370, %parallel_loop3A_371] {strides = array<i32>} : memref<128x64xf32, #tpu.memory_space<vmem>>, vector<1x16xf32>,
        %parallel_loop3A_373 = vector.shape_cast %parallel_loop3A_372 : vector<1x16xf32> to vector<16xf32>
        %parallel_loop3A_374 = arith.index_cast %parallel_loop3A_333 : i32 to index
        %parallel_loop3A_375 = arith.constant 32 : index
        %parallel_loop3A_376 = tpu.vector_load %arg13[%parallel_loop3A_374, %parallel_loop3A_375] {strides = array<i32>} : memref<64x128xf32, #tpu.memory_space<vmem>>, vector<1x16xf32>,
        %parallel_loop3A_377 = vector.shape_cast %parallel_loop3A_376 : vector<1x16xf32> to vector<16xf32>
        %parallel_loop3A_378 = arith.addf %parallel_loop3A_373, %parallel_loop3A_377 : vector<16xf32>
        %parallel_loop3A_379 = arith.constant 0.000000e+00 : f32
        %parallel_loop3A_380 = vector.broadcast %parallel_loop3A_379 : f32 to vector<16xf32>
        %parallel_loop3A_381 = arith.maximumf %parallel_loop3A_378, %parallel_loop3A_380 : vector<16xf32>
        %parallel_loop3A_382 = arith.index_cast %parallel_loop3A_335 : i32 to index
        %parallel_loop3A_383 = arith.constant 32 : index
        %parallel_loop3A_384 = tpu.vector_load %arg19[%parallel_loop3A_382, %parallel_loop3A_383] {strides = array<i32>} : memref<128x80xf32, #tpu.memory_space<vmem>>, vector<1x16xf32>,
        %parallel_loop3A_385 = vector.shape_cast %parallel_loop3A_384 : vector<1x16xf32> to vector<16xf32>
        %parallel_loop3A_386 = vector.shape_cast %parallel_loop3A_381 : vector<16xf32> to vector<1x16xf32>
        tpu.vector_store %arg19[%parallel_loop3A_382, %parallel_loop3A_383], %parallel_loop3A_386 {strides = array<i32>} : memref<128x80xf32, #tpu.memory_space<vmem>>, vector<1x16xf32>,
        %parallel_loop3A_387 = arith.index_cast %parallel_loop3A_335 : i32 to index
        %parallel_loop3A_388 = arith.constant 48 : index
        %parallel_loop3A_389 = tpu.vector_load %arg15[%parallel_loop3A_387, %parallel_loop3A_388] {strides = array<i32>} : memref<128x64xf32, #tpu.memory_space<vmem>>, vector<1x16xf32>,
        %parallel_loop3A_390 = vector.shape_cast %parallel_loop3A_389 : vector<1x16xf32> to vector<16xf32>
        %parallel_loop3A_391 = arith.index_cast %parallel_loop3A_333 : i32 to index
        %parallel_loop3A_392 = arith.constant 48 : index
        %parallel_loop3A_393 = tpu.vector_load %arg13[%parallel_loop3A_391, %parallel_loop3A_392] {strides = array<i32>} : memref<64x128xf32, #tpu.memory_space<vmem>>, vector<1x16xf32>,
        %parallel_loop3A_394 = vector.shape_cast %parallel_loop3A_393 : vector<1x16xf32> to vector<16xf32>
        %parallel_loop3A_395 = arith.addf %parallel_loop3A_390, %parallel_loop3A_394 : vector<16xf32>
        %parallel_loop3A_396 = arith.constant 0.000000e+00 : f32
        %parallel_loop3A_397 = vector.broadcast %parallel_loop3A_396 : f32 to vector<16xf32>
        %parallel_loop3A_398 = arith.maximumf %parallel_loop3A_395, %parallel_loop3A_397 : vector<16xf32>
        %parallel_loop3A_399 = arith.index_cast %parallel_loop3A_335 : i32 to index
        %parallel_loop3A_400 = arith.constant 48 : index
        %parallel_loop3A_401 = tpu.vector_load %arg19[%parallel_loop3A_399, %parallel_loop3A_400] {strides = array<i32>} : memref<128x80xf32, #tpu.memory_space<vmem>>, vector<1x16xf32>,
        %parallel_loop3A_402 = vector.shape_cast %parallel_loop3A_401 : vector<1x16xf32> to vector<16xf32>
        %parallel_loop3A_403 = vector.shape_cast %parallel_loop3A_398 : vector<16xf32> to vector<1x16xf32>
        tpu.vector_store %arg19[%parallel_loop3A_399, %parallel_loop3A_400], %parallel_loop3A_403 {strides = array<i32>} : memref<128x80xf32, #tpu.memory_space<vmem>>, vector<1x16xf32>,
        %parallel_loop3A_404 = arith.constant 64 : i32
        %parallel_loop3A_405 = arith.addi %parallel_loop3A_404, %parallel_loop3A_333 : i32
        %parallel_loop3A_406 = arith.index_cast %parallel_loop3A_405 : i32 to index
        %parallel_loop3A_407 = arith.constant 0 : index
        %parallel_loop3A_408 = tpu.vector_load %arg15[%parallel_loop3A_406, %parallel_loop3A_407] {strides = array<i32>} : memref<128x64xf32, #tpu.memory_space<vmem>>, vector<1x16xf32>,
        %parallel_loop3A_409 = vector.shape_cast %parallel_loop3A_408 : vector<1x16xf32> to vector<16xf32>
        %parallel_loop3A_410 = arith.index_cast %parallel_loop3A_333 : i32 to index
        %parallel_loop3A_411 = arith.constant 64 : index
        %parallel_loop3A_412 = tpu.vector_load %arg13[%parallel_loop3A_410, %parallel_loop3A_411] {strides = array<i32>} : memref<64x128xf32, #tpu.memory_space<vmem>>, vector<1x16xf32>,
        %parallel_loop3A_413 = vector.shape_cast %parallel_loop3A_412 : vector<1x16xf32> to vector<16xf32>
        %parallel_loop3A_414 = arith.addf %parallel_loop3A_409, %parallel_loop3A_413 : vector<16xf32>
        %parallel_loop3A_415 = arith.constant 0.000000e+00 : f32
        %parallel_loop3A_416 = vector.broadcast %parallel_loop3A_415 : f32 to vector<16xf32>
        %parallel_loop3A_417 = arith.maximumf %parallel_loop3A_414, %parallel_loop3A_416 : vector<16xf32>
        %parallel_loop3A_418 = arith.index_cast %parallel_loop3A_405 : i32 to index
        %parallel_loop3A_419 = arith.constant 0 : index
        %parallel_loop3A_420 = tpu.vector_load %arg19[%parallel_loop3A_418, %parallel_loop3A_419] {strides = array<i32>} : memref<128x80xf32, #tpu.memory_space<vmem>>, vector<1x16xf32>,
        %parallel_loop3A_421 = vector.shape_cast %parallel_loop3A_420 : vector<1x16xf32> to vector<16xf32>
        %parallel_loop3A_422 = vector.shape_cast %parallel_loop3A_417 : vector<16xf32> to vector<1x16xf32>
        tpu.vector_store %arg19[%parallel_loop3A_418, %parallel_loop3A_419], %parallel_loop3A_422 {strides = array<i32>} : memref<128x80xf32, #tpu.memory_space<vmem>>, vector<1x16xf32>,
        %parallel_loop3A_423 = arith.index_cast %parallel_loop3A_405 : i32 to index
        %parallel_loop3A_424 = arith.constant 16 : index
        %parallel_loop3A_425 = tpu.vector_load %arg15[%parallel_loop3A_423, %parallel_loop3A_424] {strides = array<i32>} : memref<128x64xf32, #tpu.memory_space<vmem>>, vector<1x16xf32>,
        %parallel_loop3A_426 = vector.shape_cast %parallel_loop3A_425 : vector<1x16xf32> to vector<16xf32>
        %parallel_loop3A_427 = arith.index_cast %parallel_loop3A_333 : i32 to index
        %parallel_loop3A_428 = arith.constant 80 : index
        %parallel_loop3A_429 = tpu.vector_load %arg13[%parallel_loop3A_427, %parallel_loop3A_428] {strides = array<i32>} : memref<64x128xf32, #tpu.memory_space<vmem>>, vector<1x16xf32>,
        %parallel_loop3A_430 = vector.shape_cast %parallel_loop3A_429 : vector<1x16xf32> to vector<16xf32>
        %parallel_loop3A_431 = arith.addf %parallel_loop3A_426, %parallel_loop3A_430 : vector<16xf32>
        %parallel_loop3A_432 = arith.constant 0.000000e+00 : f32
        %parallel_loop3A_433 = vector.broadcast %parallel_loop3A_432 : f32 to vector<16xf32>
        %parallel_loop3A_434 = arith.maximumf %parallel_loop3A_431, %parallel_loop3A_433 : vector<16xf32>
        %parallel_loop3A_435 = arith.index_cast %parallel_loop3A_405 : i32 to index
        %parallel_loop3A_436 = arith.constant 16 : index
        %parallel_loop3A_437 = tpu.vector_load %arg19[%parallel_loop3A_435, %parallel_loop3A_436] {strides = array<i32>} : memref<128x80xf32, #tpu.memory_space<vmem>>, vector<1x16xf32>,
        %parallel_loop3A_438 = vector.shape_cast %parallel_loop3A_437 : vector<1x16xf32> to vector<16xf32>
        %parallel_loop3A_439 = vector.shape_cast %parallel_loop3A_434 : vector<16xf32> to vector<1x16xf32>
        tpu.vector_store %arg19[%parallel_loop3A_435, %parallel_loop3A_436], %parallel_loop3A_439 {strides = array<i32>} : memref<128x80xf32, #tpu.memory_space<vmem>>, vector<1x16xf32>,
        %parallel_loop3A_440 = arith.index_cast %parallel_loop3A_405 : i32 to index
        %parallel_loop3A_441 = arith.constant 32 : index
        %parallel_loop3A_442 = tpu.vector_load %arg15[%parallel_loop3A_440, %parallel_loop3A_441] {strides = array<i32>} : memref<128x64xf32, #tpu.memory_space<vmem>>, vector<1x16xf32>,
        %parallel_loop3A_443 = vector.shape_cast %parallel_loop3A_442 : vector<1x16xf32> to vector<16xf32>
        %parallel_loop3A_444 = arith.index_cast %parallel_loop3A_333 : i32 to index
        %parallel_loop3A_445 = arith.constant 96 : index
        %parallel_loop3A_446 = tpu.vector_load %arg13[%parallel_loop3A_444, %parallel_loop3A_445] {strides = array<i32>} : memref<64x128xf32, #tpu.memory_space<vmem>>, vector<1x16xf32>,
        %parallel_loop3A_447 = vector.shape_cast %parallel_loop3A_446 : vector<1x16xf32> to vector<16xf32>
        %parallel_loop3A_448 = arith.addf %parallel_loop3A_443, %parallel_loop3A_447 : vector<16xf32>
        %parallel_loop3A_449 = arith.constant 0.000000e+00 : f32
        %parallel_loop3A_450 = vector.broadcast %parallel_loop3A_449 : f32 to vector<16xf32>
        %parallel_loop3A_451 = arith.maximumf %parallel_loop3A_448, %parallel_loop3A_450 : vector<16xf32>
        %parallel_loop3A_452 = arith.index_cast %parallel_loop3A_405 : i32 to index
        %parallel_loop3A_453 = arith.constant 32 : index
        %parallel_loop3A_454 = tpu.vector_load %arg19[%parallel_loop3A_452, %parallel_loop3A_453] {strides = array<i32>} : memref<128x80xf32, #tpu.memory_space<vmem>>, vector<1x16xf32>,
        %parallel_loop3A_455 = vector.shape_cast %parallel_loop3A_454 : vector<1x16xf32> to vector<16xf32>
        %parallel_loop3A_456 = vector.shape_cast %parallel_loop3A_451 : vector<16xf32> to vector<1x16xf32>
        tpu.vector_store %arg19[%parallel_loop3A_452, %parallel_loop3A_453], %parallel_loop3A_456 {strides = array<i32>} : memref<128x80xf32, #tpu.memory_space<vmem>>, vector<1x16xf32>,
        %parallel_loop3A_457 = arith.index_cast %parallel_loop3A_405 : i32 to index
        %parallel_loop3A_458 = arith.constant 48 : index
        %parallel_loop3A_459 = tpu.vector_load %arg15[%parallel_loop3A_457, %parallel_loop3A_458] {strides = array<i32>} : memref<128x64xf32, #tpu.memory_space<vmem>>, vector<1x16xf32>,
        %parallel_loop3A_460 = vector.shape_cast %parallel_loop3A_459 : vector<1x16xf32> to vector<16xf32>
        %parallel_loop3A_461 = arith.index_cast %parallel_loop3A_333 : i32 to index
        %parallel_loop3A_462 = arith.constant 112 : index
        %parallel_loop3A_463 = tpu.vector_load %arg13[%parallel_loop3A_461, %parallel_loop3A_462] {strides = array<i32>} : memref<64x128xf32, #tpu.memory_space<vmem>>, vector<1x16xf32>,
        %parallel_loop3A_464 = vector.shape_cast %parallel_loop3A_463 : vector<1x16xf32> to vector<16xf32>
        %parallel_loop3A_465 = arith.addf %parallel_loop3A_460, %parallel_loop3A_464 : vector<16xf32>
        %parallel_loop3A_466 = arith.constant 0.000000e+00 : f32
        %parallel_loop3A_467 = vector.broadcast %parallel_loop3A_466 : f32 to vector<16xf32>
        %parallel_loop3A_468 = arith.maximumf %parallel_loop3A_465, %parallel_loop3A_467 : vector<16xf32>
        %parallel_loop3A_469 = arith.index_cast %parallel_loop3A_405 : i32 to index
        %parallel_loop3A_470 = arith.constant 48 : index
        %parallel_loop3A_471 = tpu.vector_load %arg19[%parallel_loop3A_469, %parallel_loop3A_470] {strides = array<i32>} : memref<128x80xf32, #tpu.memory_space<vmem>>, vector<1x16xf32>,
        %parallel_loop3A_472 = vector.shape_cast %parallel_loop3A_471 : vector<1x16xf32> to vector<16xf32>
        %parallel_loop3A_473 = vector.shape_cast %parallel_loop3A_468 : vector<16xf32> to vector<1x16xf32>
        tpu.vector_store %arg19[%parallel_loop3A_469, %parallel_loop3A_470], %parallel_loop3A_473 {strides = array<i32>} : memref<128x80xf32, #tpu.memory_space<vmem>>, vector<1x16xf32>,
      } {sc.loop_unroll_factor = 4 : i64, sc.parallel_access}
      %dma_wait3A_222 = arith.constant 0 : i32
      %dma_wait3A_223 = tpu.memref_slice %arg5[%dma_wait3A_222] : memref<327680xi32, #tpu.memory_space<hbm>> -> memref<128xi32, #tpu.memory_space<hbm>>
      %dma_wait3A_224 = arith.constant 0 : i32
      %dma_wait3A_225 = tpu.memref_slice %arg5[%dma_wait3A_224] : memref<327680xi32, #tpu.memory_space<hbm>> -> memref<128xi32, #tpu.memory_space<hbm>>
      tpu.wait_dma2 semaphore(%arg35 : memref<!tpu.dma_semaphore, #tpu.memory_space<semaphore_mem>>) src(%dma_wait3A_225 : memref<128xi32, #tpu.memory_space<hbm>>) dst(%arg21 : memref<128xi32, #tpu.memory_space<vmem>>)
      %dma_start3A_226 = arith.constant 0 : i32
      %dma_start3A_227 = arith.constant 0 : i32
      %dma_start3A_228 = tpu.memref_slice %arg7[%dma_start3A_226, %dma_start3A_227] : memref<10240x80xf32, #tpu.memory_space<vmem_shared>> -> memref<10240x80xf32, #tpu.memory_space<vmem_shared>>
      tpu.enqueue_indirect_dma source(%arg19 : memref<128x80xf32, #tpu.memory_space<vmem>>) target(%dma_start3A_228 : memref<10240x80xf32, #tpu.memory_space<vmem_shared>>) offsets(%arg21 : memref<128xi32, #tpu.memory_space<vmem>>) semaphore(%arg39 : memref<!tpu.dma_semaphore, #tpu.memory_space<semaphore_mem>>) {add = true}
      %add3A_229 = arith.constant 3 : i32
      %add3A_230 = arith.addi %add3A_198, %add3A_229 : i32
      %lt3A_231 = arith.cmpi slt, %add3A_230, %select_n3A : i32
      %convert_element_type3A_232 = arith.extui %lt3A_231 : i1 to i32
      %cond3A_233 = arith.constant 0 : i32
      %cond3A_234 = arith.cmpi ne, %convert_element_type3A_232, %cond3A_233 : i32
      scf.if %cond3A_234 {
        %add3A_333 = arith.constant 3 : i32
        %add3A_334 = arith.addi %add3A_198, %add3A_333 : i32
        %mul3A_335 = arith.constant 128 : i32
        %mul3A_336 = arith.muli %add3A_334, %mul3A_335 : i32
        %add3A_337 = arith.addi %select_n3A_8, %mul3A_336 : i32
        %dma_start3A_338 = tpu.memref_slice %arg4[%add3A_337] : memref<327680xi32, #tpu.memory_space<hbm>> -> memref<128xi32, #tpu.memory_space<hbm>>
        %dma_start3A_339 = tpu.memref_slice %arg4[%add3A_337] : memref<327680xi32, #tpu.memory_space<hbm>> -> memref<128xi32, #tpu.memory_space<hbm>>
        tpu.enqueue_dma source(%dma_start3A_339 : memref<128xi32, #tpu.memory_space<hbm>>) target(%arg8 : memref<128xi32, #tpu.memory_space<vmem>>) target_semaphore(%arg24 : memref<!tpu.dma_semaphore, #tpu.memory_space<semaphore_mem>>)
      } else {
      }
      %add3A_235 = arith.constant 2 : i32
      %add3A_236 = arith.addi %add3A_198, %add3A_235 : i32
      %lt3A_237 = arith.cmpi slt, %add3A_236, %select_n3A : i32
      %convert_element_type3A_238 = arith.extui %lt3A_237 : i1 to i32
      %cond3A_239 = arith.constant 0 : i32
      %cond3A_240 = arith.cmpi ne, %convert_element_type3A_238, %cond3A_239 : i32
      scf.if %cond3A_240 {
        %add3A_333 = arith.constant 2 : i32
        %add3A_334 = arith.addi %add3A_198, %add3A_333 : i32
        %mul3A_335 = arith.constant 64 : i32
        %mul3A_336 = arith.muli %add3A_334, %mul3A_335 : i32
        %add3A_337 = arith.addi %select_n3A_62, %mul3A_336 : i32
        %dma_start3A_338 = arith.constant 0 : i32
        %dma_start3A_339 = tpu.memref_slice %arg3[%add3A_337, %dma_start3A_338] : memref<163840x128xf32, #tpu.memory_space<hbm>> -> memref<64x128xf32, #tpu.memory_space<hbm>>
        %dma_start3A_340 = arith.constant 0 : i32
        %dma_start3A_341 = tpu.memref_slice %arg3[%add3A_337, %dma_start3A_340] : memref<163840x128xf32, #tpu.memory_space<hbm>> -> memref<64x128xf32, #tpu.memory_space<hbm>>
        tpu.enqueue_dma source(%dma_start3A_341 : memref<64x128xf32, #tpu.memory_space<hbm>>) target(%arg13 : memref<64x128xf32, #tpu.memory_space<vmem>>) target_semaphore(%arg29 : memref<!tpu.dma_semaphore, #tpu.memory_space<semaphore_mem>>)
        %add3A_342 = arith.constant 2 : i32
        %add3A_343 = arith.addi %add3A_198, %add3A_342 : i32
        %mul3A_344 = arith.constant 128 : i32
        %mul3A_345 = arith.muli %add3A_343, %mul3A_344 : i32
        %add3A_346 = arith.addi %select_n3A_8, %mul3A_345 : i32
        %dma_start3A_347 = tpu.memref_slice %arg5[%add3A_346] : memref<327680xi32, #tpu.memory_space<hbm>> -> memref<128xi32, #tpu.memory_space<hbm>>
        %dma_start3A_348 = tpu.memref_slice %arg5[%add3A_346] : memref<327680xi32, #tpu.memory_space<hbm>> -> memref<128xi32, #tpu.memory_space<hbm>>
        tpu.enqueue_dma source(%dma_start3A_348 : memref<128xi32, #tpu.memory_space<hbm>>) target(%arg23 : memref<128xi32, #tpu.memory_space<vmem>>) target_semaphore(%arg37 : memref<!tpu.dma_semaphore, #tpu.memory_space<semaphore_mem>>)
      } else {
      }
      %mul3A_241 = arith.constant 4 : i32
      %mul3A_242 = arith.muli %mul3A_241, %while3A_153 : i32
      %add3A_243 = arith.constant 2 : i32
      %add3A_244 = arith.addi %mul3A_242, %add3A_243 : i32
      %dma_wait3A_245 = arith.constant 0 : i32
      %dma_wait3A_246 = arith.constant 0 : i32
      %dma_wait3A_247 = tpu.memref_slice %arg2[%dma_wait3A_245, %dma_wait3A_246] : memref<10240x64xf32, #tpu.memory_space<hbm>> -> memref<10240x64xf32, #tpu.memory_space<hbm>>
      tpu.wait_indirect_dma semaphore(%arg32 : memref<!tpu.dma_semaphore, #tpu.memory_space<semaphore_mem>>) src(%dma_wait3A_247 : memref<10240x64xf32, #tpu.memory_space<hbm>>) dst(%arg16 : memref<128x64xf32, #tpu.memory_space<vmem>>)
      %add3A_248 = arith.constant 2 : i32
      %add3A_249 = arith.addi %add3A_244, %add3A_248 : i32
      %lt3A_250 = arith.cmpi slt, %add3A_249, %select_n3A : i32
      %convert_element_type3A_251 = arith.extui %lt3A_250 : i1 to i32
      %cond3A_252 = arith.constant 0 : i32
      %cond3A_253 = arith.cmpi ne, %convert_element_type3A_251, %cond3A_252 : i32
      scf.if %cond3A_253 {
        %dma_wait3A_333 = arith.constant 0 : i32
        %dma_wait3A_334 = tpu.memref_slice %arg4[%dma_wait3A_333] : memref<327680xi32, #tpu.memory_space<hbm>> -> memref<128xi32, #tpu.memory_space<hbm>>
        %dma_wait3A_335 = arith.constant 0 : i32
        %dma_wait3A_336 = tpu.memref_slice %arg4[%dma_wait3A_335] : memref<327680xi32, #tpu.memory_space<hbm>> -> memref<128xi32, #tpu.memory_space<hbm>>
        tpu.wait_dma2 semaphore(%arg24 : memref<!tpu.dma_semaphore, #tpu.memory_space<semaphore_mem>>) src(%dma_wait3A_336 : memref<128xi32, #tpu.memory_space<hbm>>) dst(%arg8 : memref<128xi32, #tpu.memory_space<vmem>>)
        %dma_start3A_337 = arith.constant 0 : i32
        %dma_start3A_338 = arith.constant 0 : i32
        %dma_start3A_339 = tpu.memref_slice %arg2[%dma_start3A_337, %dma_start3A_338] : memref<10240x64xf32, #tpu.memory_space<hbm>> -> memref<10240x64xf32, #tpu.memory_space<hbm>>
        tpu.enqueue_indirect_dma source(%dma_start3A_339 : memref<10240x64xf32, #tpu.memory_space<hbm>>) target(%arg14 : memref<128x64xf32, #tpu.memory_space<vmem>>) offsets(%arg8 : memref<128xi32, #tpu.memory_space<vmem>>) semaphore(%arg30 : memref<!tpu.dma_semaphore, #tpu.memory_space<semaphore_mem>>)
      } else {
      }
      %ge3A_254 = arith.constant 2 : i32
      %ge3A_255 = arith.cmpi sge, %add3A_244, %ge3A_254 : i32
      %convert_element_type3A_256 = arith.extui %ge3A_255 : i1 to i32
      %cond3A_257 = arith.constant 0 : i32
      %cond3A_258 = arith.cmpi ne, %convert_element_type3A_256, %cond3A_257 : i32
      scf.if %cond3A_258 {
        %dma_wait3A_333 = arith.constant 0 : i32
        %dma_wait3A_334 = arith.constant 0 : i32
        %dma_wait3A_335 = tpu.memref_slice %arg7[%dma_wait3A_333, %dma_wait3A_334] : memref<10240x80xf32, #tpu.memory_space<vmem_shared>> -> memref<10240x80xf32, #tpu.memory_space<vmem_shared>>
        tpu.wait_indirect_dma semaphore(%arg38 : memref<!tpu.dma_semaphore, #tpu.memory_space<semaphore_mem>>) src(%arg18 : memref<128x80xf32, #tpu.memory_space<vmem>>) dst(%dma_wait3A_335 : memref<10240x80xf32, #tpu.memory_space<vmem_shared>>)
      } else {
      }
      %dma_wait3A_259 = arith.constant 0 : i32
      %dma_wait3A_260 = arith.constant 0 : i32
      %dma_wait3A_261 = tpu.memref_slice %arg3[%dma_wait3A_259, %dma_wait3A_260] : memref<163840x128xf32, #tpu.memory_space<hbm>> -> memref<64x128xf32, #tpu.memory_space<hbm>>
      %dma_wait3A_262 = arith.constant 0 : i32
      %dma_wait3A_263 = arith.constant 0 : i32
      %dma_wait3A_264 = tpu.memref_slice %arg3[%dma_wait3A_262, %dma_wait3A_263] : memref<163840x128xf32, #tpu.memory_space<hbm>> -> memref<64x128xf32, #tpu.memory_space<hbm>>
      tpu.wait_dma2 semaphore(%arg28 : memref<!tpu.dma_semaphore, #tpu.memory_space<semaphore_mem>>) src(%dma_wait3A_264 : memref<64x128xf32, #tpu.memory_space<hbm>>) dst(%arg12 : memref<64x128xf32, #tpu.memory_space<vmem>>)
      %parallel_loop3A_265 = arith.constant 0 : i32
      %parallel_loop3A_266 = arith.constant 64 : i32
      %parallel_loop3A_267 = arith.constant 1 : i32
      scf.for %parallel_loop3A_333 = %parallel_loop3A_265 to %parallel_loop3A_266 step %parallel_loop3A_267  : i32 {
        %parallel_loop3A_334 = arith.constant 0 : i32
        %parallel_loop3A_335 = arith.addi %parallel_loop3A_334, %parallel_loop3A_333 : i32
        %parallel_loop3A_336 = arith.index_cast %parallel_loop3A_335 : i32 to index
        %parallel_loop3A_337 = arith.constant 0 : index
        %parallel_loop3A_338 = tpu.vector_load %arg16[%parallel_loop3A_336, %parallel_loop3A_337] {strides = array<i32>} : memref<128x64xf32, #tpu.memory_space<vmem>>, vector<1x16xf32>,
        %parallel_loop3A_339 = vector.shape_cast %parallel_loop3A_338 : vector<1x16xf32> to vector<16xf32>
        %parallel_loop3A_340 = arith.index_cast %parallel_loop3A_333 : i32 to index
        %parallel_loop3A_341 = arith.constant 0 : index
        %parallel_loop3A_342 = tpu.vector_load %arg12[%parallel_loop3A_340, %parallel_loop3A_341] {strides = array<i32>} : memref<64x128xf32, #tpu.memory_space<vmem>>, vector<1x16xf32>,
        %parallel_loop3A_343 = vector.shape_cast %parallel_loop3A_342 : vector<1x16xf32> to vector<16xf32>
        %parallel_loop3A_344 = arith.addf %parallel_loop3A_339, %parallel_loop3A_343 : vector<16xf32>
        %parallel_loop3A_345 = arith.constant 0.000000e+00 : f32
        %parallel_loop3A_346 = vector.broadcast %parallel_loop3A_345 : f32 to vector<16xf32>
        %parallel_loop3A_347 = arith.maximumf %parallel_loop3A_344, %parallel_loop3A_346 : vector<16xf32>
        %parallel_loop3A_348 = arith.index_cast %parallel_loop3A_335 : i32 to index
        %parallel_loop3A_349 = arith.constant 0 : index
        %parallel_loop3A_350 = tpu.vector_load %arg18[%parallel_loop3A_348, %parallel_loop3A_349] {strides = array<i32>} : memref<128x80xf32, #tpu.memory_space<vmem>>, vector<1x16xf32>,
        %parallel_loop3A_351 = vector.shape_cast %parallel_loop3A_350 : vector<1x16xf32> to vector<16xf32>
        %parallel_loop3A_352 = vector.shape_cast %parallel_loop3A_347 : vector<16xf32> to vector<1x16xf32>
        tpu.vector_store %arg18[%parallel_loop3A_348, %parallel_loop3A_349], %parallel_loop3A_352 {strides = array<i32>} : memref<128x80xf32, #tpu.memory_space<vmem>>, vector<1x16xf32>,
        %parallel_loop3A_353 = arith.index_cast %parallel_loop3A_335 : i32 to index
        %parallel_loop3A_354 = arith.constant 16 : index
        %parallel_loop3A_355 = tpu.vector_load %arg16[%parallel_loop3A_353, %parallel_loop3A_354] {strides = array<i32>} : memref<128x64xf32, #tpu.memory_space<vmem>>, vector<1x16xf32>,
        %parallel_loop3A_356 = vector.shape_cast %parallel_loop3A_355 : vector<1x16xf32> to vector<16xf32>
        %parallel_loop3A_357 = arith.index_cast %parallel_loop3A_333 : i32 to index
        %parallel_loop3A_358 = arith.constant 16 : index
        %parallel_loop3A_359 = tpu.vector_load %arg12[%parallel_loop3A_357, %parallel_loop3A_358] {strides = array<i32>} : memref<64x128xf32, #tpu.memory_space<vmem>>, vector<1x16xf32>,
        %parallel_loop3A_360 = vector.shape_cast %parallel_loop3A_359 : vector<1x16xf32> to vector<16xf32>
        %parallel_loop3A_361 = arith.addf %parallel_loop3A_356, %parallel_loop3A_360 : vector<16xf32>
        %parallel_loop3A_362 = arith.constant 0.000000e+00 : f32
        %parallel_loop3A_363 = vector.broadcast %parallel_loop3A_362 : f32 to vector<16xf32>
        %parallel_loop3A_364 = arith.maximumf %parallel_loop3A_361, %parallel_loop3A_363 : vector<16xf32>
        %parallel_loop3A_365 = arith.index_cast %parallel_loop3A_335 : i32 to index
        %parallel_loop3A_366 = arith.constant 16 : index
        %parallel_loop3A_367 = tpu.vector_load %arg18[%parallel_loop3A_365, %parallel_loop3A_366] {strides = array<i32>} : memref<128x80xf32, #tpu.memory_space<vmem>>, vector<1x16xf32>,
        %parallel_loop3A_368 = vector.shape_cast %parallel_loop3A_367 : vector<1x16xf32> to vector<16xf32>
        %parallel_loop3A_369 = vector.shape_cast %parallel_loop3A_364 : vector<16xf32> to vector<1x16xf32>
        tpu.vector_store %arg18[%parallel_loop3A_365, %parallel_loop3A_366], %parallel_loop3A_369 {strides = array<i32>} : memref<128x80xf32, #tpu.memory_space<vmem>>, vector<1x16xf32>,
        %parallel_loop3A_370 = arith.index_cast %parallel_loop3A_335 : i32 to index
        %parallel_loop3A_371 = arith.constant 32 : index
        %parallel_loop3A_372 = tpu.vector_load %arg16[%parallel_loop3A_370, %parallel_loop3A_371] {strides = array<i32>} : memref<128x64xf32, #tpu.memory_space<vmem>>, vector<1x16xf32>,
        %parallel_loop3A_373 = vector.shape_cast %parallel_loop3A_372 : vector<1x16xf32> to vector<16xf32>
        %parallel_loop3A_374 = arith.index_cast %parallel_loop3A_333 : i32 to index
        %parallel_loop3A_375 = arith.constant 32 : index
        %parallel_loop3A_376 = tpu.vector_load %arg12[%parallel_loop3A_374, %parallel_loop3A_375] {strides = array<i32>} : memref<64x128xf32, #tpu.memory_space<vmem>>, vector<1x16xf32>,
        %parallel_loop3A_377 = vector.shape_cast %parallel_loop3A_376 : vector<1x16xf32> to vector<16xf32>
        %parallel_loop3A_378 = arith.addf %parallel_loop3A_373, %parallel_loop3A_377 : vector<16xf32>
        %parallel_loop3A_379 = arith.constant 0.000000e+00 : f32
        %parallel_loop3A_380 = vector.broadcast %parallel_loop3A_379 : f32 to vector<16xf32>
        %parallel_loop3A_381 = arith.maximumf %parallel_loop3A_378, %parallel_loop3A_380 : vector<16xf32>
        %parallel_loop3A_382 = arith.index_cast %parallel_loop3A_335 : i32 to index
        %parallel_loop3A_383 = arith.constant 32 : index
        %parallel_loop3A_384 = tpu.vector_load %arg18[%parallel_loop3A_382, %parallel_loop3A_383] {strides = array<i32>} : memref<128x80xf32, #tpu.memory_space<vmem>>, vector<1x16xf32>,
        %parallel_loop3A_385 = vector.shape_cast %parallel_loop3A_384 : vector<1x16xf32> to vector<16xf32>
        %parallel_loop3A_386 = vector.shape_cast %parallel_loop3A_381 : vector<16xf32> to vector<1x16xf32>
        tpu.vector_store %arg18[%parallel_loop3A_382, %parallel_loop3A_383], %parallel_loop3A_386 {strides = array<i32>} : memref<128x80xf32, #tpu.memory_space<vmem>>, vector<1x16xf32>,
        %parallel_loop3A_387 = arith.index_cast %parallel_loop3A_335 : i32 to index
        %parallel_loop3A_388 = arith.constant 48 : index
        %parallel_loop3A_389 = tpu.vector_load %arg16[%parallel_loop3A_387, %parallel_loop3A_388] {strides = array<i32>} : memref<128x64xf32, #tpu.memory_space<vmem>>, vector<1x16xf32>,
        %parallel_loop3A_390 = vector.shape_cast %parallel_loop3A_389 : vector<1x16xf32> to vector<16xf32>
        %parallel_loop3A_391 = arith.index_cast %parallel_loop3A_333 : i32 to index
        %parallel_loop3A_392 = arith.constant 48 : index
        %parallel_loop3A_393 = tpu.vector_load %arg12[%parallel_loop3A_391, %parallel_loop3A_392] {strides = array<i32>} : memref<64x128xf32, #tpu.memory_space<vmem>>, vector<1x16xf32>,
        %parallel_loop3A_394 = vector.shape_cast %parallel_loop3A_393 : vector<1x16xf32> to vector<16xf32>
        %parallel_loop3A_395 = arith.addf %parallel_loop3A_390, %parallel_loop3A_394 : vector<16xf32>
        %parallel_loop3A_396 = arith.constant 0.000000e+00 : f32
        %parallel_loop3A_397 = vector.broadcast %parallel_loop3A_396 : f32 to vector<16xf32>
        %parallel_loop3A_398 = arith.maximumf %parallel_loop3A_395, %parallel_loop3A_397 : vector<16xf32>
        %parallel_loop3A_399 = arith.index_cast %parallel_loop3A_335 : i32 to index
        %parallel_loop3A_400 = arith.constant 48 : index
        %parallel_loop3A_401 = tpu.vector_load %arg18[%parallel_loop3A_399, %parallel_loop3A_400] {strides = array<i32>} : memref<128x80xf32, #tpu.memory_space<vmem>>, vector<1x16xf32>,
        %parallel_loop3A_402 = vector.shape_cast %parallel_loop3A_401 : vector<1x16xf32> to vector<16xf32>
        %parallel_loop3A_403 = vector.shape_cast %parallel_loop3A_398 : vector<16xf32> to vector<1x16xf32>
        tpu.vector_store %arg18[%parallel_loop3A_399, %parallel_loop3A_400], %parallel_loop3A_403 {strides = array<i32>} : memref<128x80xf32, #tpu.memory_space<vmem>>, vector<1x16xf32>,
        %parallel_loop3A_404 = arith.constant 64 : i32
        %parallel_loop3A_405 = arith.addi %parallel_loop3A_404, %parallel_loop3A_333 : i32
        %parallel_loop3A_406 = arith.index_cast %parallel_loop3A_405 : i32 to index
        %parallel_loop3A_407 = arith.constant 0 : index
        %parallel_loop3A_408 = tpu.vector_load %arg16[%parallel_loop3A_406, %parallel_loop3A_407] {strides = array<i32>} : memref<128x64xf32, #tpu.memory_space<vmem>>, vector<1x16xf32>,
        %parallel_loop3A_409 = vector.shape_cast %parallel_loop3A_408 : vector<1x16xf32> to vector<16xf32>
        %parallel_loop3A_410 = arith.index_cast %parallel_loop3A_333 : i32 to index
        %parallel_loop3A_411 = arith.constant 64 : index
        %parallel_loop3A_412 = tpu.vector_load %arg12[%parallel_loop3A_410, %parallel_loop3A_411] {strides = array<i32>} : memref<64x128xf32, #tpu.memory_space<vmem>>, vector<1x16xf32>,
        %parallel_loop3A_413 = vector.shape_cast %parallel_loop3A_412 : vector<1x16xf32> to vector<16xf32>
        %parallel_loop3A_414 = arith.addf %parallel_loop3A_409, %parallel_loop3A_413 : vector<16xf32>
        %parallel_loop3A_415 = arith.constant 0.000000e+00 : f32
        %parallel_loop3A_416 = vector.broadcast %parallel_loop3A_415 : f32 to vector<16xf32>
        %parallel_loop3A_417 = arith.maximumf %parallel_loop3A_414, %parallel_loop3A_416 : vector<16xf32>
        %parallel_loop3A_418 = arith.index_cast %parallel_loop3A_405 : i32 to index
        %parallel_loop3A_419 = arith.constant 0 : index
        %parallel_loop3A_420 = tpu.vector_load %arg18[%parallel_loop3A_418, %parallel_loop3A_419] {strides = array<i32>} : memref<128x80xf32, #tpu.memory_space<vmem>>, vector<1x16xf32>,
        %parallel_loop3A_421 = vector.shape_cast %parallel_loop3A_420 : vector<1x16xf32> to vector<16xf32>
        %parallel_loop3A_422 = vector.shape_cast %parallel_loop3A_417 : vector<16xf32> to vector<1x16xf32>
        tpu.vector_store %arg18[%parallel_loop3A_418, %parallel_loop3A_419], %parallel_loop3A_422 {strides = array<i32>} : memref<128x80xf32, #tpu.memory_space<vmem>>, vector<1x16xf32>,
        %parallel_loop3A_423 = arith.index_cast %parallel_loop3A_405 : i32 to index
        %parallel_loop3A_424 = arith.constant 16 : index
        %parallel_loop3A_425 = tpu.vector_load %arg16[%parallel_loop3A_423, %parallel_loop3A_424] {strides = array<i32>} : memref<128x64xf32, #tpu.memory_space<vmem>>, vector<1x16xf32>,
        %parallel_loop3A_426 = vector.shape_cast %parallel_loop3A_425 : vector<1x16xf32> to vector<16xf32>
        %parallel_loop3A_427 = arith.index_cast %parallel_loop3A_333 : i32 to index
        %parallel_loop3A_428 = arith.constant 80 : index
        %parallel_loop3A_429 = tpu.vector_load %arg12[%parallel_loop3A_427, %parallel_loop3A_428] {strides = array<i32>} : memref<64x128xf32, #tpu.memory_space<vmem>>, vector<1x16xf32>,
        %parallel_loop3A_430 = vector.shape_cast %parallel_loop3A_429 : vector<1x16xf32> to vector<16xf32>
        %parallel_loop3A_431 = arith.addf %parallel_loop3A_426, %parallel_loop3A_430 : vector<16xf32>
        %parallel_loop3A_432 = arith.constant 0.000000e+00 : f32
        %parallel_loop3A_433 = vector.broadcast %parallel_loop3A_432 : f32 to vector<16xf32>
        %parallel_loop3A_434 = arith.maximumf %parallel_loop3A_431, %parallel_loop3A_433 : vector<16xf32>
        %parallel_loop3A_435 = arith.index_cast %parallel_loop3A_405 : i32 to index
        %parallel_loop3A_436 = arith.constant 16 : index
        %parallel_loop3A_437 = tpu.vector_load %arg18[%parallel_loop3A_435, %parallel_loop3A_436] {strides = array<i32>} : memref<128x80xf32, #tpu.memory_space<vmem>>, vector<1x16xf32>,
        %parallel_loop3A_438 = vector.shape_cast %parallel_loop3A_437 : vector<1x16xf32> to vector<16xf32>
        %parallel_loop3A_439 = vector.shape_cast %parallel_loop3A_434 : vector<16xf32> to vector<1x16xf32>
        tpu.vector_store %arg18[%parallel_loop3A_435, %parallel_loop3A_436], %parallel_loop3A_439 {strides = array<i32>} : memref<128x80xf32, #tpu.memory_space<vmem>>, vector<1x16xf32>,
        %parallel_loop3A_440 = arith.index_cast %parallel_loop3A_405 : i32 to index
        %parallel_loop3A_441 = arith.constant 32 : index
        %parallel_loop3A_442 = tpu.vector_load %arg16[%parallel_loop3A_440, %parallel_loop3A_441] {strides = array<i32>} : memref<128x64xf32, #tpu.memory_space<vmem>>, vector<1x16xf32>,
        %parallel_loop3A_443 = vector.shape_cast %parallel_loop3A_442 : vector<1x16xf32> to vector<16xf32>
        %parallel_loop3A_444 = arith.index_cast %parallel_loop3A_333 : i32 to index
        %parallel_loop3A_445 = arith.constant 96 : index
        %parallel_loop3A_446 = tpu.vector_load %arg12[%parallel_loop3A_444, %parallel_loop3A_445] {strides = array<i32>} : memref<64x128xf32, #tpu.memory_space<vmem>>, vector<1x16xf32>,
        %parallel_loop3A_447 = vector.shape_cast %parallel_loop3A_446 : vector<1x16xf32> to vector<16xf32>
        %parallel_loop3A_448 = arith.addf %parallel_loop3A_443, %parallel_loop3A_447 : vector<16xf32>
        %parallel_loop3A_449 = arith.constant 0.000000e+00 : f32
        %parallel_loop3A_450 = vector.broadcast %parallel_loop3A_449 : f32 to vector<16xf32>
        %parallel_loop3A_451 = arith.maximumf %parallel_loop3A_448, %parallel_loop3A_450 : vector<16xf32>
        %parallel_loop3A_452 = arith.index_cast %parallel_loop3A_405 : i32 to index
        %parallel_loop3A_453 = arith.constant 32 : index
        %parallel_loop3A_454 = tpu.vector_load %arg18[%parallel_loop3A_452, %parallel_loop3A_453] {strides = array<i32>} : memref<128x80xf32, #tpu.memory_space<vmem>>, vector<1x16xf32>,
        %parallel_loop3A_455 = vector.shape_cast %parallel_loop3A_454 : vector<1x16xf32> to vector<16xf32>
        %parallel_loop3A_456 = vector.shape_cast %parallel_loop3A_451 : vector<16xf32> to vector<1x16xf32>
        tpu.vector_store %arg18[%parallel_loop3A_452, %parallel_loop3A_453], %parallel_loop3A_456 {strides = array<i32>} : memref<128x80xf32, #tpu.memory_space<vmem>>, vector<1x16xf32>,
        %parallel_loop3A_457 = arith.index_cast %parallel_loop3A_405 : i32 to index
        %parallel_loop3A_458 = arith.constant 48 : index
        %parallel_loop3A_459 = tpu.vector_load %arg16[%parallel_loop3A_457, %parallel_loop3A_458] {strides = array<i32>} : memref<128x64xf32, #tpu.memory_space<vmem>>, vector<1x16xf32>,
        %parallel_loop3A_460 = vector.shape_cast %parallel_loop3A_459 : vector<1x16xf32> to vector<16xf32>
        %parallel_loop3A_461 = arith.index_cast %parallel_loop3A_333 : i32 to index
        %parallel_loop3A_462 = arith.constant 112 : index
        %parallel_loop3A_463 = tpu.vector_load %arg12[%parallel_loop3A_461, %parallel_loop3A_462] {strides = array<i32>} : memref<64x128xf32, #tpu.memory_space<vmem>>, vector<1x16xf32>,
        %parallel_loop3A_464 = vector.shape_cast %parallel_loop3A_463 : vector<1x16xf32> to vector<16xf32>
        %parallel_loop3A_465 = arith.addf %parallel_loop3A_460, %parallel_loop3A_464 : vector<16xf32>
        %parallel_loop3A_466 = arith.constant 0.000000e+00 : f32
        %parallel_loop3A_467 = vector.broadcast %parallel_loop3A_466 : f32 to vector<16xf32>
        %parallel_loop3A_468 = arith.maximumf %parallel_loop3A_465, %parallel_loop3A_467 : vector<16xf32>
        %parallel_loop3A_469 = arith.index_cast %parallel_loop3A_405 : i32 to index
        %parallel_loop3A_470 = arith.constant 48 : index
        %parallel_loop3A_471 = tpu.vector_load %arg18[%parallel_loop3A_469, %parallel_loop3A_470] {strides = array<i32>} : memref<128x80xf32, #tpu.memory_space<vmem>>, vector<1x16xf32>,
        %parallel_loop3A_472 = vector.shape_cast %parallel_loop3A_471 : vector<1x16xf32> to vector<16xf32>
        %parallel_loop3A_473 = vector.shape_cast %parallel_loop3A_468 : vector<16xf32> to vector<1x16xf32>
        tpu.vector_store %arg18[%parallel_loop3A_469, %parallel_loop3A_470], %parallel_loop3A_473 {strides = array<i32>} : memref<128x80xf32, #tpu.memory_space<vmem>>, vector<1x16xf32>,
      } {sc.loop_unroll_factor = 4 : i64, sc.parallel_access}
      %dma_wait3A_268 = arith.constant 0 : i32
      %dma_wait3A_269 = tpu.memref_slice %arg5[%dma_wait3A_268] : memref<327680xi32, #tpu.memory_space<hbm>> -> memref<128xi32, #tpu.memory_space<hbm>>
      %dma_wait3A_270 = arith.constant 0 : i32
      %dma_wait3A_271 = tpu.memref_slice %arg5[%dma_wait3A_270] : memref<327680xi32, #tpu.memory_space<hbm>> -> memref<128xi32, #tpu.memory_space<hbm>>
      tpu.wait_dma2 semaphore(%arg36 : memref<!tpu.dma_semaphore, #tpu.memory_space<semaphore_mem>>) src(%dma_wait3A_271 : memref<128xi32, #tpu.memory_space<hbm>>) dst(%arg22 : memref<128xi32, #tpu.memory_space<vmem>>)
      %dma_start3A_272 = arith.constant 0 : i32
      %dma_start3A_273 = arith.constant 0 : i32
      %dma_start3A_274 = tpu.memref_slice %arg7[%dma_start3A_272, %dma_start3A_273] : memref<10240x80xf32, #tpu.memory_space<vmem_shared>> -> memref<10240x80xf32, #tpu.memory_space<vmem_shared>>
      tpu.enqueue_indirect_dma source(%arg18 : memref<128x80xf32, #tpu.memory_space<vmem>>) target(%dma_start3A_274 : memref<10240x80xf32, #tpu.memory_space<vmem_shared>>) offsets(%arg22 : memref<128xi32, #tpu.memory_space<vmem>>) semaphore(%arg40 : memref<!tpu.dma_semaphore, #tpu.memory_space<semaphore_mem>>) {add = true}
      %add3A_275 = arith.constant 3 : i32
      %add3A_276 = arith.addi %add3A_244, %add3A_275 : i32
      %lt3A_277 = arith.cmpi slt, %add3A_276, %select_n3A : i32
      %convert_element_type3A_278 = arith.extui %lt3A_277 : i1 to i32
      %cond3A_279 = arith.constant 0 : i32
      %cond3A_280 = arith.cmpi ne, %convert_element_type3A_278, %cond3A_279 : i32
      scf.if %cond3A_280 {
        %add3A_333 = arith.constant 3 : i32
        %add3A_334 = arith.addi %add3A_244, %add3A_333 : i32
        %mul3A_335 = arith.constant 128 : i32
        %mul3A_336 = arith.muli %add3A_334, %mul3A_335 : i32
        %add3A_337 = arith.addi %select_n3A_8, %mul3A_336 : i32
        %dma_start3A_338 = tpu.memref_slice %arg4[%add3A_337] : memref<327680xi32, #tpu.memory_space<hbm>> -> memref<128xi32, #tpu.memory_space<hbm>>
        %dma_start3A_339 = tpu.memref_slice %arg4[%add3A_337] : memref<327680xi32, #tpu.memory_space<hbm>> -> memref<128xi32, #tpu.memory_space<hbm>>
        tpu.enqueue_dma source(%dma_start3A_339 : memref<128xi32, #tpu.memory_space<hbm>>) target(%arg9 : memref<128xi32, #tpu.memory_space<vmem>>) target_semaphore(%arg25 : memref<!tpu.dma_semaphore, #tpu.memory_space<semaphore_mem>>)
      } else {
      }
      %add3A_281 = arith.constant 2 : i32
      %add3A_282 = arith.addi %add3A_244, %add3A_281 : i32
      %lt3A_283 = arith.cmpi slt, %add3A_282, %select_n3A : i32
      %convert_element_type3A_284 = arith.extui %lt3A_283 : i1 to i32
      %cond3A_285 = arith.constant 0 : i32
      %cond3A_286 = arith.cmpi ne, %convert_element_type3A_284, %cond3A_285 : i32
      scf.if %cond3A_286 {
        %add3A_333 = arith.constant 2 : i32
        %add3A_334 = arith.addi %add3A_244, %add3A_333 : i32
        %mul3A_335 = arith.constant 64 : i32
        %mul3A_336 = arith.muli %add3A_334, %mul3A_335 : i32
        %add3A_337 = arith.addi %select_n3A_62, %mul3A_336 : i32
        %dma_start3A_338 = arith.constant 0 : i32
        %dma_start3A_339 = tpu.memref_slice %arg3[%add3A_337, %dma_start3A_338] : memref<163840x128xf32, #tpu.memory_space<hbm>> -> memref<64x128xf32, #tpu.memory_space<hbm>>
        %dma_start3A_340 = arith.constant 0 : i32
        %dma_start3A_341 = tpu.memref_slice %arg3[%add3A_337, %dma_start3A_340] : memref<163840x128xf32, #tpu.memory_space<hbm>> -> memref<64x128xf32, #tpu.memory_space<hbm>>
        tpu.enqueue_dma source(%dma_start3A_341 : memref<64x128xf32, #tpu.memory_space<hbm>>) target(%arg12 : memref<64x128xf32, #tpu.memory_space<vmem>>) target_semaphore(%arg28 : memref<!tpu.dma_semaphore, #tpu.memory_space<semaphore_mem>>)
        %add3A_342 = arith.constant 2 : i32
        %add3A_343 = arith.addi %add3A_244, %add3A_342 : i32
        %mul3A_344 = arith.constant 128 : i32
        %mul3A_345 = arith.muli %add3A_343, %mul3A_344 : i32
        %add3A_346 = arith.addi %select_n3A_8, %mul3A_345 : i32
        %dma_start3A_347 = tpu.memref_slice %arg5[%add3A_346] : memref<327680xi32, #tpu.memory_space<hbm>> -> memref<128xi32, #tpu.memory_space<hbm>>
        %dma_start3A_348 = tpu.memref_slice %arg5[%add3A_346] : memref<327680xi32, #tpu.memory_space<hbm>> -> memref<128xi32, #tpu.memory_space<hbm>>
        tpu.enqueue_dma source(%dma_start3A_348 : memref<128xi32, #tpu.memory_space<hbm>>) target(%arg20 : memref<128xi32, #tpu.memory_space<vmem>>) target_semaphore(%arg34 : memref<!tpu.dma_semaphore, #tpu.memory_space<semaphore_mem>>)
      } else {
      }
      %mul3A_287 = arith.constant 4 : i32
      %mul3A_288 = arith.muli %mul3A_287, %while3A_153 : i32
      %add3A_289 = arith.constant 3 : i32
      %add3A_290 = arith.addi %mul3A_288, %add3A_289 : i32
      %dma_wait3A_291 = arith.constant 0 : i32
      %dma_wait3A_292 = arith.constant 0 : i32
      %dma_wait3A_293 = tpu.memref_slice %arg2[%dma_wait3A_291, %dma_wait3A_292] : memref<10240x64xf32, #tpu.memory_space<hbm>> -> memref<10240x64xf32, #tpu.memory_space<hbm>>
      tpu.wait_indirect_dma semaphore(%arg33 : memref<!tpu.dma_semaphore, #tpu.memory_space<semaphore_mem>>) src(%dma_wait3A_293 : memref<10240x64xf32, #tpu.memory_space<hbm>>) dst(%arg17 : memref<128x64xf32, #tpu.memory_space<vmem>>)
      %add3A_294 = arith.constant 2 : i32
      %add3A_295 = arith.addi %add3A_290, %add3A_294 : i32
      %lt3A_296 = arith.cmpi slt, %add3A_295, %select_n3A : i32
      %convert_element_type3A_297 = arith.extui %lt3A_296 : i1 to i32
      %cond3A_298 = arith.constant 0 : i32
      %cond3A_299 = arith.cmpi ne, %convert_element_type3A_297, %cond3A_298 : i32
      scf.if %cond3A_299 {
        %dma_wait3A_333 = arith.constant 0 : i32
        %dma_wait3A_334 = tpu.memref_slice %arg4[%dma_wait3A_333] : memref<327680xi32, #tpu.memory_space<hbm>> -> memref<128xi32, #tpu.memory_space<hbm>>
        %dma_wait3A_335 = arith.constant 0 : i32
        %dma_wait3A_336 = tpu.memref_slice %arg4[%dma_wait3A_335] : memref<327680xi32, #tpu.memory_space<hbm>> -> memref<128xi32, #tpu.memory_space<hbm>>
        tpu.wait_dma2 semaphore(%arg25 : memref<!tpu.dma_semaphore, #tpu.memory_space<semaphore_mem>>) src(%dma_wait3A_336 : memref<128xi32, #tpu.memory_space<hbm>>) dst(%arg9 : memref<128xi32, #tpu.memory_space<vmem>>)
        %dma_start3A_337 = arith.constant 0 : i32
        %dma_start3A_338 = arith.constant 0 : i32
        %dma_start3A_339 = tpu.memref_slice %arg2[%dma_start3A_337, %dma_start3A_338] : memref<10240x64xf32, #tpu.memory_space<hbm>> -> memref<10240x64xf32, #tpu.memory_space<hbm>>
        tpu.enqueue_indirect_dma source(%dma_start3A_339 : memref<10240x64xf32, #tpu.memory_space<hbm>>) target(%arg15 : memref<128x64xf32, #tpu.memory_space<vmem>>) offsets(%arg9 : memref<128xi32, #tpu.memory_space<vmem>>) semaphore(%arg31 : memref<!tpu.dma_semaphore, #tpu.memory_space<semaphore_mem>>)
      } else {
      }
      %ge3A_300 = arith.constant 2 : i32
      %ge3A_301 = arith.cmpi sge, %add3A_290, %ge3A_300 : i32
      %convert_element_type3A_302 = arith.extui %ge3A_301 : i1 to i32
      %cond3A_303 = arith.constant 0 : i32
      %cond3A_304 = arith.cmpi ne, %convert_element_type3A_302, %cond3A_303 : i32
      scf.if %cond3A_304 {
        %dma_wait3A_333 = arith.constant 0 : i32
        %dma_wait3A_334 = arith.constant 0 : i32
        %dma_wait3A_335 = tpu.memref_slice %arg7[%dma_wait3A_333, %dma_wait3A_334] : memref<10240x80xf32, #tpu.memory_space<vmem_shared>> -> memref<10240x80xf32, #tpu.memory_space<vmem_shared>>
        tpu.wait_indirect_dma semaphore(%arg39 : memref<!tpu.dma_semaphore, #tpu.memory_space<semaphore_mem>>) src(%arg19 : memref<128x80xf32, #tpu.memory_space<vmem>>) dst(%dma_wait3A_335 : memref<10240x80xf32, #tpu.memory_space<vmem_shared>>)
      } else {
      }
      %dma_wait3A_305 = arith.constant 0 : i32
      %dma_wait3A_306 = arith.constant 0 : i32
      %dma_wait3A_307 = tpu.memref_slice %arg3[%dma_wait3A_305, %dma_wait3A_306] : memref<163840x128xf32, #tpu.memory_space<hbm>> -> memref<64x128xf32, #tpu.memory_space<hbm>>
      %dma_wait3A_308 = arith.constant 0 : i32
      %dma_wait3A_309 = arith.constant 0 : i32
      %dma_wait3A_310 = tpu.memref_slice %arg3[%dma_wait3A_308, %dma_wait3A_309] : memref<163840x128xf32, #tpu.memory_space<hbm>> -> memref<64x128xf32, #tpu.memory_space<hbm>>
      tpu.wait_dma2 semaphore(%arg29 : memref<!tpu.dma_semaphore, #tpu.memory_space<semaphore_mem>>) src(%dma_wait3A_310 : memref<64x128xf32, #tpu.memory_space<hbm>>) dst(%arg13 : memref<64x128xf32, #tpu.memory_space<vmem>>)
      %parallel_loop3A_311 = arith.constant 0 : i32
      %parallel_loop3A_312 = arith.constant 64 : i32
      %parallel_loop3A_313 = arith.constant 1 : i32
      scf.for %parallel_loop3A_333 = %parallel_loop3A_311 to %parallel_loop3A_312 step %parallel_loop3A_313  : i32 {
        %parallel_loop3A_334 = arith.constant 0 : i32
        %parallel_loop3A_335 = arith.addi %parallel_loop3A_334, %parallel_loop3A_333 : i32
        %parallel_loop3A_336 = arith.index_cast %parallel_loop3A_335 : i32 to index
        %parallel_loop3A_337 = arith.constant 0 : index
        %parallel_loop3A_338 = tpu.vector_load %arg17[%parallel_loop3A_336, %parallel_loop3A_337] {strides = array<i32>} : memref<128x64xf32, #tpu.memory_space<vmem>>, vector<1x16xf32>,
        %parallel_loop3A_339 = vector.shape_cast %parallel_loop3A_338 : vector<1x16xf32> to vector<16xf32>
        %parallel_loop3A_340 = arith.index_cast %parallel_loop3A_333 : i32 to index
        %parallel_loop3A_341 = arith.constant 0 : index
        %parallel_loop3A_342 = tpu.vector_load %arg13[%parallel_loop3A_340, %parallel_loop3A_341] {strides = array<i32>} : memref<64x128xf32, #tpu.memory_space<vmem>>, vector<1x16xf32>,
        %parallel_loop3A_343 = vector.shape_cast %parallel_loop3A_342 : vector<1x16xf32> to vector<16xf32>
        %parallel_loop3A_344 = arith.addf %parallel_loop3A_339, %parallel_loop3A_343 : vector<16xf32>
        %parallel_loop3A_345 = arith.constant 0.000000e+00 : f32
        %parallel_loop3A_346 = vector.broadcast %parallel_loop3A_345 : f32 to vector<16xf32>
        %parallel_loop3A_347 = arith.maximumf %parallel_loop3A_344, %parallel_loop3A_346 : vector<16xf32>
        %parallel_loop3A_348 = arith.index_cast %parallel_loop3A_335 : i32 to index
        %parallel_loop3A_349 = arith.constant 0 : index
        %parallel_loop3A_350 = tpu.vector_load %arg19[%parallel_loop3A_348, %parallel_loop3A_349] {strides = array<i32>} : memref<128x80xf32, #tpu.memory_space<vmem>>, vector<1x16xf32>,
        %parallel_loop3A_351 = vector.shape_cast %parallel_loop3A_350 : vector<1x16xf32> to vector<16xf32>
        %parallel_loop3A_352 = vector.shape_cast %parallel_loop3A_347 : vector<16xf32> to vector<1x16xf32>
        tpu.vector_store %arg19[%parallel_loop3A_348, %parallel_loop3A_349], %parallel_loop3A_352 {strides = array<i32>} : memref<128x80xf32, #tpu.memory_space<vmem>>, vector<1x16xf32>,
        %parallel_loop3A_353 = arith.index_cast %parallel_loop3A_335 : i32 to index
        %parallel_loop3A_354 = arith.constant 16 : index
        %parallel_loop3A_355 = tpu.vector_load %arg17[%parallel_loop3A_353, %parallel_loop3A_354] {strides = array<i32>} : memref<128x64xf32, #tpu.memory_space<vmem>>, vector<1x16xf32>,
        %parallel_loop3A_356 = vector.shape_cast %parallel_loop3A_355 : vector<1x16xf32> to vector<16xf32>
        %parallel_loop3A_357 = arith.index_cast %parallel_loop3A_333 : i32 to index
        %parallel_loop3A_358 = arith.constant 16 : index
        %parallel_loop3A_359 = tpu.vector_load %arg13[%parallel_loop3A_357, %parallel_loop3A_358] {strides = array<i32>} : memref<64x128xf32, #tpu.memory_space<vmem>>, vector<1x16xf32>,
        %parallel_loop3A_360 = vector.shape_cast %parallel_loop3A_359 : vector<1x16xf32> to vector<16xf32>
        %parallel_loop3A_361 = arith.addf %parallel_loop3A_356, %parallel_loop3A_360 : vector<16xf32>
        %parallel_loop3A_362 = arith.constant 0.000000e+00 : f32
        %parallel_loop3A_363 = vector.broadcast %parallel_loop3A_362 : f32 to vector<16xf32>
        %parallel_loop3A_364 = arith.maximumf %parallel_loop3A_361, %parallel_loop3A_363 : vector<16xf32>
        %parallel_loop3A_365 = arith.index_cast %parallel_loop3A_335 : i32 to index
        %parallel_loop3A_366 = arith.constant 16 : index
        %parallel_loop3A_367 = tpu.vector_load %arg19[%parallel_loop3A_365, %parallel_loop3A_366] {strides = array<i32>} : memref<128x80xf32, #tpu.memory_space<vmem>>, vector<1x16xf32>,
        %parallel_loop3A_368 = vector.shape_cast %parallel_loop3A_367 : vector<1x16xf32> to vector<16xf32>
        %parallel_loop3A_369 = vector.shape_cast %parallel_loop3A_364 : vector<16xf32> to vector<1x16xf32>
        tpu.vector_store %arg19[%parallel_loop3A_365, %parallel_loop3A_366], %parallel_loop3A_369 {strides = array<i32>} : memref<128x80xf32, #tpu.memory_space<vmem>>, vector<1x16xf32>,
        %parallel_loop3A_370 = arith.index_cast %parallel_loop3A_335 : i32 to index
        %parallel_loop3A_371 = arith.constant 32 : index
        %parallel_loop3A_372 = tpu.vector_load %arg17[%parallel_loop3A_370, %parallel_loop3A_371] {strides = array<i32>} : memref<128x64xf32, #tpu.memory_space<vmem>>, vector<1x16xf32>,
        %parallel_loop3A_373 = vector.shape_cast %parallel_loop3A_372 : vector<1x16xf32> to vector<16xf32>
        %parallel_loop3A_374 = arith.index_cast %parallel_loop3A_333 : i32 to index
        %parallel_loop3A_375 = arith.constant 32 : index
        %parallel_loop3A_376 = tpu.vector_load %arg13[%parallel_loop3A_374, %parallel_loop3A_375] {strides = array<i32>} : memref<64x128xf32, #tpu.memory_space<vmem>>, vector<1x16xf32>,
        %parallel_loop3A_377 = vector.shape_cast %parallel_loop3A_376 : vector<1x16xf32> to vector<16xf32>
        %parallel_loop3A_378 = arith.addf %parallel_loop3A_373, %parallel_loop3A_377 : vector<16xf32>
        %parallel_loop3A_379 = arith.constant 0.000000e+00 : f32
        %parallel_loop3A_380 = vector.broadcast %parallel_loop3A_379 : f32 to vector<16xf32>
        %parallel_loop3A_381 = arith.maximumf %parallel_loop3A_378, %parallel_loop3A_380 : vector<16xf32>
        %parallel_loop3A_382 = arith.index_cast %parallel_loop3A_335 : i32 to index
        %parallel_loop3A_383 = arith.constant 32 : index
        %parallel_loop3A_384 = tpu.vector_load %arg19[%parallel_loop3A_382, %parallel_loop3A_383] {strides = array<i32>} : memref<128x80xf32, #tpu.memory_space<vmem>>, vector<1x16xf32>,
        %parallel_loop3A_385 = vector.shape_cast %parallel_loop3A_384 : vector<1x16xf32> to vector<16xf32>
        %parallel_loop3A_386 = vector.shape_cast %parallel_loop3A_381 : vector<16xf32> to vector<1x16xf32>
        tpu.vector_store %arg19[%parallel_loop3A_382, %parallel_loop3A_383], %parallel_loop3A_386 {strides = array<i32>} : memref<128x80xf32, #tpu.memory_space<vmem>>, vector<1x16xf32>,
        %parallel_loop3A_387 = arith.index_cast %parallel_loop3A_335 : i32 to index
        %parallel_loop3A_388 = arith.constant 48 : index
        %parallel_loop3A_389 = tpu.vector_load %arg17[%parallel_loop3A_387, %parallel_loop3A_388] {strides = array<i32>} : memref<128x64xf32, #tpu.memory_space<vmem>>, vector<1x16xf32>,
        %parallel_loop3A_390 = vector.shape_cast %parallel_loop3A_389 : vector<1x16xf32> to vector<16xf32>
        %parallel_loop3A_391 = arith.index_cast %parallel_loop3A_333 : i32 to index
        %parallel_loop3A_392 = arith.constant 48 : index
        %parallel_loop3A_393 = tpu.vector_load %arg13[%parallel_loop3A_391, %parallel_loop3A_392] {strides = array<i32>} : memref<64x128xf32, #tpu.memory_space<vmem>>, vector<1x16xf32>,
        %parallel_loop3A_394 = vector.shape_cast %parallel_loop3A_393 : vector<1x16xf32> to vector<16xf32>
        %parallel_loop3A_395 = arith.addf %parallel_loop3A_390, %parallel_loop3A_394 : vector<16xf32>
        %parallel_loop3A_396 = arith.constant 0.000000e+00 : f32
        %parallel_loop3A_397 = vector.broadcast %parallel_loop3A_396 : f32 to vector<16xf32>
        %parallel_loop3A_398 = arith.maximumf %parallel_loop3A_395, %parallel_loop3A_397 : vector<16xf32>
        %parallel_loop3A_399 = arith.index_cast %parallel_loop3A_335 : i32 to index
        %parallel_loop3A_400 = arith.constant 48 : index
        %parallel_loop3A_401 = tpu.vector_load %arg19[%parallel_loop3A_399, %parallel_loop3A_400] {strides = array<i32>} : memref<128x80xf32, #tpu.memory_space<vmem>>, vector<1x16xf32>,
        %parallel_loop3A_402 = vector.shape_cast %parallel_loop3A_401 : vector<1x16xf32> to vector<16xf32>
        %parallel_loop3A_403 = vector.shape_cast %parallel_loop3A_398 : vector<16xf32> to vector<1x16xf32>
        tpu.vector_store %arg19[%parallel_loop3A_399, %parallel_loop3A_400], %parallel_loop3A_403 {strides = array<i32>} : memref<128x80xf32, #tpu.memory_space<vmem>>, vector<1x16xf32>,
        %parallel_loop3A_404 = arith.constant 64 : i32
        %parallel_loop3A_405 = arith.addi %parallel_loop3A_404, %parallel_loop3A_333 : i32
        %parallel_loop3A_406 = arith.index_cast %parallel_loop3A_405 : i32 to index
        %parallel_loop3A_407 = arith.constant 0 : index
        %parallel_loop3A_408 = tpu.vector_load %arg17[%parallel_loop3A_406, %parallel_loop3A_407] {strides = array<i32>} : memref<128x64xf32, #tpu.memory_space<vmem>>, vector<1x16xf32>,
        %parallel_loop3A_409 = vector.shape_cast %parallel_loop3A_408 : vector<1x16xf32> to vector<16xf32>
        %parallel_loop3A_410 = arith.index_cast %parallel_loop3A_333 : i32 to index
        %parallel_loop3A_411 = arith.constant 64 : index
        %parallel_loop3A_412 = tpu.vector_load %arg13[%parallel_loop3A_410, %parallel_loop3A_411] {strides = array<i32>} : memref<64x128xf32, #tpu.memory_space<vmem>>, vector<1x16xf32>,
        %parallel_loop3A_413 = vector.shape_cast %parallel_loop3A_412 : vector<1x16xf32> to vector<16xf32>
        %parallel_loop3A_414 = arith.addf %parallel_loop3A_409, %parallel_loop3A_413 : vector<16xf32>
        %parallel_loop3A_415 = arith.constant 0.000000e+00 : f32
        %parallel_loop3A_416 = vector.broadcast %parallel_loop3A_415 : f32 to vector<16xf32>
        %parallel_loop3A_417 = arith.maximumf %parallel_loop3A_414, %parallel_loop3A_416 : vector<16xf32>
        %parallel_loop3A_418 = arith.index_cast %parallel_loop3A_405 : i32 to index
        %parallel_loop3A_419 = arith.constant 0 : index
        %parallel_loop3A_420 = tpu.vector_load %arg19[%parallel_loop3A_418, %parallel_loop3A_419] {strides = array<i32>} : memref<128x80xf32, #tpu.memory_space<vmem>>, vector<1x16xf32>,
        %parallel_loop3A_421 = vector.shape_cast %parallel_loop3A_420 : vector<1x16xf32> to vector<16xf32>
        %parallel_loop3A_422 = vector.shape_cast %parallel_loop3A_417 : vector<16xf32> to vector<1x16xf32>
        tpu.vector_store %arg19[%parallel_loop3A_418, %parallel_loop3A_419], %parallel_loop3A_422 {strides = array<i32>} : memref<128x80xf32, #tpu.memory_space<vmem>>, vector<1x16xf32>,
        %parallel_loop3A_423 = arith.index_cast %parallel_loop3A_405 : i32 to index
        %parallel_loop3A_424 = arith.constant 16 : index
        %parallel_loop3A_425 = tpu.vector_load %arg17[%parallel_loop3A_423, %parallel_loop3A_424] {strides = array<i32>} : memref<128x64xf32, #tpu.memory_space<vmem>>, vector<1x16xf32>,
        %parallel_loop3A_426 = vector.shape_cast %parallel_loop3A_425 : vector<1x16xf32> to vector<16xf32>
        %parallel_loop3A_427 = arith.index_cast %parallel_loop3A_333 : i32 to index
        %parallel_loop3A_428 = arith.constant 80 : index
        %parallel_loop3A_429 = tpu.vector_load %arg13[%parallel_loop3A_427, %parallel_loop3A_428] {strides = array<i32>} : memref<64x128xf32, #tpu.memory_space<vmem>>, vector<1x16xf32>,
        %parallel_loop3A_430 = vector.shape_cast %parallel_loop3A_429 : vector<1x16xf32> to vector<16xf32>
        %parallel_loop3A_431 = arith.addf %parallel_loop3A_426, %parallel_loop3A_430 : vector<16xf32>
        %parallel_loop3A_432 = arith.constant 0.000000e+00 : f32
        %parallel_loop3A_433 = vector.broadcast %parallel_loop3A_432 : f32 to vector<16xf32>
        %parallel_loop3A_434 = arith.maximumf %parallel_loop3A_431, %parallel_loop3A_433 : vector<16xf32>
        %parallel_loop3A_435 = arith.index_cast %parallel_loop3A_405 : i32 to index
        %parallel_loop3A_436 = arith.constant 16 : index
        %parallel_loop3A_437 = tpu.vector_load %arg19[%parallel_loop3A_435, %parallel_loop3A_436] {strides = array<i32>} : memref<128x80xf32, #tpu.memory_space<vmem>>, vector<1x16xf32>,
        %parallel_loop3A_438 = vector.shape_cast %parallel_loop3A_437 : vector<1x16xf32> to vector<16xf32>
        %parallel_loop3A_439 = vector.shape_cast %parallel_loop3A_434 : vector<16xf32> to vector<1x16xf32>
        tpu.vector_store %arg19[%parallel_loop3A_435, %parallel_loop3A_436], %parallel_loop3A_439 {strides = array<i32>} : memref<128x80xf32, #tpu.memory_space<vmem>>, vector<1x16xf32>,
        %parallel_loop3A_440 = arith.index_cast %parallel_loop3A_405 : i32 to index
        %parallel_loop3A_441 = arith.constant 32 : index
        %parallel_loop3A_442 = tpu.vector_load %arg17[%parallel_loop3A_440, %parallel_loop3A_441] {strides = array<i32>} : memref<128x64xf32, #tpu.memory_space<vmem>>, vector<1x16xf32>,
        %parallel_loop3A_443 = vector.shape_cast %parallel_loop3A_442 : vector<1x16xf32> to vector<16xf32>
        %parallel_loop3A_444 = arith.index_cast %parallel_loop3A_333 : i32 to index
        %parallel_loop3A_445 = arith.constant 96 : index
        %parallel_loop3A_446 = tpu.vector_load %arg13[%parallel_loop3A_444, %parallel_loop3A_445] {strides = array<i32>} : memref<64x128xf32, #tpu.memory_space<vmem>>, vector<1x16xf32>,
        %parallel_loop3A_447 = vector.shape_cast %parallel_loop3A_446 : vector<1x16xf32> to vector<16xf32>
        %parallel_loop3A_448 = arith.addf %parallel_loop3A_443, %parallel_loop3A_447 : vector<16xf32>
        %parallel_loop3A_449 = arith.constant 0.000000e+00 : f32
        %parallel_loop3A_450 = vector.broadcast %parallel_loop3A_449 : f32 to vector<16xf32>
        %parallel_loop3A_451 = arith.maximumf %parallel_loop3A_448, %parallel_loop3A_450 : vector<16xf32>
        %parallel_loop3A_452 = arith.index_cast %parallel_loop3A_405 : i32 to index
        %parallel_loop3A_453 = arith.constant 32 : index
        %parallel_loop3A_454 = tpu.vector_load %arg19[%parallel_loop3A_452, %parallel_loop3A_453] {strides = array<i32>} : memref<128x80xf32, #tpu.memory_space<vmem>>, vector<1x16xf32>,
        %parallel_loop3A_455 = vector.shape_cast %parallel_loop3A_454 : vector<1x16xf32> to vector<16xf32>
        %parallel_loop3A_456 = vector.shape_cast %parallel_loop3A_451 : vector<16xf32> to vector<1x16xf32>
        tpu.vector_store %arg19[%parallel_loop3A_452, %parallel_loop3A_453], %parallel_loop3A_456 {strides = array<i32>} : memref<128x80xf32, #tpu.memory_space<vmem>>, vector<1x16xf32>,
        %parallel_loop3A_457 = arith.index_cast %parallel_loop3A_405 : i32 to index
        %parallel_loop3A_458 = arith.constant 48 : index
        %parallel_loop3A_459 = tpu.vector_load %arg17[%parallel_loop3A_457, %parallel_loop3A_458] {strides = array<i32>} : memref<128x64xf32, #tpu.memory_space<vmem>>, vector<1x16xf32>,
        %parallel_loop3A_460 = vector.shape_cast %parallel_loop3A_459 : vector<1x16xf32> to vector<16xf32>
        %parallel_loop3A_461 = arith.index_cast %parallel_loop3A_333 : i32 to index
        %parallel_loop3A_462 = arith.constant 112 : index
        %parallel_loop3A_463 = tpu.vector_load %arg13[%parallel_loop3A_461, %parallel_loop3A_462] {strides = array<i32>} : memref<64x128xf32, #tpu.memory_space<vmem>>, vector<1x16xf32>,
        %parallel_loop3A_464 = vector.shape_cast %parallel_loop3A_463 : vector<1x16xf32> to vector<16xf32>
        %parallel_loop3A_465 = arith.addf %parallel_loop3A_460, %parallel_loop3A_464 : vector<16xf32>
        %parallel_loop3A_466 = arith.constant 0.000000e+00 : f32
        %parallel_loop3A_467 = vector.broadcast %parallel_loop3A_466 : f32 to vector<16xf32>
        %parallel_loop3A_468 = arith.maximumf %parallel_loop3A_465, %parallel_loop3A_467 : vector<16xf32>
        %parallel_loop3A_469 = arith.index_cast %parallel_loop3A_405 : i32 to index
        %parallel_loop3A_470 = arith.constant 48 : index
        %parallel_loop3A_471 = tpu.vector_load %arg19[%parallel_loop3A_469, %parallel_loop3A_470] {strides = array<i32>} : memref<128x80xf32, #tpu.memory_space<vmem>>, vector<1x16xf32>,
        %parallel_loop3A_472 = vector.shape_cast %parallel_loop3A_471 : vector<1x16xf32> to vector<16xf32>
        %parallel_loop3A_473 = vector.shape_cast %parallel_loop3A_468 : vector<16xf32> to vector<1x16xf32>
        tpu.vector_store %arg19[%parallel_loop3A_469, %parallel_loop3A_470], %parallel_loop3A_473 {strides = array<i32>} : memref<128x80xf32, #tpu.memory_space<vmem>>, vector<1x16xf32>,
      } {sc.loop_unroll_factor = 4 : i64, sc.parallel_access}
      %dma_wait3A_314 = arith.constant 0 : i32
      %dma_wait3A_315 = tpu.memref_slice %arg5[%dma_wait3A_314] : memref<327680xi32, #tpu.memory_space<hbm>> -> memref<128xi32, #tpu.memory_space<hbm>>
      %dma_wait3A_316 = arith.constant 0 : i32
      %dma_wait3A_317 = tpu.memref_slice %arg5[%dma_wait3A_316] : memref<327680xi32, #tpu.memory_space<hbm>> -> memref<128xi32, #tpu.memory_space<hbm>>
      tpu.wait_dma2 semaphore(%arg37 : memref<!tpu.dma_semaphore, #tpu.memory_space<semaphore_mem>>) src(%dma_wait3A_317 : memref<128xi32, #tpu.memory_space<hbm>>) dst(%arg23 : memref<128xi32, #tpu.memory_space<vmem>>)
      %dma_start3A_318 = arith.constant 0 : i32
      %dma_start3A_319 = arith.constant 0 : i32
      %dma_start3A_320 = tpu.memref_slice %arg7[%dma_start3A_318, %dma_start3A_319] : memref<10240x80xf32, #tpu.memory_space<vmem_shared>> -> memref<10240x80xf32, #tpu.memory_space<vmem_shared>>
      tpu.enqueue_indirect_dma source(%arg19 : memref<128x80xf32, #tpu.memory_space<vmem>>) target(%dma_start3A_320 : memref<10240x80xf32, #tpu.memory_space<vmem_shared>>) offsets(%arg23 : memref<128xi32, #tpu.memory_space<vmem>>) semaphore(%arg41 : memref<!tpu.dma_semaphore, #tpu.memory_space<semaphore_mem>>) {add = true}
      %add3A_321 = arith.constant 3 : i32
      %add3A_322 = arith.addi %add3A_290, %add3A_321 : i32
      %lt3A_323 = arith.cmpi slt, %add3A_322, %select_n3A : i32
      %convert_element_type3A_324 = arith.extui %lt3A_323 : i1 to i32
      %cond3A_325 = arith.constant 0 : i32
      %cond3A_326 = arith.cmpi ne, %convert_element_type3A_324, %cond3A_325 : i32
      scf.if %cond3A_326 {
        %add3A_333 = arith.constant 3 : i32
        %add3A_334 = arith.addi %add3A_290, %add3A_333 : i32
        %mul3A_335 = arith.constant 128 : i32
        %mul3A_336 = arith.muli %add3A_334, %mul3A_335 : i32
        %add3A_337 = arith.addi %select_n3A_8, %mul3A_336 : i32
        %dma_start3A_338 = tpu.memref_slice %arg4[%add3A_337] : memref<327680xi32, #tpu.memory_space<hbm>> -> memref<128xi32, #tpu.memory_space<hbm>>
        %dma_start3A_339 = tpu.memref_slice %arg4[%add3A_337] : memref<327680xi32, #tpu.memory_space<hbm>> -> memref<128xi32, #tpu.memory_space<hbm>>
        tpu.enqueue_dma source(%dma_start3A_339 : memref<128xi32, #tpu.memory_space<hbm>>) target(%arg10 : memref<128xi32, #tpu.memory_space<vmem>>) target_semaphore(%arg26 : memref<!tpu.dma_semaphore, #tpu.memory_space<semaphore_mem>>)
      } else {
      }
      %add3A_327 = arith.constant 2 : i32
      %add3A_328 = arith.addi %add3A_290, %add3A_327 : i32
      %lt3A_329 = arith.cmpi slt, %add3A_328, %select_n3A : i32
      %convert_element_type3A_330 = arith.extui %lt3A_329 : i1 to i32
      %cond3A_331 = arith.constant 0 : i32
      %cond3A_332 = arith.cmpi ne, %convert_element_type3A_330, %cond3A_331 : i32
      scf.if %cond3A_332 {
        %add3A_333 = arith.constant 2 : i32
        %add3A_334 = arith.addi %add3A_290, %add3A_333 : i32
        %mul3A_335 = arith.constant 64 : i32
        %mul3A_336 = arith.muli %add3A_334, %mul3A_335 : i32
        %add3A_337 = arith.addi %select_n3A_62, %mul3A_336 : i32
        %dma_start3A_338 = arith.constant 0 : i32
        %dma_start3A_339 = tpu.memref_slice %arg3[%add3A_337, %dma_start3A_338] : memref<163840x128xf32, #tpu.memory_space<hbm>> -> memref<64x128xf32, #tpu.memory_space<hbm>>
        %dma_start3A_340 = arith.constant 0 : i32
        %dma_start3A_341 = tpu.memref_slice %arg3[%add3A_337, %dma_start3A_340] : memref<163840x128xf32, #tpu.memory_space<hbm>> -> memref<64x128xf32, #tpu.memory_space<hbm>>
        tpu.enqueue_dma source(%dma_start3A_341 : memref<64x128xf32, #tpu.memory_space<hbm>>) target(%arg13 : memref<64x128xf32, #tpu.memory_space<vmem>>) target_semaphore(%arg29 : memref<!tpu.dma_semaphore, #tpu.memory_space<semaphore_mem>>)
        %add3A_342 = arith.constant 2 : i32
        %add3A_343 = arith.addi %add3A_290, %add3A_342 : i32
        %mul3A_344 = arith.constant 128 : i32
        %mul3A_345 = arith.muli %add3A_343, %mul3A_344 : i32
        %add3A_346 = arith.addi %select_n3A_8, %mul3A_345 : i32
        %dma_start3A_347 = tpu.memref_slice %arg5[%add3A_346] : memref<327680xi32, #tpu.memory_space<hbm>> -> memref<128xi32, #tpu.memory_space<hbm>>
        %dma_start3A_348 = tpu.memref_slice %arg5[%add3A_346] : memref<327680xi32, #tpu.memory_space<hbm>> -> memref<128xi32, #tpu.memory_space<hbm>>
        tpu.enqueue_dma source(%dma_start3A_348 : memref<128xi32, #tpu.memory_space<hbm>>) target(%arg21 : memref<128xi32, #tpu.memory_space<vmem>>) target_semaphore(%arg35 : memref<!tpu.dma_semaphore, #tpu.memory_space<semaphore_mem>>)
      } else {
      }
    }
    %dma_wait3A_139 = arith.constant 0 : i32
    %dma_wait3A_140 = arith.constant 0 : i32
    %dma_wait3A_141 = tpu.memref_slice %arg7[%dma_wait3A_139, %dma_wait3A_140] : memref<10240x80xf32, #tpu.memory_space<vmem_shared>> -> memref<10240x80xf32, #tpu.memory_space<vmem_shared>>
    tpu.wait_indirect_dma semaphore(%arg40 : memref<!tpu.dma_semaphore, #tpu.memory_space<semaphore_mem>>) src(%arg18 : memref<128x80xf32, #tpu.memory_space<vmem>>) dst(%dma_wait3A_141 : memref<10240x80xf32, #tpu.memory_space<vmem_shared>>)
    %dma_wait3A_142 = arith.constant 0 : i32
    %dma_wait3A_143 = arith.constant 0 : i32
    %dma_wait3A_144 = tpu.memref_slice %arg7[%dma_wait3A_142, %dma_wait3A_143] : memref<10240x80xf32, #tpu.memory_space<vmem_shared>> -> memref<10240x80xf32, #tpu.memory_space<vmem_shared>>
    tpu.wait_indirect_dma semaphore(%arg41 : memref<!tpu.dma_semaphore, #tpu.memory_space<semaphore_mem>>) src(%arg19 : memref<128x80xf32, #tpu.memory_space<vmem>>) dst(%dma_wait3A_144 : memref<10240x80xf32, #tpu.memory_space<vmem_shared>>)
    %barrier3A_145 = arith.constant 0 : index
    tpu.barrier barrier_id(%barrier3A_145)
    %mul3A_146 = arith.constant 10240 : i32
    %mul3A_147 = arith.muli %arg0, %mul3A_146 : i32
    %mul3A_148 = arith.constant 640 : i32
    %mul3A_149 = arith.muli %arg1, %mul3A_148 : i32
    %add3A_150 = arith.addi %mul3A_147, %mul3A_149 : i32
    %mul3A_151 = arith.constant 640 : i32
    %mul3A_152 = arith.muli %arg1, %mul3A_151 : i32
    "tpu.region"() ({
      %run_scoped3A = tpu.sem_alloc : memref<!tpu.dma_semaphore, #tpu.memory_space<semaphore_mem>>
      %dma_start3A_153 = arith.constant 0 : i32
      %dma_start3A_154 = tpu.memref_slice %arg6[%add3A_150, %dma_start3A_153] : memref<20480x80xf32, #tpu.memory_space<hbm>> -> memref<640x80xf32, #tpu.memory_space<hbm>>
      %dma_start3A_155 = arith.constant 0 : i32
      %dma_start3A_156 = tpu.memref_slice %arg7[%mul3A_152, %dma_start3A_155] : memref<10240x80xf32, #tpu.memory_space<vmem_shared>> -> memref<640x80xf32, #tpu.memory_space<vmem_shared>>
      tpu.enqueue_dma source(%dma_start3A_156 : memref<640x80xf32, #tpu.memory_space<vmem_shared>>) target(%dma_start3A_154 : memref<640x80xf32, #tpu.memory_space<hbm>>) target_semaphore(%run_scoped3A : memref<!tpu.dma_semaphore, #tpu.memory_space<semaphore_mem>>)
      %dma_wait3A_157 = arith.constant 0 : i32
      %dma_wait3A_158 = tpu.memref_slice %arg6[%add3A_150, %dma_wait3A_157] : memref<20480x80xf32, #tpu.memory_space<hbm>> -> memref<640x80xf32, #tpu.memory_space<hbm>>
      %dma_wait3A_159 = arith.constant 0 : i32
      %dma_wait3A_160 = tpu.memref_slice %arg7[%mul3A_152, %dma_wait3A_159] : memref<10240x80xf32, #tpu.memory_space<vmem_shared>> -> memref<640x80xf32, #tpu.memory_space<vmem_shared>>
      tpu.wait_dma2 semaphore(%run_scoped3A : memref<!tpu.dma_semaphore, #tpu.memory_space<semaphore_mem>>) src(%dma_wait3A_160 : memref<640x80xf32, #tpu.memory_space<vmem_shared>>) dst(%dma_wait3A_158 : memref<640x80xf32, #tpu.memory_space<hbm>>)
      tpu.yield
    }) : () -> ()
    return
  }
}

module attributes {stable_mosaic.version = 14 : i64} {
  func.func @_xa_body(%arg0: memref<10240x128xf32, #tpu.memory_space<vmem>>, %arg1: memref<128x64xf32, #tpu.memory_space<vmem>>, %arg2: memref<10240x64xf32, #tpu.memory_space<vmem>>) attributes {dimension_semantics = [], scalar_prefetch = 0 : i64, scratch_operands = 0 : i64, tpu.core_type = #tpu.core_type<tc>} {
    %get3A = arith.constant 0 : index
    %get3A_0 = arith.constant 0 : index
    %get3A_1 = vector.load %arg0[%get3A, %get3A_0] : memref<10240x128xf32, #tpu.memory_space<vmem>>, vector<10240x128xf32>
    %get3A_2 = arith.constant 0 : index
    %get3A_3 = arith.constant 0 : index
    %get3A_4 = vector.load %arg1[%get3A_2, %get3A_3] : memref<128x64xf32, #tpu.memory_space<vmem>>, vector<128x64xf32>
    %dot_general3A = arith.constant dense<0.000000e+00> : vector<10240x64xf32>
    %dot_general3A_5 = tpu.matmul %get3A_1, %get3A_4, %dot_general3A {dimension_numbers = #tpu.dot_dimension_numbers<[1], [0], [0], [1], [0, 0, 1, 1], [], []>, transpose_lhs_hint = false} : vector<10240x128xf32>, vector<128x64xf32>, vector<10240x64xf32> -> vector<10240x64xf32>
    %swap3A = arith.constant 0 : index
    %swap3A_6 = arith.constant 0 : index
    %swap3A_7 = vector.load %arg2[%swap3A, %swap3A_6] : memref<10240x64xf32, #tpu.memory_space<vmem>>, vector<10240x64xf32>
    tpu.vector_store %arg2[%swap3A, %swap3A_6], %dot_general3A_5 {strides = array<i32>} : memref<10240x64xf32, #tpu.memory_space<vmem>>, vector<10240x64xf32>,
    return
  }
}

module attributes {stable_mosaic.version = 14 : i64} {
  func.func @_ea_body(%arg0: i32, %arg1: memref<16x4096xf32, #tpu.memory_space<vmem>>, %arg2: memref<16x64xf32, #tpu.memory_space<vmem>>, %arg3: memref<1x64xf32, #tpu.memory_space<vmem>>, %arg4: memref<2048x128xf32, #tpu.memory_space<vmem>>) attributes {dimension_semantics = [#tpu.dimension_semantics<arbitrary>], iteration_bounds = array<i64: 80>, scalar_prefetch = 0 : i64, scratch_operands = 0 : i64, tpu.core_type = #tpu.core_type<tc>, window_params = [{transform_indices = @transform_0, window_bounds = array<i64: 16, 4096>}, {pipeline_mode = #tpu.pipeline_mode<synchronous>, transform_indices = @transform_1, window_bounds = array<i64: 16, 64>}, {pipeline_mode = #tpu.pipeline_mode<synchronous>, transform_indices = @transform_2, window_bounds = array<i64: 1, 64>}, {transform_indices = @transform_3, window_bounds = array<i64: 2048, 128>}]} {
    %get3A = arith.constant 0 : index
    %get3A_0 = arith.constant 0 : index
    %get3A_1 = vector.load %arg1[%get3A, %get3A_0] : memref<16x4096xf32, #tpu.memory_space<vmem>>, vector<16x4096xf32>
    %transpose3A = tpu.transpose %get3A_1, [1, 0] : vector<16x4096xf32> -> vector<4096x16xf32>
    %get3A_2 = arith.constant 0 : index
    %get3A_3 = arith.constant 0 : index
    %get3A_4 = vector.load %arg2[%get3A_2, %get3A_3] : memref<16x64xf32, #tpu.memory_space<vmem>>, vector<16x64xf32>
    %dot_general3A = arith.constant dense<0.000000e+00> : vector<4096x64xf32>
    %dot_general3A_5 = tpu.matmul %transpose3A, %get3A_4, %dot_general3A {dimension_numbers = #tpu.dot_dimension_numbers<[1], [0], [0], [1], [0, 0, 1, 1], [], []>, transpose_lhs_hint = false} : vector<4096x16xf32>, vector<16x64xf32>, vector<4096x64xf32> -> vector<4096x64xf32>
    %get3A_6 = arith.constant 0 : index
    %get3A_7 = arith.constant 0 : index
    %get3A_8 = vector.load %arg3[%get3A_6, %get3A_7] : memref<1x64xf32, #tpu.memory_space<vmem>>, vector<1x64xf32>
    %add3A = vector.broadcast %get3A_8 : vector<1x64xf32> to vector<4096x64xf32>
    %add3A_9 = arith.addf %dot_general3A_5, %add3A : vector<4096x64xf32>
    %reshape3A = vector.shape_cast %add3A_9 : vector<4096x64xf32> to vector<32x2x64x64xf32>
    %slice3A = vector.extract_strided_slice %reshape3A {offsets = [0, 0, 0, 0], sizes = [32, 1, 64, 64], strides = [1, 1, 1, 1]} : vector<32x2x64x64xf32> to vector<32x1x64x64xf32>
    %squeeze3A = vector.shape_cast %slice3A : vector<32x1x64x64xf32> to vector<32x64x64xf32>
    %slice3A_10 = vector.extract_strided_slice %reshape3A {offsets = [0, 1, 0, 0], sizes = [32, 1, 64, 64], strides = [1, 1, 1, 1]} : vector<32x2x64x64xf32> to vector<32x1x64x64xf32>
    %squeeze3A_11 = vector.shape_cast %slice3A_10 : vector<32x1x64x64xf32> to vector<32x64x64xf32>
    %concatenate3A = tpu.concatenate %squeeze3A, %squeeze3A_11 in 2 : vector<32x64x64xf32>, vector<32x64x64xf32> -> vector<32x64x128xf32>
    %reshape3A_12 = vector.shape_cast %concatenate3A : vector<32x64x128xf32> to vector<2048x128xf32>
    %swap3A = arith.constant 0 : index
    %swap3A_13 = arith.constant 0 : index
    %swap3A_14 = vector.load %arg4[%swap3A, %swap3A_13] : memref<2048x128xf32, #tpu.memory_space<vmem>>, vector<2048x128xf32>
    tpu.vector_store %arg4[%swap3A, %swap3A_13], %reshape3A_12 {strides = array<i32>} : memref<2048x128xf32, #tpu.memory_space<vmem>>, vector<2048x128xf32>,
    return
  }
  func.func @transform_0(%arg0: i32) -> (i32, i32) {
    %c0_i32 = arith.constant 0 : i32
    %c0_i32_0 = arith.constant 0 : i32
    return %c0_i32, %arg0 : i32, i32
  }
  func.func @transform_1(%arg0: i32) -> (i32, i32) {
    %c0_i32 = arith.constant 0 : i32
    %c0_i32_0 = arith.constant 0 : i32
    %c0_i32_1 = arith.constant 0 : i32
    return %c0_i32, %c0_i32_0 : i32, i32
  }
  func.func @transform_2(%arg0: i32) -> (i32, i32) {
    %c0_i32 = arith.constant 0 : i32
    %c0_i32_0 = arith.constant 0 : i32
    %c0_i32_1 = arith.constant 0 : i32
    return %c0_i32, %c0_i32_0 : i32, i32
  }
  func.func @transform_3(%arg0: i32) -> (i32, i32) {
    %c0_i32 = arith.constant 0 : i32
    %c0_i32_0 = arith.constant 0 : i32
    return %arg0, %c0_i32 : i32, i32
  }
}

module attributes {stable_mosaic.version = 14 : i64} {
  func.func @_node_body(%arg0: i32, %arg1: memref<1024x128xf32, #tpu.memory_space<vmem>>, %arg2: memref<1024x80xf32, #tpu.memory_space<vmem>>, %arg3: memref<1024x80xf32, #tpu.memory_space<vmem>>, %arg4: memref<1024x1xi32, #tpu.memory_space<vmem>>, %arg5: memref<16x64xf32, #tpu.memory_space<vmem>>, %arg6: memref<64x64xf32, #tpu.memory_space<vmem>>, %arg7: memref<1x64xf32, #tpu.memory_space<vmem>>, %arg8: memref<128x64xf32, #tpu.memory_space<vmem>>, %arg9: memref<64x64xf32, #tpu.memory_space<vmem>>, %arg10: memref<64x64xf32, #tpu.memory_space<vmem>>, %arg11: memref<1x64xf32, #tpu.memory_space<vmem>>, %arg12: memref<64x128xf32, #tpu.memory_space<vmem>>, %arg13: memref<1x128xf32, #tpu.memory_space<vmem>>, %arg14: memref<1024x128xf32, #tpu.memory_space<vmem>>) attributes {dimension_semantics = [#tpu.dimension_semantics<arbitrary>], iteration_bounds = array<i64: 10>, scalar_prefetch = 0 : i64, scratch_operands = 0 : i64, tpu.core_type = #tpu.core_type<tc>, window_params = [{transform_indices = @transform_0, window_bounds = array<i64: 1024, 128>}, {transform_indices = @transform_1, window_bounds = array<i64: 1024, 80>}, {transform_indices = @transform_2, window_bounds = array<i64: 1024, 80>}, {transform_indices = @transform_3, window_bounds = array<i64: 1024, 1>}, {pipeline_mode = #tpu.pipeline_mode<synchronous>, transform_indices = @transform_4, window_bounds = array<i64: 16, 64>}, {pipeline_mode = #tpu.pipeline_mode<synchronous>, transform_indices = @transform_5, window_bounds = array<i64: 64, 64>}, {pipeline_mode = #tpu.pipeline_mode<synchronous>, transform_indices = @transform_6, window_bounds = array<i64: 1, 64>}, {pipeline_mode = #tpu.pipeline_mode<synchronous>, transform_indices = @transform_7, window_bounds = array<i64: 128, 64>}, {pipeline_mode = #tpu.pipeline_mode<synchronous>, transform_indices = @transform_8, window_bounds = array<i64: 64, 64>}, {pipeline_mode = #tpu.pipeline_mode<synchronous>, transform_indices = @transform_9, window_bounds = array<i64: 64, 64>}, {pipeline_mode = #tpu.pipeline_mode<synchronous>, transform_indices = @transform_10, window_bounds = array<i64: 1, 64>}, {pipeline_mode = #tpu.pipeline_mode<synchronous>, transform_indices = @transform_11, window_bounds = array<i64: 64, 128>}, {pipeline_mode = #tpu.pipeline_mode<synchronous>, transform_indices = @transform_12, window_bounds = array<i64: 1, 128>}, {transform_indices = @transform_13, window_bounds = array<i64: 1024, 128>}]} {
    %get3A = arith.constant 0 : index
    %get3A_0 = arith.constant 0 : index
    %get3A_1 = vector.load %arg2[%get3A, %get3A_0] : memref<1024x80xf32, #tpu.memory_space<vmem>>, vector<1024x80xf32>
    %get3A_2 = arith.constant 0 : index
    %get3A_3 = arith.constant 0 : index
    %get3A_4 = vector.load %arg3[%get3A_2, %get3A_3] : memref<1024x80xf32, #tpu.memory_space<vmem>>, vector<1024x80xf32>
    %slice3A = vector.extract_strided_slice %get3A_1 {offsets = [0, 0], sizes = [1024, 64], strides = [1, 1]} : vector<1024x80xf32> to vector<1024x64xf32>
    %slice3A_5 = vector.extract_strided_slice %get3A_4 {offsets = [0, 0], sizes = [1024, 64], strides = [1, 1]} : vector<1024x80xf32> to vector<1024x64xf32>
    %add3A = arith.addf %slice3A, %slice3A_5 : vector<1024x64xf32>
    %slice3A_6 = vector.extract_strided_slice %get3A_1 {offsets = [0, 64], sizes = [1024, 1], strides = [1, 1]} : vector<1024x80xf32> to vector<1024x1xf32>
    %slice3A_7 = vector.extract_strided_slice %get3A_4 {offsets = [0, 64], sizes = [1024, 1], strides = [1, 1]} : vector<1024x80xf32> to vector<1024x1xf32>
    %add3A_8 = arith.addf %slice3A_6, %slice3A_7 : vector<1024x1xf32>
    %max3A = arith.constant 1.000000e+00 : f32
    %max3A_9 = vector.broadcast %max3A : f32 to vector<1024x1xf32>
    %max3A_10 = arith.maximumf %add3A_8, %max3A_9 : vector<1024x1xf32>
    %div3A = arith.constant 1.000000e+00 : f32
    %div3A_11 = vector.broadcast %div3A : f32 to vector<1024x1xf32>
    %div3A_12 = arith.divf %div3A_11, %max3A_10 : vector<1024x1xf32>
    %mul3A = vector.broadcast %div3A_12 : vector<1024x1xf32> to vector<1024x64xf32>
    %mul3A_13 = arith.mulf %add3A, %mul3A : vector<1024x64xf32>
    %gt3A = arith.constant 0.000000e+00 : f32
    %gt3A_14 = vector.broadcast %gt3A : f32 to vector<1024x1xf32>
    %gt3A_15 = arith.cmpf ogt, %add3A_8, %gt3A_14 : vector<1024x1xf32>
    %convert_element_type3A = arith.extui %gt3A_15 : vector<1024x1xi1> to vector<1024x1xi32>
    %convert_element_type3A_16 = arith.sitofp %convert_element_type3A : vector<1024x1xi32> to vector<1024x1xf32>
    %get3A_17 = arith.constant 0 : index
    %get3A_18 = arith.constant 0 : index
    %get3A_19 = vector.load %arg6[%get3A_17, %get3A_18] : memref<64x64xf32, #tpu.memory_space<vmem>>, vector<64x64xf32>
    %get3A_20 = arith.constant 0 : index
    %get3A_21 = arith.constant 0 : index
    %get3A_22 = vector.load %arg9[%get3A_20, %get3A_21] : memref<64x64xf32, #tpu.memory_space<vmem>>, vector<64x64xf32>
    %dot_general3A = arith.constant dense<0.000000e+00> : vector<64x64xf32>
    %dot_general3A_23 = tpu.matmul %get3A_19, %get3A_22, %dot_general3A {dimension_numbers = #tpu.dot_dimension_numbers<[1], [0], [0], [1], [0, 0, 1, 1], [], []>, transpose_lhs_hint = false} : vector<64x64xf32>, vector<64x64xf32>, vector<64x64xf32> -> vector<64x64xf32>
    %get3A_24 = arith.constant 0 : index
    %get3A_25 = arith.constant 0 : index
    %get3A_26 = vector.load %arg7[%get3A_24, %get3A_25] : memref<1x64xf32, #tpu.memory_space<vmem>>, vector<1x64xf32>
    %get3A_27 = arith.constant 0 : index
    %get3A_28 = arith.constant 0 : index
    %get3A_29 = vector.load %arg9[%get3A_27, %get3A_28] : memref<64x64xf32, #tpu.memory_space<vmem>>, vector<64x64xf32>
    %dot_general3A_30 = arith.constant dense<0.000000e+00> : vector<1x64xf32>
    %dot_general3A_31 = tpu.matmul %get3A_26, %get3A_29, %dot_general3A_30 {dimension_numbers = #tpu.dot_dimension_numbers<[1], [0], [0], [1], [0, 0, 1, 1], [], []>, transpose_lhs_hint = false} : vector<1x64xf32>, vector<64x64xf32>, vector<1x64xf32> -> vector<1x64xf32>
    %get3A_32 = arith.constant 0 : index
    %get3A_33 = arith.constant 0 : index
    %get3A_34 = vector.load %arg5[%get3A_32, %get3A_33] : memref<16x64xf32, #tpu.memory_space<vmem>>, vector<16x64xf32>
    %get3A_35 = arith.constant 0 : index
    %get3A_36 = arith.constant 0 : index
    %get3A_37 = vector.load %arg10[%get3A_35, %get3A_36] : memref<64x64xf32, #tpu.memory_space<vmem>>, vector<64x64xf32>
    %dot_general3A_38 = arith.constant dense<0.000000e+00> : vector<16x64xf32>
    %dot_general3A_39 = tpu.matmul %get3A_34, %get3A_37, %dot_general3A_38 {dimension_numbers = #tpu.dot_dimension_numbers<[1], [0], [0], [1], [0, 0, 1, 1], [], []>, transpose_lhs_hint = false} : vector<16x64xf32>, vector<64x64xf32>, vector<16x64xf32> -> vector<16x64xf32>
    %get3A_40 = arith.constant 0 : index
    %get3A_41 = arith.constant 0 : index
    %get3A_42 = vector.load %arg4[%get3A_40, %get3A_41] : memref<1024x1xi32, #tpu.memory_space<vmem>>, vector<1024x1xi32>
    %iota3A = tpu.iota {dimensions = array<i32: 1>} : vector<1x16xi32>
    %eq3A = vector.broadcast %get3A_42 : vector<1024x1xi32> to vector<1024x16xi32>
    %eq3A_43 = vector.broadcast %iota3A : vector<1x16xi32> to vector<1024x16xi32>
    %eq3A_44 = arith.cmpi eq, %eq3A, %eq3A_43 : vector<1024x16xi32>
    %convert_element_type3A_45 = arith.extui %eq3A_44 : vector<1024x16xi1> to vector<1024x16xi32>
    %convert_element_type3A_46 = arith.sitofp %convert_element_type3A_45 : vector<1024x16xi32> to vector<1024x16xf32>
    %get3A_47 = arith.constant 0 : index
    %get3A_48 = arith.constant 0 : index
    %get3A_49 = vector.load %arg1[%get3A_47, %get3A_48] : memref<1024x128xf32, #tpu.memory_space<vmem>>, vector<1024x128xf32>
    %get3A_50 = arith.constant 0 : index
    %get3A_51 = arith.constant 0 : index
    %get3A_52 = vector.load %arg8[%get3A_50, %get3A_51] : memref<128x64xf32, #tpu.memory_space<vmem>>, vector<128x64xf32>
    %dot_general3A_53 = arith.constant dense<0.000000e+00> : vector<1024x64xf32>
    %dot_general3A_54 = tpu.matmul %get3A_49, %get3A_52, %dot_general3A_53 {dimension_numbers = #tpu.dot_dimension_numbers<[1], [0], [0], [1], [0, 0, 1, 1], [], []>, transpose_lhs_hint = false} : vector<1024x128xf32>, vector<128x64xf32>, vector<1024x64xf32> -> vector<1024x64xf32>
    %dot_general3A_55 = arith.constant dense<0.000000e+00> : vector<1024x64xf32>
    %dot_general3A_56 = tpu.matmul %mul3A_13, %dot_general3A_23, %dot_general3A_55 {dimension_numbers = #tpu.dot_dimension_numbers<[1], [0], [0], [1], [0, 0, 1, 1], [], []>, transpose_lhs_hint = false} : vector<1024x64xf32>, vector<64x64xf32>, vector<1024x64xf32> -> vector<1024x64xf32>
    %add3A_57 = arith.addf %dot_general3A_54, %dot_general3A_56 : vector<1024x64xf32>
    %mul3A_58 = vector.broadcast %convert_element_type3A_16 : vector<1024x1xf32> to vector<1024x64xf32>
    %mul3A_59 = vector.broadcast %dot_general3A_31 : vector<1x64xf32> to vector<1024x64xf32>
    %mul3A_60 = arith.mulf %mul3A_58, %mul3A_59 : vector<1024x64xf32>
    %add3A_61 = arith.addf %add3A_57, %mul3A_60 : vector<1024x64xf32>
    %dot_general3A_62 = arith.constant dense<0.000000e+00> : vector<1024x64xf32>
    %dot_general3A_63 = tpu.matmul %convert_element_type3A_46, %dot_general3A_39, %dot_general3A_62 {dimension_numbers = #tpu.dot_dimension_numbers<[1], [0], [0], [1], [0, 0, 1, 1], [], []>, transpose_lhs_hint = false} : vector<1024x16xf32>, vector<16x64xf32>, vector<1024x64xf32> -> vector<1024x64xf32>
    %add3A_64 = arith.addf %add3A_61, %dot_general3A_63 : vector<1024x64xf32>
    %get3A_65 = arith.constant 0 : index
    %get3A_66 = arith.constant 0 : index
    %get3A_67 = vector.load %arg11[%get3A_65, %get3A_66] : memref<1x64xf32, #tpu.memory_space<vmem>>, vector<1x64xf32>
    %add3A_68 = vector.broadcast %get3A_67 : vector<1x64xf32> to vector<1024x64xf32>
    %add3A_69 = arith.addf %add3A_64, %add3A_68 : vector<1024x64xf32>
    %max3A_70 = arith.constant 0.000000e+00 : f32
    %max3A_71 = vector.broadcast %max3A_70 : f32 to vector<1024x64xf32>
    %max3A_72 = arith.maximumf %add3A_69, %max3A_71 : vector<1024x64xf32>
    %get3A_73 = arith.constant 0 : index
    %get3A_74 = arith.constant 0 : index
    %get3A_75 = vector.load %arg12[%get3A_73, %get3A_74] : memref<64x128xf32, #tpu.memory_space<vmem>>, vector<64x128xf32>
    %dot_general3A_76 = arith.constant dense<0.000000e+00> : vector<1024x128xf32>
    %dot_general3A_77 = tpu.matmul %max3A_72, %get3A_75, %dot_general3A_76 {dimension_numbers = #tpu.dot_dimension_numbers<[1], [0], [0], [1], [0, 0, 1, 1], [], []>, transpose_lhs_hint = false} : vector<1024x64xf32>, vector<64x128xf32>, vector<1024x128xf32> -> vector<1024x128xf32>
    %get3A_78 = arith.constant 0 : index
    %get3A_79 = arith.constant 0 : index
    %get3A_80 = vector.load %arg13[%get3A_78, %get3A_79] : memref<1x128xf32, #tpu.memory_space<vmem>>, vector<1x128xf32>
    %add3A_81 = vector.broadcast %get3A_80 : vector<1x128xf32> to vector<1024x128xf32>
    %add3A_82 = arith.addf %dot_general3A_77, %add3A_81 : vector<1024x128xf32>
    %swap3A = arith.constant 0 : index
    %swap3A_83 = arith.constant 0 : index
    %swap3A_84 = vector.load %arg14[%swap3A, %swap3A_83] : memref<1024x128xf32, #tpu.memory_space<vmem>>, vector<1024x128xf32>
    tpu.vector_store %arg14[%swap3A, %swap3A_83], %add3A_82 {strides = array<i32>} : memref<1024x128xf32, #tpu.memory_space<vmem>>, vector<1024x128xf32>,
    return
  }
  func.func @transform_0(%arg0: i32) -> (i32, i32) {
    %c0_i32 = arith.constant 0 : i32
    %c0_i32_0 = arith.constant 0 : i32
    return %arg0, %c0_i32 : i32, i32
  }
  func.func @transform_1(%arg0: i32) -> (i32, i32) {
    %c0_i32 = arith.constant 0 : i32
    %c0_i32_0 = arith.constant 0 : i32
    return %arg0, %c0_i32 : i32, i32
  }
  func.func @transform_2(%arg0: i32) -> (i32, i32) {
    %c0_i32 = arith.constant 0 : i32
    %c0_i32_0 = arith.constant 0 : i32
    return %arg0, %c0_i32 : i32, i32
  }
  func.func @transform_3(%arg0: i32) -> (i32, i32) {
    %c0_i32 = arith.constant 0 : i32
    %c0_i32_0 = arith.constant 0 : i32
    return %arg0, %c0_i32 : i32, i32
  }
  func.func @transform_4(%arg0: i32) -> (i32, i32) {
    %c0_i32 = arith.constant 0 : i32
    %c0_i32_0 = arith.constant 0 : i32
    %c0_i32_1 = arith.constant 0 : i32
    return %c0_i32, %c0_i32_0 : i32, i32
  }
  func.func @transform_5(%arg0: i32) -> (i32, i32) {
    %c0_i32 = arith.constant 0 : i32
    %c0_i32_0 = arith.constant 0 : i32
    %c0_i32_1 = arith.constant 0 : i32
    return %c0_i32, %c0_i32_0 : i32, i32
  }
  func.func @transform_6(%arg0: i32) -> (i32, i32) {
    %c0_i32 = arith.constant 0 : i32
    %c0_i32_0 = arith.constant 0 : i32
    %c0_i32_1 = arith.constant 0 : i32
    return %c0_i32, %c0_i32_0 : i32, i32
  }
  func.func @transform_7(%arg0: i32) -> (i32, i32) {
    %c0_i32 = arith.constant 0 : i32
    %c0_i32_0 = arith.constant 0 : i32
    %c0_i32_1 = arith.constant 0 : i32
    return %c0_i32, %c0_i32_0 : i32, i32
  }
  func.func @transform_8(%arg0: i32) -> (i32, i32) {
    %c0_i32 = arith.constant 0 : i32
    %c0_i32_0 = arith.constant 0 : i32
    %c0_i32_1 = arith.constant 0 : i32
    return %c0_i32, %c0_i32_0 : i32, i32
  }
  func.func @transform_9(%arg0: i32) -> (i32, i32) {
    %c0_i32 = arith.constant 0 : i32
    %c0_i32_0 = arith.constant 0 : i32
    %c0_i32_1 = arith.constant 0 : i32
    return %c0_i32, %c0_i32_0 : i32, i32
  }
  func.func @transform_10(%arg0: i32) -> (i32, i32) {
    %c0_i32 = arith.constant 0 : i32
    %c0_i32_0 = arith.constant 0 : i32
    %c0_i32_1 = arith.constant 0 : i32
    return %c0_i32, %c0_i32_0 : i32, i32
  }
  func.func @transform_11(%arg0: i32) -> (i32, i32) {
    %c0_i32 = arith.constant 0 : i32
    %c0_i32_0 = arith.constant 0 : i32
    %c0_i32_1 = arith.constant 0 : i32
    return %c0_i32, %c0_i32_0 : i32, i32
  }
  func.func @transform_12(%arg0: i32) -> (i32, i32) {
    %c0_i32 = arith.constant 0 : i32
    %c0_i32_0 = arith.constant 0 : i32
    %c0_i32_1 = arith.constant 0 : i32
    return %c0_i32, %c0_i32_0 : i32, i32
  }
  func.func @transform_13(%arg0: i32) -> (i32, i32) {
    %c0_i32 = arith.constant 0 : i32
    %c0_i32_0 = arith.constant 0 : i32
    return %arg0, %c0_i32 : i32, i32
  }
}

</mosaic_0001>

<sc_bundles>
// kernel: kernel.6.cloned.1.call-start
scs
__scs_entry_jumppad:
0x0: {  	(pc) =	sbr.rel $0x88, $3  }
0x1: {  	(tag) =	ssettag $0x0;
	lr =	simm.s32 $0x1  }
0x2: {  	[smem:$0x3F94] =	sst lr;
	_ =	strace $0xD0000000  }
0x3: {  	_ = 	snop  }
0x4: {  	_ = 	snop  }
0x5: {  	_ = 	snop  }
0x6: {  	_ = 	snop  }
0x7: {  	_ = 	snop  }
__scs_overlays_trampoline_lowered:
0x8: {  	[smem:$0x3FA3] =	sst s0  }
0x9: {  	[smem:$0x3FA4] =	sst s1  }
0xa: {  	[smem:$0x3FA5] =	sst s2  }
0xb: {  	[smem:$0x3FA6] =	sst s3  }
0xc: {  	[smem:$0x3FA7] =	sst s4  }
0xd: {  	[smem:$0x3FA8] =	sst s5  }
0xe: {  	[smem:$0x3FA9] =	sst s6  }
0xf: {  	[smem:$0x3FAA] =	sst s7  }
0x10: {  	[smem:$0x3FAB] =	sst s8  }
0x11: {  	[smem:$0x3FAC] =	sst s9;
	s0 =	simm.s32 @!p0 $0x0  }
0x12: {  	s1 =	sld [smem:$0x3F92];
	s0 =	simm.s32 @p0 $0x1  }
0x13: {  	[smem:$0x3FAD] =	sst s0;
	s0 =	simm.s32 @!p1 $0x0  }
0x14: {  	s2 =	sld [smem:$0x3F91];
	s0 =	simm.s32 @p1 $0x1  }
0x15: {  	[smem:$0x3FAE] =	sst s0;
	s0 =	simm.s32 @!p2 $0x0  }
0x16: {  	s3 =	sld [smem:$0x3FDB];
	s0 =	simm.s32 @p2 $0x1  }
0x17: {  	s4 =	simm.s32 $0x1BF5;
	[smem:$0x3FB0] =	sst s0  }
0x18: {  	s0 =	sld [smem:$0x3F93];
	_ =	swait.ge [sflag:s4], $0x0  }
0x19: {  	s7 =	sld [smem:$0x3F94]  }
0x1a: {  	s8 =	sadd.s32 $0xFFFFE003, lr  }
0x1b: {  	s9 =	sadd.s32 $0xFFFFFEF7, lr;
	s5 =	simm.s32 $0xFFFFFFFF;
	p2 =	slt.u32 s8, $0xFFFFF086  }
0x1c: {  	p1 =	slt.u32 s9, $0xF7A;
	s5 =	simm.s32 @!p2 $0x0  }
0x1d: {  	s5 =	simm.s32 @p1 $0x1;
	p0 =	seq.s32 s7, s2  }
0x1e: {  	s7 =	smul.u32 @!p0 $0xF7A, s2;
	p2 =	seq.s32 @!p0 s5, $0x0  }
0x1f: {  	s9 =	smul.u32 $0xF7A, s1;
	s8 =	simm.s32 @!p0 $0x1BF5;
	p2 =	por !p2, p0  }
0x20: {  	[sflag:s8] =	ssyncset.s32 @!p0 $0xFFFFF086;
	s6 =	sadd.s32 @!p0 s3, s7;
	s7 =	simm.s32 @!p0 $0x108  }
0x21: {  	s3 =	sadd.s32 s3, s9;
	s6 =	sadd.s32 @!p0 $0x88, s6;
	s7 =	simm.s32 @p2 $0x1082  }
0x22: {  	[simem:s7], [sflag:s8] =	dma.local @!p0 [hbm:s6], $0xF7A  }
0x23: {  	s9 =	sor.u32 $0xD0000000, s2;
	s6 =	simm.s32 $0x108;
	_ =	swait.ge @!p0 [sflag:s8], $0x0  }
0x24: {  	s3 =	sadd.s32 $0x88, s3;
	s6 =	simm.s32 @!p1 $0x1082;
	[sflag:s4] =	ssyncset.s32 $0xFFFFF086  }
0x25: {  	[simem:s6], [sflag:s4] =	dma.local [hbm:s3], $0xF7A  }
0x26: {  	[smem:$0x3F94] =	sst s1;
	(tag) =	ssettag s2;
	_ =	strace s9  }
0x27: {  	s1 =	sld [smem:$0x3FA4]  }
0x28: {  	s2 =	sld [smem:$0x3FA5]  }
0x29: {  	s4 =	sld [smem:$0x3FA7]  }
0x2a: {  	p0 =	seq.s32 s5, $0x0;
	s5 =	sld [smem:$0x3FA8]  }
0x2b: {  	s6 =	sld [smem:$0x3FA9]  }
0x2c: {  	s7 =	sld [smem:$0x3FAA]  }
0x2d: {  	s3 =	simm.s32 $0x108;
	s8 =	sld [smem:$0x3FAB]  }
0x2e: {  	s3 =	simm.s32 @!p0 $0x1082;
	s9 =	sld [smem:$0x3FAC]  }
0x2f: {  	lr =	sadd.s32 s0, s3;
	s0 =	sld [smem:$0x3FA3]  }
0x30: {  	s3 =	sld [smem:$0x3FA6]  }
0x31: {  	[smem:$0x3FAF] =	sst s10  }
0x32: {  	s10 =	sld [smem:$0x3FAD];
	_ =	sdelay $0x3  }
0x33: {  	p0 =	seq.s32 s10, $0x1;
	s10 =	sld [smem:$0x3FAF];
	_ =	sdelay $0x3  }
0x34: {  	[smem:$0x3FAF] =	sst s10  }
0x35: {  	s10 =	sld [smem:$0x3FAE];
	_ =	sdelay $0x3  }
0x36: {  	p1 =	seq.s32 s10, $0x1;
	s10 =	sld [smem:$0x3FAF];
	_ =	sdelay $0x3  }
0x37: {  	[smem:$0x3FAF] =	sst s10  }
0x38: {  	s10 =	sld [smem:$0x3FB0]  }
0x39: {  	_ = 	snop;
	(pc) =	sbr.ind lr, $3  }
0x3a: {  	_ = 	snop  }
0x3b: {  	_ = 	snop  }
0x3c: {  	p2 =	seq.s32 s10, $0x1;
	s10 =	sld [smem:$0x3FAF]  }
0x3d: {  	_ =	shalt  }
0x3e: {  	_ =	shalt  }
0x3f: {  	_ =	shalt  }
0x40: {  	_ =	shalt  }
0x41: {  	_ =	shalt  }
0x42: {  	_ =	shalt  }
0x43: {  	_ =	shalt  }
0x44: {  	_ =	shalt  }
0x45: {  	_ =	shalt  }
0x46: {  	_ =	shalt  }
0x47: {  	_ =	shalt  }
0x48: {  	_ =	shalt  }
0x49: {  	_ =	shalt  }
0x4a: {  	_ =	shalt  }
0x4b: {  	_ =	shalt  }
0x4c: {  	_ =	shalt  }
0x4d: {  	_ =	shalt  }
0x4e: {  	_ =	shalt  }
0x4f: {  	_ =	shalt  }
0x50: {  	_ =	shalt  }
0x51: {  	_ =	shalt  }
0x52: {  	_ =	shalt  }
0x53: {  	_ =	shalt  }
0x54: {  	_ =	shalt  }
0x55: {  	_ =	shalt  }
0x56: {  	_ =	shalt  }
0x57: {  	_ =	shalt  }
0x58: {  	_ =	shalt  }
0x59: {  	_ =	shalt  }
0x5a: {  	_ =	shalt  }
0x5b: {  	_ =	shalt  }
0x5c: {  	_ =	shalt  }
0x5d: {  	_ =	shalt  }
0x5e: {  	_ =	shalt  }
0x5f: {  	_ =	shalt  }
0x60: {  	_ =	shalt  }
0x61: {  	_ =	shalt  }
0x62: {  	_ =	shalt  }
0x63: {  	_ =	shalt  }
0x64: {  	_ =	shalt  }
0x65: {  	_ =	shalt  }
0x66: {  	_ =	shalt  }
0x67: {  	_ =	shalt  }
0x68: {  	_ =	shalt  }
0x69: {  	_ =	shalt  }
0x6a: {  	_ =	shalt  }
0x6b: {  	_ =	shalt  }
0x6c: {  	_ =	shalt  }
0x6d: {  	_ =	shalt  }
0x6e: {  	_ =	shalt  }
0x6f: {  	_ =	shalt  }
0x70: {  	_ =	shalt  }
0x71: {  	_ =	shalt  }
0x72: {  	_ =	shalt  }
0x73: {  	_ =	shalt  }
0x74: {  	_ =	shalt  }
0x75: {  	_ =	shalt  }
0x76: {  	_ =	shalt  }
0x77: {  	_ =	shalt  }
0x78: {  	_ =	shalt  }
0x79: {  	_ =	shalt  }
0x7a: {  	_ =	shalt  }
0x7b: {  	_ =	shalt  }
0x7c: {  	_ =	shalt  }
0x7d: {  	_ =	shalt  }
0x7e: {  	_ =	shalt  }
0x7f: {  	_ =	shalt  }
0x80: {  	_ =	shalt  }
0x81: {  	_ =	shalt  }
0x82: {  	_ =	shalt  }
0x83: {  	_ =	shalt  }
0x84: {  	_ =	shalt  }
0x85: {  	_ =	shalt  }
0x86: {  	_ =	shalt  }
0x87: {  	_ =	shalt  }
.Lfunc_end0:
.L_simem_size_0:
called_computation_lowered:
.L_overlay_start_0:
0x88: {  	s2 =	sld [smem:$0x3FD9]  }
0x89: {  	s3 =	sld [smem:$0x3FFE];
	_ =	sdelay $0x1  }
0x8a: {  	s1 =	srdreg.scid  }
0x8b: {  	s0 =	sand.u32 $0x1, s1  }
0x8c: {  	s17 =	sshll.u32 s0, $0xA;
	s2 =	sadd.s32 s3, s2  }
0x8d: {  	s2 =	sadd.s32 s2, s17  }
0x8e: {  	[smem:$0x3FBB] =	sst s2  }
0x8f: {  	_ = 	snop  }
0x90: {  	s2 =	sld [smem:$0x3FD0];
	(tm) =	ssettm $0x1  }
0x91: {  	s18 =	sld [smem:$0x3FFB];
	_ =	sdelay $0x3  }
0x92: {  	_ =	strace s18  }
0x93: {  	s3 =	sld [smem:$0x3FFC];
	_ =	sdelay $0x3  }
0x94: {  	_ =	strace s3  }
0x95: {  	s3 =	sld [smem:$0x3FFD];
	_ =	sdelay $0x3  }
0x96: {  	_ =	strace s3  }
0x97: {  	_ =	strace $0x8FFFFFFF  }
0x98: {  	s19 =	sld [smem:$0x3FDB];
	_ =	sdelay $0x1  }
0x99: {  	s4 =	simm.s32 $_scs_section_size  }
0x9a: {  	s5 =	simm.s32 $_size__tile_overlayer_lowered;
	s6 =	simm.s32 $_tile_overlayer_lowered  }
0x9b: {  	s22 =	simm.s32 $0x1BFF;
	s21 =	sshll.u32 s6, $0x1;
	s3 =	sadd.s32 s4, s19  }
0x9c: {  	s7 =	simm.s32 $0x0;
	s20 =	sshll.u32 s5, $0x1;
	s5 =	sadd.s32 s21, s3  }
0x9d: {  	[timem:s7], [sflag:s22] =	dma.local [hbm:s5], s20  }
0x9e: {  	_ =	swait.ge [sflag:s22], s20  }
0x9f: {  	s4 =	ssub.s32 $0x0, s20;
	[sflag:s22] =	ssyncset.done $0x0  }
0xa0: {  	[sflag:s22] =	ssyncadd.s32 s4;
	_ =	sdelay $0x1  }
0xa1: {  	s23 =	simm.s32 $0x1B8B  }
0xa2: {  	_ =	swait.ge [sflag:s23], $0x1  }
0xa3: {  	[sflag:s23] =	ssyncset.done $0x0  }
0xa4: {  	s25 =	simm.s32 $0x1B8E;
	s24 =	sld [smem:$0x3FFE];
	[sflag:s23] =	ssyncadd.s32 $0xFFFFFFFF  }
0xa5: {  	s26 =	simm.s32 $execute0_lowered;
	[smem:$0x3FD2] =	sst s25  }
0xa6: {  	s5 =	sshll.u32 s26, $0x1;
	_ =	strace $0x80000046;
	[dreg:$0x1] =	wrdreg $0xFFFFFFFF  }
0xa7: {  	s28 =	simm.s32 $_size_execute0_lowered;
	s3 =	sadd.s32 s3, s5;
	[dreg:$0x0] =	wrdreg $0x0  }
0xa8: {  	s5 =	sshll.u32 s28, $0x1;
	[dreg:$0x2] =	wrdreg s3  }
0xa9: {  	[dreg:$0x3] =	wrdreg s5  }
0xaa: {  	[dreg:$0x4] =	wrdreg $0xC0  }
0xab: {  	_ =	task [dreg:s7], $0x5FFFF  }
0xac: {  	[dreg:$0x1] =	wrdreg $0xFFFFFFFF  }
0xad: {  	[dreg:$0x0] =	wrdreg $0x60  }
0xae: {  	[dreg:$0x2] =	wrdreg s2  }
0xaf: {  	[dreg:$0x3] =	wrdreg s24  }
0xb0: {  	[dreg:$0x4] =	wrdreg $0x0  }
0xb1: {  	[dreg:$0x5] =	wrdreg $0x9  }
0xb2: {  	_ =	task.clear_ibuf [dreg:s7], $0x6FFFF;
	_ =	strace $0x90000046  }
0xb3: {  	s29 =	simm.s32 $0x9;
	_ =	strace $0x80000048  }
0xb4: {  	_ =	swait.ge [sflag:s29], $0x1  }
0xb5: {  	[sflag:s29] =	ssyncadd.s32 $0xFFFFFFFF  }
0xb6: {  	_ =	strace $0x90000048  }
0xb7: {  	_ =	sfence  }
0xb8: {  	s30 =	sld [smem:$0x0];
	_ =	sdelay $0x2  }
0xb9: {  	s31 =	sshll.u32 s1, $0xD;
	s1 =	sshrl.u32 s1, $0x2  }
0xba: {  	s3 =	sand.u32 $0x4000, s31;
	s1 =	sadd.s32 s1, s30  }
0xbb: {  	s0 =	sor.u32 s3, s0;
	s1 =	sshll.u32 s1, $0x11  }
0xbc: {  	s0 =	sor.u32 s1, s0  }
0xbd: {  	s0 =	sadd.s32 $0x8F2B, s0  }
0xbe: {  	[sflag:s0] =	ssyncadd.remote.s32 $0x1  }
0xbf: {  	_ =	sfence.sel $0xFFFF  }
0xc0: {  	[dreg:$0x0] =	wrdreg $0xFFFFFFFF;
	(pc) =	sbr.abs _section_cstart, $3  }
0xc1: {  	[dreg:$0x1] =	wrdreg $0xFFFFFFFF  }
0xc2: {  	_ =	task.clear_ibuf [dreg:s7], $0x2FFFF;
	_ =	strace $0x9FFFFFFF  }
0xc3: {  	(tm) =	ssettm $0x7FFFFFFF  }
tec
execute0_lowered:
.L_overlay_start_1:
0x0: {  	(tag) =	ssettag $0x1  }
0x1: {  	s1 =	rddreg [dreg:$0x0]  }
0x2: {  	s0 =	rddreg [dreg:$0x1]  }
0x3: {  	s3 =	rddreg [dreg:$0x2]  }
0x4: {  	s19 =	simm.s32 $0x0;
	s2 =	srdreg.scid;
	s11 =	stileid.u32  }
0x5: {  	s29 =	simm.s32 $0x80;
	s14 =	simm.s32 $0x8;
	s15 =	simm.s32 $0xA  }
0x6: {  	[smem:$0x7FF] =	sst s19;
	s2 =	sand.u32 $0x1, s2;
	s4 =	smul.u32 $0x1900, s11  }
0x7: {  	s5 =	sadd.s32 $0x15C00, s0;
	s6 =	sadd.s32 $0x1C00, s0;
	s7 =	sadd.s32 $0xBC00, s0  }
0x8: {  	s10 =	smul.u32 $0x32000, s11;
	s18 =	sshll.u32 s11, $0xB;
	_ =	strace $0x80000047  }
0x9: {  	s8 =	smul.u32 $0x19000, s2;
	s9 =	ssub.s32 $0x2, s2;
	p0 =	seq.s32 s2, $0x0  }
0xa: {  	s2 =	smul.u32 $0x4800, s11;
	s16 =	sshrl.u32 s9, $0x1;
	s10 =	sshrl.u32 s10, $0x2  }
0xb: {  	s4 =	sadd.s32 s4, s8;
	s17 =	ssub.s32 s9, s16;
	s22 =	sadd.s32 s10, s3  }
0xc: {  	s8 =	simm.s32 $0x90;
	s20 =	sadd.s32 $0x2800, s22;
	[dreg:$0x5] =	wrdreg s22  }
0xd: {  	s9 =	sor.u32 $0x48000, s18;
	s21 =	sadd.s32 $0x5000, s22;
	[dreg:$0x6] =	wrdreg s20  }
0xe: {  	s16 =	simm.s32 $0x6;
	s23 =	sadd.s32 $0x7800, s22;
	[dreg:$0x7] =	wrdreg s21  }
0xf: {  	s0 =	sadd.s32 s4, s0;
	s10 =	sadd.s32 $0xA000, s22;
	[dreg:$0x8] =	wrdreg s23  }
0x10: {  	s8 =	simm.s32 @!p0 $0x10;
	s31 =	smax.u32 s17, $0x1;
	[dreg:$0x9] =	wrdreg s10  }
0x11: {  	s9 =	smov.u32 @p0 s2;
	s30 =	sshrl.u32 s8, $0x2;
	[dreg:$0x13] =	wrdreg s31  }
0x12: {  	s24 =	sshrl.u32 s9, $0x3;
	s0 =	sadd.s32 $0x295C00, s0;
	[dreg:$0x11] =	wrdreg s30  }
0x13: {  	s26 =	sshll.u32 s9, $0x3;
	s12 =	sadd.s32 s6, s24;
	[dreg:$0x12] =	wrdreg s0  }
0x14: {  	s18 =	simm.s32 $0xC;
	s11 =	sadd.s32 s5, s26;
	[dreg:$0xa] =	wrdreg s12  }
0x15: {  	s25 =	sor.u32 $0x10, s24;
	s2 =	sadd.s32 s7, s24;
	[dreg:$0xc] =	wrdreg s11  }
0x16: {  	s17 =	simm.s32 $0x10;
	s13 =	sadd.s32 s6, s25;
	[dreg:$0xf] =	wrdreg s2  }
0x17: {  	s23 =	sshll.u32 s9, $0x6;
	s12 =	sadd.s32 $0x20, s12;
	[dreg:$0xb] =	wrdreg s13  }
0x18: {  	s20 =	simm.s32 $0x9;
	s11 =	sadd.s32 $0x400, s11;
	[dreg:$0xd] =	wrdreg s12  }
0x19: {  	s21 =	simm.s32 $0xF;
	s28 =	sadd.s32 s7, s25;
	[dreg:$0xe] =	wrdreg s11  }
0x1a: {  	v0 =	vimm.f32 $0.0e+00;
	vm0 =	vcmask $0x300;
	s24 =	simm.s32 $0xD;
	s2 =	simm.s32 $0xE;
	[dreg:$0x10] =	wrdreg s28  }
0x1b: {  	v1 =	vsel vm0, $0x3F800000, v0;
	s11 =	simm.s32 $0x13;
	s12 =	simm.s32 $0x5;
	s13 =	simm.s32 $0xB  }
.LBB2_1:
0x1c: {  	s4 =	simm.s32 $0x140;
	s0 =	simm.s32 $0x0  }
.LBB2_2:
0x1d: {  	p0 =	sne.s32 s4, $0x9EC0;
	[tilespmem:s0+$0x18A40] =	vst v0;
	s10 =	smov.u32 s4;
	s4 =	sadd.s32 $0x140, s4  }
.Ltmp0:
0x1e: {  	[tilespmem:s0+$0x18A30] =	vst v0;
	(pc) =	sbr.rel @p0 .LBB2_2-.Ltmp0, $4  }
0x1f: {  	[tilespmem:s0+$0x18A20] =	vst v0  }
0x20: {  	[tilespmem:s0+$0x18A00] =	vst v0  }
0x21: {  	[tilespmem:s0+$0x18A10] =	vst v0  }
0x22: {  	s0 =	sshra.s32 s10, $0x2  }
0x23: {  	[tilespmem:s0+$0x18A40] =	vst v0  }
0x24: {  	[tilespmem:s0+$0x18A30] =	vst v0  }
0x25: {  	[tilespmem:s0+$0x18A20] =	vst v0  }
0x26: {  	[tilespmem:s0+$0x18A00] =	vst v0  }
0x27: {  	[dreg:$0x4] =	wrdreg s19;
	[tilespmem:s0+$0x18A10] =	vst v0;
	s4 =	simm.s32 $0x18A00  }
0x28: {  	[spmem:s22] =	stream.linear.scatter [tilespmem:s4], [sflag:$0x13], $0x2800, $0x38;
	[tilespmem:$0x1DC00] =	vst v63  }
0x29: {  	_ =	swait.ge [sflag:s11], $0x2800  }
0x2a: {  	[sflag:s11] =	ssyncset.done $0x0  }
0x2b: {  	s26 =	rddreg [dreg:$0x6];
	[sflag:s11] =	ssyncadd.s32 $0xFFFFD800  }
0x2c: {  	[spmem:s26] =	stream.linear.scatter [tilespmem:s4], [sflag:$0x13], $0x2800, $0x38;
	[tilespmem:$0x1DC00] =	vst v63  }
0x2d: {  	_ =	swait.ge [sflag:s11], $0x2800  }
0x2e: {  	[sflag:s11] =	ssyncset.done $0x0  }
0x2f: {  	s28 =	rddreg [dreg:$0x7];
	[sflag:s11] =	ssyncadd.s32 $0xFFFFD800  }
0x30: {  	[spmem:s28] =	stream.linear.scatter [tilespmem:s4], [sflag:$0x13], $0x2800, $0x38;
	[tilespmem:$0x1DC00] =	vst v63  }
0x31: {  	_ =	swait.ge [sflag:s11], $0x2800  }
0x32: {  	[sflag:s11] =	ssyncset.done $0x0  }
0x33: {  	s30 =	rddreg [dreg:$0x8];
	[sflag:s11] =	ssyncadd.s32 $0xFFFFD800  }
0x34: {  	[spmem:s30] =	stream.linear.scatter [tilespmem:s4], [sflag:$0x13], $0x2800, $0x38;
	[tilespmem:$0x1DC00] =	vst v63  }
0x35: {  	_ =	swait.ge [sflag:s11], $0x2800  }
0x36: {  	[sflag:s11] =	ssyncset.done $0x0  }
0x37: {  	s31 =	rddreg [dreg:$0x9];
	[sflag:s11] =	ssyncadd.s32 $0xFFFFD800  }
0x38: {  	[spmem:s31] =	stream.linear.scatter [tilespmem:s4], [sflag:$0x13], $0x2800, $0x38;
	[tilespmem:$0x1DC00] =	vst v63  }
0x39: {  	_ =	swait.ge [sflag:s11], $0x2800  }
0x3a: {  	[sflag:s11] =	ssyncset.done $0x0  }
0x3b: {  	s0 =	simm.s32 $0x240;
	s4 =	simm.s32 $0x40;
	[sflag:s11] =	ssyncadd.s32 $0xFFFFD800  }
.LBB2_4:
0x3c: {  	p0 =	sne.s32 s0, $0x9FC0;
	[tilespmem:s4+$0x18A00] =	vst v1;
	s10 =	smov.u32 s0;
	s0 =	sadd.s32 $0x140, s0  }
.Ltmp1:
0x3d: {  	[tilespmem:s4+$0x1B200] =	vst v1;
	(pc) =	sbr.rel @p0 .LBB2_4-.Ltmp1, $2  }
0x3e: {  	_ =	sdelay $0x2  }
0x3f: {  	s4 =	sshra.s32 s10, $0x2  }
0x40: {  	[tilespmem:s4+$0x18A00] =	vst v1  }
0x41: {  	[tilespmem:s4+$0x1B200] =	vst v1  }
0x42: {  	[bflag:$0x0] =	sbarrier.arrive $0xFFFF  }
0x43: {  	s10 =	simm.s32 $0x0;
	s4 =	simm.s32 $0xC800;
	s0 =	rddreg [dreg:$0xa]  }
0x44: {  	[tilespmem:s4], [sflag:$0x1] =	stream.linear.gather [hbm4b:s0+s10], $0x80, $0x38;
	[tilespmem:$0x1DC00] =	vst v63  }
0x45: {  	s11 =	simm.s32 $0xC880;
	s30 =	rddreg [dreg:$0xb]  }
0x46: {  	[tilespmem:s11], [sflag:$0x2] =	stream.linear.gather [hbm4b:s30+s10], $0x80, $0x38;
	[tilespmem:$0x1DC00] =	vst v63  }
0x47: {  	s19 =	simm.s32 $0xC900;
	s31 =	rddreg [dreg:$0xd]  }
0x48: {  	[tilespmem:s19], [sflag:$0x3] =	stream.linear.gather [hbm4b:s31+s10], $0x80, $0x38;
	[tilespmem:$0x1DC00] =	vst v63  }
0x49: {  	s25 =	simm.s32 $0xCA00;
	s22 =	rddreg [dreg:$0xc]  }
0x4a: {  	[tilespmem:s25], [sflag:$0x5] =	stream.linear.gather [hbm4b:s22+s10], $0x2000, $0x38;
	[tilespmem:$0x1DC00] =	vst v63  }
0x4b: {  	s28 =	simm.s32 $0xEA00;
	s26 =	rddreg [dreg:$0xe]  }
0x4c: {  	[tilespmem:s28], [sflag:$0x6] =	stream.linear.gather [hbm4b:s26+s10], $0x2000, $0x38;
	[tilespmem:$0x1DC00] =	vst v63  }
0x4d: {  	s30 =	rddreg [dreg:$0xf];
	s31 =	simm.s32 $0x1DA00  }
0x4e: {  	[tilespmem:s31], [sflag:$0xB] =	stream.linear.gather [hbm4b:s30+s10], $0x80, $0x38;
	[tilespmem:$0x1DC00] =	vst v63  }
0x4f: {  	s22 =	rddreg [dreg:$0x10];
	s25 =	simm.s32 $0x1DA80;
	s26 =	simm.s32 $0x1  }
0x50: {  	[tilespmem:s25], [sflag:$0xC] =	stream.linear.gather [hbm4b:s22+s10], $0x80, $0x38;
	[tilespmem:$0x1DC00] =	vst v63  }
0x51: {  	_ =	swait.ge [sflag:s26], $0x80  }
0x52: {  	[sflag:s26] =	ssyncset.done $0x0  }
0x53: {  	s28 =	simm.s32 $0x10A00;
	s30 =	simm.s32 $0x2;
	[sflag:s26] =	ssyncadd.s32 $0xFFFFFF80  }
0x54: {  	[tilespmem:s28], [sflag:$0x7] =	stream.indirect.gather [hbm4b:s1+s29], $0x40, s4, s29, $0xb8;
	[tilespmem:$0x1DC00] =	vst v63  }
0x55: {  	_ =	swait.ge [sflag:s30], $0x80  }
0x56: {  	[sflag:s30] =	ssyncset.done $0x0  }
0x57: {  	s31 =	simm.s32 $0x12A00;
	[sflag:s30] =	ssyncadd.s32 $0xFFFFFF80  }
0x58: {  	[tilespmem:s31], [sflag:$0x8] =	stream.indirect.gather [hbm4b:s1+s29], $0x40, s11, s29, $0xb8;
	[tilespmem:$0x1DC00] =	vst v63  }
.LBB2_6:
0x59: {  	s4 =	sshll.u32 s10, $0x2;
	s11 =	simm.s32 $0x7  }
0x5a: {  	_ =	swait.ge [sflag:s11], $0x2000;
	s0 =	sor.u32 $0x2, s4  }
0x5b: {  	[sflag:s11] =	ssyncset.done $0x0;
	p2 =	sge.u32 s0, s8  }
0x5c: {  	[sflag:s11] =	ssyncadd.s32 $0xFFFFE000;
	s11 =	simm.s32 @!p2 $0x3  }
0x5d: {  	_ =	swait.ge @!p2 [sflag:s11], $0x80  }
0x5e: {  	p1 =	seq.s32 s4, $0x0;
	s19 =	simm.s32 @!p2 $0xC900;
	[sflag:s11] =	ssyncset.done @!p2 $0x0  }
0x5f: {  	s22 =	simm.s32 @!p2 $0x14A00;
	[sflag:s11] =	ssyncadd.s32 @!p2 $0xFFFFFF80;
	s11 =	simm.s32 @!p2 $0x80  }
0x60: {  	[tilespmem:s22], [sflag:$0x9] =	stream.indirect.gather @!p2 [hbm4b:s1+s11], $0x40, s19, s11, $0xb8;
	[tilespmem:$0x1DC00] =	vst v63  }
0x61: {  	s11 =	simm.s32 @!p1 $0x11  }
0x62: {  	_ =	swait.ge @!p1 [sflag:s11], $0x2800  }
0x63: {  	[sflag:s11] =	ssyncset.done @!p1 $0x0  }
0x64: {  	[sflag:s11] =	ssyncadd.s32 @!p1 $0xFFFFD800  }
0x65: {  	_ =	swait.ge [sflag:s12], $0x2000  }
0x66: {  	[sflag:s12] =	ssyncset.done $0x0  }
0x67: {  	s19 =	simm.s32 $0x11A00;
	[sflag:s12] =	ssyncadd.s32 $0xFFFFE000  }
0x68: {  	s26 =	simm.s32 $0xCB00;
	v2 =	vld [tilespmem:s19+$0xFFFFF0C0]  }
0x69: {  	v3 =	vld [tilespmem:s26+$0x80];
	_ =	sdelay $0x4  }
0x6a: {  	v4 =	vld [tilespmem:s19+$0xFFFFF040];
	v2 =	vadd.f32 v3, v2  }
0x6b: {  	v3 =	vld [tilespmem:s26+$0xFFFFFF80]  }
0x6c: {  	s25 =	simm.s32 $0x19F20;
	v5 =	vld [tilespmem:s26+$0xFFFFFF00];
	v2 =	vmax.f32 v2, $0.0e+00  }
0x6d: {  	v6 =	vld [tilespmem:s19+$0xFFFFF000];
	[tilespmem:s25+$0xFFFFEBD0] =	vst v2  }
0x6e: {  	v2 =	vld [tilespmem:s19+$0xFFFFF0D0]  }
0x6f: {  	v7 =	vld [tilespmem:s26+$0x90]  }
0x70: {  	v8 =	vld [tilespmem:s19+$0xFFFFF080];
	v3 =	vadd.f32 v3, v4  }
0x71: {  	v4 =	vld [tilespmem:s26+$0x0]  }
0x72: {  	v5 =	vadd.f32 v5, v6;
	v3 =	vmax.f32 v3, $0.0e+00  }
0x73: {  	[tilespmem:s25+$0xFFFFEB30] =	vst v3  }
0x74: {  	v5 =	vmax.f32 v5, $0.0e+00;
	v3 =	vld [tilespmem:s19+$0xFFFFF050];
	v2 =	vadd.f32 v7, v2  }
0x75: {  	[tilespmem:s25+$0xFFFFEAE0] =	vst v5;
	v6 =	vld [tilespmem:s26+$0xFFFFFF90]  }
0x76: {  	v5 =	vld [tilespmem:s19+$0xFFFFF010];
	v4 =	vadd.f32 v4, v8;
	v2 =	vmax.f32 v2, $0.0e+00  }
0x77: {  	v7 =	vld [tilespmem:s26+$0xFFFFFF10];
	[tilespmem:s25+$0xFFFFEBE0] =	vst v2  }
0x78: {  	v2 =	vmax.f32 v4, $0.0e+00;
	v4 =	vld [tilespmem:s19+$0xFFFFF0E0]  }
0x79: {  	[tilespmem:s25+$0xFFFFEB80] =	vst v2;
	v2 =	vld [tilespmem:s26+$0xA0]  }
0x7a: {  	v8 =	vld [tilespmem:s19+$0xFFFFF090];
	v3 =	vadd.f32 v6, v3  }
0x7b: {  	v6 =	vld [tilespmem:s26+$0x10]  }
0x7c: {  	v3 =	vmax.f32 v3, $0.0e+00  }
0x7d: {  	v5 =	vadd.f32 v7, v5;
	[tilespmem:s25+$0xFFFFEB40] =	vst v3  }
0x7e: {  	v3 =	vld [tilespmem:s19+$0xFFFFF060];
	v2 =	vadd.f32 v2, v4  }
0x7f: {  	v5 =	vmax.f32 v5, $0.0e+00;
	v4 =	vld [tilespmem:s26+$0xFFFFFFA0]  }
0x80: {  	[tilespmem:s25+$0xFFFFEAF0] =	vst v5;
	v5 =	vadd.f32 v6, v8;
	v2 =	vmax.f32 v2, $0.0e+00  }
0x81: {  	[tilespmem:s25+$0xFFFFEBF0] =	vst v2  }
0x82: {  	v2 =	vmax.f32 v5, $0.0e+00;
	v5 =	vld [tilespmem:s19+$0xFFFFF0F0]  }
0x83: {  	[tilespmem:s25+$0xFFFFEB90] =	vst v2;
	v2 =	vld [tilespmem:s26+$0xB0]  }
0x84: {  	v3 =	vadd.f32 v4, v3;
	v4 =	vld [tilespmem:s19+$0xFFFFF0A0]  }
0x85: {  	v8 =	vld [tilespmem:s26+$0x20]  }
0x86: {  	v7 =	vld [tilespmem:s26+$0xFFFFFF20];
	v3 =	vmax.f32 v3, $0.0e+00  }
0x87: {  	v6 =	vld [tilespmem:s19+$0xFFFFF020];
	[tilespmem:s25+$0xFFFFEB50] =	vst v3  }
0x88: {  	v3 =	vld [tilespmem:s19+$0xFFFFF070];
	v2 =	vadd.f32 v2, v5  }
0x89: {  	v5 =	vld [tilespmem:s26+$0xFFFFFFB0]  }
0x8a: {  	v4 =	vadd.f32 v8, v4;
	v2 =	vmax.f32 v2, $0.0e+00  }
0x8b: {  	[tilespmem:s25+$0xFFFFEC00] =	vst v2  }
0x8c: {  	v6 =	vadd.f32 v7, v6;
	v2 =	vmax.f32 v4, $0.0e+00;
	v4 =	vld [tilespmem:s19+$0xC0]  }
0x8d: {  	[tilespmem:s25+$0xFFFFEBA0] =	vst v2;
	v2 =	vld [tilespmem:s26+$0xC0]  }
0x8e: {  	v6 =	vmax.f32 v6, $0.0e+00;
	v3 =	vadd.f32 v5, v3;
	v5 =	vld [tilespmem:s19+$0xFFFFF0B0]  }
0x8f: {  	[tilespmem:s25+$0xFFFFEB00] =	vst v6;
	v8 =	vld [tilespmem:s26+$0x30]  }
0x90: {  	v6 =	vld [tilespmem:s19+$0xFFFFF030];
	v3 =	vmax.f32 v3, $0.0e+00  }
0x91: {  	v7 =	vld [tilespmem:s26+$0xFFFFFF30];
	[tilespmem:s25+$0xFFFFEB60] =	vst v3  }
0x92: {  	v3 =	vld [tilespmem:s19+$0x40];
	v2 =	vadd.f32 v2, v4  }
0x93: {  	v4 =	vld [tilespmem:s26+$0xFFFFFFC0]  }
0x94: {  	s31 =	simm.s32 $0xCD00;
	v5 =	vadd.f32 v8, v5;
	v2 =	vmax.f32 v2, $0.0e+00  }
0x95: {  	v12 =	vld [tilespmem:s31+$0xFFFFFF00];
	[tilespmem:s25+$0xFFFFFFD0] =	vst v2  }
0x96: {  	v2 =	vmax.f32 v5, $0.0e+00;
	v5 =	vld [tilespmem:s19+$0xD0]  }
0x97: {  	v6 =	vadd.f32 v7, v6;
	[tilespmem:s25+$0xFFFFEBB0] =	vst v2;
	v2 =	vld [tilespmem:s26+$0xD0]  }
0x98: {  	v3 =	vadd.f32 v4, v3;
	v4 =	vld [tilespmem:s19+$0x80]  }
0x99: {  	s28 =	simm.s32 $0x11B00;
	v6 =	vmax.f32 v6, $0.0e+00;
	v8 =	vld [tilespmem:s26+$0x40]  }
0x9a: {  	v54 =	vld [tilespmem:s28+$0xFFFFF000];
	[tilespmem:s25+$0xFFFFEB10] =	vst v6  }
0x9b: {  	v6 =	vld [tilespmem:s19+$0x0]  }
0x9c: {  	v7 =	vld [tilespmem:s26+$0xFFFFFF40];
	v2 =	vadd.f32 v2, v5  }
0x9d: {  	v10 =	vld [tilespmem:s28+$0xFFFFF0C0]  }
0x9e: {  	v11 =	vld [tilespmem:s31+$0x80];
	v4 =	vadd.f32 v8, v4;
	v2 =	vmax.f32 v2, $0.0e+00  }
0x9f: {  	v13 =	vld [tilespmem:s31+$0xFFFFFF80];
	v12 =	vadd.f32 v12, v54;
	[tilespmem:s25+$0xFFFFFFE0] =	vst v2  }
0xa0: {  	v2 =	vmax.f32 v4, $0.0e+00;
	v4 =	vld [tilespmem:s19+$0xE0]  }
0xa1: {  	s30 =	simm.s32 $0x1A060;
	v12 =	vmax.f32 v12, $0.0e+00;
	v6 =	vadd.f32 v7, v6;
	[tilespmem:s25+$0xFFFFFF80] =	vst v2;
	v2 =	vld [tilespmem:s26+$0xE0]  }
0xa2: {  	v14 =	vld [tilespmem:s28+$0xFFFFF080];
	[tilespmem:s30+$0xFFFFEAE0] =	vst v12;
	v3 =	vmax.f32 v3, $0.0e+00  }
0xa3: {  	v12 =	vld [tilespmem:s28+$0xFFFFF010];
	[tilespmem:s25+$0xFFFFFF30] =	vst v3;
	v6 =	vmax.f32 v6, $0.0e+00  }
0xa4: {  	v3 =	vld [tilespmem:s19+$0x50];
	[tilespmem:s25+$0xFFFFFEE0] =	vst v6  }
0xa5: {  	v6 =	vld [tilespmem:s19+$0x10]  }
0xa6: {  	v7 =	vld [tilespmem:s26+$0xFFFFFF50];
	v2 =	vadd.f32 v2, v4  }
0xa7: {  	v4 =	vld [tilespmem:s28+$0xFFFFF040]  }
0xa8: {  	v5 =	vld [tilespmem:s26+$0xFFFFFFD0];
	v2 =	vmax.f32 v2, $0.0e+00  }
0xa9: {  	v8 =	vld [tilespmem:s19+$0x90];
	[tilespmem:s25+$0xFFFFFFF0] =	vst v2;
	v2 =	vadd.f32 v11, v10  }
0xaa: {  	v9 =	vld [tilespmem:s26+$0x50]  }
0xab: {  	v6 =	vadd.f32 v7, v6;
	v7 =	vld [tilespmem:s31+$0x0];
	v2 =	vmax.f32 v2, $0.0e+00  }
0xac: {  	v56 =	vld [tilespmem:s31+$0xFFFFFF10];
	v4 =	vadd.f32 v13, v4;
	[tilespmem:s30+$0xFFFFEBD0] =	vst v2  }
0xad: {  	v2 =	vmax.f32 v6, $0.0e+00;
	v6 =	vld [tilespmem:s28+$0xFFFFF0D0]  }
0xae: {  	v3 =	vadd.f32 v5, v3;
	[tilespmem:s25+$0xFFFFFEF0] =	vst v2;
	v2 =	vmax.f32 v4, $0.0e+00;
	v4 =	vld [tilespmem:s31+$0x90]  }
0xaf: {  	v8 =	vadd.f32 v9, v8;
	v10 =	vld [tilespmem:s19+$0xF0]  }
0xb0: {  	v3 =	vmax.f32 v3, $0.0e+00;
	v7 =	vadd.f32 v7, v14;
	v11 =	vld [tilespmem:s26+$0xF0];
	[tilespmem:s30+$0xFFFFEB30] =	vst v2  }
0xb1: {  	[tilespmem:s25+$0xFFFFFF40] =	vst v3;
	v8 =	vmax.f32 v8, $0.0e+00;
	v5 =	vld [tilespmem:s28+$0xFFFFF050]  }
0xb2: {  	v3 =	vmax.f32 v7, $0.0e+00;
	[tilespmem:s25+$0xFFFFFF90] =	vst v8;
	v55 =	vld [tilespmem:s31+$0xFFFFFF90]  }
0xb3: {  	v8 =	vld [tilespmem:s26+$0xFFFFFFE0];
	[tilespmem:s30+$0xFFFFEB80] =	vst v3;
	v3 =	vadd.f32 v4, v6  }
0xb4: {  	v59 =	vld [tilespmem:s19+$0xA0]  }
0xb5: {  	v60 =	vld [tilespmem:s26+$0x60];
	v3 =	vmax.f32 v3, $0.0e+00  }
0xb6: {  	v2 =	vld [tilespmem:s19+$0x20];
	[tilespmem:s30+$0xFFFFEBE0] =	vst v3  }
0xb7: {  	v5 =	vadd.f32 v55, v5;
	v3 =	vld [tilespmem:s28+$0xFFFFF0E0]  }
0xb8: {  	v57 =	vld [tilespmem:s31+$0xA0]  }
0xb9: {  	v6 =	vld [tilespmem:s28+$0xFFFFF090];
	v5 =	vmax.f32 v5, $0.0e+00  }
0xba: {  	[tilespmem:s30+$0xFFFFEB40] =	vst v5;
	v5 =	vld [tilespmem:s31+$0x10]  }
0xbb: {  	v12 =	vadd.f32 v56, v12;
	v9 =	vld [tilespmem:s28+$0xFFFFF060]  }
0xbc: {  	v58 =	vld [tilespmem:s31+$0xFFFFFFA0]  }
0xbd: {  	v12 =	vmax.f32 v12, $0.0e+00;
	v7 =	vld [tilespmem:s26+$0xFFFFFF60];
	v3 =	vadd.f32 v57, v3  }
0xbe: {  	[tilespmem:s30+$0xFFFFEAF0] =	vst v12;
	v4 =	vld [tilespmem:s19+$0x60]  }
0xbf: {  	v5 =	vadd.f32 v5, v6;
	v6 =	vld [tilespmem:s28+$0xFFFFF020];
	v3 =	vmax.f32 v3, $0.0e+00  }
0xc0: {  	[tilespmem:s30+$0xFFFFEBF0] =	vst v3;
	v3 =	vld [tilespmem:s31+$0xFFFFFF20]  }
0xc1: {  	v9 =	vadd.f32 v58, v9;
	v5 =	vmax.f32 v5, $0.0e+00;
	v61 =	vld [tilespmem:s28+$0xFFFFF0F0]  }
0xc2: {  	v2 =	vadd.f32 v7, v2;
	[tilespmem:s30+$0xFFFFEB90] =	vst v5;
	v5 =	vld [tilespmem:s31+$0xB0]  }
0xc3: {  	v7 =	vmax.f32 v9, $0.0e+00;
	v9 =	vld [tilespmem:s28+$0xFFFFF0A0]  }
0xc4: {  	v2 =	vmax.f32 v2, $0.0e+00;
	[tilespmem:s30+$0xFFFFEB50] =	vst v7;
	v7 =	vld [tilespmem:s31+$0x20]  }
0xc5: {  	[tilespmem:s25+$0xFFFFFF00] =	vst v2;
	v2 =	vld [tilespmem:s31+$0xFFFFFFB0];
	v3 =	vadd.f32 v3, v6  }
0xc6: {  	v6 =	vld [tilespmem:s28+$0xFFFFF070]  }
0xc7: {  	v62 =	vld [tilespmem:s19+$0x30];
	v5 =	vadd.f32 v5, v61;
	v3 =	vmax.f32 v3, $0.0e+00  }
0xc8: {  	[tilespmem:s30+$0xFFFFEB00] =	vst v3;
	v3 =	vld [tilespmem:s26+$0xFFFFFF70]  }
0xc9: {  	v7 =	vadd.f32 v7, v9;
	v5 =	vmax.f32 v5, $0.0e+00;
	v9 =	vld [tilespmem:s28+$0xFFFFF030]  }
0xca: {  	[tilespmem:s30+$0xFFFFEC00] =	vst v5;
	v5 =	vld [tilespmem:s31+$0xFFFFFF30]  }
0xcb: {  	v2 =	vadd.f32 v2, v6;
	v6 =	vmax.f32 v7, $0.0e+00;
	v7 =	vld [tilespmem:s28+$0xC0]  }
0xcc: {  	[tilespmem:s30+$0xFFFFEBA0] =	vst v6;
	v6 =	vld [tilespmem:s31+$0xC0]  }
0xcd: {  	v4 =	vadd.f32 v8, v4;
	v2 =	vmax.f32 v2, $0.0e+00;
	v8 =	vld [tilespmem:s28+$0xFFFFF0B0]  }
0xce: {  	[tilespmem:s30+$0xFFFFEB60] =	vst v2;
	v2 =	vld [tilespmem:s31+$0x30]  }
0xcf: {  	v4 =	vmax.f32 v4, $0.0e+00;
	v5 =	vadd.f32 v5, v9;
	v9 =	vld [tilespmem:s28+$0x40]  }
0xd0: {  	[tilespmem:s25+$0xFFFFFF50] =	vst v4;
	v4 =	vld [tilespmem:s31+$0xFFFFFFC0]  }
0xd1: {  	v5 =	vmax.f32 v5, $0.0e+00;
	v6 =	vadd.f32 v6, v7;
	v7 =	vld [tilespmem:s19+$0x70]  }
0xd2: {  	[tilespmem:s30+$0xFFFFEB10] =	vst v5;
	v5 =	vld [tilespmem:s26+$0xFFFFFFF0]  }
0xd3: {  	v2 =	vadd.f32 v2, v8;
	v8 =	vld [tilespmem:s28+$0x0];
	v6 =	vmax.f32 v6, $0.0e+00  }
0xd4: {  	[tilespmem:s30+$0xFFFFFFD0] =	vst v6;
	v6 =	vld [tilespmem:s31+$0xFFFFFF40]  }
0xd5: {  	v4 =	vadd.f32 v4, v9;
	v2 =	vmax.f32 v2, $0.0e+00;
	v9 =	vld [tilespmem:s28+$0xD0]  }
0xd6: {  	[tilespmem:s30+$0xFFFFEBB0] =	vst v2;
	v2 =	vld [tilespmem:s31+$0xD0]  }
0xd7: {  	v12 =	vadd.f32 v60, v59;
	v4 =	vmax.f32 v4, $0.0e+00;
	v63 =	vld [tilespmem:s28+$0x80]  }
0xd8: {  	[tilespmem:s30+$0xFFFFFF30] =	vst v4;
	v4 =	vld [tilespmem:s31+$0x40]  }
0xd9: {  	v10 =	vadd.f32 v11, v10;
	v12 =	vmax.f32 v12, $0.0e+00;
	v11 =	vld [tilespmem:s31+$0xFFFFFFD0];
	v6 =	vadd.f32 v6, v8  }
0xda: {  	[tilespmem:s25+$0xFFFFFFA0] =	vst v12;
	v8 =	vld [tilespmem:s28+$0x50]  }
0xdb: {  	v12 =	vld [tilespmem:s26+$0x70];
	v6 =	vmax.f32 v6, $0.0e+00;
	v2 =	vadd.f32 v2, v9  }
0xdc: {  	v10 =	vmax.f32 v10, $0.0e+00;
	v3 =	vadd.f32 v3, v62;
	v9 =	vld [tilespmem:s19+$0xB0];
	[tilespmem:s30+$0xFFFFFEE0] =	vst v6  }
0xdd: {  	[tilespmem:s25+$0x0] =	vst v10;
	v10 =	vadd.f32 v4, v63;
	v4 =	vld [tilespmem:s28+$0x10];
	v2 =	vmax.f32 v2, $0.0e+00  }
0xde: {  	v3 =	vmax.f32 v3, $0.0e+00;
	v5 =	vadd.f32 v5, v7;
	v6 =	vld [tilespmem:s31+$0xFFFFFF50];
	[tilespmem:s30+$0xFFFFFFE0] =	vst v2  }
0xdf: {  	[tilespmem:s25+$0xFFFFFF10] =	vst v3;
	v2 =	vadd.f32 v11, v8;
	v7 =	vmax.f32 v10, $0.0e+00;
	v3 =	vld [tilespmem:s28+$0xE0]  }
0xe0: {  	v8 =	vmax.f32 v5, $0.0e+00;
	[tilespmem:s30+$0xFFFFFF80] =	vst v7;
	v5 =	vld [tilespmem:s31+$0xE0]  }
0xe1: {  	[tilespmem:s25+$0xFFFFFF60] =	vst v8;
	v8 =	vmax.f32 v2, $0.0e+00;
	v7 =	vld [tilespmem:s28+$0x90];
	v2 =	vadd.f32 v12, v9  }
0xe2: {  	s22 =	simm.s32 $0xCD00;
	s26 =	simm.s32 $0x11C00;
	s19 =	simm.s32 $0x4;
	[tilespmem:s30+$0xFFFFFF40] =	vst v8;
	v8 =	vld [tilespmem:s31+$0x50]  }
.LBB2_7:
0xe3: {  	v9 =	vld [tilespmem:s26+$0xFFFFF0C0];
	v4 =	vadd.f32 v6, v4;
	s31 =	sadd.s32 $0x200, s31;
	v2 =	vmax.f32 v2, $0.0e+00  }
0xe4: {  	v6 =	vld [tilespmem:s31+$0x80];
	[tilespmem:s25+$0xFFFFFFB0] =	vst v2;
	s25 =	smov.u32 s30  }
0xe5: {  	v2 =	vld [tilespmem:s31+$0xFFFFFF00];
	v4 =	vmax.f32 v4, $0.0e+00;
	v3 =	vadd.f32 v5, v3  }
0xe6: {  	v5 =	vld [tilespmem:s26+$0xFFFFF040];
	[tilespmem:s30+$0xFFFFFEF0] =	vst v4  }
0xe7: {  	v4 =	vld [tilespmem:s31+$0xFFFFFF80];
	v7 =	vadd.f32 v8, v7;
	v3 =	vmax.f32 v3, $0.0e+00  }
0xe8: {  	v8 =	vld [tilespmem:s26+$0xFFFFF080];
	[tilespmem:s30+$0xFFFFFFF0] =	vst v3  }
0xe9: {  	v3 =	vadd.f32 v6, v9;
	v6 =	vmax.f32 v7, $0.0e+00;
	v7 =	vld [tilespmem:s28+$0xF0]  }
0xea: {  	[tilespmem:s30+$0xFFFFFF90] =	vst v6;
	v6 =	vld [tilespmem:s22+$0xF0]  }
0xeb: {  	s19 =	sadd.s32 $0x4, s19;
	s30 =	sadd.s32 $0x140, s30;
	v9 =	vld [tilespmem:s31+$0x0];
	v3 =	vmax.f32 v3, $0.0e+00  }
0xec: {  	p0 =	slt.u32 s19, $0x3C;
	v10 =	vld [tilespmem:s26+$0xFFFFF000];
	v4 =	vadd.f32 v4, v5;
	[tilespmem:s30+$0xFFFFEBD0] =	vst v3  }
0xed: {  	v3 =	vld [tilespmem:s26+$0xFFFFF0D0]  }
0xee: {  	v4 =	vmax.f32 v4, $0.0e+00;
	v5 =	vld [tilespmem:s31+$0x90]  }
0xef: {  	[tilespmem:s30+$0xFFFFEB30] =	vst v4;
	v4 =	vld [tilespmem:s28+$0x20];
	v6 =	vadd.f32 v6, v7  }
0xf0: {  	v7 =	vld [tilespmem:s26+$0xFFFFF050];
	v8 =	vadd.f32 v9, v8  }
0xf1: {  	v2 =	vadd.f32 v2, v10;
	v9 =	vld [tilespmem:s31+$0xFFFFFF90];
	v6 =	vmax.f32 v6, $0.0e+00  }
0xf2: {  	v8 =	vmax.f32 v8, $0.0e+00;
	v10 =	vld [tilespmem:s22+$0xFFFFFF60];
	[tilespmem:s25+$0x0] =	vst v6  }
0xf3: {  	v2 =	vmax.f32 v2, $0.0e+00;
	[tilespmem:s30+$0xFFFFEB80] =	vst v8;
	v3 =	vadd.f32 v5, v3;
	v5 =	vld [tilespmem:s28+$0x60]  }
0xf4: {  	[tilespmem:s30+$0xFFFFEAE0] =	vst v2;
	v2 =	vld [tilespmem:s26+$0xFFFFF090]  }
0xf5: {  	v6 =	vld [tilespmem:s26+$0xFFFFF010];
	v3 =	vmax.f32 v3, $0.0e+00  }
0xf6: {  	v8 =	vld [tilespmem:s31+$0xFFFFFF10];
	v7 =	vadd.f32 v9, v7;
	[tilespmem:s30+$0xFFFFEBE0] =	vst v3  }
0xf7: {  	v3 =	vld [tilespmem:s26+$0xFFFFF0E0];
	v4 =	vadd.f32 v10, v4  }
0xf8: {  	v7 =	vmax.f32 v7, $0.0e+00;
	v9 =	vld [tilespmem:s31+$0xA0]  }
0xf9: {  	[tilespmem:s30+$0xFFFFEB40] =	vst v7;
	v7 =	vld [tilespmem:s31+$0x10];
	v4 =	vmax.f32 v4, $0.0e+00  }
0xfa: {  	v10 =	vld [tilespmem:s26+$0xFFFFF060];
	[tilespmem:s25+$0xFFFFFF00] =	vst v4  }
0xfb: {  	v4 =	vadd.f32 v8, v6;
	v6 =	vld [tilespmem:s31+$0xFFFFFFA0]  }
0xfc: {  	v8 =	vld [tilespmem:s22+$0xFFFFFFE0]  }
0xfd: {  	v4 =	vmax.f32 v4, $0.0e+00;
	v3 =	vadd.f32 v9, v3;
	v9 =	vld [tilespmem:s28+$0xA0]  }
0xfe: {  	[tilespmem:s30+$0xFFFFEAF0] =	vst v4;
	v2 =	vadd.f32 v7, v2;
	v4 =	vld [tilespmem:s22+$0x60]  }
0xff: {  	v7 =	vld [tilespmem:s26+$0xFFFFF020];
	v3 =	vmax.f32 v3, $0.0e+00  }
0x100: {  	v11 =	vld [tilespmem:s31+$0xFFFFFF20];
	v6 =	vadd.f32 v6, v10;
	v2 =	vmax.f32 v2, $0.0e+00;
	[tilespmem:s30+$0xFFFFEBF0] =	vst v3  }
0x101: {  	[tilespmem:s30+$0xFFFFEB90] =	vst v2;
	v2 =	vld [tilespmem:s26+$0xFFFFF0F0];
	v3 =	vadd.f32 v8, v5  }
0x102: {  	v5 =	vmax.f32 v6, $0.0e+00;
	v6 =	vld [tilespmem:s31+$0xB0]  }
0x103: {  	[tilespmem:s30+$0xFFFFEB50] =	vst v5;
	v5 =	vld [tilespmem:s26+$0xFFFFF0A0];
	v3 =	vmax.f32 v3, $0.0e+00;
	v4 =	vadd.f32 v4, v9  }
0x104: {  	v8 =	vld [tilespmem:s31+$0x20];
	[tilespmem:s25+$0xFFFFFF50] =	vst v3  }
0x105: {  	v3 =	vadd.f32 v11, v7;
	v7 =	vld [tilespmem:s26+$0xFFFFF070];
	v4 =	vmax.f32 v4, $0.0e+00  }
0x106: {  	v9 =	vld [tilespmem:s31+$0xFFFFFFB0];
	[tilespmem:s25+$0xFFFFFFA0] =	vst v4  }
0x107: {  	v3 =	vmax.f32 v3, $0.0e+00;
	v2 =	vadd.f32 v6, v2;
	v4 =	vld [tilespmem:s28+$0x30]  }
0x108: {  	[tilespmem:s30+$0xFFFFEB00] =	vst v3;
	v3 =	vld [tilespmem:s22+$0xFFFFFF70]  }
0x109: {  	v6 =	vld [tilespmem:s26+$0xFFFFF030];
	v5 =	vadd.f32 v8, v5;
	v2 =	vmax.f32 v2, $0.0e+00  }
0x10a: {  	v8 =	vld [tilespmem:s31+$0xFFFFFF30];
	[tilespmem:s30+$0xFFFFEC00] =	vst v2  }
0x10b: {  	v2 =	vadd.f32 v9, v7;
	v5 =	vmax.f32 v5, $0.0e+00;
	v7 =	vld [tilespmem:s26+$0xC0]  }
0x10c: {  	[tilespmem:s30+$0xFFFFEBA0] =	vst v5;
	v5 =	vld [tilespmem:s31+$0xC0]  }
0x10d: {  	v2 =	vmax.f32 v2, $0.0e+00;
	v9 =	vld [tilespmem:s26+$0xFFFFF0B0];
	v3 =	vadd.f32 v3, v4  }
0x10e: {  	[tilespmem:s30+$0xFFFFEB60] =	vst v2;
	v2 =	vld [tilespmem:s31+$0x30]  }
0x10f: {  	v4 =	vadd.f32 v8, v6;
	v6 =	vld [tilespmem:s26+$0x40];
	v3 =	vmax.f32 v3, $0.0e+00  }
0x110: {  	v8 =	vld [tilespmem:s31+$0xFFFFFFC0];
	[tilespmem:s25+$0xFFFFFF10] =	vst v3  }
0x111: {  	v3 =	vmax.f32 v4, $0.0e+00;
	v4 =	vadd.f32 v5, v7;
	v5 =	vld [tilespmem:s28+$0x70]  }
0x112: {  	[tilespmem:s30+$0xFFFFEB10] =	vst v3;
	v3 =	vld [tilespmem:s22+$0xFFFFFFF0]  }
0x113: {  	v7 =	vld [tilespmem:s26+$0x0];
	v2 =	vadd.f32 v2, v9;
	v4 =	vmax.f32 v4, $0.0e+00  }
0x114: {  	v9 =	vld [tilespmem:s31+$0xFFFFFF40];
	[tilespmem:s30+$0xFFFFFFD0] =	vst v4  }
0x115: {  	v4 =	vadd.f32 v8, v6;
	v2 =	vmax.f32 v2, $0.0e+00;
	v6 =	vld [tilespmem:s26+$0xD0]  }
0x116: {  	[tilespmem:s30+$0xFFFFEBB0] =	vst v2;
	v2 =	vld [tilespmem:s31+$0xD0]  }
0x117: {  	v4 =	vmax.f32 v4, $0.0e+00;
	v8 =	vld [tilespmem:s26+$0x80];
	v3 =	vadd.f32 v3, v5  }
0x118: {  	[tilespmem:s30+$0xFFFFFF30] =	vst v4;
	v5 =	vld [tilespmem:s31+$0x40]  }
0x119: {  	v4 =	vadd.f32 v9, v7;
	v7 =	vld [tilespmem:s26+$0x50];
	v3 =	vmax.f32 v3, $0.0e+00  }
0x11a: {  	v9 =	vld [tilespmem:s31+$0xFFFFFFD0];
	[tilespmem:s25+$0xFFFFFF60] =	vst v3  }
0x11b: {  	v3 =	vmax.f32 v4, $0.0e+00;
	v2 =	vadd.f32 v2, v6;
	v10 =	vld [tilespmem:s28+$0xB0];
	s28 =	smov.u32 s26  }
0x11c: {  	[tilespmem:s30+$0xFFFFFEE0] =	vst v3;
	v11 =	vld [tilespmem:s22+$0x70];
	s22 =	smov.u32 s31  }
0x11d: {  	v4 =	vld [tilespmem:s26+$0x10];
	v3 =	vadd.f32 v5, v8;
	v2 =	vmax.f32 v2, $0.0e+00  }
.Ltmp2:
0x11e: {  	v6 =	vld [tilespmem:s31+$0xFFFFFF50];
	[tilespmem:s30+$0xFFFFFFE0] =	vst v2;
	(pc) =	sbr.rel @p0 .LBB2_7-.Ltmp2, $4  }
0x11f: {  	v2 =	vadd.f32 v9, v7;
	v5 =	vmax.f32 v3, $0.0e+00;
	v3 =	vld [tilespmem:s26+$0xE0]  }
0x120: {  	[tilespmem:s30+$0xFFFFFF80] =	vst v5;
	v5 =	vld [tilespmem:s31+$0xE0]  }
0x121: {  	v8 =	vmax.f32 v2, $0.0e+00;
	v7 =	vld [tilespmem:s26+$0x90];
	v2 =	vadd.f32 v11, v10  }
0x122: {  	s26 =	sadd.s32 $0x100, s26;
	[tilespmem:s30+$0xFFFFFF40] =	vst v8;
	v8 =	vld [tilespmem:s31+$0x50]  }
0x123: {  	v4 =	vadd.f32 v6, v4;
	_ =	sdelay $0x1  }
0x124: {  	v4 =	vmax.f32 v4, $0.0e+00  }
0x125: {  	[tilespmem:s30+$0xFFFFFEF0] =	vst v4  }
0x126: {  	v4 =	vadd.f32 v8, v7;
	v6 =	vld [tilespmem:s28+$0x20]  }
0x127: {  	v7 =	vld [tilespmem:s22+$0xFFFFFF60]  }
0x128: {  	v8 =	vld [tilespmem:s28+$0x60];
	v4 =	vmax.f32 v4, $0.0e+00  }
0x129: {  	[tilespmem:s30+$0xFFFFFF90] =	vst v4;
	v4 =	vld [tilespmem:s22+$0xFFFFFFE0]  }
0x12a: {  	v3 =	vadd.f32 v5, v3;
	v5 =	vld [tilespmem:s28+$0xA0]  }
0x12b: {  	v9 =	vld [tilespmem:s22+$0x60]  }
0x12c: {  	v3 =	vmax.f32 v3, $0.0e+00;
	v6 =	vadd.f32 v7, v6  }
0x12d: {  	[tilespmem:s30+$0xFFFFFFF0] =	vst v3  }
0x12e: {  	v3 =	vld [tilespmem:s28+$0xF0];
	v6 =	vmax.f32 v6, $0.0e+00;
	v4 =	vadd.f32 v4, v8  }
0x12f: {  	v7 =	vld [tilespmem:s22+$0xF0];
	[tilespmem:s30+$0xFFFFFF00] =	vst v6  }
0x130: {  	v5 =	vadd.f32 v9, v5;
	v6 =	vld [tilespmem:s28+$0x30];
	v4 =	vmax.f32 v4, $0.0e+00  }
0x131: {  	[tilespmem:s30+$0xFFFFFF50] =	vst v4;
	v4 =	vld [tilespmem:s22+$0xFFFFFF70]  }
0x132: {  	v5 =	vmax.f32 v5, $0.0e+00;
	v8 =	vld [tilespmem:s28+$0x70]  }
0x133: {  	[tilespmem:s30+$0xFFFFFFA0] =	vst v5;
	v5 =	vld [tilespmem:s22+$0xFFFFFFF0]  }
0x134: {  	v9 =	vld [tilespmem:s28+$0xB0]  }
0x135: {  	v10 =	vld [tilespmem:s22+$0x70];
	_ =	sdelay $0x1  }
0x136: {  	v3 =	vadd.f32 v7, v3  }
0x137: {  	v2 =	vmax.f32 v2, $0.0e+00;
	v4 =	vadd.f32 v4, v6  }
0x138: {  	[tilespmem:s25+$0xFFFFFFB0] =	vst v2;
	v2 =	vmax.f32 v3, $0.0e+00;
	v3 =	vadd.f32 v5, v8  }
0x139: {  	[tilespmem:s30+$0x0] =	vst v2;
	v2 =	vmax.f32 v4, $0.0e+00;
	v4 =	vadd.f32 v10, v9  }
0x13a: {  	[tilespmem:s30+$0xFFFFFF10] =	vst v2;
	v2 =	vmax.f32 v3, $0.0e+00  }
0x13b: {  	[tilespmem:s30+$0xFFFFFF60] =	vst v2;
	v2 =	vmax.f32 v4, $0.0e+00  }
0x13c: {  	[tilespmem:s30+$0xFFFFFFB0] =	vst v2  }
0x13d: {  	_ =	swait.ge [sflag:s13], $0x80  }
0x13e: {  	s11 =	simm.s32 $0x18A00;
	s25 =	sor.u32 $0x3, s4;
	[sflag:s13] =	ssyncset.done $0x0  }
0x13f: {  	s19 =	simm.s32 $0x1DA00;
	p0 =	sge.u32 s25, s8;
	[sflag:s13] =	ssyncadd.s32 $0xFFFFFF80  }
0x140: {  	[spmem:s3] =	stream.indirect.scatter.add.f32 [tilespmem:s11], [sflag:$0xF], $0x50, s19, s29, $0xb8;
	[tilespmem:$0x1DC00] =	vst v63  }
0x141: {  	s11 =	sshll.u32 @!p0 s25, $0x7  }
0x142: {  	s11 =	sadd.s32 @!p0 s9, s11  }
0x143: {  	s28 =	sshrl.u32 @!p0 s11, $0x3  }
0x144: {  	s22 =	simm.s32 @!p0 $0xC980;
	s19 =	simm.s32 @!p0 $0x0;
	s11 =	sadd.s32 @!p0 s6, s28  }
0x145: {  	[tilespmem:s22], [sflag:$0x4] =	stream.linear.gather @!p0 [hbm4b:s11+s19], $0x80, $0x38;
	[tilespmem:$0x1DC00] =	vst v63  }
0x146: {  	s11 =	sshll.u32 @!p2 s0, $0xD  }
0x147: {  	s0 =	sshll.u32 @!p2 s0, $0x7;
	s11 =	sadd.s32 @!p2 s23, s11  }
0x148: {  	s26 =	simm.s32 @!p2 $0xCA00;
	s0 =	sadd.s32 @!p2 s9, s0;
	s11 =	sshrl.u32 @!p2 s11, $0x3  }
0x149: {  	s19 =	simm.s32 @!p2 $0x0;
	s0 =	sshrl.u32 @!p2 s0, $0x3;
	s11 =	sadd.s32 @!p2 s5, s11  }
0x14a: {  	[tilespmem:s26], [sflag:$0x5] =	stream.linear.gather @!p2 [hbm4b:s11+s19], $0x2000, $0x38;
	[tilespmem:$0x1DC00] =	vst v63  }
0x14b: {  	s0 =	sadd.s32 @!p2 s7, s0;
	s11 =	simm.s32 @!p2 $0x1DB00  }
0x14c: {  	[tilespmem:s11], [sflag:$0xD] =	stream.linear.gather @!p2 [hbm4b:s0+s19], $0x80, $0x38;
	[tilespmem:$0x1DC00] =	vst v63  }
0x14d: {  	_ =	swait.ge [sflag:s14], $0x2000  }
0x14e: {  	[sflag:s14] =	ssyncset.done $0x0  }
0x14f: {  	s0 =	simm.s32 @!p0 $0x4;
	[sflag:s14] =	ssyncadd.s32 $0xFFFFE000  }
0x150: {  	_ =	swait.ge @!p0 [sflag:s0], $0x80  }
0x151: {  	[sflag:s0] =	ssyncset.done @!p0 $0x0  }
0x152: {  	s11 =	simm.s32 @!p0 $0x16A00;
	[sflag:s0] =	ssyncadd.s32 @!p0 $0xFFFFFF80;
	s0 =	simm.s32 @!p0 $0x80  }
0x153: {  	[tilespmem:s11], [sflag:$0xA] =	stream.indirect.gather @!p0 [hbm4b:s1+s0], $0x40, s22, s0, $0xb8;
	[tilespmem:$0x1DC00] =	vst v63  }
0x154: {  	s0 =	simm.s32 @!p1 $0x12  }
0x155: {  	_ =	swait.ge @!p1 [sflag:s0], $0x2800  }
0x156: {  	[sflag:s0] =	ssyncset.done @!p1 $0x0  }
0x157: {  	[sflag:s0] =	ssyncadd.s32 @!p1 $0xFFFFD800  }
0x158: {  	_ =	swait.ge [sflag:s16], $0x2000  }
0x159: {  	[sflag:s16] =	ssyncset.done $0x0  }
0x15a: {  	s19 =	simm.s32 $0x13A00;
	[sflag:s16] =	ssyncadd.s32 $0xFFFFE000  }
0x15b: {  	s11 =	simm.s32 $0xEB00;
	v2 =	vld [tilespmem:s19+$0xFFFFF0C0]  }
0x15c: {  	v3 =	vld [tilespmem:s11+$0x80];
	_ =	sdelay $0x4  }
0x15d: {  	v4 =	vld [tilespmem:s19+$0xFFFFF040];
	v2 =	vadd.f32 v3, v2  }
0x15e: {  	v3 =	vld [tilespmem:s11+$0xFFFFFF80]  }
0x15f: {  	s0 =	simm.s32 $0x1C720;
	v5 =	vld [tilespmem:s11+$0xFFFFFF00];
	v2 =	vmax.f32 v2, $0.0e+00  }
0x160: {  	v6 =	vld [tilespmem:s19+$0xFFFFF000];
	[tilespmem:s0+$0xFFFFEBD0] =	vst v2  }
0x161: {  	v2 =	vld [tilespmem:s19+$0xFFFFF0D0]  }
0x162: {  	v7 =	vld [tilespmem:s11+$0x90]  }
0x163: {  	v8 =	vld [tilespmem:s19+$0xFFFFF080];
	v3 =	vadd.f32 v3, v4  }
0x164: {  	v4 =	vld [tilespmem:s11+$0x0]  }
0x165: {  	v5 =	vadd.f32 v5, v6;
	v3 =	vmax.f32 v3, $0.0e+00  }
0x166: {  	[tilespmem:s0+$0xFFFFEB30] =	vst v3  }
0x167: {  	v5 =	vmax.f32 v5, $0.0e+00;
	v3 =	vld [tilespmem:s19+$0xFFFFF050];
	v2 =	vadd.f32 v7, v2  }
0x168: {  	[tilespmem:s0+$0xFFFFEAE0] =	vst v5;
	v6 =	vld [tilespmem:s11+$0xFFFFFF90]  }
0x169: {  	v5 =	vld [tilespmem:s19+$0xFFFFF010];
	v4 =	vadd.f32 v4, v8;
	v2 =	vmax.f32 v2, $0.0e+00  }
0x16a: {  	v7 =	vld [tilespmem:s11+$0xFFFFFF10];
	[tilespmem:s0+$0xFFFFEBE0] =	vst v2  }
0x16b: {  	v2 =	vmax.f32 v4, $0.0e+00;
	v4 =	vld [tilespmem:s19+$0xFFFFF0E0]  }
0x16c: {  	[tilespmem:s0+$0xFFFFEB80] =	vst v2;
	v2 =	vld [tilespmem:s11+$0xA0]  }
0x16d: {  	v8 =	vld [tilespmem:s19+$0xFFFFF090];
	v3 =	vadd.f32 v6, v3  }
0x16e: {  	v6 =	vld [tilespmem:s11+$0x10]  }
0x16f: {  	v3 =	vmax.f32 v3, $0.0e+00  }
0x170: {  	v5 =	vadd.f32 v7, v5;
	[tilespmem:s0+$0xFFFFEB40] =	vst v3  }
0x171: {  	v3 =	vld [tilespmem:s19+$0xFFFFF060];
	v2 =	vadd.f32 v2, v4  }
0x172: {  	v5 =	vmax.f32 v5, $0.0e+00;
	v4 =	vld [tilespmem:s11+$0xFFFFFFA0]  }
0x173: {  	[tilespmem:s0+$0xFFFFEAF0] =	vst v5;
	v5 =	vadd.f32 v6, v8;
	v2 =	vmax.f32 v2, $0.0e+00  }
0x174: {  	[tilespmem:s0+$0xFFFFEBF0] =	vst v2  }
0x175: {  	v2 =	vmax.f32 v5, $0.0e+00;
	v5 =	vld [tilespmem:s19+$0xFFFFF0F0]  }
0x176: {  	[tilespmem:s0+$0xFFFFEB90] =	vst v2;
	v2 =	vld [tilespmem:s11+$0xB0]  }
0x177: {  	v3 =	vadd.f32 v4, v3;
	v4 =	vld [tilespmem:s19+$0xFFFFF0A0]  }
0x178: {  	v8 =	vld [tilespmem:s11+$0x20]  }
0x179: {  	v7 =	vld [tilespmem:s11+$0xFFFFFF20];
	v3 =	vmax.f32 v3, $0.0e+00  }
0x17a: {  	v6 =	vld [tilespmem:s19+$0xFFFFF020];
	[tilespmem:s0+$0xFFFFEB50] =	vst v3  }
0x17b: {  	v3 =	vld [tilespmem:s19+$0xFFFFF070];
	v2 =	vadd.f32 v2, v5  }
0x17c: {  	v5 =	vld [tilespmem:s11+$0xFFFFFFB0]  }
0x17d: {  	v4 =	vadd.f32 v8, v4;
	v2 =	vmax.f32 v2, $0.0e+00  }
0x17e: {  	[tilespmem:s0+$0xFFFFEC00] =	vst v2  }
0x17f: {  	v6 =	vadd.f32 v7, v6;
	v2 =	vmax.f32 v4, $0.0e+00;
	v4 =	vld [tilespmem:s19+$0xC0]  }
0x180: {  	[tilespmem:s0+$0xFFFFEBA0] =	vst v2;
	v2 =	vld [tilespmem:s11+$0xC0]  }
0x181: {  	v6 =	vmax.f32 v6, $0.0e+00;
	v3 =	vadd.f32 v5, v3;
	v5 =	vld [tilespmem:s19+$0xFFFFF0B0]  }
0x182: {  	[tilespmem:s0+$0xFFFFEB00] =	vst v6;
	v8 =	vld [tilespmem:s11+$0x30]  }
0x183: {  	v6 =	vld [tilespmem:s19+$0xFFFFF030];
	v3 =	vmax.f32 v3, $0.0e+00  }
0x184: {  	v7 =	vld [tilespmem:s11+$0xFFFFFF30];
	[tilespmem:s0+$0xFFFFEB60] =	vst v3  }
0x185: {  	v3 =	vld [tilespmem:s19+$0x40];
	v2 =	vadd.f32 v2, v4  }
0x186: {  	v4 =	vld [tilespmem:s11+$0xFFFFFFC0]  }
0x187: {  	s22 =	simm.s32 $0xED00;
	v5 =	vadd.f32 v8, v5;
	v2 =	vmax.f32 v2, $0.0e+00  }
0x188: {  	v12 =	vld [tilespmem:s22+$0xFFFFFF00];
	[tilespmem:s0+$0xFFFFFFD0] =	vst v2  }
0x189: {  	v2 =	vmax.f32 v5, $0.0e+00;
	v5 =	vld [tilespmem:s19+$0xD0]  }
0x18a: {  	v6 =	vadd.f32 v7, v6;
	[tilespmem:s0+$0xFFFFEBB0] =	vst v2;
	v2 =	vld [tilespmem:s11+$0xD0]  }
0x18b: {  	v3 =	vadd.f32 v4, v3;
	v4 =	vld [tilespmem:s19+$0x80]  }
0x18c: {  	s30 =	simm.s32 $0x13B00;
	v6 =	vmax.f32 v6, $0.0e+00;
	v8 =	vld [tilespmem:s11+$0x40]  }
0x18d: {  	v54 =	vld [tilespmem:s30+$0xFFFFF000];
	[tilespmem:s0+$0xFFFFEB10] =	vst v6  }
0x18e: {  	v6 =	vld [tilespmem:s19+$0x0]  }
0x18f: {  	v7 =	vld [tilespmem:s11+$0xFFFFFF40];
	v2 =	vadd.f32 v2, v5  }
0x190: {  	v10 =	vld [tilespmem:s30+$0xFFFFF0C0]  }
0x191: {  	v11 =	vld [tilespmem:s22+$0x80];
	v4 =	vadd.f32 v8, v4;
	v2 =	vmax.f32 v2, $0.0e+00  }
0x192: {  	v13 =	vld [tilespmem:s22+$0xFFFFFF80];
	v12 =	vadd.f32 v12, v54;
	[tilespmem:s0+$0xFFFFFFE0] =	vst v2  }
0x193: {  	v2 =	vmax.f32 v4, $0.0e+00;
	v4 =	vld [tilespmem:s19+$0xE0]  }
0x194: {  	s31 =	simm.s32 $0x1C860;
	v12 =	vmax.f32 v12, $0.0e+00;
	v6 =	vadd.f32 v7, v6;
	[tilespmem:s0+$0xFFFFFF80] =	vst v2;
	v2 =	vld [tilespmem:s11+$0xE0]  }
0x195: {  	v14 =	vld [tilespmem:s30+$0xFFFFF080];
	[tilespmem:s31+$0xFFFFEAE0] =	vst v12;
	v3 =	vmax.f32 v3, $0.0e+00  }
0x196: {  	v12 =	vld [tilespmem:s30+$0xFFFFF010];
	[tilespmem:s0+$0xFFFFFF30] =	vst v3;
	v6 =	vmax.f32 v6, $0.0e+00  }
0x197: {  	v3 =	vld [tilespmem:s19+$0x50];
	[tilespmem:s0+$0xFFFFFEE0] =	vst v6  }
0x198: {  	v6 =	vld [tilespmem:s19+$0x10]  }
0x199: {  	v7 =	vld [tilespmem:s11+$0xFFFFFF50];
	v2 =	vadd.f32 v2, v4  }
0x19a: {  	v4 =	vld [tilespmem:s30+$0xFFFFF040]  }
0x19b: {  	v5 =	vld [tilespmem:s11+$0xFFFFFFD0];
	v2 =	vmax.f32 v2, $0.0e+00  }
0x19c: {  	v8 =	vld [tilespmem:s19+$0x90];
	[tilespmem:s0+$0xFFFFFFF0] =	vst v2;
	v2 =	vadd.f32 v11, v10  }
0x19d: {  	v9 =	vld [tilespmem:s11+$0x50]  }
0x19e: {  	v6 =	vadd.f32 v7, v6;
	v7 =	vld [tilespmem:s22+$0x0];
	v2 =	vmax.f32 v2, $0.0e+00  }
0x19f: {  	v56 =	vld [tilespmem:s22+$0xFFFFFF10];
	v4 =	vadd.f32 v13, v4;
	[tilespmem:s31+$0xFFFFEBD0] =	vst v2  }
0x1a0: {  	v2 =	vmax.f32 v6, $0.0e+00;
	v6 =	vld [tilespmem:s30+$0xFFFFF0D0]  }
0x1a1: {  	v3 =	vadd.f32 v5, v3;
	[tilespmem:s0+$0xFFFFFEF0] =	vst v2;
	v2 =	vmax.f32 v4, $0.0e+00;
	v4 =	vld [tilespmem:s22+$0x90]  }
0x1a2: {  	v8 =	vadd.f32 v9, v8;
	v10 =	vld [tilespmem:s19+$0xF0]  }
0x1a3: {  	v3 =	vmax.f32 v3, $0.0e+00;
	v7 =	vadd.f32 v7, v14;
	v11 =	vld [tilespmem:s11+$0xF0];
	[tilespmem:s31+$0xFFFFEB30] =	vst v2  }
0x1a4: {  	[tilespmem:s0+$0xFFFFFF40] =	vst v3;
	v8 =	vmax.f32 v8, $0.0e+00;
	v5 =	vld [tilespmem:s30+$0xFFFFF050]  }
0x1a5: {  	v3 =	vmax.f32 v7, $0.0e+00;
	[tilespmem:s0+$0xFFFFFF90] =	vst v8;
	v55 =	vld [tilespmem:s22+$0xFFFFFF90]  }
0x1a6: {  	v8 =	vld [tilespmem:s11+$0xFFFFFFE0];
	[tilespmem:s31+$0xFFFFEB80] =	vst v3;
	v3 =	vadd.f32 v4, v6  }
0x1a7: {  	v59 =	vld [tilespmem:s19+$0xA0]  }
0x1a8: {  	v60 =	vld [tilespmem:s11+$0x60];
	v3 =	vmax.f32 v3, $0.0e+00  }
0x1a9: {  	v2 =	vld [tilespmem:s19+$0x20];
	[tilespmem:s31+$0xFFFFEBE0] =	vst v3  }
0x1aa: {  	v5 =	vadd.f32 v55, v5;
	v3 =	vld [tilespmem:s30+$0xFFFFF0E0]  }
0x1ab: {  	v57 =	vld [tilespmem:s22+$0xA0]  }
0x1ac: {  	v6 =	vld [tilespmem:s30+$0xFFFFF090];
	v5 =	vmax.f32 v5, $0.0e+00  }
0x1ad: {  	[tilespmem:s31+$0xFFFFEB40] =	vst v5;
	v5 =	vld [tilespmem:s22+$0x10]  }
0x1ae: {  	v12 =	vadd.f32 v56, v12;
	v9 =	vld [tilespmem:s30+$0xFFFFF060]  }
0x1af: {  	v58 =	vld [tilespmem:s22+$0xFFFFFFA0]  }
0x1b0: {  	v12 =	vmax.f32 v12, $0.0e+00;
	v7 =	vld [tilespmem:s11+$0xFFFFFF60];
	v3 =	vadd.f32 v57, v3  }
0x1b1: {  	[tilespmem:s31+$0xFFFFEAF0] =	vst v12;
	v4 =	vld [tilespmem:s19+$0x60]  }
0x1b2: {  	v5 =	vadd.f32 v5, v6;
	v6 =	vld [tilespmem:s30+$0xFFFFF020];
	v3 =	vmax.f32 v3, $0.0e+00  }
0x1b3: {  	[tilespmem:s31+$0xFFFFEBF0] =	vst v3;
	v3 =	vld [tilespmem:s22+$0xFFFFFF20]  }
0x1b4: {  	v9 =	vadd.f32 v58, v9;
	v5 =	vmax.f32 v5, $0.0e+00;
	v61 =	vld [tilespmem:s30+$0xFFFFF0F0]  }
0x1b5: {  	v2 =	vadd.f32 v7, v2;
	[tilespmem:s31+$0xFFFFEB90] =	vst v5;
	v5 =	vld [tilespmem:s22+$0xB0]  }
0x1b6: {  	v7 =	vmax.f32 v9, $0.0e+00;
	v9 =	vld [tilespmem:s30+$0xFFFFF0A0]  }
0x1b7: {  	v2 =	vmax.f32 v2, $0.0e+00;
	[tilespmem:s31+$0xFFFFEB50] =	vst v7;
	v7 =	vld [tilespmem:s22+$0x20]  }
0x1b8: {  	[tilespmem:s0+$0xFFFFFF00] =	vst v2;
	v2 =	vld [tilespmem:s22+$0xFFFFFFB0];
	v3 =	vadd.f32 v3, v6  }
0x1b9: {  	v6 =	vld [tilespmem:s30+$0xFFFFF070]  }
0x1ba: {  	v62 =	vld [tilespmem:s19+$0x30];
	v5 =	vadd.f32 v5, v61;
	v3 =	vmax.f32 v3, $0.0e+00  }
0x1bb: {  	[tilespmem:s31+$0xFFFFEB00] =	vst v3;
	v3 =	vld [tilespmem:s11+$0xFFFFFF70]  }
0x1bc: {  	v7 =	vadd.f32 v7, v9;
	v5 =	vmax.f32 v5, $0.0e+00;
	v9 =	vld [tilespmem:s30+$0xFFFFF030]  }
0x1bd: {  	[tilespmem:s31+$0xFFFFEC00] =	vst v5;
	v5 =	vld [tilespmem:s22+$0xFFFFFF30]  }
0x1be: {  	v2 =	vadd.f32 v2, v6;
	v6 =	vmax.f32 v7, $0.0e+00;
	v7 =	vld [tilespmem:s30+$0xC0]  }
0x1bf: {  	[tilespmem:s31+$0xFFFFEBA0] =	vst v6;
	v6 =	vld [tilespmem:s22+$0xC0]  }
0x1c0: {  	v4 =	vadd.f32 v8, v4;
	v2 =	vmax.f32 v2, $0.0e+00;
	v8 =	vld [tilespmem:s30+$0xFFFFF0B0]  }
0x1c1: {  	[tilespmem:s31+$0xFFFFEB60] =	vst v2;
	v2 =	vld [tilespmem:s22+$0x30]  }
0x1c2: {  	v4 =	vmax.f32 v4, $0.0e+00;
	v5 =	vadd.f32 v5, v9;
	v9 =	vld [tilespmem:s30+$0x40]  }
0x1c3: {  	[tilespmem:s0+$0xFFFFFF50] =	vst v4;
	v4 =	vld [tilespmem:s22+$0xFFFFFFC0]  }
0x1c4: {  	v5 =	vmax.f32 v5, $0.0e+00;
	v6 =	vadd.f32 v6, v7;
	v7 =	vld [tilespmem:s19+$0x70]  }
0x1c5: {  	[tilespmem:s31+$0xFFFFEB10] =	vst v5;
	v5 =	vld [tilespmem:s11+$0xFFFFFFF0]  }
0x1c6: {  	v2 =	vadd.f32 v2, v8;
	v8 =	vld [tilespmem:s30+$0x0];
	v6 =	vmax.f32 v6, $0.0e+00  }
0x1c7: {  	[tilespmem:s31+$0xFFFFFFD0] =	vst v6;
	v6 =	vld [tilespmem:s22+$0xFFFFFF40]  }
0x1c8: {  	v4 =	vadd.f32 v4, v9;
	v2 =	vmax.f32 v2, $0.0e+00;
	v9 =	vld [tilespmem:s30+$0xD0]  }
0x1c9: {  	[tilespmem:s31+$0xFFFFEBB0] =	vst v2;
	v2 =	vld [tilespmem:s22+$0xD0]  }
0x1ca: {  	v12 =	vadd.f32 v60, v59;
	v4 =	vmax.f32 v4, $0.0e+00;
	v63 =	vld [tilespmem:s30+$0x80]  }
0x1cb: {  	[tilespmem:s31+$0xFFFFFF30] =	vst v4;
	v4 =	vld [tilespmem:s22+$0x40]  }
0x1cc: {  	v10 =	vadd.f32 v11, v10;
	v12 =	vmax.f32 v12, $0.0e+00;
	v11 =	vld [tilespmem:s22+$0xFFFFFFD0];
	v6 =	vadd.f32 v6, v8  }
0x1cd: {  	[tilespmem:s0+$0xFFFFFFA0] =	vst v12;
	v8 =	vld [tilespmem:s30+$0x50]  }
0x1ce: {  	v12 =	vld [tilespmem:s11+$0x70];
	v6 =	vmax.f32 v6, $0.0e+00;
	v2 =	vadd.f32 v2, v9  }
0x1cf: {  	v10 =	vmax.f32 v10, $0.0e+00;
	v3 =	vadd.f32 v3, v62;
	v9 =	vld [tilespmem:s19+$0xB0];
	[tilespmem:s31+$0xFFFFFEE0] =	vst v6  }
0x1d0: {  	[tilespmem:s0+$0x0] =	vst v10;
	v10 =	vadd.f32 v4, v63;
	v4 =	vld [tilespmem:s30+$0x10];
	v2 =	vmax.f32 v2, $0.0e+00  }
0x1d1: {  	v3 =	vmax.f32 v3, $0.0e+00;
	v5 =	vadd.f32 v5, v7;
	v6 =	vld [tilespmem:s22+$0xFFFFFF50];
	[tilespmem:s31+$0xFFFFFFE0] =	vst v2  }
0x1d2: {  	[tilespmem:s0+$0xFFFFFF10] =	vst v3;
	v2 =	vadd.f32 v11, v8;
	v7 =	vmax.f32 v10, $0.0e+00;
	v3 =	vld [tilespmem:s30+$0xE0]  }
0x1d3: {  	v8 =	vmax.f32 v5, $0.0e+00;
	[tilespmem:s31+$0xFFFFFF80] =	vst v7;
	v5 =	vld [tilespmem:s22+$0xE0]  }
0x1d4: {  	[tilespmem:s0+$0xFFFFFF60] =	vst v8;
	v8 =	vmax.f32 v2, $0.0e+00;
	v7 =	vld [tilespmem:s30+$0x90];
	v2 =	vadd.f32 v12, v9  }
0x1d5: {  	s26 =	simm.s32 $0x4;
	s11 =	simm.s32 $0x13C00;
	s19 =	simm.s32 $0xED00;
	[tilespmem:s31+$0xFFFFFF40] =	vst v8;
	v8 =	vld [tilespmem:s22+$0x50]  }
.LBB2_9:
0x1d6: {  	v9 =	vld [tilespmem:s11+$0xFFFFF0C0];
	v4 =	vadd.f32 v6, v4;
	s22 =	sadd.s32 $0x200, s22;
	v2 =	vmax.f32 v2, $0.0e+00  }
0x1d7: {  	v6 =	vld [tilespmem:s22+$0x80];
	[tilespmem:s0+$0xFFFFFFB0] =	vst v2;
	s0 =	smov.u32 s31  }
0x1d8: {  	v2 =	vld [tilespmem:s22+$0xFFFFFF00];
	v4 =	vmax.f32 v4, $0.0e+00;
	v3 =	vadd.f32 v5, v3  }
0x1d9: {  	v5 =	vld [tilespmem:s11+$0xFFFFF040];
	[tilespmem:s31+$0xFFFFFEF0] =	vst v4  }
0x1da: {  	v4 =	vld [tilespmem:s22+$0xFFFFFF80];
	v7 =	vadd.f32 v8, v7;
	v3 =	vmax.f32 v3, $0.0e+00  }
0x1db: {  	v8 =	vld [tilespmem:s11+$0xFFFFF080];
	[tilespmem:s31+$0xFFFFFFF0] =	vst v3  }
0x1dc: {  	v3 =	vadd.f32 v6, v9;
	v6 =	vmax.f32 v7, $0.0e+00;
	v7 =	vld [tilespmem:s30+$0xF0]  }
0x1dd: {  	[tilespmem:s31+$0xFFFFFF90] =	vst v6;
	v6 =	vld [tilespmem:s19+$0xF0]  }
0x1de: {  	s26 =	sadd.s32 $0x4, s26;
	s31 =	sadd.s32 $0x140, s31;
	v9 =	vld [tilespmem:s22+$0x0];
	v3 =	vmax.f32 v3, $0.0e+00  }
0x1df: {  	p1 =	slt.u32 s26, $0x3C;
	v10 =	vld [tilespmem:s11+$0xFFFFF000];
	v4 =	vadd.f32 v4, v5;
	[tilespmem:s31+$0xFFFFEBD0] =	vst v3  }
0x1e0: {  	v3 =	vld [tilespmem:s11+$0xFFFFF0D0]  }
0x1e1: {  	v4 =	vmax.f32 v4, $0.0e+00;
	v5 =	vld [tilespmem:s22+$0x90]  }
0x1e2: {  	[tilespmem:s31+$0xFFFFEB30] =	vst v4;
	v4 =	vld [tilespmem:s30+$0x20];
	v6 =	vadd.f32 v6, v7  }
0x1e3: {  	v7 =	vld [tilespmem:s11+$0xFFFFF050];
	v8 =	vadd.f32 v9, v8  }
0x1e4: {  	v2 =	vadd.f32 v2, v10;
	v9 =	vld [tilespmem:s22+$0xFFFFFF90];
	v6 =	vmax.f32 v6, $0.0e+00  }
0x1e5: {  	v8 =	vmax.f32 v8, $0.0e+00;
	v10 =	vld [tilespmem:s19+$0xFFFFFF60];
	[tilespmem:s0+$0x0] =	vst v6  }
0x1e6: {  	v2 =	vmax.f32 v2, $0.0e+00;
	[tilespmem:s31+$0xFFFFEB80] =	vst v8;
	v3 =	vadd.f32 v5, v3;
	v5 =	vld [tilespmem:s30+$0x60]  }
0x1e7: {  	[tilespmem:s31+$0xFFFFEAE0] =	vst v2;
	v2 =	vld [tilespmem:s11+$0xFFFFF090]  }
0x1e8: {  	v6 =	vld [tilespmem:s11+$0xFFFFF010];
	v3 =	vmax.f32 v3, $0.0e+00  }
0x1e9: {  	v8 =	vld [tilespmem:s22+$0xFFFFFF10];
	v7 =	vadd.f32 v9, v7;
	[tilespmem:s31+$0xFFFFEBE0] =	vst v3  }
0x1ea: {  	v3 =	vld [tilespmem:s11+$0xFFFFF0E0];
	v4 =	vadd.f32 v10, v4  }
0x1eb: {  	v7 =	vmax.f32 v7, $0.0e+00;
	v9 =	vld [tilespmem:s22+$0xA0]  }
0x1ec: {  	[tilespmem:s31+$0xFFFFEB40] =	vst v7;
	v7 =	vld [tilespmem:s22+$0x10];
	v4 =	vmax.f32 v4, $0.0e+00  }
0x1ed: {  	v10 =	vld [tilespmem:s11+$0xFFFFF060];
	[tilespmem:s0+$0xFFFFFF00] =	vst v4  }
0x1ee: {  	v4 =	vadd.f32 v8, v6;
	v6 =	vld [tilespmem:s22+$0xFFFFFFA0]  }
0x1ef: {  	v8 =	vld [tilespmem:s19+$0xFFFFFFE0]  }
0x1f0: {  	v4 =	vmax.f32 v4, $0.0e+00;
	v3 =	vadd.f32 v9, v3;
	v9 =	vld [tilespmem:s30+$0xA0]  }
0x1f1: {  	[tilespmem:s31+$0xFFFFEAF0] =	vst v4;
	v2 =	vadd.f32 v7, v2;
	v4 =	vld [tilespmem:s19+$0x60]  }
0x1f2: {  	v7 =	vld [tilespmem:s11+$0xFFFFF020];
	v3 =	vmax.f32 v3, $0.0e+00  }
0x1f3: {  	v11 =	vld [tilespmem:s22+$0xFFFFFF20];
	v6 =	vadd.f32 v6, v10;
	v2 =	vmax.f32 v2, $0.0e+00;
	[tilespmem:s31+$0xFFFFEBF0] =	vst v3  }
0x1f4: {  	[tilespmem:s31+$0xFFFFEB90] =	vst v2;
	v2 =	vld [tilespmem:s11+$0xFFFFF0F0];
	v3 =	vadd.f32 v8, v5  }
0x1f5: {  	v5 =	vmax.f32 v6, $0.0e+00;
	v6 =	vld [tilespmem:s22+$0xB0]  }
0x1f6: {  	[tilespmem:s31+$0xFFFFEB50] =	vst v5;
	v5 =	vld [tilespmem:s11+$0xFFFFF0A0];
	v3 =	vmax.f32 v3, $0.0e+00;
	v4 =	vadd.f32 v4, v9  }
0x1f7: {  	v8 =	vld [tilespmem:s22+$0x20];
	[tilespmem:s0+$0xFFFFFF50] =	vst v3  }
0x1f8: {  	v3 =	vadd.f32 v11, v7;
	v7 =	vld [tilespmem:s11+$0xFFFFF070];
	v4 =	vmax.f32 v4, $0.0e+00  }
0x1f9: {  	v9 =	vld [tilespmem:s22+$0xFFFFFFB0];
	[tilespmem:s0+$0xFFFFFFA0] =	vst v4  }
0x1fa: {  	v3 =	vmax.f32 v3, $0.0e+00;
	v2 =	vadd.f32 v6, v2;
	v4 =	vld [tilespmem:s30+$0x30]  }
0x1fb: {  	[tilespmem:s31+$0xFFFFEB00] =	vst v3;
	v3 =	vld [tilespmem:s19+$0xFFFFFF70]  }
0x1fc: {  	v6 =	vld [tilespmem:s11+$0xFFFFF030];
	v5 =	vadd.f32 v8, v5;
	v2 =	vmax.f32 v2, $0.0e+00  }
0x1fd: {  	v8 =	vld [tilespmem:s22+$0xFFFFFF30];
	[tilespmem:s31+$0xFFFFEC00] =	vst v2  }
0x1fe: {  	v2 =	vadd.f32 v9, v7;
	v5 =	vmax.f32 v5, $0.0e+00;
	v7 =	vld [tilespmem:s11+$0xC0]  }
0x1ff: {  	[tilespmem:s31+$0xFFFFEBA0] =	vst v5;
	v5 =	vld [tilespmem:s22+$0xC0]  }
0x200: {  	v2 =	vmax.f32 v2, $0.0e+00;
	v9 =	vld [tilespmem:s11+$0xFFFFF0B0];
	v3 =	vadd.f32 v3, v4  }
0x201: {  	[tilespmem:s31+$0xFFFFEB60] =	vst v2;
	v2 =	vld [tilespmem:s22+$0x30]  }
0x202: {  	v4 =	vadd.f32 v8, v6;
	v6 =	vld [tilespmem:s11+$0x40];
	v3 =	vmax.f32 v3, $0.0e+00  }
0x203: {  	v8 =	vld [tilespmem:s22+$0xFFFFFFC0];
	[tilespmem:s0+$0xFFFFFF10] =	vst v3  }
0x204: {  	v3 =	vmax.f32 v4, $0.0e+00;
	v4 =	vadd.f32 v5, v7;
	v5 =	vld [tilespmem:s30+$0x70]  }
0x205: {  	[tilespmem:s31+$0xFFFFEB10] =	vst v3;
	v3 =	vld [tilespmem:s19+$0xFFFFFFF0]  }
0x206: {  	v7 =	vld [tilespmem:s11+$0x0];
	v2 =	vadd.f32 v2, v9;
	v4 =	vmax.f32 v4, $0.0e+00  }
0x207: {  	v9 =	vld [tilespmem:s22+$0xFFFFFF40];
	[tilespmem:s31+$0xFFFFFFD0] =	vst v4  }
0x208: {  	v4 =	vadd.f32 v8, v6;
	v2 =	vmax.f32 v2, $0.0e+00;
	v6 =	vld [tilespmem:s11+$0xD0]  }
0x209: {  	[tilespmem:s31+$0xFFFFEBB0] =	vst v2;
	v2 =	vld [tilespmem:s22+$0xD0]  }
0x20a: {  	v4 =	vmax.f32 v4, $0.0e+00;
	v8 =	vld [tilespmem:s11+$0x80];
	v3 =	vadd.f32 v3, v5  }
0x20b: {  	[tilespmem:s31+$0xFFFFFF30] =	vst v4;
	v5 =	vld [tilespmem:s22+$0x40]  }
0x20c: {  	v4 =	vadd.f32 v9, v7;
	v7 =	vld [tilespmem:s11+$0x50];
	v3 =	vmax.f32 v3, $0.0e+00  }
0x20d: {  	v9 =	vld [tilespmem:s22+$0xFFFFFFD0];
	[tilespmem:s0+$0xFFFFFF60] =	vst v3  }
0x20e: {  	v3 =	vmax.f32 v4, $0.0e+00;
	v2 =	vadd.f32 v2, v6;
	v10 =	vld [tilespmem:s30+$0xB0];
	s30 =	smov.u32 s11  }
0x20f: {  	[tilespmem:s31+$0xFFFFFEE0] =	vst v3;
	v11 =	vld [tilespmem:s19+$0x70];
	s19 =	smov.u32 s22  }
0x210: {  	v4 =	vld [tilespmem:s11+$0x10];
	v3 =	vadd.f32 v5, v8;
	v2 =	vmax.f32 v2, $0.0e+00  }
.Ltmp3:
0x211: {  	v6 =	vld [tilespmem:s22+$0xFFFFFF50];
	[tilespmem:s31+$0xFFFFFFE0] =	vst v2;
	(pc) =	sbr.rel @p1 .LBB2_9-.Ltmp3, $4  }
0x212: {  	v2 =	vadd.f32 v9, v7;
	v5 =	vmax.f32 v3, $0.0e+00;
	v3 =	vld [tilespmem:s11+$0xE0]  }
0x213: {  	[tilespmem:s31+$0xFFFFFF80] =	vst v5;
	v5 =	vld [tilespmem:s22+$0xE0]  }
0x214: {  	v8 =	vmax.f32 v2, $0.0e+00;
	v7 =	vld [tilespmem:s11+$0x90];
	v2 =	vadd.f32 v11, v10  }
0x215: {  	s11 =	sadd.s32 $0x100, s11;
	[tilespmem:s31+$0xFFFFFF40] =	vst v8;
	v8 =	vld [tilespmem:s22+$0x50]  }
0x216: {  	v4 =	vadd.f32 v6, v4;
	_ =	sdelay $0x1  }
0x217: {  	v4 =	vmax.f32 v4, $0.0e+00  }
0x218: {  	[tilespmem:s31+$0xFFFFFEF0] =	vst v4  }
0x219: {  	v4 =	vadd.f32 v8, v7;
	v6 =	vld [tilespmem:s30+$0x20]  }
0x21a: {  	v7 =	vld [tilespmem:s19+$0xFFFFFF60]  }
0x21b: {  	v8 =	vld [tilespmem:s30+$0x60];
	v4 =	vmax.f32 v4, $0.0e+00  }
0x21c: {  	[tilespmem:s31+$0xFFFFFF90] =	vst v4;
	v4 =	vld [tilespmem:s19+$0xFFFFFFE0]  }
0x21d: {  	v3 =	vadd.f32 v5, v3;
	v5 =	vld [tilespmem:s30+$0xA0]  }
0x21e: {  	v9 =	vld [tilespmem:s19+$0x60]  }
0x21f: {  	v3 =	vmax.f32 v3, $0.0e+00;
	v6 =	vadd.f32 v7, v6  }
0x220: {  	[tilespmem:s31+$0xFFFFFFF0] =	vst v3  }
0x221: {  	v3 =	vld [tilespmem:s30+$0xF0];
	v6 =	vmax.f32 v6, $0.0e+00;
	v4 =	vadd.f32 v4, v8  }
0x222: {  	v7 =	vld [tilespmem:s19+$0xF0];
	[tilespmem:s31+$0xFFFFFF00] =	vst v6  }
0x223: {  	v5 =	vadd.f32 v9, v5;
	v6 =	vld [tilespmem:s30+$0x30];
	v4 =	vmax.f32 v4, $0.0e+00  }
0x224: {  	[tilespmem:s31+$0xFFFFFF50] =	vst v4;
	v4 =	vld [tilespmem:s19+$0xFFFFFF70]  }
0x225: {  	v5 =	vmax.f32 v5, $0.0e+00;
	v8 =	vld [tilespmem:s30+$0x70]  }
0x226: {  	[tilespmem:s31+$0xFFFFFFA0] =	vst v5;
	v5 =	vld [tilespmem:s19+$0xFFFFFFF0]  }
0x227: {  	v9 =	vld [tilespmem:s30+$0xB0]  }
0x228: {  	v10 =	vld [tilespmem:s19+$0x70];
	_ =	sdelay $0x1  }
0x229: {  	v3 =	vadd.f32 v7, v3  }
0x22a: {  	v2 =	vmax.f32 v2, $0.0e+00;
	v4 =	vadd.f32 v4, v6  }
0x22b: {  	[tilespmem:s0+$0xFFFFFFB0] =	vst v2;
	v2 =	vmax.f32 v3, $0.0e+00;
	v3 =	vadd.f32 v5, v8  }
0x22c: {  	[tilespmem:s31+$0x0] =	vst v2;
	v2 =	vmax.f32 v4, $0.0e+00;
	v4 =	vadd.f32 v10, v9  }
0x22d: {  	[tilespmem:s31+$0xFFFFFF10] =	vst v2;
	v2 =	vmax.f32 v3, $0.0e+00  }
0x22e: {  	[tilespmem:s31+$0xFFFFFF60] =	vst v2;
	v2 =	vmax.f32 v4, $0.0e+00  }
0x22f: {  	[tilespmem:s31+$0xFFFFFFB0] =	vst v2  }
0x230: {  	_ =	swait.ge [sflag:s18], $0x80  }
0x231: {  	s26 =	simm.s32 $0x1DA80;
	s0 =	sadd.s32 $0x4, s4;
	[sflag:s18] =	ssyncset.done $0x0  }
0x232: {  	s11 =	simm.s32 $0x1B200;
	p1 =	sge.u32 s0, s8;
	[sflag:s18] =	ssyncadd.s32 $0xFFFFFF80  }
0x233: {  	[spmem:s3] =	stream.indirect.scatter.add.f32 [tilespmem:s11], [sflag:$0x10], $0x50, s26, s29, $0xb8;
	[tilespmem:$0x1DC00] =	vst v63  }
0x234: {  	s11 =	sshll.u32 @!p1 s0, $0x7  }
0x235: {  	s11 =	sadd.s32 @!p1 s9, s11  }
0x236: {  	s30 =	sshrl.u32 @!p1 s11, $0x3  }
0x237: {  	s22 =	simm.s32 @!p1 $0xC800;
	s19 =	simm.s32 @!p1 $0x0;
	s11 =	sadd.s32 @!p1 s6, s30  }
0x238: {  	[tilespmem:s22], [sflag:$0x1] =	stream.linear.gather @!p1 [hbm4b:s11+s19], $0x80, $0x38;
	[tilespmem:$0x1DC00] =	vst v63  }
0x239: {  	s11 =	sshll.u32 @!p0 s25, $0xD  }
0x23a: {  	s11 =	sadd.s32 @!p0 s23, s11  }
0x23b: {  	s11 =	sshrl.u32 @!p0 s11, $0x3  }
0x23c: {  	s19 =	simm.s32 @!p0 $0x0;
	s25 =	simm.s32 @!p0 $0xEA00;
	s11 =	sadd.s32 @!p0 s5, s11  }
0x23d: {  	[tilespmem:s25], [sflag:$0x6] =	stream.linear.gather @!p0 [hbm4b:s11+s19], $0x2000, $0x38;
	[tilespmem:$0x1DC00] =	vst v63  }
0x23e: {  	s11 =	sadd.s32 @!p0 s7, s28;
	s25 =	simm.s32 @!p0 $0x1DB80  }
0x23f: {  	[tilespmem:s25], [sflag:$0xE] =	stream.linear.gather @!p0 [hbm4b:s11+s19], $0x80, $0x38;
	[tilespmem:$0x1DC00] =	vst v63  }
0x240: {  	_ =	swait.ge [sflag:s20], $0x2000  }
0x241: {  	[sflag:s20] =	ssyncset.done $0x0  }
0x242: {  	s11 =	simm.s32 @!p1 $0x1;
	[sflag:s20] =	ssyncadd.s32 $0xFFFFE000  }
0x243: {  	_ =	swait.ge @!p1 [sflag:s11], $0x80  }
0x244: {  	[sflag:s11] =	ssyncset.done @!p1 $0x0  }
0x245: {  	s19 =	simm.s32 @!p1 $0x10A00;
	[sflag:s11] =	ssyncadd.s32 @!p1 $0xFFFFFF80;
	s11 =	simm.s32 @!p1 $0x80  }
0x246: {  	[tilespmem:s19], [sflag:$0x7] =	stream.indirect.gather @!p1 [hbm4b:s1+s11], $0x40, s22, s11, $0xb8;
	[tilespmem:$0x1DC00] =	vst v63  }
0x247: {  	_ =	swait.ge [sflag:s21], $0x2800  }
0x248: {  	[sflag:s21] =	ssyncset.done $0x0  }
0x249: {  	[sflag:s21] =	ssyncadd.s32 $0xFFFFD800  }
0x24a: {  	_ =	swait.ge [sflag:s12], $0x2000  }
0x24b: {  	[sflag:s12] =	ssyncset.done $0x0  }
0x24c: {  	s26 =	simm.s32 $0x15A00;
	[sflag:s12] =	ssyncadd.s32 $0xFFFFE000  }
0x24d: {  	s11 =	simm.s32 $0xCB00;
	v2 =	vld [tilespmem:s26+$0xFFFFF0C0]  }
0x24e: {  	v3 =	vld [tilespmem:s11+$0x80];
	_ =	sdelay $0x4  }
0x24f: {  	v4 =	vld [tilespmem:s26+$0xFFFFF040];
	v2 =	vadd.f32 v3, v2  }
0x250: {  	v3 =	vld [tilespmem:s11+$0xFFFFFF80]  }
0x251: {  	s25 =	simm.s32 $0x19F20;
	v5 =	vld [tilespmem:s11+$0xFFFFFF00];
	v2 =	vmax.f32 v2, $0.0e+00  }
0x252: {  	v6 =	vld [tilespmem:s26+$0xFFFFF000];
	[tilespmem:s25+$0xFFFFEBD0] =	vst v2  }
0x253: {  	v2 =	vld [tilespmem:s26+$0xFFFFF0D0]  }
0x254: {  	v7 =	vld [tilespmem:s11+$0x90]  }
0x255: {  	v8 =	vld [tilespmem:s26+$0xFFFFF080];
	v3 =	vadd.f32 v3, v4  }
0x256: {  	v4 =	vld [tilespmem:s11+$0x0]  }
0x257: {  	v5 =	vadd.f32 v5, v6;
	v3 =	vmax.f32 v3, $0.0e+00  }
0x258: {  	[tilespmem:s25+$0xFFFFEB30] =	vst v3  }
0x259: {  	v5 =	vmax.f32 v5, $0.0e+00;
	v3 =	vld [tilespmem:s26+$0xFFFFF050];
	v2 =	vadd.f32 v7, v2  }
0x25a: {  	[tilespmem:s25+$0xFFFFEAE0] =	vst v5;
	v6 =	vld [tilespmem:s11+$0xFFFFFF90]  }
0x25b: {  	v5 =	vld [tilespmem:s26+$0xFFFFF010];
	v4 =	vadd.f32 v4, v8;
	v2 =	vmax.f32 v2, $0.0e+00  }
0x25c: {  	v7 =	vld [tilespmem:s11+$0xFFFFFF10];
	[tilespmem:s25+$0xFFFFEBE0] =	vst v2  }
0x25d: {  	v2 =	vmax.f32 v4, $0.0e+00;
	v4 =	vld [tilespmem:s26+$0xFFFFF0E0]  }
0x25e: {  	[tilespmem:s25+$0xFFFFEB80] =	vst v2;
	v2 =	vld [tilespmem:s11+$0xA0]  }
0x25f: {  	v8 =	vld [tilespmem:s26+$0xFFFFF090];
	v3 =	vadd.f32 v6, v3  }
0x260: {  	v6 =	vld [tilespmem:s11+$0x10]  }
0x261: {  	v3 =	vmax.f32 v3, $0.0e+00  }
0x262: {  	v5 =	vadd.f32 v7, v5;
	[tilespmem:s25+$0xFFFFEB40] =	vst v3  }
0x263: {  	v3 =	vld [tilespmem:s26+$0xFFFFF060];
	v2 =	vadd.f32 v2, v4  }
0x264: {  	v5 =	vmax.f32 v5, $0.0e+00;
	v4 =	vld [tilespmem:s11+$0xFFFFFFA0]  }
0x265: {  	[tilespmem:s25+$0xFFFFEAF0] =	vst v5;
	v5 =	vadd.f32 v6, v8;
	v2 =	vmax.f32 v2, $0.0e+00  }
0x266: {  	[tilespmem:s25+$0xFFFFEBF0] =	vst v2  }
0x267: {  	v2 =	vmax.f32 v5, $0.0e+00;
	v5 =	vld [tilespmem:s26+$0xFFFFF0F0]  }
0x268: {  	[tilespmem:s25+$0xFFFFEB90] =	vst v2;
	v2 =	vld [tilespmem:s11+$0xB0]  }
0x269: {  	v3 =	vadd.f32 v4, v3;
	v4 =	vld [tilespmem:s26+$0xFFFFF0A0]  }
0x26a: {  	v8 =	vld [tilespmem:s11+$0x20]  }
0x26b: {  	v7 =	vld [tilespmem:s11+$0xFFFFFF20];
	v3 =	vmax.f32 v3, $0.0e+00  }
0x26c: {  	v6 =	vld [tilespmem:s26+$0xFFFFF020];
	[tilespmem:s25+$0xFFFFEB50] =	vst v3  }
0x26d: {  	v3 =	vld [tilespmem:s26+$0xFFFFF070];
	v2 =	vadd.f32 v2, v5  }
0x26e: {  	v5 =	vld [tilespmem:s11+$0xFFFFFFB0]  }
0x26f: {  	v4 =	vadd.f32 v8, v4;
	v2 =	vmax.f32 v2, $0.0e+00  }
0x270: {  	[tilespmem:s25+$0xFFFFEC00] =	vst v2  }
0x271: {  	v6 =	vadd.f32 v7, v6;
	v2 =	vmax.f32 v4, $0.0e+00;
	v4 =	vld [tilespmem:s26+$0xC0]  }
0x272: {  	[tilespmem:s25+$0xFFFFEBA0] =	vst v2;
	v2 =	vld [tilespmem:s11+$0xC0]  }
0x273: {  	v6 =	vmax.f32 v6, $0.0e+00;
	v3 =	vadd.f32 v5, v3;
	v5 =	vld [tilespmem:s26+$0xFFFFF0B0]  }
0x274: {  	[tilespmem:s25+$0xFFFFEB00] =	vst v6;
	v8 =	vld [tilespmem:s11+$0x30]  }
0x275: {  	v6 =	vld [tilespmem:s26+$0xFFFFF030];
	v3 =	vmax.f32 v3, $0.0e+00  }
0x276: {  	v7 =	vld [tilespmem:s11+$0xFFFFFF30];
	[tilespmem:s25+$0xFFFFEB60] =	vst v3  }
0x277: {  	v3 =	vld [tilespmem:s26+$0x40];
	v2 =	vadd.f32 v2, v4  }
0x278: {  	v4 =	vld [tilespmem:s11+$0xFFFFFFC0]  }
0x279: {  	s22 =	simm.s32 $0xCD00;
	v5 =	vadd.f32 v8, v5;
	v2 =	vmax.f32 v2, $0.0e+00  }
0x27a: {  	v12 =	vld [tilespmem:s22+$0xFFFFFF00];
	[tilespmem:s25+$0xFFFFFFD0] =	vst v2  }
0x27b: {  	v2 =	vmax.f32 v5, $0.0e+00;
	v5 =	vld [tilespmem:s26+$0xD0]  }
0x27c: {  	v6 =	vadd.f32 v7, v6;
	[tilespmem:s25+$0xFFFFEBB0] =	vst v2;
	v2 =	vld [tilespmem:s11+$0xD0]  }
0x27d: {  	v3 =	vadd.f32 v4, v3;
	v4 =	vld [tilespmem:s26+$0x80]  }
0x27e: {  	s28 =	simm.s32 $0x15B00;
	v6 =	vmax.f32 v6, $0.0e+00;
	v8 =	vld [tilespmem:s11+$0x40]  }
0x27f: {  	v54 =	vld [tilespmem:s28+$0xFFFFF000];
	[tilespmem:s25+$0xFFFFEB10] =	vst v6  }
0x280: {  	v6 =	vld [tilespmem:s26+$0x0]  }
0x281: {  	v7 =	vld [tilespmem:s11+$0xFFFFFF40];
	v2 =	vadd.f32 v2, v5  }
0x282: {  	v10 =	vld [tilespmem:s28+$0xFFFFF0C0]  }
0x283: {  	v11 =	vld [tilespmem:s22+$0x80];
	v4 =	vadd.f32 v8, v4;
	v2 =	vmax.f32 v2, $0.0e+00  }
0x284: {  	v13 =	vld [tilespmem:s22+$0xFFFFFF80];
	v12 =	vadd.f32 v12, v54;
	[tilespmem:s25+$0xFFFFFFE0] =	vst v2  }
0x285: {  	v2 =	vmax.f32 v4, $0.0e+00;
	v4 =	vld [tilespmem:s26+$0xE0]  }
0x286: {  	s31 =	simm.s32 $0x1A060;
	v12 =	vmax.f32 v12, $0.0e+00;
	v6 =	vadd.f32 v7, v6;
	[tilespmem:s25+$0xFFFFFF80] =	vst v2;
	v2 =	vld [tilespmem:s11+$0xE0]  }
0x287: {  	v14 =	vld [tilespmem:s28+$0xFFFFF080];
	[tilespmem:s31+$0xFFFFEAE0] =	vst v12;
	v3 =	vmax.f32 v3, $0.0e+00  }
0x288: {  	v12 =	vld [tilespmem:s28+$0xFFFFF010];
	[tilespmem:s25+$0xFFFFFF30] =	vst v3;
	v6 =	vmax.f32 v6, $0.0e+00  }
0x289: {  	v3 =	vld [tilespmem:s26+$0x50];
	[tilespmem:s25+$0xFFFFFEE0] =	vst v6  }
0x28a: {  	v6 =	vld [tilespmem:s26+$0x10]  }
0x28b: {  	v7 =	vld [tilespmem:s11+$0xFFFFFF50];
	v2 =	vadd.f32 v2, v4  }
0x28c: {  	v4 =	vld [tilespmem:s28+$0xFFFFF040]  }
0x28d: {  	v5 =	vld [tilespmem:s11+$0xFFFFFFD0];
	v2 =	vmax.f32 v2, $0.0e+00  }
0x28e: {  	v8 =	vld [tilespmem:s26+$0x90];
	[tilespmem:s25+$0xFFFFFFF0] =	vst v2;
	v2 =	vadd.f32 v11, v10  }
0x28f: {  	v9 =	vld [tilespmem:s11+$0x50]  }
0x290: {  	v6 =	vadd.f32 v7, v6;
	v7 =	vld [tilespmem:s22+$0x0];
	v2 =	vmax.f32 v2, $0.0e+00  }
0x291: {  	v56 =	vld [tilespmem:s22+$0xFFFFFF10];
	v4 =	vadd.f32 v13, v4;
	[tilespmem:s31+$0xFFFFEBD0] =	vst v2  }
0x292: {  	v2 =	vmax.f32 v6, $0.0e+00;
	v6 =	vld [tilespmem:s28+$0xFFFFF0D0]  }
0x293: {  	v3 =	vadd.f32 v5, v3;
	[tilespmem:s25+$0xFFFFFEF0] =	vst v2;
	v2 =	vmax.f32 v4, $0.0e+00;
	v4 =	vld [tilespmem:s22+$0x90]  }
0x294: {  	v8 =	vadd.f32 v9, v8;
	v10 =	vld [tilespmem:s26+$0xF0]  }
0x295: {  	v3 =	vmax.f32 v3, $0.0e+00;
	v7 =	vadd.f32 v7, v14;
	v11 =	vld [tilespmem:s11+$0xF0];
	[tilespmem:s31+$0xFFFFEB30] =	vst v2  }
0x296: {  	[tilespmem:s25+$0xFFFFFF40] =	vst v3;
	v8 =	vmax.f32 v8, $0.0e+00;
	v5 =	vld [tilespmem:s28+$0xFFFFF050]  }
0x297: {  	v3 =	vmax.f32 v7, $0.0e+00;
	[tilespmem:s25+$0xFFFFFF90] =	vst v8;
	v55 =	vld [tilespmem:s22+$0xFFFFFF90]  }
0x298: {  	v8 =	vld [tilespmem:s11+$0xFFFFFFE0];
	[tilespmem:s31+$0xFFFFEB80] =	vst v3;
	v3 =	vadd.f32 v4, v6  }
0x299: {  	v59 =	vld [tilespmem:s26+$0xA0]  }
0x29a: {  	v60 =	vld [tilespmem:s11+$0x60];
	v3 =	vmax.f32 v3, $0.0e+00  }
0x29b: {  	v2 =	vld [tilespmem:s26+$0x20];
	[tilespmem:s31+$0xFFFFEBE0] =	vst v3  }
0x29c: {  	v5 =	vadd.f32 v55, v5;
	v3 =	vld [tilespmem:s28+$0xFFFFF0E0]  }
0x29d: {  	v57 =	vld [tilespmem:s22+$0xA0]  }
0x29e: {  	v6 =	vld [tilespmem:s28+$0xFFFFF090];
	v5 =	vmax.f32 v5, $0.0e+00  }
0x29f: {  	[tilespmem:s31+$0xFFFFEB40] =	vst v5;
	v5 =	vld [tilespmem:s22+$0x10]  }
0x2a0: {  	v12 =	vadd.f32 v56, v12;
	v9 =	vld [tilespmem:s28+$0xFFFFF060]  }
0x2a1: {  	v58 =	vld [tilespmem:s22+$0xFFFFFFA0]  }
0x2a2: {  	v12 =	vmax.f32 v12, $0.0e+00;
	v7 =	vld [tilespmem:s11+$0xFFFFFF60];
	v3 =	vadd.f32 v57, v3  }
0x2a3: {  	[tilespmem:s31+$0xFFFFEAF0] =	vst v12;
	v4 =	vld [tilespmem:s26+$0x60]  }
0x2a4: {  	v5 =	vadd.f32 v5, v6;
	v6 =	vld [tilespmem:s28+$0xFFFFF020];
	v3 =	vmax.f32 v3, $0.0e+00  }
0x2a5: {  	[tilespmem:s31+$0xFFFFEBF0] =	vst v3;
	v3 =	vld [tilespmem:s22+$0xFFFFFF20]  }
0x2a6: {  	v9 =	vadd.f32 v58, v9;
	v5 =	vmax.f32 v5, $0.0e+00;
	v61 =	vld [tilespmem:s28+$0xFFFFF0F0]  }
0x2a7: {  	v2 =	vadd.f32 v7, v2;
	[tilespmem:s31+$0xFFFFEB90] =	vst v5;
	v5 =	vld [tilespmem:s22+$0xB0]  }
0x2a8: {  	v7 =	vmax.f32 v9, $0.0e+00;
	v9 =	vld [tilespmem:s28+$0xFFFFF0A0]  }
0x2a9: {  	v2 =	vmax.f32 v2, $0.0e+00;
	[tilespmem:s31+$0xFFFFEB50] =	vst v7;
	v7 =	vld [tilespmem:s22+$0x20]  }
0x2aa: {  	[tilespmem:s25+$0xFFFFFF00] =	vst v2;
	v2 =	vld [tilespmem:s22+$0xFFFFFFB0];
	v3 =	vadd.f32 v3, v6  }
0x2ab: {  	v6 =	vld [tilespmem:s28+$0xFFFFF070]  }
0x2ac: {  	v62 =	vld [tilespmem:s26+$0x30];
	v5 =	vadd.f32 v5, v61;
	v3 =	vmax.f32 v3, $0.0e+00  }
0x2ad: {  	[tilespmem:s31+$0xFFFFEB00] =	vst v3;
	v3 =	vld [tilespmem:s11+$0xFFFFFF70]  }
0x2ae: {  	v7 =	vadd.f32 v7, v9;
	v5 =	vmax.f32 v5, $0.0e+00;
	v9 =	vld [tilespmem:s28+$0xFFFFF030]  }
0x2af: {  	[tilespmem:s31+$0xFFFFEC00] =	vst v5;
	v5 =	vld [tilespmem:s22+$0xFFFFFF30]  }
0x2b0: {  	v2 =	vadd.f32 v2, v6;
	v6 =	vmax.f32 v7, $0.0e+00;
	v7 =	vld [tilespmem:s28+$0xC0]  }
0x2b1: {  	[tilespmem:s31+$0xFFFFEBA0] =	vst v6;
	v6 =	vld [tilespmem:s22+$0xC0]  }
0x2b2: {  	v4 =	vadd.f32 v8, v4;
	v2 =	vmax.f32 v2, $0.0e+00;
	v8 =	vld [tilespmem:s28+$0xFFFFF0B0]  }
0x2b3: {  	[tilespmem:s31+$0xFFFFEB60] =	vst v2;
	v2 =	vld [tilespmem:s22+$0x30]  }
0x2b4: {  	v4 =	vmax.f32 v4, $0.0e+00;
	v5 =	vadd.f32 v5, v9;
	v9 =	vld [tilespmem:s28+$0x40]  }
0x2b5: {  	[tilespmem:s25+$0xFFFFFF50] =	vst v4;
	v4 =	vld [tilespmem:s22+$0xFFFFFFC0]  }
0x2b6: {  	v5 =	vmax.f32 v5, $0.0e+00;
	v6 =	vadd.f32 v6, v7;
	v7 =	vld [tilespmem:s26+$0x70]  }
0x2b7: {  	[tilespmem:s31+$0xFFFFEB10] =	vst v5;
	v5 =	vld [tilespmem:s11+$0xFFFFFFF0]  }
0x2b8: {  	v2 =	vadd.f32 v2, v8;
	v8 =	vld [tilespmem:s28+$0x0];
	v6 =	vmax.f32 v6, $0.0e+00  }
0x2b9: {  	[tilespmem:s31+$0xFFFFFFD0] =	vst v6;
	v6 =	vld [tilespmem:s22+$0xFFFFFF40]  }
0x2ba: {  	v4 =	vadd.f32 v4, v9;
	v2 =	vmax.f32 v2, $0.0e+00;
	v9 =	vld [tilespmem:s28+$0xD0]  }
0x2bb: {  	[tilespmem:s31+$0xFFFFEBB0] =	vst v2;
	v2 =	vld [tilespmem:s22+$0xD0]  }
0x2bc: {  	v12 =	vadd.f32 v60, v59;
	v4 =	vmax.f32 v4, $0.0e+00;
	v63 =	vld [tilespmem:s28+$0x80]  }
0x2bd: {  	[tilespmem:s31+$0xFFFFFF30] =	vst v4;
	v4 =	vld [tilespmem:s22+$0x40]  }
0x2be: {  	v10 =	vadd.f32 v11, v10;
	v12 =	vmax.f32 v12, $0.0e+00;
	v11 =	vld [tilespmem:s22+$0xFFFFFFD0];
	v6 =	vadd.f32 v6, v8  }
0x2bf: {  	[tilespmem:s25+$0xFFFFFFA0] =	vst v12;
	v8 =	vld [tilespmem:s28+$0x50]  }
0x2c0: {  	v12 =	vld [tilespmem:s11+$0x70];
	v6 =	vmax.f32 v6, $0.0e+00;
	v2 =	vadd.f32 v2, v9  }
0x2c1: {  	v10 =	vmax.f32 v10, $0.0e+00;
	v3 =	vadd.f32 v3, v62;
	v9 =	vld [tilespmem:s26+$0xB0];
	[tilespmem:s31+$0xFFFFFEE0] =	vst v6  }
0x2c2: {  	[tilespmem:s25+$0x0] =	vst v10;
	v10 =	vadd.f32 v4, v63;
	v4 =	vld [tilespmem:s28+$0x10];
	v2 =	vmax.f32 v2, $0.0e+00  }
0x2c3: {  	v3 =	vmax.f32 v3, $0.0e+00;
	v5 =	vadd.f32 v5, v7;
	v6 =	vld [tilespmem:s22+$0xFFFFFF50];
	[tilespmem:s31+$0xFFFFFFE0] =	vst v2  }
0x2c4: {  	[tilespmem:s25+$0xFFFFFF10] =	vst v3;
	v2 =	vadd.f32 v11, v8;
	v7 =	vmax.f32 v10, $0.0e+00;
	v3 =	vld [tilespmem:s28+$0xE0]  }
0x2c5: {  	v8 =	vmax.f32 v5, $0.0e+00;
	[tilespmem:s31+$0xFFFFFF80] =	vst v7;
	v5 =	vld [tilespmem:s22+$0xE0]  }
0x2c6: {  	[tilespmem:s25+$0xFFFFFF60] =	vst v8;
	v8 =	vmax.f32 v2, $0.0e+00;
	v7 =	vld [tilespmem:s28+$0x90];
	v2 =	vadd.f32 v12, v9  }
0x2c7: {  	s19 =	simm.s32 $0xCD00;
	s11 =	simm.s32 $0x15C00;
	s26 =	simm.s32 $0x4;
	[tilespmem:s31+$0xFFFFFF40] =	vst v8;
	v8 =	vld [tilespmem:s22+$0x50]  }
.LBB2_11:
0x2c8: {  	v9 =	vld [tilespmem:s11+$0xFFFFF0C0];
	v4 =	vadd.f32 v6, v4;
	s22 =	sadd.s32 $0x200, s22;
	v2 =	vmax.f32 v2, $0.0e+00  }
0x2c9: {  	v6 =	vld [tilespmem:s22+$0x80];
	[tilespmem:s25+$0xFFFFFFB0] =	vst v2;
	s25 =	smov.u32 s31  }
0x2ca: {  	v2 =	vld [tilespmem:s22+$0xFFFFFF00];
	v4 =	vmax.f32 v4, $0.0e+00;
	v3 =	vadd.f32 v5, v3  }
0x2cb: {  	v5 =	vld [tilespmem:s11+$0xFFFFF040];
	[tilespmem:s31+$0xFFFFFEF0] =	vst v4  }
0x2cc: {  	v4 =	vld [tilespmem:s22+$0xFFFFFF80];
	v7 =	vadd.f32 v8, v7;
	v3 =	vmax.f32 v3, $0.0e+00  }
0x2cd: {  	v8 =	vld [tilespmem:s11+$0xFFFFF080];
	[tilespmem:s31+$0xFFFFFFF0] =	vst v3  }
0x2ce: {  	v3 =	vadd.f32 v6, v9;
	v6 =	vmax.f32 v7, $0.0e+00;
	v7 =	vld [tilespmem:s28+$0xF0]  }
0x2cf: {  	[tilespmem:s31+$0xFFFFFF90] =	vst v6;
	v6 =	vld [tilespmem:s19+$0xF0]  }
0x2d0: {  	s26 =	sadd.s32 $0x4, s26;
	s31 =	sadd.s32 $0x140, s31;
	v9 =	vld [tilespmem:s22+$0x0];
	v3 =	vmax.f32 v3, $0.0e+00  }
0x2d1: {  	p0 =	slt.u32 s26, $0x3C;
	v10 =	vld [tilespmem:s11+$0xFFFFF000];
	v4 =	vadd.f32 v4, v5;
	[tilespmem:s31+$0xFFFFEBD0] =	vst v3  }
0x2d2: {  	v3 =	vld [tilespmem:s11+$0xFFFFF0D0]  }
0x2d3: {  	v4 =	vmax.f32 v4, $0.0e+00;
	v5 =	vld [tilespmem:s22+$0x90]  }
0x2d4: {  	[tilespmem:s31+$0xFFFFEB30] =	vst v4;
	v4 =	vld [tilespmem:s28+$0x20];
	v6 =	vadd.f32 v6, v7  }
0x2d5: {  	v7 =	vld [tilespmem:s11+$0xFFFFF050];
	v8 =	vadd.f32 v9, v8  }
0x2d6: {  	v2 =	vadd.f32 v2, v10;
	v9 =	vld [tilespmem:s22+$0xFFFFFF90];
	v6 =	vmax.f32 v6, $0.0e+00  }
0x2d7: {  	v8 =	vmax.f32 v8, $0.0e+00;
	v10 =	vld [tilespmem:s19+$0xFFFFFF60];
	[tilespmem:s25+$0x0] =	vst v6  }
0x2d8: {  	v2 =	vmax.f32 v2, $0.0e+00;
	[tilespmem:s31+$0xFFFFEB80] =	vst v8;
	v3 =	vadd.f32 v5, v3;
	v5 =	vld [tilespmem:s28+$0x60]  }
0x2d9: {  	[tilespmem:s31+$0xFFFFEAE0] =	vst v2;
	v2 =	vld [tilespmem:s11+$0xFFFFF090]  }
0x2da: {  	v6 =	vld [tilespmem:s11+$0xFFFFF010];
	v3 =	vmax.f32 v3, $0.0e+00  }
0x2db: {  	v8 =	vld [tilespmem:s22+$0xFFFFFF10];
	v7 =	vadd.f32 v9, v7;
	[tilespmem:s31+$0xFFFFEBE0] =	vst v3  }
0x2dc: {  	v3 =	vld [tilespmem:s11+$0xFFFFF0E0];
	v4 =	vadd.f32 v10, v4  }
0x2dd: {  	v7 =	vmax.f32 v7, $0.0e+00;
	v9 =	vld [tilespmem:s22+$0xA0]  }
0x2de: {  	[tilespmem:s31+$0xFFFFEB40] =	vst v7;
	v7 =	vld [tilespmem:s22+$0x10];
	v4 =	vmax.f32 v4, $0.0e+00  }
0x2df: {  	v10 =	vld [tilespmem:s11+$0xFFFFF060];
	[tilespmem:s25+$0xFFFFFF00] =	vst v4  }
0x2e0: {  	v4 =	vadd.f32 v8, v6;
	v6 =	vld [tilespmem:s22+$0xFFFFFFA0]  }
0x2e1: {  	v8 =	vld [tilespmem:s19+$0xFFFFFFE0]  }
0x2e2: {  	v4 =	vmax.f32 v4, $0.0e+00;
	v3 =	vadd.f32 v9, v3;
	v9 =	vld [tilespmem:s28+$0xA0]  }
0x2e3: {  	[tilespmem:s31+$0xFFFFEAF0] =	vst v4;
	v2 =	vadd.f32 v7, v2;
	v4 =	vld [tilespmem:s19+$0x60]  }
0x2e4: {  	v7 =	vld [tilespmem:s11+$0xFFFFF020];
	v3 =	vmax.f32 v3, $0.0e+00  }
0x2e5: {  	v11 =	vld [tilespmem:s22+$0xFFFFFF20];
	v6 =	vadd.f32 v6, v10;
	v2 =	vmax.f32 v2, $0.0e+00;
	[tilespmem:s31+$0xFFFFEBF0] =	vst v3  }
0x2e6: {  	[tilespmem:s31+$0xFFFFEB90] =	vst v2;
	v2 =	vld [tilespmem:s11+$0xFFFFF0F0];
	v3 =	vadd.f32 v8, v5  }
0x2e7: {  	v5 =	vmax.f32 v6, $0.0e+00;
	v6 =	vld [tilespmem:s22+$0xB0]  }
0x2e8: {  	[tilespmem:s31+$0xFFFFEB50] =	vst v5;
	v5 =	vld [tilespmem:s11+$0xFFFFF0A0];
	v3 =	vmax.f32 v3, $0.0e+00;
	v4 =	vadd.f32 v4, v9  }
0x2e9: {  	v8 =	vld [tilespmem:s22+$0x20];
	[tilespmem:s25+$0xFFFFFF50] =	vst v3  }
0x2ea: {  	v3 =	vadd.f32 v11, v7;
	v7 =	vld [tilespmem:s11+$0xFFFFF070];
	v4 =	vmax.f32 v4, $0.0e+00  }
0x2eb: {  	v9 =	vld [tilespmem:s22+$0xFFFFFFB0];
	[tilespmem:s25+$0xFFFFFFA0] =	vst v4  }
0x2ec: {  	v3 =	vmax.f32 v3, $0.0e+00;
	v2 =	vadd.f32 v6, v2;
	v4 =	vld [tilespmem:s28+$0x30]  }
0x2ed: {  	[tilespmem:s31+$0xFFFFEB00] =	vst v3;
	v3 =	vld [tilespmem:s19+$0xFFFFFF70]  }
0x2ee: {  	v6 =	vld [tilespmem:s11+$0xFFFFF030];
	v5 =	vadd.f32 v8, v5;
	v2 =	vmax.f32 v2, $0.0e+00  }
0x2ef: {  	v8 =	vld [tilespmem:s22+$0xFFFFFF30];
	[tilespmem:s31+$0xFFFFEC00] =	vst v2  }
0x2f0: {  	v2 =	vadd.f32 v9, v7;
	v5 =	vmax.f32 v5, $0.0e+00;
	v7 =	vld [tilespmem:s11+$0xC0]  }
0x2f1: {  	[tilespmem:s31+$0xFFFFEBA0] =	vst v5;
	v5 =	vld [tilespmem:s22+$0xC0]  }
0x2f2: {  	v2 =	vmax.f32 v2, $0.0e+00;
	v9 =	vld [tilespmem:s11+$0xFFFFF0B0];
	v3 =	vadd.f32 v3, v4  }
0x2f3: {  	[tilespmem:s31+$0xFFFFEB60] =	vst v2;
	v2 =	vld [tilespmem:s22+$0x30]  }
0x2f4: {  	v4 =	vadd.f32 v8, v6;
	v6 =	vld [tilespmem:s11+$0x40];
	v3 =	vmax.f32 v3, $0.0e+00  }
0x2f5: {  	v8 =	vld [tilespmem:s22+$0xFFFFFFC0];
	[tilespmem:s25+$0xFFFFFF10] =	vst v3  }
0x2f6: {  	v3 =	vmax.f32 v4, $0.0e+00;
	v4 =	vadd.f32 v5, v7;
	v5 =	vld [tilespmem:s28+$0x70]  }
0x2f7: {  	[tilespmem:s31+$0xFFFFEB10] =	vst v3;
	v3 =	vld [tilespmem:s19+$0xFFFFFFF0]  }
0x2f8: {  	v7 =	vld [tilespmem:s11+$0x0];
	v2 =	vadd.f32 v2, v9;
	v4 =	vmax.f32 v4, $0.0e+00  }
0x2f9: {  	v9 =	vld [tilespmem:s22+$0xFFFFFF40];
	[tilespmem:s31+$0xFFFFFFD0] =	vst v4  }
0x2fa: {  	v4 =	vadd.f32 v8, v6;
	v2 =	vmax.f32 v2, $0.0e+00;
	v6 =	vld [tilespmem:s11+$0xD0]  }
0x2fb: {  	[tilespmem:s31+$0xFFFFEBB0] =	vst v2;
	v2 =	vld [tilespmem:s22+$0xD0]  }
0x2fc: {  	v4 =	vmax.f32 v4, $0.0e+00;
	v8 =	vld [tilespmem:s11+$0x80];
	v3 =	vadd.f32 v3, v5  }
0x2fd: {  	[tilespmem:s31+$0xFFFFFF30] =	vst v4;
	v5 =	vld [tilespmem:s22+$0x40]  }
0x2fe: {  	v4 =	vadd.f32 v9, v7;
	v7 =	vld [tilespmem:s11+$0x50];
	v3 =	vmax.f32 v3, $0.0e+00  }
0x2ff: {  	v9 =	vld [tilespmem:s22+$0xFFFFFFD0];
	[tilespmem:s25+$0xFFFFFF60] =	vst v3  }
0x300: {  	v3 =	vmax.f32 v4, $0.0e+00;
	v2 =	vadd.f32 v2, v6;
	v10 =	vld [tilespmem:s28+$0xB0];
	s28 =	smov.u32 s11  }
0x301: {  	[tilespmem:s31+$0xFFFFFEE0] =	vst v3;
	v11 =	vld [tilespmem:s19+$0x70];
	s19 =	smov.u32 s22  }
0x302: {  	v4 =	vld [tilespmem:s11+$0x10];
	v3 =	vadd.f32 v5, v8;
	v2 =	vmax.f32 v2, $0.0e+00  }
.Ltmp4:
0x303: {  	v6 =	vld [tilespmem:s22+$0xFFFFFF50];
	[tilespmem:s31+$0xFFFFFFE0] =	vst v2;
	(pc) =	sbr.rel @p0 .LBB2_11-.Ltmp4, $4  }
0x304: {  	v2 =	vadd.f32 v9, v7;
	v5 =	vmax.f32 v3, $0.0e+00;
	v3 =	vld [tilespmem:s11+$0xE0]  }
0x305: {  	[tilespmem:s31+$0xFFFFFF80] =	vst v5;
	v5 =	vld [tilespmem:s22+$0xE0]  }
0x306: {  	v8 =	vmax.f32 v2, $0.0e+00;
	v7 =	vld [tilespmem:s11+$0x90];
	v2 =	vadd.f32 v11, v10  }
0x307: {  	s11 =	sadd.s32 $0x100, s11;
	[tilespmem:s31+$0xFFFFFF40] =	vst v8;
	v8 =	vld [tilespmem:s22+$0x50]  }
0x308: {  	v4 =	vadd.f32 v6, v4;
	_ =	sdelay $0x1  }
0x309: {  	v4 =	vmax.f32 v4, $0.0e+00  }
0x30a: {  	[tilespmem:s31+$0xFFFFFEF0] =	vst v4  }
0x30b: {  	v4 =	vadd.f32 v8, v7;
	v6 =	vld [tilespmem:s28+$0x20]  }
0x30c: {  	v7 =	vld [tilespmem:s19+$0xFFFFFF60]  }
0x30d: {  	v8 =	vld [tilespmem:s28+$0x60];
	v4 =	vmax.f32 v4, $0.0e+00  }
0x30e: {  	[tilespmem:s31+$0xFFFFFF90] =	vst v4;
	v4 =	vld [tilespmem:s19+$0xFFFFFFE0]  }
0x30f: {  	v3 =	vadd.f32 v5, v3;
	v5 =	vld [tilespmem:s28+$0xA0]  }
0x310: {  	v9 =	vld [tilespmem:s19+$0x60]  }
0x311: {  	v3 =	vmax.f32 v3, $0.0e+00;
	v6 =	vadd.f32 v7, v6  }
0x312: {  	[tilespmem:s31+$0xFFFFFFF0] =	vst v3  }
0x313: {  	v3 =	vld [tilespmem:s28+$0xF0];
	v6 =	vmax.f32 v6, $0.0e+00;
	v4 =	vadd.f32 v4, v8  }
0x314: {  	v7 =	vld [tilespmem:s19+$0xF0];
	[tilespmem:s31+$0xFFFFFF00] =	vst v6  }
0x315: {  	v5 =	vadd.f32 v9, v5;
	v6 =	vld [tilespmem:s28+$0x30];
	v4 =	vmax.f32 v4, $0.0e+00  }
0x316: {  	[tilespmem:s31+$0xFFFFFF50] =	vst v4;
	v4 =	vld [tilespmem:s19+$0xFFFFFF70]  }
0x317: {  	v5 =	vmax.f32 v5, $0.0e+00;
	v8 =	vld [tilespmem:s28+$0x70]  }
0x318: {  	[tilespmem:s31+$0xFFFFFFA0] =	vst v5;
	v5 =	vld [tilespmem:s19+$0xFFFFFFF0]  }
0x319: {  	v9 =	vld [tilespmem:s28+$0xB0]  }
0x31a: {  	v10 =	vld [tilespmem:s19+$0x70];
	_ =	sdelay $0x1  }
0x31b: {  	v3 =	vadd.f32 v7, v3  }
0x31c: {  	v2 =	vmax.f32 v2, $0.0e+00;
	v4 =	vadd.f32 v4, v6  }
0x31d: {  	[tilespmem:s25+$0xFFFFFFB0] =	vst v2;
	v2 =	vmax.f32 v3, $0.0e+00;
	v3 =	vadd.f32 v5, v8  }
0x31e: {  	[tilespmem:s31+$0x0] =	vst v2;
	v2 =	vmax.f32 v4, $0.0e+00;
	v4 =	vadd.f32 v10, v9  }
0x31f: {  	[tilespmem:s31+$0xFFFFFF10] =	vst v2;
	v2 =	vmax.f32 v3, $0.0e+00  }
0x320: {  	[tilespmem:s31+$0xFFFFFF60] =	vst v2;
	v2 =	vmax.f32 v4, $0.0e+00  }
0x321: {  	[tilespmem:s31+$0xFFFFFFB0] =	vst v2  }
0x322: {  	_ =	swait.ge [sflag:s24], $0x80  }
0x323: {  	s11 =	simm.s32 $0x18A00;
	s28 =	sadd.s32 $0x5, s4;
	[sflag:s24] =	ssyncset.done $0x0  }
0x324: {  	s26 =	simm.s32 $0x1DB00;
	p0 =	sge.u32 s28, s8;
	[sflag:s24] =	ssyncadd.s32 $0xFFFFFF80  }
0x325: {  	[spmem:s3] =	stream.indirect.scatter.add.f32 [tilespmem:s11], [sflag:$0x11], $0x50, s26, s29, $0xb8;
	[tilespmem:$0x1DC00] =	vst v63  }
0x326: {  	s0 =	sshll.u32 @!p1 s0, $0xD;
	s11 =	sshll.u32 @!p0 s28, $0x7  }
0x327: {  	s0 =	sadd.s32 @!p1 s23, s0;
	s11 =	sadd.s32 @!p0 s9, s11  }
0x328: {  	s0 =	sshrl.u32 @!p1 s0, $0x3;
	s25 =	sshrl.u32 @!p0 s11, $0x3  }
0x329: {  	s19 =	simm.s32 @!p0 $0x0;
	s22 =	simm.s32 @!p0 $0xC880;
	s11 =	sadd.s32 @!p0 s6, s25  }
0x32a: {  	[tilespmem:s22], [sflag:$0x2] =	stream.linear.gather @!p0 [hbm4b:s11+s19], $0x80, $0x38;
	[tilespmem:$0x1DC00] =	vst v63  }
0x32b: {  	s0 =	sadd.s32 @!p1 s5, s0;
	s11 =	simm.s32 @!p1 $0x0;
	s19 =	simm.s32 @!p1 $0xCA00  }
0x32c: {  	[tilespmem:s19], [sflag:$0x5] =	stream.linear.gather @!p1 [hbm4b:s0+s11], $0x2000, $0x38;
	[tilespmem:$0x1DC00] =	vst v63  }
0x32d: {  	s0 =	sadd.s32 @!p1 s7, s30;
	s19 =	simm.s32 @!p1 $0x1DA00  }
0x32e: {  	[tilespmem:s19], [sflag:$0xB] =	stream.linear.gather @!p1 [hbm4b:s0+s11], $0x80, $0x38;
	[tilespmem:$0x1DC00] =	vst v63  }
0x32f: {  	_ =	swait.ge [sflag:s15], $0x2000  }
0x330: {  	[sflag:s15] =	ssyncset.done $0x0  }
0x331: {  	s0 =	simm.s32 @!p0 $0x2;
	[sflag:s15] =	ssyncadd.s32 $0xFFFFE000  }
0x332: {  	_ =	swait.ge @!p0 [sflag:s0], $0x80  }
0x333: {  	[sflag:s0] =	ssyncset.done @!p0 $0x0  }
0x334: {  	s11 =	simm.s32 @!p0 $0x12A00;
	[sflag:s0] =	ssyncadd.s32 @!p0 $0xFFFFFF80;
	s0 =	simm.s32 @!p0 $0x80  }
0x335: {  	[tilespmem:s11], [sflag:$0x8] =	stream.indirect.gather @!p0 [hbm4b:s1+s0], $0x40, s22, s0, $0xb8;
	[tilespmem:$0x1DC00] =	vst v63  }
0x336: {  	_ =	swait.ge [sflag:s17], $0x2800  }
0x337: {  	[sflag:s17] =	ssyncset.done $0x0  }
0x338: {  	[sflag:s17] =	ssyncadd.s32 $0xFFFFD800  }
0x339: {  	_ =	swait.ge [sflag:s16], $0x2000  }
0x33a: {  	[sflag:s16] =	ssyncset.done $0x0  }
0x33b: {  	s26 =	simm.s32 $0x17A00;
	[sflag:s16] =	ssyncadd.s32 $0xFFFFE000  }
0x33c: {  	s11 =	simm.s32 $0xEB00;
	v2 =	vld [tilespmem:s26+$0xFFFFF0C0]  }
0x33d: {  	v3 =	vld [tilespmem:s11+$0x80];
	_ =	sdelay $0x4  }
0x33e: {  	v4 =	vld [tilespmem:s26+$0xFFFFF040];
	v2 =	vadd.f32 v3, v2  }
0x33f: {  	v3 =	vld [tilespmem:s11+$0xFFFFFF80]  }
0x340: {  	s0 =	simm.s32 $0x1C720;
	v5 =	vld [tilespmem:s11+$0xFFFFFF00];
	v2 =	vmax.f32 v2, $0.0e+00  }
0x341: {  	v6 =	vld [tilespmem:s26+$0xFFFFF000];
	[tilespmem:s0+$0xFFFFEBD0] =	vst v2  }
0x342: {  	v2 =	vld [tilespmem:s26+$0xFFFFF0D0]  }
0x343: {  	v7 =	vld [tilespmem:s11+$0x90]  }
0x344: {  	v8 =	vld [tilespmem:s26+$0xFFFFF080];
	v3 =	vadd.f32 v3, v4  }
0x345: {  	v4 =	vld [tilespmem:s11+$0x0]  }
0x346: {  	v5 =	vadd.f32 v5, v6;
	v3 =	vmax.f32 v3, $0.0e+00  }
0x347: {  	[tilespmem:s0+$0xFFFFEB30] =	vst v3  }
0x348: {  	v5 =	vmax.f32 v5, $0.0e+00;
	v3 =	vld [tilespmem:s26+$0xFFFFF050];
	v2 =	vadd.f32 v7, v2  }
0x349: {  	[tilespmem:s0+$0xFFFFEAE0] =	vst v5;
	v6 =	vld [tilespmem:s11+$0xFFFFFF90]  }
0x34a: {  	v5 =	vld [tilespmem:s26+$0xFFFFF010];
	v4 =	vadd.f32 v4, v8;
	v2 =	vmax.f32 v2, $0.0e+00  }
0x34b: {  	v7 =	vld [tilespmem:s11+$0xFFFFFF10];
	[tilespmem:s0+$0xFFFFEBE0] =	vst v2  }
0x34c: {  	v2 =	vmax.f32 v4, $0.0e+00;
	v4 =	vld [tilespmem:s26+$0xFFFFF0E0]  }
0x34d: {  	[tilespmem:s0+$0xFFFFEB80] =	vst v2;
	v2 =	vld [tilespmem:s11+$0xA0]  }
0x34e: {  	v8 =	vld [tilespmem:s26+$0xFFFFF090];
	v3 =	vadd.f32 v6, v3  }
0x34f: {  	v6 =	vld [tilespmem:s11+$0x10]  }
0x350: {  	v3 =	vmax.f32 v3, $0.0e+00  }
0x351: {  	v5 =	vadd.f32 v7, v5;
	[tilespmem:s0+$0xFFFFEB40] =	vst v3  }
0x352: {  	v3 =	vld [tilespmem:s26+$0xFFFFF060];
	v2 =	vadd.f32 v2, v4  }
0x353: {  	v5 =	vmax.f32 v5, $0.0e+00;
	v4 =	vld [tilespmem:s11+$0xFFFFFFA0]  }
0x354: {  	[tilespmem:s0+$0xFFFFEAF0] =	vst v5;
	v5 =	vadd.f32 v6, v8;
	v2 =	vmax.f32 v2, $0.0e+00  }
0x355: {  	[tilespmem:s0+$0xFFFFEBF0] =	vst v2  }
0x356: {  	v2 =	vmax.f32 v5, $0.0e+00;
	v5 =	vld [tilespmem:s26+$0xFFFFF0F0]  }
0x357: {  	[tilespmem:s0+$0xFFFFEB90] =	vst v2;
	v2 =	vld [tilespmem:s11+$0xB0]  }
0x358: {  	v3 =	vadd.f32 v4, v3;
	v4 =	vld [tilespmem:s26+$0xFFFFF0A0]  }
0x359: {  	v8 =	vld [tilespmem:s11+$0x20]  }
0x35a: {  	v7 =	vld [tilespmem:s11+$0xFFFFFF20];
	v3 =	vmax.f32 v3, $0.0e+00  }
0x35b: {  	v6 =	vld [tilespmem:s26+$0xFFFFF020];
	[tilespmem:s0+$0xFFFFEB50] =	vst v3  }
0x35c: {  	v3 =	vld [tilespmem:s26+$0xFFFFF070];
	v2 =	vadd.f32 v2, v5  }
0x35d: {  	v5 =	vld [tilespmem:s11+$0xFFFFFFB0]  }
0x35e: {  	v4 =	vadd.f32 v8, v4;
	v2 =	vmax.f32 v2, $0.0e+00  }
0x35f: {  	[tilespmem:s0+$0xFFFFEC00] =	vst v2  }
0x360: {  	v6 =	vadd.f32 v7, v6;
	v2 =	vmax.f32 v4, $0.0e+00;
	v4 =	vld [tilespmem:s26+$0xC0]  }
0x361: {  	[tilespmem:s0+$0xFFFFEBA0] =	vst v2;
	v2 =	vld [tilespmem:s11+$0xC0]  }
0x362: {  	v6 =	vmax.f32 v6, $0.0e+00;
	v3 =	vadd.f32 v5, v3;
	v5 =	vld [tilespmem:s26+$0xFFFFF0B0]  }
0x363: {  	[tilespmem:s0+$0xFFFFEB00] =	vst v6;
	v8 =	vld [tilespmem:s11+$0x30]  }
0x364: {  	v6 =	vld [tilespmem:s26+$0xFFFFF030];
	v3 =	vmax.f32 v3, $0.0e+00  }
0x365: {  	v7 =	vld [tilespmem:s11+$0xFFFFFF30];
	[tilespmem:s0+$0xFFFFEB60] =	vst v3  }
0x366: {  	v3 =	vld [tilespmem:s26+$0x40];
	v2 =	vadd.f32 v2, v4  }
0x367: {  	v4 =	vld [tilespmem:s11+$0xFFFFFFC0]  }
0x368: {  	s22 =	simm.s32 $0xED00;
	v5 =	vadd.f32 v8, v5;
	v2 =	vmax.f32 v2, $0.0e+00  }
0x369: {  	v12 =	vld [tilespmem:s22+$0xFFFFFF00];
	[tilespmem:s0+$0xFFFFFFD0] =	vst v2  }
0x36a: {  	v2 =	vmax.f32 v5, $0.0e+00;
	v5 =	vld [tilespmem:s26+$0xD0]  }
0x36b: {  	v6 =	vadd.f32 v7, v6;
	[tilespmem:s0+$0xFFFFEBB0] =	vst v2;
	v2 =	vld [tilespmem:s11+$0xD0]  }
0x36c: {  	v3 =	vadd.f32 v4, v3;
	v4 =	vld [tilespmem:s26+$0x80]  }
0x36d: {  	s30 =	simm.s32 $0x17B00;
	v6 =	vmax.f32 v6, $0.0e+00;
	v8 =	vld [tilespmem:s11+$0x40]  }
0x36e: {  	v54 =	vld [tilespmem:s30+$0xFFFFF000];
	[tilespmem:s0+$0xFFFFEB10] =	vst v6  }
0x36f: {  	v6 =	vld [tilespmem:s26+$0x0]  }
0x370: {  	v7 =	vld [tilespmem:s11+$0xFFFFFF40];
	v2 =	vadd.f32 v2, v5  }
0x371: {  	v10 =	vld [tilespmem:s30+$0xFFFFF0C0]  }
0x372: {  	v11 =	vld [tilespmem:s22+$0x80];
	v4 =	vadd.f32 v8, v4;
	v2 =	vmax.f32 v2, $0.0e+00  }
0x373: {  	v13 =	vld [tilespmem:s22+$0xFFFFFF80];
	v12 =	vadd.f32 v12, v54;
	[tilespmem:s0+$0xFFFFFFE0] =	vst v2  }
0x374: {  	v2 =	vmax.f32 v4, $0.0e+00;
	v4 =	vld [tilespmem:s26+$0xE0]  }
0x375: {  	s31 =	simm.s32 $0x1C860;
	v12 =	vmax.f32 v12, $0.0e+00;
	v6 =	vadd.f32 v7, v6;
	[tilespmem:s0+$0xFFFFFF80] =	vst v2;
	v2 =	vld [tilespmem:s11+$0xE0]  }
0x376: {  	v14 =	vld [tilespmem:s30+$0xFFFFF080];
	[tilespmem:s31+$0xFFFFEAE0] =	vst v12;
	v3 =	vmax.f32 v3, $0.0e+00  }
0x377: {  	v12 =	vld [tilespmem:s30+$0xFFFFF010];
	[tilespmem:s0+$0xFFFFFF30] =	vst v3;
	v6 =	vmax.f32 v6, $0.0e+00  }
0x378: {  	v3 =	vld [tilespmem:s26+$0x50];
	[tilespmem:s0+$0xFFFFFEE0] =	vst v6  }
0x379: {  	v6 =	vld [tilespmem:s26+$0x10]  }
0x37a: {  	v7 =	vld [tilespmem:s11+$0xFFFFFF50];
	v2 =	vadd.f32 v2, v4  }
0x37b: {  	v4 =	vld [tilespmem:s30+$0xFFFFF040]  }
0x37c: {  	v5 =	vld [tilespmem:s11+$0xFFFFFFD0];
	v2 =	vmax.f32 v2, $0.0e+00  }
0x37d: {  	v8 =	vld [tilespmem:s26+$0x90];
	[tilespmem:s0+$0xFFFFFFF0] =	vst v2;
	v2 =	vadd.f32 v11, v10  }
0x37e: {  	v9 =	vld [tilespmem:s11+$0x50]  }
0x37f: {  	v6 =	vadd.f32 v7, v6;
	v7 =	vld [tilespmem:s22+$0x0];
	v2 =	vmax.f32 v2, $0.0e+00  }
0x380: {  	v56 =	vld [tilespmem:s22+$0xFFFFFF10];
	v4 =	vadd.f32 v13, v4;
	[tilespmem:s31+$0xFFFFEBD0] =	vst v2  }
0x381: {  	v2 =	vmax.f32 v6, $0.0e+00;
	v6 =	vld [tilespmem:s30+$0xFFFFF0D0]  }
0x382: {  	v3 =	vadd.f32 v5, v3;
	[tilespmem:s0+$0xFFFFFEF0] =	vst v2;
	v2 =	vmax.f32 v4, $0.0e+00;
	v4 =	vld [tilespmem:s22+$0x90]  }
0x383: {  	v8 =	vadd.f32 v9, v8;
	v10 =	vld [tilespmem:s26+$0xF0]  }
0x384: {  	v3 =	vmax.f32 v3, $0.0e+00;
	v7 =	vadd.f32 v7, v14;
	v11 =	vld [tilespmem:s11+$0xF0];
	[tilespmem:s31+$0xFFFFEB30] =	vst v2  }
0x385: {  	[tilespmem:s0+$0xFFFFFF40] =	vst v3;
	v8 =	vmax.f32 v8, $0.0e+00;
	v5 =	vld [tilespmem:s30+$0xFFFFF050]  }
0x386: {  	v3 =	vmax.f32 v7, $0.0e+00;
	[tilespmem:s0+$0xFFFFFF90] =	vst v8;
	v55 =	vld [tilespmem:s22+$0xFFFFFF90]  }
0x387: {  	v8 =	vld [tilespmem:s11+$0xFFFFFFE0];
	[tilespmem:s31+$0xFFFFEB80] =	vst v3;
	v3 =	vadd.f32 v4, v6  }
0x388: {  	v59 =	vld [tilespmem:s26+$0xA0]  }
0x389: {  	v60 =	vld [tilespmem:s11+$0x60];
	v3 =	vmax.f32 v3, $0.0e+00  }
0x38a: {  	v2 =	vld [tilespmem:s26+$0x20];
	[tilespmem:s31+$0xFFFFEBE0] =	vst v3  }
0x38b: {  	v5 =	vadd.f32 v55, v5;
	v3 =	vld [tilespmem:s30+$0xFFFFF0E0]  }
0x38c: {  	v57 =	vld [tilespmem:s22+$0xA0]  }
0x38d: {  	v6 =	vld [tilespmem:s30+$0xFFFFF090];
	v5 =	vmax.f32 v5, $0.0e+00  }
0x38e: {  	[tilespmem:s31+$0xFFFFEB40] =	vst v5;
	v5 =	vld [tilespmem:s22+$0x10]  }
0x38f: {  	v12 =	vadd.f32 v56, v12;
	v9 =	vld [tilespmem:s30+$0xFFFFF060]  }
0x390: {  	v58 =	vld [tilespmem:s22+$0xFFFFFFA0]  }
0x391: {  	v12 =	vmax.f32 v12, $0.0e+00;
	v7 =	vld [tilespmem:s11+$0xFFFFFF60];
	v3 =	vadd.f32 v57, v3  }
0x392: {  	[tilespmem:s31+$0xFFFFEAF0] =	vst v12;
	v4 =	vld [tilespmem:s26+$0x60]  }
0x393: {  	v5 =	vadd.f32 v5, v6;
	v6 =	vld [tilespmem:s30+$0xFFFFF020];
	v3 =	vmax.f32 v3, $0.0e+00  }
0x394: {  	[tilespmem:s31+$0xFFFFEBF0] =	vst v3;
	v3 =	vld [tilespmem:s22+$0xFFFFFF20]  }
0x395: {  	v9 =	vadd.f32 v58, v9;
	v5 =	vmax.f32 v5, $0.0e+00;
	v61 =	vld [tilespmem:s30+$0xFFFFF0F0]  }
0x396: {  	v2 =	vadd.f32 v7, v2;
	[tilespmem:s31+$0xFFFFEB90] =	vst v5;
	v5 =	vld [tilespmem:s22+$0xB0]  }
0x397: {  	v7 =	vmax.f32 v9, $0.0e+00;
	v9 =	vld [tilespmem:s30+$0xFFFFF0A0]  }
0x398: {  	v2 =	vmax.f32 v2, $0.0e+00;
	[tilespmem:s31+$0xFFFFEB50] =	vst v7;
	v7 =	vld [tilespmem:s22+$0x20]  }
0x399: {  	[tilespmem:s0+$0xFFFFFF00] =	vst v2;
	v2 =	vld [tilespmem:s22+$0xFFFFFFB0];
	v3 =	vadd.f32 v3, v6  }
0x39a: {  	v6 =	vld [tilespmem:s30+$0xFFFFF070]  }
0x39b: {  	v62 =	vld [tilespmem:s26+$0x30];
	v5 =	vadd.f32 v5, v61;
	v3 =	vmax.f32 v3, $0.0e+00  }
0x39c: {  	[tilespmem:s31+$0xFFFFEB00] =	vst v3;
	v3 =	vld [tilespmem:s11+$0xFFFFFF70]  }
0x39d: {  	v7 =	vadd.f32 v7, v9;
	v5 =	vmax.f32 v5, $0.0e+00;
	v9 =	vld [tilespmem:s30+$0xFFFFF030]  }
0x39e: {  	[tilespmem:s31+$0xFFFFEC00] =	vst v5;
	v5 =	vld [tilespmem:s22+$0xFFFFFF30]  }
0x39f: {  	v2 =	vadd.f32 v2, v6;
	v6 =	vmax.f32 v7, $0.0e+00;
	v7 =	vld [tilespmem:s30+$0xC0]  }
0x3a0: {  	[tilespmem:s31+$0xFFFFEBA0] =	vst v6;
	v6 =	vld [tilespmem:s22+$0xC0]  }
0x3a1: {  	v4 =	vadd.f32 v8, v4;
	v2 =	vmax.f32 v2, $0.0e+00;
	v8 =	vld [tilespmem:s30+$0xFFFFF0B0]  }
0x3a2: {  	[tilespmem:s31+$0xFFFFEB60] =	vst v2;
	v2 =	vld [tilespmem:s22+$0x30]  }
0x3a3: {  	v4 =	vmax.f32 v4, $0.0e+00;
	v5 =	vadd.f32 v5, v9;
	v9 =	vld [tilespmem:s30+$0x40]  }
0x3a4: {  	[tilespmem:s0+$0xFFFFFF50] =	vst v4;
	v4 =	vld [tilespmem:s22+$0xFFFFFFC0]  }
0x3a5: {  	v5 =	vmax.f32 v5, $0.0e+00;
	v6 =	vadd.f32 v6, v7;
	v7 =	vld [tilespmem:s26+$0x70]  }
0x3a6: {  	[tilespmem:s31+$0xFFFFEB10] =	vst v5;
	v5 =	vld [tilespmem:s11+$0xFFFFFFF0]  }
0x3a7: {  	v2 =	vadd.f32 v2, v8;
	v8 =	vld [tilespmem:s30+$0x0];
	v6 =	vmax.f32 v6, $0.0e+00  }
0x3a8: {  	[tilespmem:s31+$0xFFFFFFD0] =	vst v6;
	v6 =	vld [tilespmem:s22+$0xFFFFFF40]  }
0x3a9: {  	v4 =	vadd.f32 v4, v9;
	v2 =	vmax.f32 v2, $0.0e+00;
	v9 =	vld [tilespmem:s30+$0xD0]  }
0x3aa: {  	[tilespmem:s31+$0xFFFFEBB0] =	vst v2;
	v2 =	vld [tilespmem:s22+$0xD0]  }
0x3ab: {  	v12 =	vadd.f32 v60, v59;
	v4 =	vmax.f32 v4, $0.0e+00;
	v63 =	vld [tilespmem:s30+$0x80]  }
0x3ac: {  	[tilespmem:s31+$0xFFFFFF30] =	vst v4;
	v4 =	vld [tilespmem:s22+$0x40]  }
0x3ad: {  	v10 =	vadd.f32 v11, v10;
	v12 =	vmax.f32 v12, $0.0e+00;
	v11 =	vld [tilespmem:s22+$0xFFFFFFD0];
	v6 =	vadd.f32 v6, v8  }
0x3ae: {  	[tilespmem:s0+$0xFFFFFFA0] =	vst v12;
	v8 =	vld [tilespmem:s30+$0x50]  }
0x3af: {  	v12 =	vld [tilespmem:s11+$0x70];
	v6 =	vmax.f32 v6, $0.0e+00;
	v2 =	vadd.f32 v2, v9  }
0x3b0: {  	v10 =	vmax.f32 v10, $0.0e+00;
	v3 =	vadd.f32 v3, v62;
	v9 =	vld [tilespmem:s26+$0xB0];
	[tilespmem:s31+$0xFFFFFEE0] =	vst v6  }
0x3b1: {  	[tilespmem:s0+$0x0] =	vst v10;
	v10 =	vadd.f32 v4, v63;
	v4 =	vld [tilespmem:s30+$0x10];
	v2 =	vmax.f32 v2, $0.0e+00  }
0x3b2: {  	v3 =	vmax.f32 v3, $0.0e+00;
	v5 =	vadd.f32 v5, v7;
	v6 =	vld [tilespmem:s22+$0xFFFFFF50];
	[tilespmem:s31+$0xFFFFFFE0] =	vst v2  }
0x3b3: {  	[tilespmem:s0+$0xFFFFFF10] =	vst v3;
	v2 =	vadd.f32 v11, v8;
	v7 =	vmax.f32 v10, $0.0e+00;
	v3 =	vld [tilespmem:s30+$0xE0]  }
0x3b4: {  	v8 =	vmax.f32 v5, $0.0e+00;
	[tilespmem:s31+$0xFFFFFF80] =	vst v7;
	v5 =	vld [tilespmem:s22+$0xE0]  }
0x3b5: {  	[tilespmem:s0+$0xFFFFFF60] =	vst v8;
	v8 =	vmax.f32 v2, $0.0e+00;
	v7 =	vld [tilespmem:s30+$0x90];
	v2 =	vadd.f32 v12, v9  }
0x3b6: {  	s19 =	simm.s32 $0xED00;
	s11 =	simm.s32 $0x17C00;
	s26 =	simm.s32 $0x4;
	[tilespmem:s31+$0xFFFFFF40] =	vst v8;
	v8 =	vld [tilespmem:s22+$0x50]  }
.LBB2_13:
0x3b7: {  	v9 =	vld [tilespmem:s11+$0xFFFFF0C0];
	v4 =	vadd.f32 v6, v4;
	s22 =	sadd.s32 $0x200, s22;
	v2 =	vmax.f32 v2, $0.0e+00  }
0x3b8: {  	v6 =	vld [tilespmem:s22+$0x80];
	[tilespmem:s0+$0xFFFFFFB0] =	vst v2;
	s0 =	smov.u32 s31  }
0x3b9: {  	v2 =	vld [tilespmem:s22+$0xFFFFFF00];
	v4 =	vmax.f32 v4, $0.0e+00;
	v3 =	vadd.f32 v5, v3  }
0x3ba: {  	v5 =	vld [tilespmem:s11+$0xFFFFF040];
	[tilespmem:s31+$0xFFFFFEF0] =	vst v4  }
0x3bb: {  	v4 =	vld [tilespmem:s22+$0xFFFFFF80];
	v7 =	vadd.f32 v8, v7;
	v3 =	vmax.f32 v3, $0.0e+00  }
0x3bc: {  	v8 =	vld [tilespmem:s11+$0xFFFFF080];
	[tilespmem:s31+$0xFFFFFFF0] =	vst v3  }
0x3bd: {  	v3 =	vadd.f32 v6, v9;
	v6 =	vmax.f32 v7, $0.0e+00;
	v7 =	vld [tilespmem:s30+$0xF0]  }
0x3be: {  	[tilespmem:s31+$0xFFFFFF90] =	vst v6;
	v6 =	vld [tilespmem:s19+$0xF0]  }
0x3bf: {  	s26 =	sadd.s32 $0x4, s26;
	s31 =	sadd.s32 $0x140, s31;
	v9 =	vld [tilespmem:s22+$0x0];
	v3 =	vmax.f32 v3, $0.0e+00  }
0x3c0: {  	p1 =	slt.u32 s26, $0x3C;
	v10 =	vld [tilespmem:s11+$0xFFFFF000];
	v4 =	vadd.f32 v4, v5;
	[tilespmem:s31+$0xFFFFEBD0] =	vst v3  }
0x3c1: {  	v3 =	vld [tilespmem:s11+$0xFFFFF0D0]  }
0x3c2: {  	v4 =	vmax.f32 v4, $0.0e+00;
	v5 =	vld [tilespmem:s22+$0x90]  }
0x3c3: {  	[tilespmem:s31+$0xFFFFEB30] =	vst v4;
	v4 =	vld [tilespmem:s30+$0x20];
	v6 =	vadd.f32 v6, v7  }
0x3c4: {  	v7 =	vld [tilespmem:s11+$0xFFFFF050];
	v8 =	vadd.f32 v9, v8  }
0x3c5: {  	v2 =	vadd.f32 v2, v10;
	v9 =	vld [tilespmem:s22+$0xFFFFFF90];
	v6 =	vmax.f32 v6, $0.0e+00  }
0x3c6: {  	v8 =	vmax.f32 v8, $0.0e+00;
	v10 =	vld [tilespmem:s19+$0xFFFFFF60];
	[tilespmem:s0+$0x0] =	vst v6  }
0x3c7: {  	v2 =	vmax.f32 v2, $0.0e+00;
	[tilespmem:s31+$0xFFFFEB80] =	vst v8;
	v3 =	vadd.f32 v5, v3;
	v5 =	vld [tilespmem:s30+$0x60]  }
0x3c8: {  	[tilespmem:s31+$0xFFFFEAE0] =	vst v2;
	v2 =	vld [tilespmem:s11+$0xFFFFF090]  }
0x3c9: {  	v6 =	vld [tilespmem:s11+$0xFFFFF010];
	v3 =	vmax.f32 v3, $0.0e+00  }
0x3ca: {  	v8 =	vld [tilespmem:s22+$0xFFFFFF10];
	v7 =	vadd.f32 v9, v7;
	[tilespmem:s31+$0xFFFFEBE0] =	vst v3  }
0x3cb: {  	v3 =	vld [tilespmem:s11+$0xFFFFF0E0];
	v4 =	vadd.f32 v10, v4  }
0x3cc: {  	v7 =	vmax.f32 v7, $0.0e+00;
	v9 =	vld [tilespmem:s22+$0xA0]  }
0x3cd: {  	[tilespmem:s31+$0xFFFFEB40] =	vst v7;
	v7 =	vld [tilespmem:s22+$0x10];
	v4 =	vmax.f32 v4, $0.0e+00  }
0x3ce: {  	v10 =	vld [tilespmem:s11+$0xFFFFF060];
	[tilespmem:s0+$0xFFFFFF00] =	vst v4  }
0x3cf: {  	v4 =	vadd.f32 v8, v6;
	v6 =	vld [tilespmem:s22+$0xFFFFFFA0]  }
0x3d0: {  	v8 =	vld [tilespmem:s19+$0xFFFFFFE0]  }
0x3d1: {  	v4 =	vmax.f32 v4, $0.0e+00;
	v3 =	vadd.f32 v9, v3;
	v9 =	vld [tilespmem:s30+$0xA0]  }
0x3d2: {  	[tilespmem:s31+$0xFFFFEAF0] =	vst v4;
	v2 =	vadd.f32 v7, v2;
	v4 =	vld [tilespmem:s19+$0x60]  }
0x3d3: {  	v7 =	vld [tilespmem:s11+$0xFFFFF020];
	v3 =	vmax.f32 v3, $0.0e+00  }
0x3d4: {  	v11 =	vld [tilespmem:s22+$0xFFFFFF20];
	v6 =	vadd.f32 v6, v10;
	v2 =	vmax.f32 v2, $0.0e+00;
	[tilespmem:s31+$0xFFFFEBF0] =	vst v3  }
0x3d5: {  	[tilespmem:s31+$0xFFFFEB90] =	vst v2;
	v2 =	vld [tilespmem:s11+$0xFFFFF0F0];
	v3 =	vadd.f32 v8, v5  }
0x3d6: {  	v5 =	vmax.f32 v6, $0.0e+00;
	v6 =	vld [tilespmem:s22+$0xB0]  }
0x3d7: {  	[tilespmem:s31+$0xFFFFEB50] =	vst v5;
	v5 =	vld [tilespmem:s11+$0xFFFFF0A0];
	v3 =	vmax.f32 v3, $0.0e+00;
	v4 =	vadd.f32 v4, v9  }
0x3d8: {  	v8 =	vld [tilespmem:s22+$0x20];
	[tilespmem:s0+$0xFFFFFF50] =	vst v3  }
0x3d9: {  	v3 =	vadd.f32 v11, v7;
	v7 =	vld [tilespmem:s11+$0xFFFFF070];
	v4 =	vmax.f32 v4, $0.0e+00  }
0x3da: {  	v9 =	vld [tilespmem:s22+$0xFFFFFFB0];
	[tilespmem:s0+$0xFFFFFFA0] =	vst v4  }
0x3db: {  	v3 =	vmax.f32 v3, $0.0e+00;
	v2 =	vadd.f32 v6, v2;
	v4 =	vld [tilespmem:s30+$0x30]  }
0x3dc: {  	[tilespmem:s31+$0xFFFFEB00] =	vst v3;
	v3 =	vld [tilespmem:s19+$0xFFFFFF70]  }
0x3dd: {  	v6 =	vld [tilespmem:s11+$0xFFFFF030];
	v5 =	vadd.f32 v8, v5;
	v2 =	vmax.f32 v2, $0.0e+00  }
0x3de: {  	v8 =	vld [tilespmem:s22+$0xFFFFFF30];
	[tilespmem:s31+$0xFFFFEC00] =	vst v2  }
0x3df: {  	v2 =	vadd.f32 v9, v7;
	v5 =	vmax.f32 v5, $0.0e+00;
	v7 =	vld [tilespmem:s11+$0xC0]  }
0x3e0: {  	[tilespmem:s31+$0xFFFFEBA0] =	vst v5;
	v5 =	vld [tilespmem:s22+$0xC0]  }
0x3e1: {  	v2 =	vmax.f32 v2, $0.0e+00;
	v9 =	vld [tilespmem:s11+$0xFFFFF0B0];
	v3 =	vadd.f32 v3, v4  }
0x3e2: {  	[tilespmem:s31+$0xFFFFEB60] =	vst v2;
	v2 =	vld [tilespmem:s22+$0x30]  }
0x3e3: {  	v4 =	vadd.f32 v8, v6;
	v6 =	vld [tilespmem:s11+$0x40];
	v3 =	vmax.f32 v3, $0.0e+00  }
0x3e4: {  	v8 =	vld [tilespmem:s22+$0xFFFFFFC0];
	[tilespmem:s0+$0xFFFFFF10] =	vst v3  }
0x3e5: {  	v3 =	vmax.f32 v4, $0.0e+00;
	v4 =	vadd.f32 v5, v7;
	v5 =	vld [tilespmem:s30+$0x70]  }
0x3e6: {  	[tilespmem:s31+$0xFFFFEB10] =	vst v3;
	v3 =	vld [tilespmem:s19+$0xFFFFFFF0]  }
0x3e7: {  	v7 =	vld [tilespmem:s11+$0x0];
	v2 =	vadd.f32 v2, v9;
	v4 =	vmax.f32 v4, $0.0e+00  }
0x3e8: {  	v9 =	vld [tilespmem:s22+$0xFFFFFF40];
	[tilespmem:s31+$0xFFFFFFD0] =	vst v4  }
0x3e9: {  	v4 =	vadd.f32 v8, v6;
	v2 =	vmax.f32 v2, $0.0e+00;
	v6 =	vld [tilespmem:s11+$0xD0]  }
0x3ea: {  	[tilespmem:s31+$0xFFFFEBB0] =	vst v2;
	v2 =	vld [tilespmem:s22+$0xD0]  }
0x3eb: {  	v4 =	vmax.f32 v4, $0.0e+00;
	v8 =	vld [tilespmem:s11+$0x80];
	v3 =	vadd.f32 v3, v5  }
0x3ec: {  	[tilespmem:s31+$0xFFFFFF30] =	vst v4;
	v5 =	vld [tilespmem:s22+$0x40]  }
0x3ed: {  	v4 =	vadd.f32 v9, v7;
	v7 =	vld [tilespmem:s11+$0x50];
	v3 =	vmax.f32 v3, $0.0e+00  }
0x3ee: {  	v9 =	vld [tilespmem:s22+$0xFFFFFFD0];
	[tilespmem:s0+$0xFFFFFF60] =	vst v3  }
0x3ef: {  	v3 =	vmax.f32 v4, $0.0e+00;
	v2 =	vadd.f32 v2, v6;
	v10 =	vld [tilespmem:s30+$0xB0];
	s30 =	smov.u32 s11  }
0x3f0: {  	[tilespmem:s31+$0xFFFFFEE0] =	vst v3;
	v11 =	vld [tilespmem:s19+$0x70];
	s19 =	smov.u32 s22  }
0x3f1: {  	v4 =	vld [tilespmem:s11+$0x10];
	v3 =	vadd.f32 v5, v8;
	v2 =	vmax.f32 v2, $0.0e+00  }
.Ltmp5:
0x3f2: {  	v6 =	vld [tilespmem:s22+$0xFFFFFF50];
	[tilespmem:s31+$0xFFFFFFE0] =	vst v2;
	(pc) =	sbr.rel @p1 .LBB2_13-.Ltmp5, $4  }
0x3f3: {  	v2 =	vadd.f32 v9, v7;
	v5 =	vmax.f32 v3, $0.0e+00;
	v3 =	vld [tilespmem:s11+$0xE0]  }
0x3f4: {  	[tilespmem:s31+$0xFFFFFF80] =	vst v5;
	v5 =	vld [tilespmem:s22+$0xE0]  }
0x3f5: {  	v8 =	vmax.f32 v2, $0.0e+00;
	v7 =	vld [tilespmem:s11+$0x90];
	v2 =	vadd.f32 v11, v10  }
0x3f6: {  	s11 =	sadd.s32 $0x100, s11;
	[tilespmem:s31+$0xFFFFFF40] =	vst v8;
	v8 =	vld [tilespmem:s22+$0x50]  }
0x3f7: {  	_ =	sdelay $0x1  }
0x3f8: {  	v4 =	vadd.f32 v6, v4;
	_ =	sdelay $0x1  }
0x3f9: {  	v55 =	vld [tilespmem:s30+$0x60];
	v4 =	vmax.f32 v4, $0.0e+00;
	v52 =	vadd.f32 v8, v7  }
0x3fa: {  	v56 =	vld [tilespmem:s19+$0xFFFFFFE0];
	[tilespmem:s31+$0xFFFFFEF0] =	vst v4  }
0x3fb: {  	v53 =	vld [tilespmem:s30+$0x20];
	v4 =	vmax.f32 v52, $0.0e+00  }
0x3fc: {  	v54 =	vld [tilespmem:s19+$0xFFFFFF60];
	[tilespmem:s31+$0xFFFFFF90] =	vst v4  }
0x3fd: {  	v3 =	vadd.f32 v5, v3;
	v57 =	vld [tilespmem:s30+$0xA0]  }
0x3fe: {  	v9 =	vld [tilespmem:s19+$0x60]  }
0x3ff: {  	v3 =	vmax.f32 v3, $0.0e+00;
	v4 =	vadd.f32 v56, v55  }
0x400: {  	[tilespmem:s31+$0xFFFFFFF0] =	vst v3  }
0x401: {  	v3 =	vld [tilespmem:s30+$0xF0];
	v6 =	vadd.f32 v54, v53;
	v4 =	vmax.f32 v4, $0.0e+00  }
0x402: {  	v58 =	vld [tilespmem:s19+$0xF0];
	[tilespmem:s31+$0xFFFFFF50] =	vst v4  }
0x403: {  	v6 =	vmax.f32 v6, $0.0e+00;
	v60 =	vld [tilespmem:s30+$0x70];
	v5 =	vadd.f32 v9, v57  }
0x404: {  	v61 =	vld [tilespmem:s19+$0xFFFFFFF0];
	[tilespmem:s31+$0xFFFFFF00] =	vst v6  }
0x405: {  	v6 =	vld [tilespmem:s30+$0x30];
	v5 =	vmax.f32 v5, $0.0e+00  }
0x406: {  	v59 =	vld [tilespmem:s19+$0xFFFFFF70];
	[tilespmem:s31+$0xFFFFFFA0] =	vst v5  }
0x407: {  	v62 =	vld [tilespmem:s30+$0xB0]  }
0x408: {  	v10 =	vld [tilespmem:s19+$0x70];
	_ =	sdelay $0x1  }
0x409: {  	v3 =	vadd.f32 v58, v3  }
0x40a: {  	v2 =	vmax.f32 v2, $0.0e+00;
	v4 =	vadd.f32 v59, v6  }
0x40b: {  	[tilespmem:s0+$0xFFFFFFB0] =	vst v2;
	v2 =	vmax.f32 v3, $0.0e+00;
	v3 =	vadd.f32 v61, v60  }
0x40c: {  	[tilespmem:s31+$0x0] =	vst v2;
	v2 =	vmax.f32 v4, $0.0e+00;
	v63 =	vadd.f32 v10, v62  }
0x40d: {  	[tilespmem:s31+$0xFFFFFF10] =	vst v2;
	v2 =	vmax.f32 v3, $0.0e+00  }
0x40e: {  	s0 =	sadd.s32 $0x6, s4;
	[tilespmem:s31+$0xFFFFFF60] =	vst v2;
	v2 =	vmax.f32 v63, $0.0e+00  }
0x40f: {  	p1 =	sge.u32 s0, s8;
	[tilespmem:s31+$0xFFFFFFB0] =	vst v2  }
0x410: {  	s0 =	sshll.u32 @!p1 s0, $0x7;
	_ =	swait.ge [sflag:s2], $0x80  }
0x411: {  	s11 =	simm.s32 $0x1DB80;
	s0 =	sadd.s32 @!p1 s9, s0;
	[sflag:s2] =	ssyncset.done $0x0  }
0x412: {  	s0 =	sshrl.u32 @!p1 s0, $0x3;
	s30 =	simm.s32 $0x1B200;
	[sflag:s2] =	ssyncadd.s32 $0xFFFFFF80  }
0x413: {  	[spmem:s3] =	stream.indirect.scatter.add.f32 [tilespmem:s30], [sflag:$0x12], $0x50, s11, s29, $0xb8;
	[tilespmem:$0x1DC00] =	vst v63  }
0x414: {  	s4 =	simm.s32 @!p1 $0x0;
	s0 =	sadd.s32 @!p1 s6, s0;
	s11 =	simm.s32 @!p1 $0xC900  }
0x415: {  	[tilespmem:s11], [sflag:$0x3] =	stream.linear.gather @!p1 [hbm4b:s0+s4], $0x80, $0x38;
	[tilespmem:$0x1DC00] =	vst v63  }
0x416: {  	s0 =	sshll.u32 @!p0 s28, $0xD  }
0x417: {  	s0 =	sadd.s32 @!p0 s23, s0  }
0x418: {  	s10 =	sadd.s32 $0x1, s10;
	s0 =	sshrl.u32 @!p0 s0, $0x3  }
0x419: {  	s4 =	simm.s32 @!p0 $0x0;
	s11 =	simm.s32 @!p0 $0xEA00;
	s0 =	sadd.s32 @!p0 s5, s0  }
0x41a: {  	[tilespmem:s11], [sflag:$0x6] =	stream.linear.gather @!p0 [hbm4b:s0+s4], $0x2000, $0x38;
	[tilespmem:$0x1DC00] =	vst v63  }
0x41b: {  	s31 =	rddreg [dreg:$0x11];
	s0 =	sadd.s32 @!p0 s7, s25;
	s11 =	simm.s32 @!p0 $0x1DA80  }
0x41c: {  	[tilespmem:s11], [sflag:$0xC] =	stream.linear.gather @!p0 [hbm4b:s0+s4], $0x80, $0x38;
	[tilespmem:$0x1DC00] =	vst v63  }
0x41d: {  	p0 =	sne.s32 s10, s31  }
.Ltmp6:
0x41e: {  	_ = 	snop;
	(pc) =	sbr.rel @p0 .LBB2_6-.Ltmp6, $1  }
0x41f: {  	_ =	sdelay $0x3  }
0x420: {  	s0 =	simm.s32 $0x11  }
0x421: {  	_ =	swait.ge [sflag:s0], $0x2800  }
0x422: {  	[sflag:s0] =	ssyncset.done $0x0  }
0x423: {  	s28 =	simm.s32 $0x12;
	[sflag:s0] =	ssyncadd.s32 $0xFFFFD800  }
0x424: {  	_ =	swait.ge [sflag:s28], $0x2800  }
0x425: {  	[sflag:s28] =	ssyncset.done $0x0  }
0x426: {  	[sflag:s28] =	ssyncadd.s32 $0xFFFFD800  }
0x427: {  	s30 =	stileid.u32;
	[bflag:$0x0] =	sbarrier.arrive $0xFFFF  }
0x428: {  	s11 =	simm.s32 $0x13;
	s0 =	sshll.u32 s30, $0x6;
	s22 =	rddreg [dreg:$0x5]  }
0x429: {  	s0 =	sor.u32 $0x1C13, s0;
	s10 =	rddreg [dreg:$0x12];
	s4 =	sshrl.u32 s22, $0x3  }
0x42a: {  	[hbm:s10], [sflag:s0] =	dma.local [spmem:s4], $0x1900  }
0x42b: {  	_ =	swait.ge [sflag:s11], $0x1900  }
0x42c: {  	s19 =	rddreg [dreg:$0x4]  }
0x42d: {  	s31 =	rddreg [dreg:$0x13];
	s19 =	sadd.s32 $0x1, s19  }
0x42e: {  	p0 =	sne.s32 s19, s31  }
.Ltmp7:
0x42f: {  	_ = 	snop;
	(pc) =	sbr.rel @p0 .LBB2_1-.Ltmp7, $3  }
0x430: {  	_ =	sdelay $0x1  }
0x431: {  	[sflag:s11] =	ssyncset.done $0x0  }
0x432: {  	[sflag:s11] =	ssyncadd.s32 $0xFFFFE700  }
0x433: {  	_ =	sfence.sel $0x180000  }
0x434: {  	[bflag:$0x0] =	sbarrier.arrive $0xFFFF  }
0x435: {  	_ =	strace $0x90000047  }
0x436: {  	s0 =	stileid.u32;
	[bflag:$0x2] =	sbarrier.arrive $0xFFFF  }
0x437: {  	p0 =	sne.s32 s0, $0x0;
	s0 =	rddreg [dreg:$0x3]  }
0x438: {  	s0 =	sadd.s32 @!p0 $0x100000, s0  }
0x439: {  	[sflag:s0] =	ssyncadd.tile.s32 @!p0 $0x1;
	_ =	shalt  }
.Lfunc_end2:
_tile_overlayer_lowered:
.L_overlay_start_2:
0x43a: {  	(tag) =	ssettag $0x2  }
0x43b: {  	s0 =	rddreg [dreg:$0x0];
	s2 =	stileid.u32  }
0x43c: {  	s1 =	rddreg [dreg:$0x1];
	p0 =	sne.s32 s2, $0x0  }
0x43d: {  	s3 =	rddreg [dreg:$0x2];
	[bflag:$0x3] =	sbarrier.arrive $0xFFFF;
	s2 =	simm.s32 @!p0 $0x1C13  }
0x43e: {  	[timem:s3], [sflag:s2] =	dma.local @!p0 [hbm:s0], s1  }
0x43f: {  	s0 =	simm.s32 @!p0 $0x13  }
0x440: {  	_ =	swait.ge @!p0 [sflag:s0], s1  }
0x441: {  	s1 =	ssub.s32 @!p0 $0x0, s1;
	[sflag:s0] =	ssyncset.done @!p0 $0x0  }
0x442: {  	[sflag:s0] =	ssyncadd.s32 @!p0 s1  }
0x443: {  	[bflag:$0x3] =	sbarrier.arrive $0xFFFF  }
0x444: {  	_ =	shalt  }

</sc_bundles>
